<compile_context>
chip_gen: v7x
topology: tpu7x:2x2x1
jax: 0.10.2.dev20260603
libtpu: 0.0.44.dev20260713+nightly
codegen_flags: <defaults>
</compile_context>

<pallas_src>
import functools

import jax
import jax.numpy as jnp
from jax import lax
from jax.experimental import pallas as pl
from jax.experimental.pallas import tpu as pltpu
from jax.experimental.pallas import tpu_sc as plsc

N = 10000
E = 320000
D = 128

NP = 10240
ROWS_PER_TILE = NP // 16
NSUB = 32
CHUNK = 128
CHUNKS_PER_SUB = 80
EDGES_PER_SUB = CHUNKS_PER_SUB * CHUNK
EP = NSUB * EDGES_PER_SUB
NITER = CHUNKS_PER_SUB // 2

_f32 = jnp.float32
_i32 = jnp.int32

_SC_PARAMS = pltpu.CompilerParams(use_tc_tiling_on_sc=False,
                                  needs_layout_passes=False)
_SC_MESH = plsc.VectorSubcoreMesh(core_axis_name="c", subcore_axis_name="s")



def _tc1_body(x_ref, w1_ref, as_m_ref, ad_m_ref, t1h_ref, t1d_ref, c_ref):
    h = jnp.dot(x_ref[...], w1_ref[...], preferred_element_type=_f32)
    a_s = jnp.dot(h, as_m_ref[...], preferred_element_type=_f32)
    a_d = jnp.dot(h, ad_m_ref[...], preferred_element_type=_f32)
    c = jnp.max(a_s) + jnp.max(a_d)
    t1h_ref[...] = jnp.zeros((NP, 80), _f32)
    t1h_ref[0:N, 0:64] = h
    t1h_ref[0:N, 64:72] = a_s
    t1d_ref[...] = jnp.zeros((NP, 16), _f32)
    t1d_ref[0:N, 0:8] = a_d
    c_ref[...] = jnp.full((1, 128), c, _f32)


def _tc2_body(s1p_ref, t1h_ref, t1d_ref, c1_ref, b1_ref, w2_ref, as2_ref,
              ad2_ref, exp8_ref, t2h_ref, t2d_ref, c2_ref):
    s = s1p_ref[0] + s1p_ref[1]
    a_s = t1h_ref[0:N, 64:72]
    a_d = t1d_ref[0:N, 0:8]
    c1 = c1_ref[0, 0]
    z = a_s + a_d
    ex_self = jnp.exp(jnp.maximum(z, 0.2 * z) - c1)
    denom = s[0:N, 64:72] + ex_self
    h1 = t1h_ref[0:N, 0:64]
    num = s[0:N, 0:64] + jnp.dot(ex_self, exp8_ref[...],
                                 preferred_element_type=_f32) * h1
    dexp = jnp.dot(denom, exp8_ref[...], preferred_element_type=_f32)
    out1 = num / dexp + b1_ref[...]
    h2 = jnp.dot(out1, w2_ref[...], preferred_element_type=_f32)
    a_s2 = jnp.dot(h2, as2_ref[...], preferred_element_type=_f32)
    a_d2 = jnp.dot(h2, ad2_ref[...], preferred_element_type=_f32)
    c2 = jnp.max(a_s2) + jnp.max(a_d2)
    t2h_ref[...] = jnp.zeros((NP, 16), _f32)
    t2h_ref[0:N, 0:7] = h2
    t2h_ref[0:N, 7:8] = a_s2
    t2d_ref[...] = jnp.zeros((NP, 16), _f32)
    t2d_ref[0:N, 0:1] = a_d2
    c2_ref[...] = jnp.full((1, 128), c2, _f32)


def _tc3_body(s2p_ref, t2h_ref, t2d_ref, c2_ref, b2_ref, out_ref):
    s = s2p_ref[0] + s2p_ref[1]
    h2 = t2h_ref[0:N, 0:7]
    a_s2 = t2h_ref[0:N, 7:8]
    a_d2 = t2d_ref[0:N, 0:1]
    c2 = c2_ref[0, 0]
    z = a_s2 + a_d2
    ex_self = jnp.exp(jnp.maximum(z, 0.2 * z) - c2)
    num = s[0:N, 0:7] + ex_self * h2
    den = s[0:N, 7:8] + ex_self
    o = num / den + b2_ref[...]
    m = jnp.max(o, axis=1, keepdims=True)
    zz = o - m
    out_ref[...] = zz - jnp.log(jnp.sum(jnp.exp(zz), axis=1, keepdims=True))



def _make_sc(width, edge_fn):

    @functools.partial(
        pl.kernel,
        mesh=_SC_MESH,
        compiler_params=_SC_PARAMS,
        out_type=jax.ShapeDtypeStruct((2, NP, width), _f32),
        scratch_types=[
            pltpu.VMEM((CHUNKS_PER_SUB, CHUNK), _i32),
            pltpu.VMEM((CHUNKS_PER_SUB, CHUNK), _i32),
            pltpu.VMEM((CHUNK, width), _f32),
            pltpu.VMEM((CHUNK, width), _f32),
            pltpu.VMEM((CHUNK, 16), _f32),
            pltpu.VMEM((CHUNK, 16), _f32),
            pltpu.VMEM((CHUNK,), _i32),
            pltpu.VMEM((CHUNK,), _i32),
            pltpu.VMEM((CHUNK,), _i32),
            pltpu.VMEM((CHUNK,), _i32),
            pltpu.VMEM((CHUNK, width), _f32),
            pltpu.VMEM((CHUNK, width), _f32),
            pltpu.VMEM((16,), _f32),
            pltpu.VMEM((16,), _f32),
            pltpu.VMEM_SHARED((NP, width), _f32),
            pltpu.SemaphoreType.DMA,
            pltpu.SemaphoreType.DMA,
            pltpu.SemaphoreType.DMA,
            pltpu.SemaphoreType.DMA,
        ],
    )
    def sck(th_hbm, td_hbm, src_hbm, dst_hbm, cvec_hbm, zeros_hbm,
            out_hbm, sstage, dstage, sbuf0, sbuf1, dbuf0, dbuf1, idxd0,
            idxd1, idxd2, idxd3, obuf0, obuf1, exb, cbuf, acc, gsem0,
            gsem1, ssem0, ssem1):
        cidx = lax.axis_index("c")
        sidx = lax.axis_index("s")
        wid = cidx * 16 + sidx

        sbufs = (sbuf0, sbuf1)
        dbufs = (dbuf0, dbuf1)
        idxds = (idxd0, idxd1, idxd2, idxd3)
        obufs = (obuf0, obuf1)
        gsems = (gsem0, gsem1)
        ssems = (ssem0, ssem1)

        r0 = sidx * ROWS_PER_TILE
        pltpu.sync_copy(zeros_hbm.at[pl.ds(r0, ROWS_PER_TILE)],
                        acc.at[pl.ds(r0, ROWS_PER_TILE)])
        pltpu.sync_copy(cvec_hbm, cbuf)
        pltpu.sync_copy(src_hbm.at[wid], sstage)
        pltpu.sync_copy(dst_hbm.at[wid], dstage)
        plsc.subcore_barrier()

        def start_gathers(c, p, d):
            pltpu.async_copy(th_hbm.at[sstage.at[c]], sbufs[p], gsems[p])
            pltpu.async_copy(td_hbm.at[dstage.at[c]], dbufs[p], gsems[p])
            pltpu.async_copy(dst_hbm.at[wid, c], idxds[d], gsems[p])

        def wait_gathers(c, p, d):
            pltpu.make_async_copy(th_hbm.at[sstage.at[c]], sbufs[p],
                                  gsems[p]).wait()
            pltpu.make_async_copy(td_hbm.at[dstage.at[c]], dbufs[p],
                                  gsems[p]).wait()
            pltpu.make_async_copy(dst_hbm.at[wid, c], idxds[d],
                                  gsems[p]).wait()

        def wait_scatter(p, d):
            pltpu.make_async_copy(obufs[p], acc.at[idxds[d]],
                                  ssems[p]).wait()

        def do_chunk(c, p, d, scatter_wait, prefetch):
            wait_gathers(c, p, d)

            @pl.when(scatter_wait)
            def _():
                wait_scatter(p, d)

            def edge_body(i, carry):
                for u in range(4):
                    edge_fn(4 * i + u, sbufs[p], dbufs[p], obufs[p], cbuf,
                            exb)
                return carry

            lax.fori_loop(0, CHUNK // 4, edge_body, 0)
            pltpu.async_copy(obufs[p], acc.at[idxds[d]], ssems[p], add=True)

            @pl.when(prefetch)
            def _():
                start_gathers(c + 2, p, (d + 2) % 4)

        start_gathers(0, 0, 0)
        start_gathers(1, 1, 1)

        def iter_body(g, carry):
            c0 = 4 * g
            last = g >= (CHUNKS_PER_SUB // 4) - 1
            do_chunk(c0 + 0, 0, 0, g > 0, True)
            do_chunk(c0 + 1, 1, 1, g > 0, True)
            do_chunk(c0 + 2, 0, 2, True, jnp.logical_not(last))
            do_chunk(c0 + 3, 1, 3, True, jnp.logical_not(last))
            return carry

        lax.fori_loop(0, CHUNKS_PER_SUB // 4, iter_body, 0)
        wait_scatter(0, 2)
        wait_scatter(1, 3)
        plsc.subcore_barrier()
        pltpu.sync_copy(acc.at[pl.ds(r0, ROWS_PER_TILE)],
                        out_hbm.at[cidx, pl.ds(r0, ROWS_PER_TILE)])

    return sck


_GDN = lax.GatherDimensionNumbers(offset_dims=(), collapsed_slice_dims=(0,),
                                  start_index_map=(0,))


def _vgather(vec, idx):
    return lax.gather(vec, idx[:, None], _GDN, (1,),
                      mode=lax.GatherScatterMode.PROMISE_IN_BOUNDS)


def _edge1(i, sbuf, dbuf, obuf, cbuf, exb):
    cv = cbuf[...]
    ge8 = lax.iota(_i32, 16) // 8
    sv4 = sbuf[i, pl.ds(64, 16)]
    dv = dbuf[i, pl.ds(0, 16)]
    z = sv4 + dv
    ex = jnp.exp(jnp.maximum(z, 0.2 * z) - cv)
    for k in range(4):
        exk = _vgather(ex, ge8 + 2 * k)
        obuf[i, pl.ds(16 * k, 16)] = sbuf[i, pl.ds(16 * k, 16)] * exk
    obuf[i, pl.ds(64, 16)] = ex


def _edge2(i, sbuf, dbuf, obuf, cbuf, exb):
    cv = cbuf[...]
    iot = lax.iota(_i32, 16)
    idx7 = jnp.full((16,), 7, _i32)
    idx0 = jnp.zeros((16,), _i32)
    mask7 = jnp.clip(7 - iot, 0, 1).astype(_f32)
    one7 = (jnp.clip(8 - iot, 0, 1)
            - jnp.clip(7 - iot, 0, 1)).astype(_f32)
    srow = sbuf[i, pl.ds(0, 16)]
    drow = dbuf[i, pl.ds(0, 16)]
    asv = _vgather(srow, idx7)
    adv = _vgather(drow, idx0)
    z = asv + adv
    ex = jnp.exp(jnp.maximum(z, 0.2 * z) - cv)
    obuf[i, pl.ds(0, 16)] = (srow * mask7 + one7) * ex


_SCK1 = _make_sc(80, _edge1)
_SCK2 = _make_sc(16, _edge2)



def kernel(x, edge_index, W1, att_src1, att_dst1, b1, W2, att_src2, att_dst2,
           b2):
    lane = jnp.arange(64)
    head = lane // 8
    blk = (head[:, None] == jnp.arange(8)[None, :]).astype(_f32)
    as_m = blk * att_src1.reshape(64)[:, None]
    ad_m = blk * att_dst1.reshape(64)[:, None]
    exp8 = blk.T
    as2_m = att_src2.reshape(7, 1)
    ad2_m = att_dst2.reshape(7, 1)

    pad = jnp.full((EP - E,), N, _i32)
    src3d = jnp.concatenate([edge_index[0].astype(_i32), pad]).reshape(
        NSUB, CHUNKS_PER_SUB, CHUNK)
    dst3d = jnp.concatenate([edge_index[1].astype(_i32), pad]).reshape(
        NSUB, CHUNKS_PER_SUB, CHUNK)

    zeros80 = jnp.zeros((NP, 80), _f32)
    zeros16 = jnp.zeros((NP, 16), _f32)

    t1h, t1d, c1 = pl.pallas_call(
        _tc1_body,
        out_shape=[
            jax.ShapeDtypeStruct((NP, 80), _f32),
            jax.ShapeDtypeStruct((NP, 16), _f32),
            jax.ShapeDtypeStruct((1, 128), _f32),
        ],
    )(x, W1, as_m, ad_m)
    c1v = c1[0, :16]

    s1p = _SCK1(t1h, t1d, src3d, dst3d, c1v, zeros80)

    t2h, t2d, c2 = pl.pallas_call(
        _tc2_body,
        out_shape=[
            jax.ShapeDtypeStruct((NP, 16), _f32),
            jax.ShapeDtypeStruct((NP, 16), _f32),
            jax.ShapeDtypeStruct((1, 128), _f32),
        ],
    )(s1p, t1h, t1d, c1, b1, W2, as2_m, ad2_m, exp8)
    c2v = c2[0, :16]

    s2p = _SCK2(t2h, t2d, src3d, dst3d, c2v, zeros16)

    out = pl.pallas_call(
        _tc3_body,
        out_shape=jax.ShapeDtypeStruct((N, 7), _f32),
    )(s2p, t2h, t2d, c2, b2)
    return out

# --- scband reference (transcript-rebuilt; emitter-appended) ---
"""Pipeline reference for scband-gatnet-34359738928 (READ-ONLY COPY).

The authoritative reference and input builder live on the scoring server;
editing this copy changes nothing except your own understanding.
"""

import jax, jax.numpy as jnp
import numpy as np

N = 10000
E = 320000
D = 128


def setup_inputs(seed: int = 0) -> dict:
    key = jax.random.key(seed)
    ks = jax.random.split(key, 12)
    x = jax.random.normal(ks[0], (N, D), dtype=jnp.float32)
    edge_index = jax.random.randint(ks[1], (2, E), 0, N, dtype=jnp.int32)
    W1 = jax.random.normal(ks[2], (D, 64), dtype=jnp.float32) * 0.1
    att_src1 = jax.random.normal(ks[3], (8, 8), dtype=jnp.float32) * 0.1
    att_dst1 = jax.random.normal(ks[4], (8, 8), dtype=jnp.float32) * 0.1
    b1 = jnp.zeros((64,), dtype=jnp.float32)
    W2 = jax.random.normal(ks[5], (64, 7), dtype=jnp.float32) * 0.1
    att_src2 = jax.random.normal(ks[6], (1, 7), dtype=jnp.float32) * 0.1
    att_dst2 = jax.random.normal(ks[7], (1, 7), dtype=jnp.float32) * 0.1
    b2 = jnp.zeros((7,), dtype=jnp.float32)
    return {"x": x, "edge_index": edge_index, "W1": W1, "att_src1": att_src1,
            "att_dst1": att_dst1, "b1": b1, "W2": W2, "att_src2": att_src2,
            "att_dst2": att_dst2, "b2": b2}


def gat_conv(x, edge_index, W, att_src, att_dst, bias, heads, out_ch, concat):
    n = x.shape[0]
    loops = jnp.arange(n, dtype=edge_index.dtype)
    src = jnp.concatenate([edge_index[0], loops])
    dst = jnp.concatenate([edge_index[1], loops])
    h = (x @ W).reshape(n, heads, out_ch)
    a_s = jnp.sum(h * att_src[None, :, :], axis=-1)
    a_d = jnp.sum(h * att_dst[None, :, :], axis=-1)
    e = a_s[src] + a_d[dst]
    e = jax.nn.leaky_relu(e, negative_slope=0.2)
    m = jax.ops.segment_max(e, dst, num_segments=n)
    m = jax.lax.stop_gradient(m)
    ex = jnp.exp(e - m[dst])
    denom = jax.ops.segment_sum(ex, dst, num_segments=n)
    alpha = ex / (denom[dst] + 1e-16)
    out = jax.ops.segment_sum(h[src] * alpha[:, :, None], dst, num_segments=n)
    if concat:
        out = out.reshape(n, heads * out_ch)
    else:
        out = out.mean(axis=1)
    return out + bias


def reference(x, edge_index, W1, att_src1, att_dst1, b1, W2, att_src2, att_dst2, b2):
    h = gat_conv(x, edge_index, W1, att_src1, att_dst1, b1, 8, 8, True)
    h = gat_conv(h, edge_index, W2, att_src2, att_dst2, b2, 1, 7, True)
    return jax.nn.log_softmax(h, axis=1)

if __name__ == "__main__":
    import jax
    _d = setup_inputs()
    print(jax.jit(kernel)(*tuple(_d.values())))

</pallas_src>

<mosaic_0001>
#map = affine_map<(d0, d1) -> (0, 0)>
#map1 = affine_map<(d0, d1) -> (0, 0, 0)>
#map2 = affine_map<(d0, d1) -> (0)>
module attributes {stable_mosaic.version = 14 : i64} {
  func.func @sck(%arg0: i32, %arg1: i32, %arg2: memref<10240x80xf32, #tpu.memory_space<hbm>>, %arg3: memref<10240x16xf32, #tpu.memory_space<hbm>>, %arg4: memref<32x80x128xi32, #tpu.memory_space<hbm>>, %arg5: memref<32x80x128xi32, #tpu.memory_space<hbm>>, %arg6: memref<16xf32, #tpu.memory_space<hbm>>, %arg7: memref<10240x80xf32, #tpu.memory_space<hbm>>, %arg8: memref<2x10240x80xf32, #tpu.memory_space<hbm>>, %arg9: memref<80x128xi32, #tpu.memory_space<vmem>>, %arg10: memref<80x128xi32, #tpu.memory_space<vmem>>, %arg11: memref<128x80xf32, #tpu.memory_space<vmem>>, %arg12: memref<128x80xf32, #tpu.memory_space<vmem>>, %arg13: memref<128x16xf32, #tpu.memory_space<vmem>>, %arg14: memref<128x16xf32, #tpu.memory_space<vmem>>, %arg15: memref<128xi32, #tpu.memory_space<vmem>>, %arg16: memref<128xi32, #tpu.memory_space<vmem>>, %arg17: memref<128xi32, #tpu.memory_space<vmem>>, %arg18: memref<128xi32, #tpu.memory_space<vmem>>, %arg19: memref<128x80xf32, #tpu.memory_space<vmem>>, %arg20: memref<128x80xf32, #tpu.memory_space<vmem>>, %arg21: memref<16xf32, #tpu.memory_space<vmem>>, %arg22: memref<16xf32, #tpu.memory_space<vmem>>, %arg23: memref<10240x80xf32, #tpu.memory_space<vmem_shared>>, %arg24: memref<!tpu.dma_semaphore, #tpu.memory_space<semaphore_mem>>, %arg25: memref<!tpu.dma_semaphore, #tpu.memory_space<semaphore_mem>>, %arg26: memref<!tpu.dma_semaphore, #tpu.memory_space<semaphore_mem>>, %arg27: memref<!tpu.dma_semaphore, #tpu.memory_space<semaphore_mem>>) attributes {dimension_semantics = [#tpu.dimension_semantics<core_parallel>, #tpu.dimension_semantics<subcore_parallel>], iteration_bounds = array<i64: 2, 16>, scalar_prefetch = 0 : i64, scratch_operands = 19 : i64, tpu.core_type = #tpu.core_type<sc_vector_subcore>, window_params = [{transform_indices = #map}, {transform_indices = #map}, {transform_indices = #map1}, {transform_indices = #map1}, {transform_indices = #map2}, {transform_indices = #map}, {transform_indices = #map1}]} {
    %mul3A = arith.constant 16 : i32
    %mul3A_0 = arith.muli %arg0, %mul3A : i32
    %add3A = arith.addi %mul3A_0, %arg1 : i32
    %mul3A_1 = arith.constant 640 : i32
    %mul3A_2 = arith.muli %arg1, %mul3A_1 : i32
    "tpu.region"() ({
      %run_scoped3A = tpu.sem_alloc : memref<!tpu.dma_semaphore, #tpu.memory_space<semaphore_mem>>
      %dma_start3A_55 = arith.constant 0 : i32
      %dma_start3A_56 = tpu.memref_slice %arg23[%mul3A_2, %dma_start3A_55] : memref<10240x80xf32, #tpu.memory_space<vmem_shared>> -> memref<640x80xf32, #tpu.memory_space<vmem_shared>>
      %dma_start3A_57 = arith.constant 0 : i32
      %dma_start3A_58 = tpu.memref_slice %arg7[%mul3A_2, %dma_start3A_57] : memref<10240x80xf32, #tpu.memory_space<hbm>> -> memref<640x80xf32, #tpu.memory_space<hbm>>
      tpu.enqueue_dma source(%dma_start3A_58 : memref<640x80xf32, #tpu.memory_space<hbm>>) target(%dma_start3A_56 : memref<640x80xf32, #tpu.memory_space<vmem_shared>>) target_semaphore(%run_scoped3A : memref<!tpu.dma_semaphore, #tpu.memory_space<semaphore_mem>>)
      %dma_wait3A_59 = arith.constant 0 : i32
      %dma_wait3A_60 = tpu.memref_slice %arg23[%mul3A_2, %dma_wait3A_59] : memref<10240x80xf32, #tpu.memory_space<vmem_shared>> -> memref<640x80xf32, #tpu.memory_space<vmem_shared>>
      %dma_wait3A_61 = arith.constant 0 : i32
      %dma_wait3A_62 = tpu.memref_slice %arg7[%mul3A_2, %dma_wait3A_61] : memref<10240x80xf32, #tpu.memory_space<hbm>> -> memref<640x80xf32, #tpu.memory_space<hbm>>
      tpu.wait_dma2 semaphore(%run_scoped3A : memref<!tpu.dma_semaphore, #tpu.memory_space<semaphore_mem>>) src(%dma_wait3A_62 : memref<640x80xf32, #tpu.memory_space<hbm>>) dst(%dma_wait3A_60 : memref<640x80xf32, #tpu.memory_space<vmem_shared>>)
      tpu.yield
    }) : () -> ()
    "tpu.region"() ({
      %run_scoped3A = tpu.sem_alloc : memref<!tpu.dma_semaphore, #tpu.memory_space<semaphore_mem>>
      tpu.enqueue_dma source(%arg6 : memref<16xf32, #tpu.memory_space<hbm>>) target(%arg22 : memref<16xf32, #tpu.memory_space<vmem>>) target_semaphore(%run_scoped3A : memref<!tpu.dma_semaphore, #tpu.memory_space<semaphore_mem>>)
      tpu.wait_dma2 semaphore(%run_scoped3A : memref<!tpu.dma_semaphore, #tpu.memory_space<semaphore_mem>>) src(%arg6 : memref<16xf32, #tpu.memory_space<hbm>>) dst(%arg22 : memref<16xf32, #tpu.memory_space<vmem>>)
      tpu.yield
    }) : () -> ()
    "tpu.region"() ({
      %run_scoped3A = tpu.sem_alloc : memref<!tpu.dma_semaphore, #tpu.memory_space<semaphore_mem>>
      %dma_start3A_55 = arith.constant 0 : i32
      %dma_start3A_56 = arith.constant 0 : i32
      %dma_start3A_57 = tpu.memref_slice %arg4[%add3A, %dma_start3A_55, %dma_start3A_56] : memref<32x80x128xi32, #tpu.memory_space<hbm>> -> memref<1x80x128xi32, #tpu.memory_space<hbm>>
      %dma_start3A_58 = tpu.memref_squeeze %dma_start3A_57 : memref<1x80x128xi32, #tpu.memory_space<hbm>> -> memref<80x128xi32, #tpu.memory_space<hbm>>
      %dma_start3A_59 = arith.constant 0 : i32
      %dma_start3A_60 = arith.constant 0 : i32
      %dma_start3A_61 = tpu.memref_slice %arg4[%add3A, %dma_start3A_59, %dma_start3A_60] : memref<32x80x128xi32, #tpu.memory_space<hbm>> -> memref<1x80x128xi32, #tpu.memory_space<hbm>>
      %dma_start3A_62 = tpu.memref_squeeze %dma_start3A_61 : memref<1x80x128xi32, #tpu.memory_space<hbm>> -> memref<80x128xi32, #tpu.memory_space<hbm>>
      tpu.enqueue_dma source(%dma_start3A_62 : memref<80x128xi32, #tpu.memory_space<hbm>>) target(%arg9 : memref<80x128xi32, #tpu.memory_space<vmem>>) target_semaphore(%run_scoped3A : memref<!tpu.dma_semaphore, #tpu.memory_space<semaphore_mem>>)
      %dma_wait3A_63 = arith.constant 0 : i32
      %dma_wait3A_64 = arith.constant 0 : i32
      %dma_wait3A_65 = tpu.memref_slice %arg4[%add3A, %dma_wait3A_63, %dma_wait3A_64] : memref<32x80x128xi32, #tpu.memory_space<hbm>> -> memref<1x80x128xi32, #tpu.memory_space<hbm>>
      %dma_wait3A_66 = tpu.memref_squeeze %dma_wait3A_65 : memref<1x80x128xi32, #tpu.memory_space<hbm>> -> memref<80x128xi32, #tpu.memory_space<hbm>>
      %dma_wait3A_67 = arith.constant 0 : i32
      %dma_wait3A_68 = arith.constant 0 : i32
      %dma_wait3A_69 = tpu.memref_slice %arg4[%add3A, %dma_wait3A_67, %dma_wait3A_68] : memref<32x80x128xi32, #tpu.memory_space<hbm>> -> memref<1x80x128xi32, #tpu.memory_space<hbm>>
      %dma_wait3A_70 = tpu.memref_squeeze %dma_wait3A_69 : memref<1x80x128xi32, #tpu.memory_space<hbm>> -> memref<80x128xi32, #tpu.memory_space<hbm>>
      tpu.wait_dma2 semaphore(%run_scoped3A : memref<!tpu.dma_semaphore, #tpu.memory_space<semaphore_mem>>) src(%dma_wait3A_70 : memref<80x128xi32, #tpu.memory_space<hbm>>) dst(%arg9 : memref<80x128xi32, #tpu.memory_space<vmem>>)
      tpu.yield
    }) : () -> ()
    "tpu.region"() ({
      %run_scoped3A = tpu.sem_alloc : memref<!tpu.dma_semaphore, #tpu.memory_space<semaphore_mem>>
      %dma_start3A_55 = arith.constant 0 : i32
      %dma_start3A_56 = arith.constant 0 : i32
      %dma_start3A_57 = tpu.memref_slice %arg5[%add3A, %dma_start3A_55, %dma_start3A_56] : memref<32x80x128xi32, #tpu.memory_space<hbm>> -> memref<1x80x128xi32, #tpu.memory_space<hbm>>
      %dma_start3A_58 = tpu.memref_squeeze %dma_start3A_57 : memref<1x80x128xi32, #tpu.memory_space<hbm>> -> memref<80x128xi32, #tpu.memory_space<hbm>>
      %dma_start3A_59 = arith.constant 0 : i32
      %dma_start3A_60 = arith.constant 0 : i32
      %dma_start3A_61 = tpu.memref_slice %arg5[%add3A, %dma_start3A_59, %dma_start3A_60] : memref<32x80x128xi32, #tpu.memory_space<hbm>> -> memref<1x80x128xi32, #tpu.memory_space<hbm>>
      %dma_start3A_62 = tpu.memref_squeeze %dma_start3A_61 : memref<1x80x128xi32, #tpu.memory_space<hbm>> -> memref<80x128xi32, #tpu.memory_space<hbm>>
      tpu.enqueue_dma source(%dma_start3A_62 : memref<80x128xi32, #tpu.memory_space<hbm>>) target(%arg10 : memref<80x128xi32, #tpu.memory_space<vmem>>) target_semaphore(%run_scoped3A : memref<!tpu.dma_semaphore, #tpu.memory_space<semaphore_mem>>)
      %dma_wait3A_63 = arith.constant 0 : i32
      %dma_wait3A_64 = arith.constant 0 : i32
      %dma_wait3A_65 = tpu.memref_slice %arg5[%add3A, %dma_wait3A_63, %dma_wait3A_64] : memref<32x80x128xi32, #tpu.memory_space<hbm>> -> memref<1x80x128xi32, #tpu.memory_space<hbm>>
      %dma_wait3A_66 = tpu.memref_squeeze %dma_wait3A_65 : memref<1x80x128xi32, #tpu.memory_space<hbm>> -> memref<80x128xi32, #tpu.memory_space<hbm>>
      %dma_wait3A_67 = arith.constant 0 : i32
      %dma_wait3A_68 = arith.constant 0 : i32
      %dma_wait3A_69 = tpu.memref_slice %arg5[%add3A, %dma_wait3A_67, %dma_wait3A_68] : memref<32x80x128xi32, #tpu.memory_space<hbm>> -> memref<1x80x128xi32, #tpu.memory_space<hbm>>
      %dma_wait3A_70 = tpu.memref_squeeze %dma_wait3A_69 : memref<1x80x128xi32, #tpu.memory_space<hbm>> -> memref<80x128xi32, #tpu.memory_space<hbm>>
      tpu.wait_dma2 semaphore(%run_scoped3A : memref<!tpu.dma_semaphore, #tpu.memory_space<semaphore_mem>>) src(%dma_wait3A_70 : memref<80x128xi32, #tpu.memory_space<hbm>>) dst(%arg10 : memref<80x128xi32, #tpu.memory_space<vmem>>)
      tpu.yield
    }) : () -> ()
    %barrier3A = arith.constant 0 : index
    tpu.barrier barrier_id(%barrier3A)
    %dma_start3A = arith.constant 0 : i32
    %dma_start3A_3 = arith.constant 0 : i32
    %dma_start3A_4 = tpu.memref_slice %arg9[%dma_start3A, %dma_start3A_3] : memref<80x128xi32, #tpu.memory_space<vmem>> -> memref<1x128xi32, #tpu.memory_space<vmem>>
    %dma_start3A_5 = tpu.memref_squeeze %dma_start3A_4 : memref<1x128xi32, #tpu.memory_space<vmem>> -> memref<128xi32, #tpu.memory_space<vmem>>
    %dma_start3A_6 = arith.constant 0 : i32
    %dma_start3A_7 = arith.constant 0 : i32
    %dma_start3A_8 = tpu.memref_slice %arg2[%dma_start3A_6, %dma_start3A_7] : memref<10240x80xf32, #tpu.memory_space<hbm>> -> memref<10240x80xf32, #tpu.memory_space<hbm>>
    tpu.enqueue_indirect_dma source(%dma_start3A_8 : memref<10240x80xf32, #tpu.memory_space<hbm>>) target(%arg11 : memref<128x80xf32, #tpu.memory_space<vmem>>) offsets(%dma_start3A_5 : memref<128xi32, #tpu.memory_space<vmem>>) semaphore(%arg24 : memref<!tpu.dma_semaphore, #tpu.memory_space<semaphore_mem>>)
    %dma_start3A_9 = arith.constant 0 : i32
    %dma_start3A_10 = arith.constant 0 : i32
    %dma_start3A_11 = tpu.memref_slice %arg10[%dma_start3A_9, %dma_start3A_10] : memref<80x128xi32, #tpu.memory_space<vmem>> -> memref<1x128xi32, #tpu.memory_space<vmem>>
    %dma_start3A_12 = tpu.memref_squeeze %dma_start3A_11 : memref<1x128xi32, #tpu.memory_space<vmem>> -> memref<128xi32, #tpu.memory_space<vmem>>
    %dma_start3A_13 = arith.constant 0 : i32
    %dma_start3A_14 = arith.constant 0 : i32
    %dma_start3A_15 = tpu.memref_slice %arg3[%dma_start3A_13, %dma_start3A_14] : memref<10240x16xf32, #tpu.memory_space<hbm>> -> memref<10240x16xf32, #tpu.memory_space<hbm>>
    tpu.enqueue_indirect_dma source(%dma_start3A_15 : memref<10240x16xf32, #tpu.memory_space<hbm>>) target(%arg13 : memref<128x16xf32, #tpu.memory_space<vmem>>) offsets(%dma_start3A_12 : memref<128xi32, #tpu.memory_space<vmem>>) semaphore(%arg24 : memref<!tpu.dma_semaphore, #tpu.memory_space<semaphore_mem>>)
    %dma_start3A_16 = arith.constant 0 : i32
    %dma_start3A_17 = arith.constant 0 : i32
    %dma_start3A_18 = tpu.memref_slice %arg5[%add3A, %dma_start3A_16, %dma_start3A_17] : memref<32x80x128xi32, #tpu.memory_space<hbm>> -> memref<1x1x128xi32, #tpu.memory_space<hbm>>
    %dma_start3A_19 = tpu.memref_squeeze %dma_start3A_18 : memref<1x1x128xi32, #tpu.memory_space<hbm>> -> memref<128xi32, #tpu.memory_space<hbm>>
    %dma_start3A_20 = arith.constant 0 : i32
    %dma_start3A_21 = tpu.memref_slice %arg5[%add3A, %dma_start3A_16, %dma_start3A_20] : memref<32x80x128xi32, #tpu.memory_space<hbm>> -> memref<1x1x128xi32, #tpu.memory_space<hbm>>
    %dma_start3A_22 = tpu.memref_squeeze %dma_start3A_21 : memref<1x1x128xi32, #tpu.memory_space<hbm>> -> memref<128xi32, #tpu.memory_space<hbm>>
    tpu.enqueue_dma source(%dma_start3A_22 : memref<128xi32, #tpu.memory_space<hbm>>) target(%arg15 : memref<128xi32, #tpu.memory_space<vmem>>) target_semaphore(%arg24 : memref<!tpu.dma_semaphore, #tpu.memory_space<semaphore_mem>>)
    %dma_start3A_23 = arith.constant 1 : i32
    %dma_start3A_24 = arith.constant 0 : i32
    %dma_start3A_25 = tpu.memref_slice %arg9[%dma_start3A_23, %dma_start3A_24] : memref<80x128xi32, #tpu.memory_space<vmem>> -> memref<1x128xi32, #tpu.memory_space<vmem>>
    %dma_start3A_26 = tpu.memref_squeeze %dma_start3A_25 : memref<1x128xi32, #tpu.memory_space<vmem>> -> memref<128xi32, #tpu.memory_space<vmem>>
    %dma_start3A_27 = arith.constant 0 : i32
    %dma_start3A_28 = arith.constant 0 : i32
    %dma_start3A_29 = tpu.memref_slice %arg2[%dma_start3A_27, %dma_start3A_28] : memref<10240x80xf32, #tpu.memory_space<hbm>> -> memref<10240x80xf32, #tpu.memory_space<hbm>>
    tpu.enqueue_indirect_dma source(%dma_start3A_29 : memref<10240x80xf32, #tpu.memory_space<hbm>>) target(%arg12 : memref<128x80xf32, #tpu.memory_space<vmem>>) offsets(%dma_start3A_26 : memref<128xi32, #tpu.memory_space<vmem>>) semaphore(%arg25 : memref<!tpu.dma_semaphore, #tpu.memory_space<semaphore_mem>>)
    %dma_start3A_30 = arith.constant 1 : i32
    %dma_start3A_31 = arith.constant 0 : i32
    %dma_start3A_32 = tpu.memref_slice %arg10[%dma_start3A_30, %dma_start3A_31] : memref<80x128xi32, #tpu.memory_space<vmem>> -> memref<1x128xi32, #tpu.memory_space<vmem>>
    %dma_start3A_33 = tpu.memref_squeeze %dma_start3A_32 : memref<1x128xi32, #tpu.memory_space<vmem>> -> memref<128xi32, #tpu.memory_space<vmem>>
    %dma_start3A_34 = arith.constant 0 : i32
    %dma_start3A_35 = arith.constant 0 : i32
    %dma_start3A_36 = tpu.memref_slice %arg3[%dma_start3A_34, %dma_start3A_35] : memref<10240x16xf32, #tpu.memory_space<hbm>> -> memref<10240x16xf32, #tpu.memory_space<hbm>>
    tpu.enqueue_indirect_dma source(%dma_start3A_36 : memref<10240x16xf32, #tpu.memory_space<hbm>>) target(%arg14 : memref<128x16xf32, #tpu.memory_space<vmem>>) offsets(%dma_start3A_33 : memref<128xi32, #tpu.memory_space<vmem>>) semaphore(%arg25 : memref<!tpu.dma_semaphore, #tpu.memory_space<semaphore_mem>>)
    %dma_start3A_37 = arith.constant 1 : i32
    %dma_start3A_38 = arith.constant 0 : i32
    %dma_start3A_39 = tpu.memref_slice %arg5[%add3A, %dma_start3A_37, %dma_start3A_38] : memref<32x80x128xi32, #tpu.memory_space<hbm>> -> memref<1x1x128xi32, #tpu.memory_space<hbm>>
    %dma_start3A_40 = tpu.memref_squeeze %dma_start3A_39 : memref<1x1x128xi32, #tpu.memory_space<hbm>> -> memref<128xi32, #tpu.memory_space<hbm>>
    %dma_start3A_41 = arith.constant 0 : i32
    %dma_start3A_42 = tpu.memref_slice %arg5[%add3A, %dma_start3A_37, %dma_start3A_41] : memref<32x80x128xi32, #tpu.memory_space<hbm>> -> memref<1x1x128xi32, #tpu.memory_space<hbm>>
    %dma_start3A_43 = tpu.memref_squeeze %dma_start3A_42 : memref<1x1x128xi32, #tpu.memory_space<hbm>> -> memref<128xi32, #tpu.memory_space<hbm>>
    tpu.enqueue_dma source(%dma_start3A_43 : memref<128xi32, #tpu.memory_space<hbm>>) target(%arg16 : memref<128xi32, #tpu.memory_space<vmem>>) target_semaphore(%arg25 : memref<!tpu.dma_semaphore, #tpu.memory_space<semaphore_mem>>)
    %scan3A = arith.constant 0 : i32
    %scan3A_44 = arith.constant 0 : i32
    %scan3A_45 = arith.constant 20 : i32
    %scan3A_46 = arith.addi %scan3A_44, %scan3A_45 : i32
    %scan3A_47 = arith.constant 1 : i32
    scf.for %scan3A_55 = %scan3A_44 to %scan3A_46 step %scan3A_47  : i32 {
      %mul3A_56 = arith.constant 4 : i32
      %mul3A_57 = arith.muli %mul3A_56, %scan3A_55 : i32
      %ge3A = arith.constant 19 : i32
      %ge3A_58 = arith.cmpi sge, %scan3A_55, %ge3A : i32
      %add3A_59 = arith.constant 0 : i32
      %add3A_60 = arith.addi %mul3A_57, %add3A_59 : i32
      %gt3A = arith.constant 0 : i32
      %gt3A_61 = arith.cmpi sgt, %scan3A_55, %gt3A : i32
      %dma_wait3A_62 = arith.constant 0 : i32
      %dma_wait3A_63 = tpu.memref_slice %arg9[%add3A_60, %dma_wait3A_62] : memref<80x128xi32, #tpu.memory_space<vmem>> -> memref<1x128xi32, #tpu.memory_space<vmem>>
      %dma_wait3A_64 = tpu.memref_squeeze %dma_wait3A_63 : memref<1x128xi32, #tpu.memory_space<vmem>> -> memref<128xi32, #tpu.memory_space<vmem>>
      %dma_wait3A_65 = arith.constant 0 : i32
      %dma_wait3A_66 = arith.constant 0 : i32
      %dma_wait3A_67 = tpu.memref_slice %arg2[%dma_wait3A_65, %dma_wait3A_66] : memref<10240x80xf32, #tpu.memory_space<hbm>> -> memref<10240x80xf32, #tpu.memory_space<hbm>>
      tpu.wait_indirect_dma semaphore(%arg24 : memref<!tpu.dma_semaphore, #tpu.memory_space<semaphore_mem>>) src(%dma_wait3A_67 : memref<10240x80xf32, #tpu.memory_space<hbm>>) dst(%arg11 : memref<128x80xf32, #tpu.memory_space<vmem>>)
      %dma_wait3A_68 = arith.constant 0 : i32
      %dma_wait3A_69 = tpu.memref_slice %arg10[%add3A_60, %dma_wait3A_68] : memref<80x128xi32, #tpu.memory_space<vmem>> -> memref<1x128xi32, #tpu.memory_space<vmem>>
      %dma_wait3A_70 = tpu.memref_squeeze %dma_wait3A_69 : memref<1x128xi32, #tpu.memory_space<vmem>> -> memref<128xi32, #tpu.memory_space<vmem>>
      %dma_wait3A_71 = arith.constant 0 : i32
      %dma_wait3A_72 = arith.constant 0 : i32
      %dma_wait3A_73 = tpu.memref_slice %arg3[%dma_wait3A_71, %dma_wait3A_72] : memref<10240x16xf32, #tpu.memory_space<hbm>> -> memref<10240x16xf32, #tpu.memory_space<hbm>>
      tpu.wait_indirect_dma semaphore(%arg24 : memref<!tpu.dma_semaphore, #tpu.memory_space<semaphore_mem>>) src(%dma_wait3A_73 : memref<10240x16xf32, #tpu.memory_space<hbm>>) dst(%arg13 : memref<128x16xf32, #tpu.memory_space<vmem>>)
      %dma_wait3A_74 = arith.constant 0 : i32
      %dma_wait3A_75 = tpu.memref_slice %arg5[%add3A, %add3A_60, %dma_wait3A_74] : memref<32x80x128xi32, #tpu.memory_space<hbm>> -> memref<1x1x128xi32, #tpu.memory_space<hbm>>
      %dma_wait3A_76 = tpu.memref_squeeze %dma_wait3A_75 : memref<1x1x128xi32, #tpu.memory_space<hbm>> -> memref<128xi32, #tpu.memory_space<hbm>>
      %dma_wait3A_77 = arith.constant 0 : i32
      %dma_wait3A_78 = tpu.memref_slice %arg5[%add3A, %add3A_60, %dma_wait3A_77] : memref<32x80x128xi32, #tpu.memory_space<hbm>> -> memref<1x1x128xi32, #tpu.memory_space<hbm>>
      %dma_wait3A_79 = tpu.memref_squeeze %dma_wait3A_78 : memref<1x1x128xi32, #tpu.memory_space<hbm>> -> memref<128xi32, #tpu.memory_space<hbm>>
      tpu.wait_dma2 semaphore(%arg24 : memref<!tpu.dma_semaphore, #tpu.memory_space<semaphore_mem>>) src(%dma_wait3A_79 : memref<128xi32, #tpu.memory_space<hbm>>) dst(%arg15 : memref<128xi32, #tpu.memory_space<vmem>>)
      %convert_element_type3A = arith.extui %gt3A_61 : i1 to i32
      %cond3A = arith.constant 0 : i32
      %cond3A_80 = arith.cmpi ne, %convert_element_type3A, %cond3A : i32
      scf.if %cond3A_80 {
        %dma_wait3A_237 = arith.constant 0 : i32
        %dma_wait3A_238 = arith.constant 0 : i32
        %dma_wait3A_239 = tpu.memref_slice %arg23[%dma_wait3A_237, %dma_wait3A_238] : memref<10240x80xf32, #tpu.memory_space<vmem_shared>> -> memref<10240x80xf32, #tpu.memory_space<vmem_shared>>
        tpu.wait_indirect_dma semaphore(%arg26 : memref<!tpu.dma_semaphore, #tpu.memory_space<semaphore_mem>>) src(%arg19 : memref<128x80xf32, #tpu.memory_space<vmem>>) dst(%dma_wait3A_239 : memref<10240x80xf32, #tpu.memory_space<vmem_shared>>)
      } else {
      }
      %scan3A_81 = arith.constant 0 : i32
      %scan3A_82 = arith.constant 0 : i32
      %scan3A_83 = arith.constant 32 : i32
      %scan3A_84 = arith.addi %scan3A_82, %scan3A_83 : i32
      %scan3A_85 = arith.constant 1 : i32
      scf.for %scan3A_237 = %scan3A_82 to %scan3A_84 step %scan3A_85  : i32 {
        %mul3A_238 = arith.constant 4 : i32
        %mul3A_239 = arith.muli %mul3A_238, %scan3A_237 : i32
        %add3A_240 = arith.constant 0 : i32
        %add3A_241 = arith.addi %mul3A_239, %add3A_240 : i32
        %get3A = arith.constant 0 : index
        %get3A_242 = tpu.vector_load %arg22[%get3A] {strides = array<i32>} : memref<16xf32, #tpu.memory_space<vmem>>, vector<16xf32>,
        %iota3A = tpu.iota {dimensions = array<i32: 0>} : vector<16xi32>
        %jit3A = arith.constant 8 : i32
        %div3A = vector.broadcast %jit3A : i32 to vector<16xi32>
        %div3A_243 = arith.divsi %iota3A, %div3A : vector<16xi32>
        %sign3A = arith.constant 0 : i32
        %sign3A_244 = vector.broadcast %sign3A : i32 to vector<16xi32>
        %sign3A_245 = arith.cmpi sgt, %iota3A, %sign3A_244 : vector<16xi32>
        %sign3A_246 = arith.extui %sign3A_245 : vector<16xi1> to vector<16xi32>
        %sign3A_247 = arith.constant 0 : i32
        %sign3A_248 = vector.broadcast %sign3A_247 : i32 to vector<16xi32>
        %sign3A_249 = arith.cmpi slt, %iota3A, %sign3A_248 : vector<16xi32>
        %sign3A_250 = arith.extui %sign3A_249 : vector<16xi1> to vector<16xi32>
        %sign3A_251 = arith.subi %sign3A_246, %sign3A_250 : vector<16xi32>
        %sign3A_252 = arith.constant 0 : i32
        %sign3A_253 = arith.cmpi sgt, %jit3A, %sign3A_252 : i32
        %sign3A_254 = arith.extui %sign3A_253 : i1 to i32
        %sign3A_255 = arith.constant 0 : i32
        %sign3A_256 = arith.cmpi slt, %jit3A, %sign3A_255 : i32
        %sign3A_257 = arith.extui %sign3A_256 : i1 to i32
        %sign3A_258 = arith.subi %sign3A_254, %sign3A_257 : i32
        %ne3A = vector.broadcast %sign3A_258 : i32 to vector<16xi32>
        %ne3A_259 = arith.cmpi ne, %sign3A_251, %ne3A : vector<16xi32>
        %rem3A = vector.broadcast %jit3A : i32 to vector<16xi32>
        %rem3A_260 = arith.remsi %iota3A, %rem3A : vector<16xi32>
        %ne3A_261 = arith.constant 0 : i32
        %ne3A_262 = vector.broadcast %ne3A_261 : i32 to vector<16xi32>
        %ne3A_263 = arith.cmpi ne, %rem3A_260, %ne3A_262 : vector<16xi32>
        %and3A = arith.andi %ne3A_259, %ne3A_263 : vector<16xi1>
        %sub3A = arith.constant 1 : i32
        %sub3A_264 = vector.broadcast %sub3A : i32 to vector<16xi32>
        %sub3A_265 = arith.subi %div3A_243, %sub3A_264 : vector<16xi32>
        %select_n3A = arith.select %and3A, %sub3A_265, %div3A_243 : vector<16xi1>, vector<16xi32>
        %get3A_266 = arith.index_cast %add3A_241 : i32 to index
        %get3A_267 = arith.constant 64 : index
        %get3A_268 = tpu.vector_load %arg11[%get3A_266, %get3A_267] {strides = array<i32>} : memref<128x80xf32, #tpu.memory_space<vmem>>, vector<16xf32>,
        %get3A_269 = arith.index_cast %add3A_241 : i32 to index
        %get3A_270 = arith.constant 0 : index
        %get3A_271 = tpu.vector_load %arg13[%get3A_269, %get3A_270] {strides = array<i32>} : memref<128x16xf32, #tpu.memory_space<vmem>>, vector<16xf32>,
        %add3A_272 = arith.addf %get3A_268, %get3A_271 : vector<16xf32>
        %mul3A_273 = arith.constant 2.000000e-01 : f32
        %mul3A_274 = vector.broadcast %mul3A_273 : f32 to vector<16xf32>
        %mul3A_275 = arith.mulf %mul3A_274, %add3A_272 : vector<16xf32>
        %max3A = arith.maximumf %add3A_272, %mul3A_275 : vector<16xf32>
        %sub3A_276 = arith.subf %max3A, %get3A_242 : vector<16xf32>
        %exp3A = math.exp %sub3A_276 : vector<16xf32>
        %add3A_277 = arith.constant 0 : i32
        %add3A_278 = vector.broadcast %add3A_277 : i32 to vector<16xi32>
        %add3A_279 = arith.addi %select_n3A, %add3A_278 : vector<16xi32>
        %broadcast_in_dim3A = vector.shape_cast %add3A_279 : vector<16xi32> to vector<16x1xi32>
        %gather3A = vector.shape_cast %broadcast_in_dim3A : vector<16x1xi32> to vector<16xi32>
        %gather3A_280 = tpu.dynamic_gather %exp3A[%gather3A] in [0] : vector<16xf32>, vector<16xi32> -> vector<16xf32>
        %get3A_281 = arith.index_cast %add3A_241 : i32 to index
        %get3A_282 = arith.constant 0 : index
        %get3A_283 = tpu.vector_load %arg11[%get3A_281, %get3A_282] {strides = array<i32>} : memref<128x80xf32, #tpu.memory_space<vmem>>, vector<16xf32>,
        %mul3A_284 = arith.mulf %get3A_283, %gather3A_280 : vector<16xf32>
        %swap3A = arith.index_cast %add3A_241 : i32 to index
        %swap3A_285 = arith.constant 0 : index
        %swap3A_286 = tpu.vector_load %arg19[%swap3A, %swap3A_285] {strides = array<i32>} : memref<128x80xf32, #tpu.memory_space<vmem>>, vector<16xf32>,
        tpu.vector_store %arg19[%swap3A, %swap3A_285], %mul3A_284 {strides = array<i32>} : memref<128x80xf32, #tpu.memory_space<vmem>>, vector<16xf32>,
        %add3A_287 = arith.constant 2 : i32
        %add3A_288 = vector.broadcast %add3A_287 : i32 to vector<16xi32>
        %add3A_289 = arith.addi %select_n3A, %add3A_288 : vector<16xi32>
        %broadcast_in_dim3A_290 = vector.shape_cast %add3A_289 : vector<16xi32> to vector<16x1xi32>
        %gather3A_291 = vector.shape_cast %broadcast_in_dim3A_290 : vector<16x1xi32> to vector<16xi32>
        %gather3A_292 = tpu.dynamic_gather %exp3A[%gather3A_291] in [0] : vector<16xf32>, vector<16xi32> -> vector<16xf32>
        %get3A_293 = arith.index_cast %add3A_241 : i32 to index
        %get3A_294 = arith.constant 16 : index
        %get3A_295 = tpu.vector_load %arg11[%get3A_293, %get3A_294] {strides = array<i32>} : memref<128x80xf32, #tpu.memory_space<vmem>>, vector<16xf32>,
        %mul3A_296 = arith.mulf %get3A_295, %gather3A_292 : vector<16xf32>
        %swap3A_297 = arith.index_cast %add3A_241 : i32 to index
        %swap3A_298 = arith.constant 16 : index
        %swap3A_299 = tpu.vector_load %arg19[%swap3A_297, %swap3A_298] {strides = array<i32>} : memref<128x80xf32, #tpu.memory_space<vmem>>, vector<16xf32>,
        tpu.vector_store %arg19[%swap3A_297, %swap3A_298], %mul3A_296 {strides = array<i32>} : memref<128x80xf32, #tpu.memory_space<vmem>>, vector<16xf32>,
        %add3A_300 = arith.constant 4 : i32
        %add3A_301 = vector.broadcast %add3A_300 : i32 to vector<16xi32>
        %add3A_302 = arith.addi %select_n3A, %add3A_301 : vector<16xi32>
        %broadcast_in_dim3A_303 = vector.shape_cast %add3A_302 : vector<16xi32> to vector<16x1xi32>
        %gather3A_304 = vector.shape_cast %broadcast_in_dim3A_303 : vector<16x1xi32> to vector<16xi32>
        %gather3A_305 = tpu.dynamic_gather %exp3A[%gather3A_304] in [0] : vector<16xf32>, vector<16xi32> -> vector<16xf32>
        %get3A_306 = arith.index_cast %add3A_241 : i32 to index
        %get3A_307 = arith.constant 32 : index
        %get3A_308 = tpu.vector_load %arg11[%get3A_306, %get3A_307] {strides = array<i32>} : memref<128x80xf32, #tpu.memory_space<vmem>>, vector<16xf32>,
        %mul3A_309 = arith.mulf %get3A_308, %gather3A_305 : vector<16xf32>
        %swap3A_310 = arith.index_cast %add3A_241 : i32 to index
        %swap3A_311 = arith.constant 32 : index
        %swap3A_312 = tpu.vector_load %arg19[%swap3A_310, %swap3A_311] {strides = array<i32>} : memref<128x80xf32, #tpu.memory_space<vmem>>, vector<16xf32>,
        tpu.vector_store %arg19[%swap3A_310, %swap3A_311], %mul3A_309 {strides = array<i32>} : memref<128x80xf32, #tpu.memory_space<vmem>>, vector<16xf32>,
        %add3A_313 = arith.constant 6 : i32
        %add3A_314 = vector.broadcast %add3A_313 : i32 to vector<16xi32>
        %add3A_315 = arith.addi %select_n3A, %add3A_314 : vector<16xi32>
        %broadcast_in_dim3A_316 = vector.shape_cast %add3A_315 : vector<16xi32> to vector<16x1xi32>
        %gather3A_317 = vector.shape_cast %broadcast_in_dim3A_316 : vector<16x1xi32> to vector<16xi32>
        %gather3A_318 = tpu.dynamic_gather %exp3A[%gather3A_317] in [0] : vector<16xf32>, vector<16xi32> -> vector<16xf32>
        %get3A_319 = arith.index_cast %add3A_241 : i32 to index
        %get3A_320 = arith.constant 48 : index
        %get3A_321 = tpu.vector_load %arg11[%get3A_319, %get3A_320] {strides = array<i32>} : memref<128x80xf32, #tpu.memory_space<vmem>>, vector<16xf32>,
        %mul3A_322 = arith.mulf %get3A_321, %gather3A_318 : vector<16xf32>
        %swap3A_323 = arith.index_cast %add3A_241 : i32 to index
        %swap3A_324 = arith.constant 48 : index
        %swap3A_325 = tpu.vector_load %arg19[%swap3A_323, %swap3A_324] {strides = array<i32>} : memref<128x80xf32, #tpu.memory_space<vmem>>, vector<16xf32>,
        tpu.vector_store %arg19[%swap3A_323, %swap3A_324], %mul3A_322 {strides = array<i32>} : memref<128x80xf32, #tpu.memory_space<vmem>>, vector<16xf32>,
        %swap3A_326 = arith.index_cast %add3A_241 : i32 to index
        %swap3A_327 = arith.constant 64 : index
        %swap3A_328 = tpu.vector_load %arg19[%swap3A_326, %swap3A_327] {strides = array<i32>} : memref<128x80xf32, #tpu.memory_space<vmem>>, vector<16xf32>,
        tpu.vector_store %arg19[%swap3A_326, %swap3A_327], %exp3A {strides = array<i32>} : memref<128x80xf32, #tpu.memory_space<vmem>>, vector<16xf32>,
        %mul3A_329 = arith.constant 4 : i32
        %mul3A_330 = arith.muli %mul3A_329, %scan3A_237 : i32
        %add3A_331 = arith.constant 1 : i32
        %add3A_332 = arith.addi %mul3A_330, %add3A_331 : i32
        %get3A_333 = arith.constant 0 : index
        %get3A_334 = tpu.vector_load %arg22[%get3A_333] {strides = array<i32>} : memref<16xf32, #tpu.memory_space<vmem>>, vector<16xf32>,
        %iota3A_335 = tpu.iota {dimensions = array<i32: 0>} : vector<16xi32>
        %jit3A_336 = arith.constant 8 : i32
        %div3A_337 = vector.broadcast %jit3A_336 : i32 to vector<16xi32>
        %div3A_338 = arith.divsi %iota3A_335, %div3A_337 : vector<16xi32>
        %sign3A_339 = arith.constant 0 : i32
        %sign3A_340 = vector.broadcast %sign3A_339 : i32 to vector<16xi32>
        %sign3A_341 = arith.cmpi sgt, %iota3A_335, %sign3A_340 : vector<16xi32>
        %sign3A_342 = arith.extui %sign3A_341 : vector<16xi1> to vector<16xi32>
        %sign3A_343 = arith.constant 0 : i32
        %sign3A_344 = vector.broadcast %sign3A_343 : i32 to vector<16xi32>
        %sign3A_345 = arith.cmpi slt, %iota3A_335, %sign3A_344 : vector<16xi32>
        %sign3A_346 = arith.extui %sign3A_345 : vector<16xi1> to vector<16xi32>
        %sign3A_347 = arith.subi %sign3A_342, %sign3A_346 : vector<16xi32>
        %sign3A_348 = arith.constant 0 : i32
        %sign3A_349 = arith.cmpi sgt, %jit3A_336, %sign3A_348 : i32
        %sign3A_350 = arith.extui %sign3A_349 : i1 to i32
        %sign3A_351 = arith.constant 0 : i32
        %sign3A_352 = arith.cmpi slt, %jit3A_336, %sign3A_351 : i32
        %sign3A_353 = arith.extui %sign3A_352 : i1 to i32
        %sign3A_354 = arith.subi %sign3A_350, %sign3A_353 : i32
        %ne3A_355 = vector.broadcast %sign3A_354 : i32 to vector<16xi32>
        %ne3A_356 = arith.cmpi ne, %sign3A_347, %ne3A_355 : vector<16xi32>
        %rem3A_357 = vector.broadcast %jit3A_336 : i32 to vector<16xi32>
        %rem3A_358 = arith.remsi %iota3A_335, %rem3A_357 : vector<16xi32>
        %ne3A_359 = arith.constant 0 : i32
        %ne3A_360 = vector.broadcast %ne3A_359 : i32 to vector<16xi32>
        %ne3A_361 = arith.cmpi ne, %rem3A_358, %ne3A_360 : vector<16xi32>
        %and3A_362 = arith.andi %ne3A_356, %ne3A_361 : vector<16xi1>
        %sub3A_363 = arith.constant 1 : i32
        %sub3A_364 = vector.broadcast %sub3A_363 : i32 to vector<16xi32>
        %sub3A_365 = arith.subi %div3A_338, %sub3A_364 : vector<16xi32>
        %select_n3A_366 = arith.select %and3A_362, %sub3A_365, %div3A_338 : vector<16xi1>, vector<16xi32>
        %get3A_367 = arith.index_cast %add3A_332 : i32 to index
        %get3A_368 = arith.constant 64 : index
        %get3A_369 = tpu.vector_load %arg11[%get3A_367, %get3A_368] {strides = array<i32>} : memref<128x80xf32, #tpu.memory_space<vmem>>, vector<16xf32>,
        %get3A_370 = arith.index_cast %add3A_332 : i32 to index
        %get3A_371 = arith.constant 0 : index
        %get3A_372 = tpu.vector_load %arg13[%get3A_370, %get3A_371] {strides = array<i32>} : memref<128x16xf32, #tpu.memory_space<vmem>>, vector<16xf32>,
        %add3A_373 = arith.addf %get3A_369, %get3A_372 : vector<16xf32>
        %mul3A_374 = arith.constant 2.000000e-01 : f32
        %mul3A_375 = vector.broadcast %mul3A_374 : f32 to vector<16xf32>
        %mul3A_376 = arith.mulf %mul3A_375, %add3A_373 : vector<16xf32>
        %max3A_377 = arith.maximumf %add3A_373, %mul3A_376 : vector<16xf32>
        %sub3A_378 = arith.subf %max3A_377, %get3A_334 : vector<16xf32>
        %exp3A_379 = math.exp %sub3A_378 : vector<16xf32>
        %add3A_380 = arith.constant 0 : i32
        %add3A_381 = vector.broadcast %add3A_380 : i32 to vector<16xi32>
        %add3A_382 = arith.addi %select_n3A_366, %add3A_381 : vector<16xi32>
        %broadcast_in_dim3A_383 = vector.shape_cast %add3A_382 : vector<16xi32> to vector<16x1xi32>
        %gather3A_384 = vector.shape_cast %broadcast_in_dim3A_383 : vector<16x1xi32> to vector<16xi32>
        %gather3A_385 = tpu.dynamic_gather %exp3A_379[%gather3A_384] in [0] : vector<16xf32>, vector<16xi32> -> vector<16xf32>
        %get3A_386 = arith.index_cast %add3A_332 : i32 to index
        %get3A_387 = arith.constant 0 : index
        %get3A_388 = tpu.vector_load %arg11[%get3A_386, %get3A_387] {strides = array<i32>} : memref<128x80xf32, #tpu.memory_space<vmem>>, vector<16xf32>,
        %mul3A_389 = arith.mulf %get3A_388, %gather3A_385 : vector<16xf32>
        %swap3A_390 = arith.index_cast %add3A_332 : i32 to index
        %swap3A_391 = arith.constant 0 : index
        %swap3A_392 = tpu.vector_load %arg19[%swap3A_390, %swap3A_391] {strides = array<i32>} : memref<128x80xf32, #tpu.memory_space<vmem>>, vector<16xf32>,
        tpu.vector_store %arg19[%swap3A_390, %swap3A_391], %mul3A_389 {strides = array<i32>} : memref<128x80xf32, #tpu.memory_space<vmem>>, vector<16xf32>,
        %add3A_393 = arith.constant 2 : i32
        %add3A_394 = vector.broadcast %add3A_393 : i32 to vector<16xi32>
        %add3A_395 = arith.addi %select_n3A_366, %add3A_394 : vector<16xi32>
        %broadcast_in_dim3A_396 = vector.shape_cast %add3A_395 : vector<16xi32> to vector<16x1xi32>
        %gather3A_397 = vector.shape_cast %broadcast_in_dim3A_396 : vector<16x1xi32> to vector<16xi32>
        %gather3A_398 = tpu.dynamic_gather %exp3A_379[%gather3A_397] in [0] : vector<16xf32>, vector<16xi32> -> vector<16xf32>
        %get3A_399 = arith.index_cast %add3A_332 : i32 to index
        %get3A_400 = arith.constant 16 : index
        %get3A_401 = tpu.vector_load %arg11[%get3A_399, %get3A_400] {strides = array<i32>} : memref<128x80xf32, #tpu.memory_space<vmem>>, vector<16xf32>,
        %mul3A_402 = arith.mulf %get3A_401, %gather3A_398 : vector<16xf32>
        %swap3A_403 = arith.index_cast %add3A_332 : i32 to index
        %swap3A_404 = arith.constant 16 : index
        %swap3A_405 = tpu.vector_load %arg19[%swap3A_403, %swap3A_404] {strides = array<i32>} : memref<128x80xf32, #tpu.memory_space<vmem>>, vector<16xf32>,
        tpu.vector_store %arg19[%swap3A_403, %swap3A_404], %mul3A_402 {strides = array<i32>} : memref<128x80xf32, #tpu.memory_space<vmem>>, vector<16xf32>,
        %add3A_406 = arith.constant 4 : i32
        %add3A_407 = vector.broadcast %add3A_406 : i32 to vector<16xi32>
        %add3A_408 = arith.addi %select_n3A_366, %add3A_407 : vector<16xi32>
        %broadcast_in_dim3A_409 = vector.shape_cast %add3A_408 : vector<16xi32> to vector<16x1xi32>
        %gather3A_410 = vector.shape_cast %broadcast_in_dim3A_409 : vector<16x1xi32> to vector<16xi32>
        %gather3A_411 = tpu.dynamic_gather %exp3A_379[%gather3A_410] in [0] : vector<16xf32>, vector<16xi32> -> vector<16xf32>
        %get3A_412 = arith.index_cast %add3A_332 : i32 to index
        %get3A_413 = arith.constant 32 : index
        %get3A_414 = tpu.vector_load %arg11[%get3A_412, %get3A_413] {strides = array<i32>} : memref<128x80xf32, #tpu.memory_space<vmem>>, vector<16xf32>,
        %mul3A_415 = arith.mulf %get3A_414, %gather3A_411 : vector<16xf32>
        %swap3A_416 = arith.index_cast %add3A_332 : i32 to index
        %swap3A_417 = arith.constant 32 : index
        %swap3A_418 = tpu.vector_load %arg19[%swap3A_416, %swap3A_417] {strides = array<i32>} : memref<128x80xf32, #tpu.memory_space<vmem>>, vector<16xf32>,
        tpu.vector_store %arg19[%swap3A_416, %swap3A_417], %mul3A_415 {strides = array<i32>} : memref<128x80xf32, #tpu.memory_space<vmem>>, vector<16xf32>,
        %add3A_419 = arith.constant 6 : i32
        %add3A_420 = vector.broadcast %add3A_419 : i32 to vector<16xi32>
        %add3A_421 = arith.addi %select_n3A_366, %add3A_420 : vector<16xi32>
        %broadcast_in_dim3A_422 = vector.shape_cast %add3A_421 : vector<16xi32> to vector<16x1xi32>
        %gather3A_423 = vector.shape_cast %broadcast_in_dim3A_422 : vector<16x1xi32> to vector<16xi32>
        %gather3A_424 = tpu.dynamic_gather %exp3A_379[%gather3A_423] in [0] : vector<16xf32>, vector<16xi32> -> vector<16xf32>
        %get3A_425 = arith.index_cast %add3A_332 : i32 to index
        %get3A_426 = arith.constant 48 : index
        %get3A_427 = tpu.vector_load %arg11[%get3A_425, %get3A_426] {strides = array<i32>} : memref<128x80xf32, #tpu.memory_space<vmem>>, vector<16xf32>,
        %mul3A_428 = arith.mulf %get3A_427, %gather3A_424 : vector<16xf32>
        %swap3A_429 = arith.index_cast %add3A_332 : i32 to index
        %swap3A_430 = arith.constant 48 : index
        %swap3A_431 = tpu.vector_load %arg19[%swap3A_429, %swap3A_430] {strides = array<i32>} : memref<128x80xf32, #tpu.memory_space<vmem>>, vector<16xf32>,
        tpu.vector_store %arg19[%swap3A_429, %swap3A_430], %mul3A_428 {strides = array<i32>} : memref<128x80xf32, #tpu.memory_space<vmem>>, vector<16xf32>,
        %swap3A_432 = arith.index_cast %add3A_332 : i32 to index
        %swap3A_433 = arith.constant 64 : index
        %swap3A_434 = tpu.vector_load %arg19[%swap3A_432, %swap3A_433] {strides = array<i32>} : memref<128x80xf32, #tpu.memory_space<vmem>>, vector<16xf32>,
        tpu.vector_store %arg19[%swap3A_432, %swap3A_433], %exp3A_379 {strides = array<i32>} : memref<128x80xf32, #tpu.memory_space<vmem>>, vector<16xf32>,
        %mul3A_435 = arith.constant 4 : i32
        %mul3A_436 = arith.muli %mul3A_435, %scan3A_237 : i32
        %add3A_437 = arith.constant 2 : i32
        %add3A_438 = arith.addi %mul3A_436, %add3A_437 : i32
        %get3A_439 = arith.constant 0 : index
        %get3A_440 = tpu.vector_load %arg22[%get3A_439] {strides = array<i32>} : memref<16xf32, #tpu.memory_space<vmem>>, vector<16xf32>,
        %iota3A_441 = tpu.iota {dimensions = array<i32: 0>} : vector<16xi32>
        %jit3A_442 = arith.constant 8 : i32
        %div3A_443 = vector.broadcast %jit3A_442 : i32 to vector<16xi32>
        %div3A_444 = arith.divsi %iota3A_441, %div3A_443 : vector<16xi32>
        %sign3A_445 = arith.constant 0 : i32
        %sign3A_446 = vector.broadcast %sign3A_445 : i32 to vector<16xi32>
        %sign3A_447 = arith.cmpi sgt, %iota3A_441, %sign3A_446 : vector<16xi32>
        %sign3A_448 = arith.extui %sign3A_447 : vector<16xi1> to vector<16xi32>
        %sign3A_449 = arith.constant 0 : i32
        %sign3A_450 = vector.broadcast %sign3A_449 : i32 to vector<16xi32>
        %sign3A_451 = arith.cmpi slt, %iota3A_441, %sign3A_450 : vector<16xi32>
        %sign3A_452 = arith.extui %sign3A_451 : vector<16xi1> to vector<16xi32>
        %sign3A_453 = arith.subi %sign3A_448, %sign3A_452 : vector<16xi32>
        %sign3A_454 = arith.constant 0 : i32
        %sign3A_455 = arith.cmpi sgt, %jit3A_442, %sign3A_454 : i32
        %sign3A_456 = arith.extui %sign3A_455 : i1 to i32
        %sign3A_457 = arith.constant 0 : i32
        %sign3A_458 = arith.cmpi slt, %jit3A_442, %sign3A_457 : i32
        %sign3A_459 = arith.extui %sign3A_458 : i1 to i32
        %sign3A_460 = arith.subi %sign3A_456, %sign3A_459 : i32
        %ne3A_461 = vector.broadcast %sign3A_460 : i32 to vector<16xi32>
        %ne3A_462 = arith.cmpi ne, %sign3A_453, %ne3A_461 : vector<16xi32>
        %rem3A_463 = vector.broadcast %jit3A_442 : i32 to vector<16xi32>
        %rem3A_464 = arith.remsi %iota3A_441, %rem3A_463 : vector<16xi32>
        %ne3A_465 = arith.constant 0 : i32
        %ne3A_466 = vector.broadcast %ne3A_465 : i32 to vector<16xi32>
        %ne3A_467 = arith.cmpi ne, %rem3A_464, %ne3A_466 : vector<16xi32>
        %and3A_468 = arith.andi %ne3A_462, %ne3A_467 : vector<16xi1>
        %sub3A_469 = arith.constant 1 : i32
        %sub3A_470 = vector.broadcast %sub3A_469 : i32 to vector<16xi32>
        %sub3A_471 = arith.subi %div3A_444, %sub3A_470 : vector<16xi32>
        %select_n3A_472 = arith.select %and3A_468, %sub3A_471, %div3A_444 : vector<16xi1>, vector<16xi32>
        %get3A_473 = arith.index_cast %add3A_438 : i32 to index
        %get3A_474 = arith.constant 64 : index
        %get3A_475 = tpu.vector_load %arg11[%get3A_473, %get3A_474] {strides = array<i32>} : memref<128x80xf32, #tpu.memory_space<vmem>>, vector<16xf32>,
        %get3A_476 = arith.index_cast %add3A_438 : i32 to index
        %get3A_477 = arith.constant 0 : index
        %get3A_478 = tpu.vector_load %arg13[%get3A_476, %get3A_477] {strides = array<i32>} : memref<128x16xf32, #tpu.memory_space<vmem>>, vector<16xf32>,
        %add3A_479 = arith.addf %get3A_475, %get3A_478 : vector<16xf32>
        %mul3A_480 = arith.constant 2.000000e-01 : f32
        %mul3A_481 = vector.broadcast %mul3A_480 : f32 to vector<16xf32>
        %mul3A_482 = arith.mulf %mul3A_481, %add3A_479 : vector<16xf32>
        %max3A_483 = arith.maximumf %add3A_479, %mul3A_482 : vector<16xf32>
        %sub3A_484 = arith.subf %max3A_483, %get3A_440 : vector<16xf32>
        %exp3A_485 = math.exp %sub3A_484 : vector<16xf32>
        %add3A_486 = arith.constant 0 : i32
        %add3A_487 = vector.broadcast %add3A_486 : i32 to vector<16xi32>
        %add3A_488 = arith.addi %select_n3A_472, %add3A_487 : vector<16xi32>
        %broadcast_in_dim3A_489 = vector.shape_cast %add3A_488 : vector<16xi32> to vector<16x1xi32>
        %gather3A_490 = vector.shape_cast %broadcast_in_dim3A_489 : vector<16x1xi32> to vector<16xi32>
        %gather3A_491 = tpu.dynamic_gather %exp3A_485[%gather3A_490] in [0] : vector<16xf32>, vector<16xi32> -> vector<16xf32>
        %get3A_492 = arith.index_cast %add3A_438 : i32 to index
        %get3A_493 = arith.constant 0 : index
        %get3A_494 = tpu.vector_load %arg11[%get3A_492, %get3A_493] {strides = array<i32>} : memref<128x80xf32, #tpu.memory_space<vmem>>, vector<16xf32>,
        %mul3A_495 = arith.mulf %get3A_494, %gather3A_491 : vector<16xf32>
        %swap3A_496 = arith.index_cast %add3A_438 : i32 to index
        %swap3A_497 = arith.constant 0 : index
        %swap3A_498 = tpu.vector_load %arg19[%swap3A_496, %swap3A_497] {strides = array<i32>} : memref<128x80xf32, #tpu.memory_space<vmem>>, vector<16xf32>,
        tpu.vector_store %arg19[%swap3A_496, %swap3A_497], %mul3A_495 {strides = array<i32>} : memref<128x80xf32, #tpu.memory_space<vmem>>, vector<16xf32>,
        %add3A_499 = arith.constant 2 : i32
        %add3A_500 = vector.broadcast %add3A_499 : i32 to vector<16xi32>
        %add3A_501 = arith.addi %select_n3A_472, %add3A_500 : vector<16xi32>
        %broadcast_in_dim3A_502 = vector.shape_cast %add3A_501 : vector<16xi32> to vector<16x1xi32>
        %gather3A_503 = vector.shape_cast %broadcast_in_dim3A_502 : vector<16x1xi32> to vector<16xi32>
        %gather3A_504 = tpu.dynamic_gather %exp3A_485[%gather3A_503] in [0] : vector<16xf32>, vector<16xi32> -> vector<16xf32>
        %get3A_505 = arith.index_cast %add3A_438 : i32 to index
        %get3A_506 = arith.constant 16 : index
        %get3A_507 = tpu.vector_load %arg11[%get3A_505, %get3A_506] {strides = array<i32>} : memref<128x80xf32, #tpu.memory_space<vmem>>, vector<16xf32>,
        %mul3A_508 = arith.mulf %get3A_507, %gather3A_504 : vector<16xf32>
        %swap3A_509 = arith.index_cast %add3A_438 : i32 to index
        %swap3A_510 = arith.constant 16 : index
        %swap3A_511 = tpu.vector_load %arg19[%swap3A_509, %swap3A_510] {strides = array<i32>} : memref<128x80xf32, #tpu.memory_space<vmem>>, vector<16xf32>,
        tpu.vector_store %arg19[%swap3A_509, %swap3A_510], %mul3A_508 {strides = array<i32>} : memref<128x80xf32, #tpu.memory_space<vmem>>, vector<16xf32>,
        %add3A_512 = arith.constant 4 : i32
        %add3A_513 = vector.broadcast %add3A_512 : i32 to vector<16xi32>
        %add3A_514 = arith.addi %select_n3A_472, %add3A_513 : vector<16xi32>
        %broadcast_in_dim3A_515 = vector.shape_cast %add3A_514 : vector<16xi32> to vector<16x1xi32>
        %gather3A_516 = vector.shape_cast %broadcast_in_dim3A_515 : vector<16x1xi32> to vector<16xi32>
        %gather3A_517 = tpu.dynamic_gather %exp3A_485[%gather3A_516] in [0] : vector<16xf32>, vector<16xi32> -> vector<16xf32>
        %get3A_518 = arith.index_cast %add3A_438 : i32 to index
        %get3A_519 = arith.constant 32 : index
        %get3A_520 = tpu.vector_load %arg11[%get3A_518, %get3A_519] {strides = array<i32>} : memref<128x80xf32, #tpu.memory_space<vmem>>, vector<16xf32>,
        %mul3A_521 = arith.mulf %get3A_520, %gather3A_517 : vector<16xf32>
        %swap3A_522 = arith.index_cast %add3A_438 : i32 to index
        %swap3A_523 = arith.constant 32 : index
        %swap3A_524 = tpu.vector_load %arg19[%swap3A_522, %swap3A_523] {strides = array<i32>} : memref<128x80xf32, #tpu.memory_space<vmem>>, vector<16xf32>,
        tpu.vector_store %arg19[%swap3A_522, %swap3A_523], %mul3A_521 {strides = array<i32>} : memref<128x80xf32, #tpu.memory_space<vmem>>, vector<16xf32>,
        %add3A_525 = arith.constant 6 : i32
        %add3A_526 = vector.broadcast %add3A_525 : i32 to vector<16xi32>
        %add3A_527 = arith.addi %select_n3A_472, %add3A_526 : vector<16xi32>
        %broadcast_in_dim3A_528 = vector.shape_cast %add3A_527 : vector<16xi32> to vector<16x1xi32>
        %gather3A_529 = vector.shape_cast %broadcast_in_dim3A_528 : vector<16x1xi32> to vector<16xi32>
        %gather3A_530 = tpu.dynamic_gather %exp3A_485[%gather3A_529] in [0] : vector<16xf32>, vector<16xi32> -> vector<16xf32>
        %get3A_531 = arith.index_cast %add3A_438 : i32 to index
        %get3A_532 = arith.constant 48 : index
        %get3A_533 = tpu.vector_load %arg11[%get3A_531, %get3A_532] {strides = array<i32>} : memref<128x80xf32, #tpu.memory_space<vmem>>, vector<16xf32>,
        %mul3A_534 = arith.mulf %get3A_533, %gather3A_530 : vector<16xf32>
        %swap3A_535 = arith.index_cast %add3A_438 : i32 to index
        %swap3A_536 = arith.constant 48 : index
        %swap3A_537 = tpu.vector_load %arg19[%swap3A_535, %swap3A_536] {strides = array<i32>} : memref<128x80xf32, #tpu.memory_space<vmem>>, vector<16xf32>,
        tpu.vector_store %arg19[%swap3A_535, %swap3A_536], %mul3A_534 {strides = array<i32>} : memref<128x80xf32, #tpu.memory_space<vmem>>, vector<16xf32>,
        %swap3A_538 = arith.index_cast %add3A_438 : i32 to index
        %swap3A_539 = arith.constant 64 : index
        %swap3A_540 = tpu.vector_load %arg19[%swap3A_538, %swap3A_539] {strides = array<i32>} : memref<128x80xf32, #tpu.memory_space<vmem>>, vector<16xf32>,
        tpu.vector_store %arg19[%swap3A_538, %swap3A_539], %exp3A_485 {strides = array<i32>} : memref<128x80xf32, #tpu.memory_space<vmem>>, vector<16xf32>,
        %mul3A_541 = arith.constant 4 : i32
        %mul3A_542 = arith.muli %mul3A_541, %scan3A_237 : i32
        %add3A_543 = arith.constant 3 : i32
        %add3A_544 = arith.addi %mul3A_542, %add3A_543 : i32
        %get3A_545 = arith.constant 0 : index
        %get3A_546 = tpu.vector_load %arg22[%get3A_545] {strides = array<i32>} : memref<16xf32, #tpu.memory_space<vmem>>, vector<16xf32>,
        %iota3A_547 = tpu.iota {dimensions = array<i32: 0>} : vector<16xi32>
        %jit3A_548 = arith.constant 8 : i32
        %div3A_549 = vector.broadcast %jit3A_548 : i32 to vector<16xi32>
        %div3A_550 = arith.divsi %iota3A_547, %div3A_549 : vector<16xi32>
        %sign3A_551 = arith.constant 0 : i32
        %sign3A_552 = vector.broadcast %sign3A_551 : i32 to vector<16xi32>
        %sign3A_553 = arith.cmpi sgt, %iota3A_547, %sign3A_552 : vector<16xi32>
        %sign3A_554 = arith.extui %sign3A_553 : vector<16xi1> to vector<16xi32>
        %sign3A_555 = arith.constant 0 : i32
        %sign3A_556 = vector.broadcast %sign3A_555 : i32 to vector<16xi32>
        %sign3A_557 = arith.cmpi slt, %iota3A_547, %sign3A_556 : vector<16xi32>
        %sign3A_558 = arith.extui %sign3A_557 : vector<16xi1> to vector<16xi32>
        %sign3A_559 = arith.subi %sign3A_554, %sign3A_558 : vector<16xi32>
        %sign3A_560 = arith.constant 0 : i32
        %sign3A_561 = arith.cmpi sgt, %jit3A_548, %sign3A_560 : i32
        %sign3A_562 = arith.extui %sign3A_561 : i1 to i32
        %sign3A_563 = arith.constant 0 : i32
        %sign3A_564 = arith.cmpi slt, %jit3A_548, %sign3A_563 : i32
        %sign3A_565 = arith.extui %sign3A_564 : i1 to i32
        %sign3A_566 = arith.subi %sign3A_562, %sign3A_565 : i32
        %ne3A_567 = vector.broadcast %sign3A_566 : i32 to vector<16xi32>
        %ne3A_568 = arith.cmpi ne, %sign3A_559, %ne3A_567 : vector<16xi32>
        %rem3A_569 = vector.broadcast %jit3A_548 : i32 to vector<16xi32>
        %rem3A_570 = arith.remsi %iota3A_547, %rem3A_569 : vector<16xi32>
        %ne3A_571 = arith.constant 0 : i32
        %ne3A_572 = vector.broadcast %ne3A_571 : i32 to vector<16xi32>
        %ne3A_573 = arith.cmpi ne, %rem3A_570, %ne3A_572 : vector<16xi32>
        %and3A_574 = arith.andi %ne3A_568, %ne3A_573 : vector<16xi1>
        %sub3A_575 = arith.constant 1 : i32
        %sub3A_576 = vector.broadcast %sub3A_575 : i32 to vector<16xi32>
        %sub3A_577 = arith.subi %div3A_550, %sub3A_576 : vector<16xi32>
        %select_n3A_578 = arith.select %and3A_574, %sub3A_577, %div3A_550 : vector<16xi1>, vector<16xi32>
        %get3A_579 = arith.index_cast %add3A_544 : i32 to index
        %get3A_580 = arith.constant 64 : index
        %get3A_581 = tpu.vector_load %arg11[%get3A_579, %get3A_580] {strides = array<i32>} : memref<128x80xf32, #tpu.memory_space<vmem>>, vector<16xf32>,
        %get3A_582 = arith.index_cast %add3A_544 : i32 to index
        %get3A_583 = arith.constant 0 : index
        %get3A_584 = tpu.vector_load %arg13[%get3A_582, %get3A_583] {strides = array<i32>} : memref<128x16xf32, #tpu.memory_space<vmem>>, vector<16xf32>,
        %add3A_585 = arith.addf %get3A_581, %get3A_584 : vector<16xf32>
        %mul3A_586 = arith.constant 2.000000e-01 : f32
        %mul3A_587 = vector.broadcast %mul3A_586 : f32 to vector<16xf32>
        %mul3A_588 = arith.mulf %mul3A_587, %add3A_585 : vector<16xf32>
        %max3A_589 = arith.maximumf %add3A_585, %mul3A_588 : vector<16xf32>
        %sub3A_590 = arith.subf %max3A_589, %get3A_546 : vector<16xf32>
        %exp3A_591 = math.exp %sub3A_590 : vector<16xf32>
        %add3A_592 = arith.constant 0 : i32
        %add3A_593 = vector.broadcast %add3A_592 : i32 to vector<16xi32>
        %add3A_594 = arith.addi %select_n3A_578, %add3A_593 : vector<16xi32>
        %broadcast_in_dim3A_595 = vector.shape_cast %add3A_594 : vector<16xi32> to vector<16x1xi32>
        %gather3A_596 = vector.shape_cast %broadcast_in_dim3A_595 : vector<16x1xi32> to vector<16xi32>
        %gather3A_597 = tpu.dynamic_gather %exp3A_591[%gather3A_596] in [0] : vector<16xf32>, vector<16xi32> -> vector<16xf32>
        %get3A_598 = arith.index_cast %add3A_544 : i32 to index
        %get3A_599 = arith.constant 0 : index
        %get3A_600 = tpu.vector_load %arg11[%get3A_598, %get3A_599] {strides = array<i32>} : memref<128x80xf32, #tpu.memory_space<vmem>>, vector<16xf32>,
        %mul3A_601 = arith.mulf %get3A_600, %gather3A_597 : vector<16xf32>
        %swap3A_602 = arith.index_cast %add3A_544 : i32 to index
        %swap3A_603 = arith.constant 0 : index
        %swap3A_604 = tpu.vector_load %arg19[%swap3A_602, %swap3A_603] {strides = array<i32>} : memref<128x80xf32, #tpu.memory_space<vmem>>, vector<16xf32>,
        tpu.vector_store %arg19[%swap3A_602, %swap3A_603], %mul3A_601 {strides = array<i32>} : memref<128x80xf32, #tpu.memory_space<vmem>>, vector<16xf32>,
        %add3A_605 = arith.constant 2 : i32
        %add3A_606 = vector.broadcast %add3A_605 : i32 to vector<16xi32>
        %add3A_607 = arith.addi %select_n3A_578, %add3A_606 : vector<16xi32>
        %broadcast_in_dim3A_608 = vector.shape_cast %add3A_607 : vector<16xi32> to vector<16x1xi32>
        %gather3A_609 = vector.shape_cast %broadcast_in_dim3A_608 : vector<16x1xi32> to vector<16xi32>
        %gather3A_610 = tpu.dynamic_gather %exp3A_591[%gather3A_609] in [0] : vector<16xf32>, vector<16xi32> -> vector<16xf32>
        %get3A_611 = arith.index_cast %add3A_544 : i32 to index
        %get3A_612 = arith.constant 16 : index
        %get3A_613 = tpu.vector_load %arg11[%get3A_611, %get3A_612] {strides = array<i32>} : memref<128x80xf32, #tpu.memory_space<vmem>>, vector<16xf32>,
        %mul3A_614 = arith.mulf %get3A_613, %gather3A_610 : vector<16xf32>
        %swap3A_615 = arith.index_cast %add3A_544 : i32 to index
        %swap3A_616 = arith.constant 16 : index
        %swap3A_617 = tpu.vector_load %arg19[%swap3A_615, %swap3A_616] {strides = array<i32>} : memref<128x80xf32, #tpu.memory_space<vmem>>, vector<16xf32>,
        tpu.vector_store %arg19[%swap3A_615, %swap3A_616], %mul3A_614 {strides = array<i32>} : memref<128x80xf32, #tpu.memory_space<vmem>>, vector<16xf32>,
        %add3A_618 = arith.constant 4 : i32
        %add3A_619 = vector.broadcast %add3A_618 : i32 to vector<16xi32>
        %add3A_620 = arith.addi %select_n3A_578, %add3A_619 : vector<16xi32>
        %broadcast_in_dim3A_621 = vector.shape_cast %add3A_620 : vector<16xi32> to vector<16x1xi32>
        %gather3A_622 = vector.shape_cast %broadcast_in_dim3A_621 : vector<16x1xi32> to vector<16xi32>
        %gather3A_623 = tpu.dynamic_gather %exp3A_591[%gather3A_622] in [0] : vector<16xf32>, vector<16xi32> -> vector<16xf32>
        %get3A_624 = arith.index_cast %add3A_544 : i32 to index
        %get3A_625 = arith.constant 32 : index
        %get3A_626 = tpu.vector_load %arg11[%get3A_624, %get3A_625] {strides = array<i32>} : memref<128x80xf32, #tpu.memory_space<vmem>>, vector<16xf32>,
        %mul3A_627 = arith.mulf %get3A_626, %gather3A_623 : vector<16xf32>
        %swap3A_628 = arith.index_cast %add3A_544 : i32 to index
        %swap3A_629 = arith.constant 32 : index
        %swap3A_630 = tpu.vector_load %arg19[%swap3A_628, %swap3A_629] {strides = array<i32>} : memref<128x80xf32, #tpu.memory_space<vmem>>, vector<16xf32>,
        tpu.vector_store %arg19[%swap3A_628, %swap3A_629], %mul3A_627 {strides = array<i32>} : memref<128x80xf32, #tpu.memory_space<vmem>>, vector<16xf32>,
        %add3A_631 = arith.constant 6 : i32
        %add3A_632 = vector.broadcast %add3A_631 : i32 to vector<16xi32>
        %add3A_633 = arith.addi %select_n3A_578, %add3A_632 : vector<16xi32>
        %broadcast_in_dim3A_634 = vector.shape_cast %add3A_633 : vector<16xi32> to vector<16x1xi32>
        %gather3A_635 = vector.shape_cast %broadcast_in_dim3A_634 : vector<16x1xi32> to vector<16xi32>
        %gather3A_636 = tpu.dynamic_gather %exp3A_591[%gather3A_635] in [0] : vector<16xf32>, vector<16xi32> -> vector<16xf32>
        %get3A_637 = arith.index_cast %add3A_544 : i32 to index
        %get3A_638 = arith.constant 48 : index
        %get3A_639 = tpu.vector_load %arg11[%get3A_637, %get3A_638] {strides = array<i32>} : memref<128x80xf32, #tpu.memory_space<vmem>>, vector<16xf32>,
        %mul3A_640 = arith.mulf %get3A_639, %gather3A_636 : vector<16xf32>
        %swap3A_641 = arith.index_cast %add3A_544 : i32 to index
        %swap3A_642 = arith.constant 48 : index
        %swap3A_643 = tpu.vector_load %arg19[%swap3A_641, %swap3A_642] {strides = array<i32>} : memref<128x80xf32, #tpu.memory_space<vmem>>, vector<16xf32>,
        tpu.vector_store %arg19[%swap3A_641, %swap3A_642], %mul3A_640 {strides = array<i32>} : memref<128x80xf32, #tpu.memory_space<vmem>>, vector<16xf32>,
        %swap3A_644 = arith.index_cast %add3A_544 : i32 to index
        %swap3A_645 = arith.constant 64 : index
        %swap3A_646 = tpu.vector_load %arg19[%swap3A_644, %swap3A_645] {strides = array<i32>} : memref<128x80xf32, #tpu.memory_space<vmem>>, vector<16xf32>,
        tpu.vector_store %arg19[%swap3A_644, %swap3A_645], %exp3A_591 {strides = array<i32>} : memref<128x80xf32, #tpu.memory_space<vmem>>, vector<16xf32>,
      }
      %scan3A_86 = arith.constant 32 : i32
      %dma_start3A_87 = arith.constant 0 : i32
      %dma_start3A_88 = arith.constant 0 : i32
      %dma_start3A_89 = tpu.memref_slice %arg23[%dma_start3A_87, %dma_start3A_88] : memref<10240x80xf32, #tpu.memory_space<vmem_shared>> -> memref<10240x80xf32, #tpu.memory_space<vmem_shared>>
      tpu.enqueue_indirect_dma source(%arg19 : memref<128x80xf32, #tpu.memory_space<vmem>>) target(%dma_start3A_89 : memref<10240x80xf32, #tpu.memory_space<vmem_shared>>) offsets(%arg15 : memref<128xi32, #tpu.memory_space<vmem>>) semaphore(%arg26 : memref<!tpu.dma_semaphore, #tpu.memory_space<semaphore_mem>>) {add = true}
      %add3A_90 = arith.constant 2 : i32
      %add3A_91 = arith.addi %add3A_60, %add3A_90 : i32
      %dma_start3A_92 = arith.constant 0 : i32
      %dma_start3A_93 = tpu.memref_slice %arg9[%add3A_91, %dma_start3A_92] : memref<80x128xi32, #tpu.memory_space<vmem>> -> memref<1x128xi32, #tpu.memory_space<vmem>>
      %dma_start3A_94 = tpu.memref_squeeze %dma_start3A_93 : memref<1x128xi32, #tpu.memory_space<vmem>> -> memref<128xi32, #tpu.memory_space<vmem>>
      %dma_start3A_95 = arith.constant 0 : i32
      %dma_start3A_96 = arith.constant 0 : i32
      %dma_start3A_97 = tpu.memref_slice %arg2[%dma_start3A_95, %dma_start3A_96] : memref<10240x80xf32, #tpu.memory_space<hbm>> -> memref<10240x80xf32, #tpu.memory_space<hbm>>
      tpu.enqueue_indirect_dma source(%dma_start3A_97 : memref<10240x80xf32, #tpu.memory_space<hbm>>) target(%arg11 : memref<128x80xf32, #tpu.memory_space<vmem>>) offsets(%dma_start3A_94 : memref<128xi32, #tpu.memory_space<vmem>>) semaphore(%arg24 : memref<!tpu.dma_semaphore, #tpu.memory_space<semaphore_mem>>)
      %dma_start3A_98 = arith.constant 0 : i32
      %dma_start3A_99 = tpu.memref_slice %arg10[%add3A_91, %dma_start3A_98] : memref<80x128xi32, #tpu.memory_space<vmem>> -> memref<1x128xi32, #tpu.memory_space<vmem>>
      %dma_start3A_100 = tpu.memref_squeeze %dma_start3A_99 : memref<1x128xi32, #tpu.memory_space<vmem>> -> memref<128xi32, #tpu.memory_space<vmem>>
      %dma_start3A_101 = arith.constant 0 : i32
      %dma_start3A_102 = arith.constant 0 : i32
      %dma_start3A_103 = tpu.memref_slice %arg3[%dma_start3A_101, %dma_start3A_102] : memref<10240x16xf32, #tpu.memory_space<hbm>> -> memref<10240x16xf32, #tpu.memory_space<hbm>>
      tpu.enqueue_indirect_dma source(%dma_start3A_103 : memref<10240x16xf32, #tpu.memory_space<hbm>>) target(%arg13 : memref<128x16xf32, #tpu.memory_space<vmem>>) offsets(%dma_start3A_100 : memref<128xi32, #tpu.memory_space<vmem>>) semaphore(%arg24 : memref<!tpu.dma_semaphore, #tpu.memory_space<semaphore_mem>>)
      %dma_start3A_104 = arith.constant 0 : i32
      %dma_start3A_105 = tpu.memref_slice %arg5[%add3A, %add3A_91, %dma_start3A_104] : memref<32x80x128xi32, #tpu.memory_space<hbm>> -> memref<1x1x128xi32, #tpu.memory_space<hbm>>
      %dma_start3A_106 = tpu.memref_squeeze %dma_start3A_105 : memref<1x1x128xi32, #tpu.memory_space<hbm>> -> memref<128xi32, #tpu.memory_space<hbm>>
      %dma_start3A_107 = arith.constant 0 : i32
      %dma_start3A_108 = tpu.memref_slice %arg5[%add3A, %add3A_91, %dma_start3A_107] : memref<32x80x128xi32, #tpu.memory_space<hbm>> -> memref<1x1x128xi32, #tpu.memory_space<hbm>>
      %dma_start3A_109 = tpu.memref_squeeze %dma_start3A_108 : memref<1x1x128xi32, #tpu.memory_space<hbm>> -> memref<128xi32, #tpu.memory_space<hbm>>
      tpu.enqueue_dma source(%dma_start3A_109 : memref<128xi32, #tpu.memory_space<hbm>>) target(%arg17 : memref<128xi32, #tpu.memory_space<vmem>>) target_semaphore(%arg24 : memref<!tpu.dma_semaphore, #tpu.memory_space<semaphore_mem>>)
      %add3A_110 = arith.constant 1 : i32
      %add3A_111 = arith.addi %mul3A_57, %add3A_110 : i32
      %gt3A_112 = arith.constant 0 : i32
      %gt3A_113 = arith.cmpi sgt, %scan3A_55, %gt3A_112 : i32
      %dma_wait3A_114 = arith.constant 0 : i32
      %dma_wait3A_115 = tpu.memref_slice %arg9[%add3A_111, %dma_wait3A_114] : memref<80x128xi32, #tpu.memory_space<vmem>> -> memref<1x128xi32, #tpu.memory_space<vmem>>
      %dma_wait3A_116 = tpu.memref_squeeze %dma_wait3A_115 : memref<1x128xi32, #tpu.memory_space<vmem>> -> memref<128xi32, #tpu.memory_space<vmem>>
      %dma_wait3A_117 = arith.constant 0 : i32
      %dma_wait3A_118 = arith.constant 0 : i32
      %dma_wait3A_119 = tpu.memref_slice %arg2[%dma_wait3A_117, %dma_wait3A_118] : memref<10240x80xf32, #tpu.memory_space<hbm>> -> memref<10240x80xf32, #tpu.memory_space<hbm>>
      tpu.wait_indirect_dma semaphore(%arg25 : memref<!tpu.dma_semaphore, #tpu.memory_space<semaphore_mem>>) src(%dma_wait3A_119 : memref<10240x80xf32, #tpu.memory_space<hbm>>) dst(%arg12 : memref<128x80xf32, #tpu.memory_space<vmem>>)
      %dma_wait3A_120 = arith.constant 0 : i32
      %dma_wait3A_121 = tpu.memref_slice %arg10[%add3A_111, %dma_wait3A_120] : memref<80x128xi32, #tpu.memory_space<vmem>> -> memref<1x128xi32, #tpu.memory_space<vmem>>
      %dma_wait3A_122 = tpu.memref_squeeze %dma_wait3A_121 : memref<1x128xi32, #tpu.memory_space<vmem>> -> memref<128xi32, #tpu.memory_space<vmem>>
      %dma_wait3A_123 = arith.constant 0 : i32
      %dma_wait3A_124 = arith.constant 0 : i32
      %dma_wait3A_125 = tpu.memref_slice %arg3[%dma_wait3A_123, %dma_wait3A_124] : memref<10240x16xf32, #tpu.memory_space<hbm>> -> memref<10240x16xf32, #tpu.memory_space<hbm>>
      tpu.wait_indirect_dma semaphore(%arg25 : memref<!tpu.dma_semaphore, #tpu.memory_space<semaphore_mem>>) src(%dma_wait3A_125 : memref<10240x16xf32, #tpu.memory_space<hbm>>) dst(%arg14 : memref<128x16xf32, #tpu.memory_space<vmem>>)
      %dma_wait3A_126 = arith.constant 0 : i32
      %dma_wait3A_127 = tpu.memref_slice %arg5[%add3A, %add3A_111, %dma_wait3A_126] : memref<32x80x128xi32, #tpu.memory_space<hbm>> -> memref<1x1x128xi32, #tpu.memory_space<hbm>>
      %dma_wait3A_128 = tpu.memref_squeeze %dma_wait3A_127 : memref<1x1x128xi32, #tpu.memory_space<hbm>> -> memref<128xi32, #tpu.memory_space<hbm>>
      %dma_wait3A_129 = arith.constant 0 : i32
      %dma_wait3A_130 = tpu.memref_slice %arg5[%add3A, %add3A_111, %dma_wait3A_129] : memref<32x80x128xi32, #tpu.memory_space<hbm>> -> memref<1x1x128xi32, #tpu.memory_space<hbm>>
      %dma_wait3A_131 = tpu.memref_squeeze %dma_wait3A_130 : memref<1x1x128xi32, #tpu.memory_space<hbm>> -> memref<128xi32, #tpu.memory_space<hbm>>
      tpu.wait_dma2 semaphore(%arg25 : memref<!tpu.dma_semaphore, #tpu.memory_space<semaphore_mem>>) src(%dma_wait3A_131 : memref<128xi32, #tpu.memory_space<hbm>>) dst(%arg16 : memref<128xi32, #tpu.memory_space<vmem>>)
      %convert_element_type3A_132 = arith.extui %gt3A_113 : i1 to i32
      %cond3A_133 = arith.constant 0 : i32
      %cond3A_134 = arith.cmpi ne, %convert_element_type3A_132, %cond3A_133 : i32
      scf.if %cond3A_134 {
        %dma_wait3A_237 = arith.constant 0 : i32
        %dma_wait3A_238 = arith.constant 0 : i32
        %dma_wait3A_239 = tpu.memref_slice %arg23[%dma_wait3A_237, %dma_wait3A_238] : memref<10240x80xf32, #tpu.memory_space<vmem_shared>> -> memref<10240x80xf32, #tpu.memory_space<vmem_shared>>
        tpu.wait_indirect_dma semaphore(%arg27 : memref<!tpu.dma_semaphore, #tpu.memory_space<semaphore_mem>>) src(%arg20 : memref<128x80xf32, #tpu.memory_space<vmem>>) dst(%dma_wait3A_239 : memref<10240x80xf32, #tpu.memory_space<vmem_shared>>)
      } else {
      }
      %scan3A_135 = arith.constant 0 : i32
      %scan3A_136 = arith.constant 0 : i32
      %scan3A_137 = arith.constant 32 : i32
      %scan3A_138 = arith.addi %scan3A_136, %scan3A_137 : i32
      %scan3A_139 = arith.constant 1 : i32
      scf.for %scan3A_237 = %scan3A_136 to %scan3A_138 step %scan3A_139  : i32 {
        %mul3A_238 = arith.constant 4 : i32
        %mul3A_239 = arith.muli %mul3A_238, %scan3A_237 : i32
        %add3A_240 = arith.constant 0 : i32
        %add3A_241 = arith.addi %mul3A_239, %add3A_240 : i32
        %get3A = arith.constant 0 : index
        %get3A_242 = tpu.vector_load %arg22[%get3A] {strides = array<i32>} : memref<16xf32, #tpu.memory_space<vmem>>, vector<16xf32>,
        %iota3A = tpu.iota {dimensions = array<i32: 0>} : vector<16xi32>
        %jit3A = arith.constant 8 : i32
        %div3A = vector.broadcast %jit3A : i32 to vector<16xi32>
        %div3A_243 = arith.divsi %iota3A, %div3A : vector<16xi32>
        %sign3A = arith.constant 0 : i32
        %sign3A_244 = vector.broadcast %sign3A : i32 to vector<16xi32>
        %sign3A_245 = arith.cmpi sgt, %iota3A, %sign3A_244 : vector<16xi32>
        %sign3A_246 = arith.extui %sign3A_245 : vector<16xi1> to vector<16xi32>
        %sign3A_247 = arith.constant 0 : i32
        %sign3A_248 = vector.broadcast %sign3A_247 : i32 to vector<16xi32>
        %sign3A_249 = arith.cmpi slt, %iota3A, %sign3A_248 : vector<16xi32>
        %sign3A_250 = arith.extui %sign3A_249 : vector<16xi1> to vector<16xi32>
        %sign3A_251 = arith.subi %sign3A_246, %sign3A_250 : vector<16xi32>
        %sign3A_252 = arith.constant 0 : i32
        %sign3A_253 = arith.cmpi sgt, %jit3A, %sign3A_252 : i32
        %sign3A_254 = arith.extui %sign3A_253 : i1 to i32
        %sign3A_255 = arith.constant 0 : i32
        %sign3A_256 = arith.cmpi slt, %jit3A, %sign3A_255 : i32
        %sign3A_257 = arith.extui %sign3A_256 : i1 to i32
        %sign3A_258 = arith.subi %sign3A_254, %sign3A_257 : i32
        %ne3A = vector.broadcast %sign3A_258 : i32 to vector<16xi32>
        %ne3A_259 = arith.cmpi ne, %sign3A_251, %ne3A : vector<16xi32>
        %rem3A = vector.broadcast %jit3A : i32 to vector<16xi32>
        %rem3A_260 = arith.remsi %iota3A, %rem3A : vector<16xi32>
        %ne3A_261 = arith.constant 0 : i32
        %ne3A_262 = vector.broadcast %ne3A_261 : i32 to vector<16xi32>
        %ne3A_263 = arith.cmpi ne, %rem3A_260, %ne3A_262 : vector<16xi32>
        %and3A = arith.andi %ne3A_259, %ne3A_263 : vector<16xi1>
        %sub3A = arith.constant 1 : i32
        %sub3A_264 = vector.broadcast %sub3A : i32 to vector<16xi32>
        %sub3A_265 = arith.subi %div3A_243, %sub3A_264 : vector<16xi32>
        %select_n3A = arith.select %and3A, %sub3A_265, %div3A_243 : vector<16xi1>, vector<16xi32>
        %get3A_266 = arith.index_cast %add3A_241 : i32 to index
        %get3A_267 = arith.constant 64 : index
        %get3A_268 = tpu.vector_load %arg12[%get3A_266, %get3A_267] {strides = array<i32>} : memref<128x80xf32, #tpu.memory_space<vmem>>, vector<16xf32>,
        %get3A_269 = arith.index_cast %add3A_241 : i32 to index
        %get3A_270 = arith.constant 0 : index
        %get3A_271 = tpu.vector_load %arg14[%get3A_269, %get3A_270] {strides = array<i32>} : memref<128x16xf32, #tpu.memory_space<vmem>>, vector<16xf32>,
        %add3A_272 = arith.addf %get3A_268, %get3A_271 : vector<16xf32>
        %mul3A_273 = arith.constant 2.000000e-01 : f32
        %mul3A_274 = vector.broadcast %mul3A_273 : f32 to vector<16xf32>
        %mul3A_275 = arith.mulf %mul3A_274, %add3A_272 : vector<16xf32>
        %max3A = arith.maximumf %add3A_272, %mul3A_275 : vector<16xf32>
        %sub3A_276 = arith.subf %max3A, %get3A_242 : vector<16xf32>
        %exp3A = math.exp %sub3A_276 : vector<16xf32>
        %add3A_277 = arith.constant 0 : i32
        %add3A_278 = vector.broadcast %add3A_277 : i32 to vector<16xi32>
        %add3A_279 = arith.addi %select_n3A, %add3A_278 : vector<16xi32>
        %broadcast_in_dim3A = vector.shape_cast %add3A_279 : vector<16xi32> to vector<16x1xi32>
        %gather3A = vector.shape_cast %broadcast_in_dim3A : vector<16x1xi32> to vector<16xi32>
        %gather3A_280 = tpu.dynamic_gather %exp3A[%gather3A] in [0] : vector<16xf32>, vector<16xi32> -> vector<16xf32>
        %get3A_281 = arith.index_cast %add3A_241 : i32 to index
        %get3A_282 = arith.constant 0 : index
        %get3A_283 = tpu.vector_load %arg12[%get3A_281, %get3A_282] {strides = array<i32>} : memref<128x80xf32, #tpu.memory_space<vmem>>, vector<16xf32>,
        %mul3A_284 = arith.mulf %get3A_283, %gather3A_280 : vector<16xf32>
        %swap3A = arith.index_cast %add3A_241 : i32 to index
        %swap3A_285 = arith.constant 0 : index
        %swap3A_286 = tpu.vector_load %arg20[%swap3A, %swap3A_285] {strides = array<i32>} : memref<128x80xf32, #tpu.memory_space<vmem>>, vector<16xf32>,
        tpu.vector_store %arg20[%swap3A, %swap3A_285], %mul3A_284 {strides = array<i32>} : memref<128x80xf32, #tpu.memory_space<vmem>>, vector<16xf32>,
        %add3A_287 = arith.constant 2 : i32
        %add3A_288 = vector.broadcast %add3A_287 : i32 to vector<16xi32>
        %add3A_289 = arith.addi %select_n3A, %add3A_288 : vector<16xi32>
        %broadcast_in_dim3A_290 = vector.shape_cast %add3A_289 : vector<16xi32> to vector<16x1xi32>
        %gather3A_291 = vector.shape_cast %broadcast_in_dim3A_290 : vector<16x1xi32> to vector<16xi32>
        %gather3A_292 = tpu.dynamic_gather %exp3A[%gather3A_291] in [0] : vector<16xf32>, vector<16xi32> -> vector<16xf32>
        %get3A_293 = arith.index_cast %add3A_241 : i32 to index
        %get3A_294 = arith.constant 16 : index
        %get3A_295 = tpu.vector_load %arg12[%get3A_293, %get3A_294] {strides = array<i32>} : memref<128x80xf32, #tpu.memory_space<vmem>>, vector<16xf32>,
        %mul3A_296 = arith.mulf %get3A_295, %gather3A_292 : vector<16xf32>
        %swap3A_297 = arith.index_cast %add3A_241 : i32 to index
        %swap3A_298 = arith.constant 16 : index
        %swap3A_299 = tpu.vector_load %arg20[%swap3A_297, %swap3A_298] {strides = array<i32>} : memref<128x80xf32, #tpu.memory_space<vmem>>, vector<16xf32>,
        tpu.vector_store %arg20[%swap3A_297, %swap3A_298], %mul3A_296 {strides = array<i32>} : memref<128x80xf32, #tpu.memory_space<vmem>>, vector<16xf32>,
        %add3A_300 = arith.constant 4 : i32
        %add3A_301 = vector.broadcast %add3A_300 : i32 to vector<16xi32>
        %add3A_302 = arith.addi %select_n3A, %add3A_301 : vector<16xi32>
        %broadcast_in_dim3A_303 = vector.shape_cast %add3A_302 : vector<16xi32> to vector<16x1xi32>
        %gather3A_304 = vector.shape_cast %broadcast_in_dim3A_303 : vector<16x1xi32> to vector<16xi32>
        %gather3A_305 = tpu.dynamic_gather %exp3A[%gather3A_304] in [0] : vector<16xf32>, vector<16xi32> -> vector<16xf32>
        %get3A_306 = arith.index_cast %add3A_241 : i32 to index
        %get3A_307 = arith.constant 32 : index
        %get3A_308 = tpu.vector_load %arg12[%get3A_306, %get3A_307] {strides = array<i32>} : memref<128x80xf32, #tpu.memory_space<vmem>>, vector<16xf32>,
        %mul3A_309 = arith.mulf %get3A_308, %gather3A_305 : vector<16xf32>
        %swap3A_310 = arith.index_cast %add3A_241 : i32 to index
        %swap3A_311 = arith.constant 32 : index
        %swap3A_312 = tpu.vector_load %arg20[%swap3A_310, %swap3A_311] {strides = array<i32>} : memref<128x80xf32, #tpu.memory_space<vmem>>, vector<16xf32>,
        tpu.vector_store %arg20[%swap3A_310, %swap3A_311], %mul3A_309 {strides = array<i32>} : memref<128x80xf32, #tpu.memory_space<vmem>>, vector<16xf32>,
        %add3A_313 = arith.constant 6 : i32
        %add3A_314 = vector.broadcast %add3A_313 : i32 to vector<16xi32>
        %add3A_315 = arith.addi %select_n3A, %add3A_314 : vector<16xi32>
        %broadcast_in_dim3A_316 = vector.shape_cast %add3A_315 : vector<16xi32> to vector<16x1xi32>
        %gather3A_317 = vector.shape_cast %broadcast_in_dim3A_316 : vector<16x1xi32> to vector<16xi32>
        %gather3A_318 = tpu.dynamic_gather %exp3A[%gather3A_317] in [0] : vector<16xf32>, vector<16xi32> -> vector<16xf32>
        %get3A_319 = arith.index_cast %add3A_241 : i32 to index
        %get3A_320 = arith.constant 48 : index
        %get3A_321 = tpu.vector_load %arg12[%get3A_319, %get3A_320] {strides = array<i32>} : memref<128x80xf32, #tpu.memory_space<vmem>>, vector<16xf32>,
        %mul3A_322 = arith.mulf %get3A_321, %gather3A_318 : vector<16xf32>
        %swap3A_323 = arith.index_cast %add3A_241 : i32 to index
        %swap3A_324 = arith.constant 48 : index
        %swap3A_325 = tpu.vector_load %arg20[%swap3A_323, %swap3A_324] {strides = array<i32>} : memref<128x80xf32, #tpu.memory_space<vmem>>, vector<16xf32>,
        tpu.vector_store %arg20[%swap3A_323, %swap3A_324], %mul3A_322 {strides = array<i32>} : memref<128x80xf32, #tpu.memory_space<vmem>>, vector<16xf32>,
        %swap3A_326 = arith.index_cast %add3A_241 : i32 to index
        %swap3A_327 = arith.constant 64 : index
        %swap3A_328 = tpu.vector_load %arg20[%swap3A_326, %swap3A_327] {strides = array<i32>} : memref<128x80xf32, #tpu.memory_space<vmem>>, vector<16xf32>,
        tpu.vector_store %arg20[%swap3A_326, %swap3A_327], %exp3A {strides = array<i32>} : memref<128x80xf32, #tpu.memory_space<vmem>>, vector<16xf32>,
        %mul3A_329 = arith.constant 4 : i32
        %mul3A_330 = arith.muli %mul3A_329, %scan3A_237 : i32
        %add3A_331 = arith.constant 1 : i32
        %add3A_332 = arith.addi %mul3A_330, %add3A_331 : i32
        %get3A_333 = arith.constant 0 : index
        %get3A_334 = tpu.vector_load %arg22[%get3A_333] {strides = array<i32>} : memref<16xf32, #tpu.memory_space<vmem>>, vector<16xf32>,
        %iota3A_335 = tpu.iota {dimensions = array<i32: 0>} : vector<16xi32>
        %jit3A_336 = arith.constant 8 : i32
        %div3A_337 = vector.broadcast %jit3A_336 : i32 to vector<16xi32>
        %div3A_338 = arith.divsi %iota3A_335, %div3A_337 : vector<16xi32>
        %sign3A_339 = arith.constant 0 : i32
        %sign3A_340 = vector.broadcast %sign3A_339 : i32 to vector<16xi32>
        %sign3A_341 = arith.cmpi sgt, %iota3A_335, %sign3A_340 : vector<16xi32>
        %sign3A_342 = arith.extui %sign3A_341 : vector<16xi1> to vector<16xi32>
        %sign3A_343 = arith.constant 0 : i32
        %sign3A_344 = vector.broadcast %sign3A_343 : i32 to vector<16xi32>
        %sign3A_345 = arith.cmpi slt, %iota3A_335, %sign3A_344 : vector<16xi32>
        %sign3A_346 = arith.extui %sign3A_345 : vector<16xi1> to vector<16xi32>
        %sign3A_347 = arith.subi %sign3A_342, %sign3A_346 : vector<16xi32>
        %sign3A_348 = arith.constant 0 : i32
        %sign3A_349 = arith.cmpi sgt, %jit3A_336, %sign3A_348 : i32
        %sign3A_350 = arith.extui %sign3A_349 : i1 to i32
        %sign3A_351 = arith.constant 0 : i32
        %sign3A_352 = arith.cmpi slt, %jit3A_336, %sign3A_351 : i32
        %sign3A_353 = arith.extui %sign3A_352 : i1 to i32
        %sign3A_354 = arith.subi %sign3A_350, %sign3A_353 : i32
        %ne3A_355 = vector.broadcast %sign3A_354 : i32 to vector<16xi32>
        %ne3A_356 = arith.cmpi ne, %sign3A_347, %ne3A_355 : vector<16xi32>
        %rem3A_357 = vector.broadcast %jit3A_336 : i32 to vector<16xi32>
        %rem3A_358 = arith.remsi %iota3A_335, %rem3A_357 : vector<16xi32>
        %ne3A_359 = arith.constant 0 : i32
        %ne3A_360 = vector.broadcast %ne3A_359 : i32 to vector<16xi32>
        %ne3A_361 = arith.cmpi ne, %rem3A_358, %ne3A_360 : vector<16xi32>
        %and3A_362 = arith.andi %ne3A_356, %ne3A_361 : vector<16xi1>
        %sub3A_363 = arith.constant 1 : i32
        %sub3A_364 = vector.broadcast %sub3A_363 : i32 to vector<16xi32>
        %sub3A_365 = arith.subi %div3A_338, %sub3A_364 : vector<16xi32>
        %select_n3A_366 = arith.select %and3A_362, %sub3A_365, %div3A_338 : vector<16xi1>, vector<16xi32>
        %get3A_367 = arith.index_cast %add3A_332 : i32 to index
        %get3A_368 = arith.constant 64 : index
        %get3A_369 = tpu.vector_load %arg12[%get3A_367, %get3A_368] {strides = array<i32>} : memref<128x80xf32, #tpu.memory_space<vmem>>, vector<16xf32>,
        %get3A_370 = arith.index_cast %add3A_332 : i32 to index
        %get3A_371 = arith.constant 0 : index
        %get3A_372 = tpu.vector_load %arg14[%get3A_370, %get3A_371] {strides = array<i32>} : memref<128x16xf32, #tpu.memory_space<vmem>>, vector<16xf32>,
        %add3A_373 = arith.addf %get3A_369, %get3A_372 : vector<16xf32>
        %mul3A_374 = arith.constant 2.000000e-01 : f32
        %mul3A_375 = vector.broadcast %mul3A_374 : f32 to vector<16xf32>
        %mul3A_376 = arith.mulf %mul3A_375, %add3A_373 : vector<16xf32>
        %max3A_377 = arith.maximumf %add3A_373, %mul3A_376 : vector<16xf32>
        %sub3A_378 = arith.subf %max3A_377, %get3A_334 : vector<16xf32>
        %exp3A_379 = math.exp %sub3A_378 : vector<16xf32>
        %add3A_380 = arith.constant 0 : i32
        %add3A_381 = vector.broadcast %add3A_380 : i32 to vector<16xi32>
        %add3A_382 = arith.addi %select_n3A_366, %add3A_381 : vector<16xi32>
        %broadcast_in_dim3A_383 = vector.shape_cast %add3A_382 : vector<16xi32> to vector<16x1xi32>
        %gather3A_384 = vector.shape_cast %broadcast_in_dim3A_383 : vector<16x1xi32> to vector<16xi32>
        %gather3A_385 = tpu.dynamic_gather %exp3A_379[%gather3A_384] in [0] : vector<16xf32>, vector<16xi32> -> vector<16xf32>
        %get3A_386 = arith.index_cast %add3A_332 : i32 to index
        %get3A_387 = arith.constant 0 : index
        %get3A_388 = tpu.vector_load %arg12[%get3A_386, %get3A_387] {strides = array<i32>} : memref<128x80xf32, #tpu.memory_space<vmem>>, vector<16xf32>,
        %mul3A_389 = arith.mulf %get3A_388, %gather3A_385 : vector<16xf32>
        %swap3A_390 = arith.index_cast %add3A_332 : i32 to index
        %swap3A_391 = arith.constant 0 : index
        %swap3A_392 = tpu.vector_load %arg20[%swap3A_390, %swap3A_391] {strides = array<i32>} : memref<128x80xf32, #tpu.memory_space<vmem>>, vector<16xf32>,
        tpu.vector_store %arg20[%swap3A_390, %swap3A_391], %mul3A_389 {strides = array<i32>} : memref<128x80xf32, #tpu.memory_space<vmem>>, vector<16xf32>,
        %add3A_393 = arith.constant 2 : i32
        %add3A_394 = vector.broadcast %add3A_393 : i32 to vector<16xi32>
        %add3A_395 = arith.addi %select_n3A_366, %add3A_394 : vector<16xi32>
        %broadcast_in_dim3A_396 = vector.shape_cast %add3A_395 : vector<16xi32> to vector<16x1xi32>
        %gather3A_397 = vector.shape_cast %broadcast_in_dim3A_396 : vector<16x1xi32> to vector<16xi32>
        %gather3A_398 = tpu.dynamic_gather %exp3A_379[%gather3A_397] in [0] : vector<16xf32>, vector<16xi32> -> vector<16xf32>
        %get3A_399 = arith.index_cast %add3A_332 : i32 to index
        %get3A_400 = arith.constant 16 : index
        %get3A_401 = tpu.vector_load %arg12[%get3A_399, %get3A_400] {strides = array<i32>} : memref<128x80xf32, #tpu.memory_space<vmem>>, vector<16xf32>,
        %mul3A_402 = arith.mulf %get3A_401, %gather3A_398 : vector<16xf32>
        %swap3A_403 = arith.index_cast %add3A_332 : i32 to index
        %swap3A_404 = arith.constant 16 : index
        %swap3A_405 = tpu.vector_load %arg20[%swap3A_403, %swap3A_404] {strides = array<i32>} : memref<128x80xf32, #tpu.memory_space<vmem>>, vector<16xf32>,
        tpu.vector_store %arg20[%swap3A_403, %swap3A_404], %mul3A_402 {strides = array<i32>} : memref<128x80xf32, #tpu.memory_space<vmem>>, vector<16xf32>,
        %add3A_406 = arith.constant 4 : i32
        %add3A_407 = vector.broadcast %add3A_406 : i32 to vector<16xi32>
        %add3A_408 = arith.addi %select_n3A_366, %add3A_407 : vector<16xi32>
        %broadcast_in_dim3A_409 = vector.shape_cast %add3A_408 : vector<16xi32> to vector<16x1xi32>
        %gather3A_410 = vector.shape_cast %broadcast_in_dim3A_409 : vector<16x1xi32> to vector<16xi32>
        %gather3A_411 = tpu.dynamic_gather %exp3A_379[%gather3A_410] in [0] : vector<16xf32>, vector<16xi32> -> vector<16xf32>
        %get3A_412 = arith.index_cast %add3A_332 : i32 to index
        %get3A_413 = arith.constant 32 : index
        %get3A_414 = tpu.vector_load %arg12[%get3A_412, %get3A_413] {strides = array<i32>} : memref<128x80xf32, #tpu.memory_space<vmem>>, vector<16xf32>,
        %mul3A_415 = arith.mulf %get3A_414, %gather3A_411 : vector<16xf32>
        %swap3A_416 = arith.index_cast %add3A_332 : i32 to index
        %swap3A_417 = arith.constant 32 : index
        %swap3A_418 = tpu.vector_load %arg20[%swap3A_416, %swap3A_417] {strides = array<i32>} : memref<128x80xf32, #tpu.memory_space<vmem>>, vector<16xf32>,
        tpu.vector_store %arg20[%swap3A_416, %swap3A_417], %mul3A_415 {strides = array<i32>} : memref<128x80xf32, #tpu.memory_space<vmem>>, vector<16xf32>,
        %add3A_419 = arith.constant 6 : i32
        %add3A_420 = vector.broadcast %add3A_419 : i32 to vector<16xi32>
        %add3A_421 = arith.addi %select_n3A_366, %add3A_420 : vector<16xi32>
        %broadcast_in_dim3A_422 = vector.shape_cast %add3A_421 : vector<16xi32> to vector<16x1xi32>
        %gather3A_423 = vector.shape_cast %broadcast_in_dim3A_422 : vector<16x1xi32> to vector<16xi32>
        %gather3A_424 = tpu.dynamic_gather %exp3A_379[%gather3A_423] in [0] : vector<16xf32>, vector<16xi32> -> vector<16xf32>
        %get3A_425 = arith.index_cast %add3A_332 : i32 to index
        %get3A_426 = arith.constant 48 : index
        %get3A_427 = tpu.vector_load %arg12[%get3A_425, %get3A_426] {strides = array<i32>} : memref<128x80xf32, #tpu.memory_space<vmem>>, vector<16xf32>,
        %mul3A_428 = arith.mulf %get3A_427, %gather3A_424 : vector<16xf32>
        %swap3A_429 = arith.index_cast %add3A_332 : i32 to index
        %swap3A_430 = arith.constant 48 : index
        %swap3A_431 = tpu.vector_load %arg20[%swap3A_429, %swap3A_430] {strides = array<i32>} : memref<128x80xf32, #tpu.memory_space<vmem>>, vector<16xf32>,
        tpu.vector_store %arg20[%swap3A_429, %swap3A_430], %mul3A_428 {strides = array<i32>} : memref<128x80xf32, #tpu.memory_space<vmem>>, vector<16xf32>,
        %swap3A_432 = arith.index_cast %add3A_332 : i32 to index
        %swap3A_433 = arith.constant 64 : index
        %swap3A_434 = tpu.vector_load %arg20[%swap3A_432, %swap3A_433] {strides = array<i32>} : memref<128x80xf32, #tpu.memory_space<vmem>>, vector<16xf32>,
        tpu.vector_store %arg20[%swap3A_432, %swap3A_433], %exp3A_379 {strides = array<i32>} : memref<128x80xf32, #tpu.memory_space<vmem>>, vector<16xf32>,
        %mul3A_435 = arith.constant 4 : i32
        %mul3A_436 = arith.muli %mul3A_435, %scan3A_237 : i32
        %add3A_437 = arith.constant 2 : i32
        %add3A_438 = arith.addi %mul3A_436, %add3A_437 : i32
        %get3A_439 = arith.constant 0 : index
        %get3A_440 = tpu.vector_load %arg22[%get3A_439] {strides = array<i32>} : memref<16xf32, #tpu.memory_space<vmem>>, vector<16xf32>,
        %iota3A_441 = tpu.iota {dimensions = array<i32: 0>} : vector<16xi32>
        %jit3A_442 = arith.constant 8 : i32
        %div3A_443 = vector.broadcast %jit3A_442 : i32 to vector<16xi32>
        %div3A_444 = arith.divsi %iota3A_441, %div3A_443 : vector<16xi32>
        %sign3A_445 = arith.constant 0 : i32
        %sign3A_446 = vector.broadcast %sign3A_445 : i32 to vector<16xi32>
        %sign3A_447 = arith.cmpi sgt, %iota3A_441, %sign3A_446 : vector<16xi32>
        %sign3A_448 = arith.extui %sign3A_447 : vector<16xi1> to vector<16xi32>
        %sign3A_449 = arith.constant 0 : i32
        %sign3A_450 = vector.broadcast %sign3A_449 : i32 to vector<16xi32>
        %sign3A_451 = arith.cmpi slt, %iota3A_441, %sign3A_450 : vector<16xi32>
        %sign3A_452 = arith.extui %sign3A_451 : vector<16xi1> to vector<16xi32>
        %sign3A_453 = arith.subi %sign3A_448, %sign3A_452 : vector<16xi32>
        %sign3A_454 = arith.constant 0 : i32
        %sign3A_455 = arith.cmpi sgt, %jit3A_442, %sign3A_454 : i32
        %sign3A_456 = arith.extui %sign3A_455 : i1 to i32
        %sign3A_457 = arith.constant 0 : i32
        %sign3A_458 = arith.cmpi slt, %jit3A_442, %sign3A_457 : i32
        %sign3A_459 = arith.extui %sign3A_458 : i1 to i32
        %sign3A_460 = arith.subi %sign3A_456, %sign3A_459 : i32
        %ne3A_461 = vector.broadcast %sign3A_460 : i32 to vector<16xi32>
        %ne3A_462 = arith.cmpi ne, %sign3A_453, %ne3A_461 : vector<16xi32>
        %rem3A_463 = vector.broadcast %jit3A_442 : i32 to vector<16xi32>
        %rem3A_464 = arith.remsi %iota3A_441, %rem3A_463 : vector<16xi32>
        %ne3A_465 = arith.constant 0 : i32
        %ne3A_466 = vector.broadcast %ne3A_465 : i32 to vector<16xi32>
        %ne3A_467 = arith.cmpi ne, %rem3A_464, %ne3A_466 : vector<16xi32>
        %and3A_468 = arith.andi %ne3A_462, %ne3A_467 : vector<16xi1>
        %sub3A_469 = arith.constant 1 : i32
        %sub3A_470 = vector.broadcast %sub3A_469 : i32 to vector<16xi32>
        %sub3A_471 = arith.subi %div3A_444, %sub3A_470 : vector<16xi32>
        %select_n3A_472 = arith.select %and3A_468, %sub3A_471, %div3A_444 : vector<16xi1>, vector<16xi32>
        %get3A_473 = arith.index_cast %add3A_438 : i32 to index
        %get3A_474 = arith.constant 64 : index
        %get3A_475 = tpu.vector_load %arg12[%get3A_473, %get3A_474] {strides = array<i32>} : memref<128x80xf32, #tpu.memory_space<vmem>>, vector<16xf32>,
        %get3A_476 = arith.index_cast %add3A_438 : i32 to index
        %get3A_477 = arith.constant 0 : index
        %get3A_478 = tpu.vector_load %arg14[%get3A_476, %get3A_477] {strides = array<i32>} : memref<128x16xf32, #tpu.memory_space<vmem>>, vector<16xf32>,
        %add3A_479 = arith.addf %get3A_475, %get3A_478 : vector<16xf32>
        %mul3A_480 = arith.constant 2.000000e-01 : f32
        %mul3A_481 = vector.broadcast %mul3A_480 : f32 to vector<16xf32>
        %mul3A_482 = arith.mulf %mul3A_481, %add3A_479 : vector<16xf32>
        %max3A_483 = arith.maximumf %add3A_479, %mul3A_482 : vector<16xf32>
        %sub3A_484 = arith.subf %max3A_483, %get3A_440 : vector<16xf32>
        %exp3A_485 = math.exp %sub3A_484 : vector<16xf32>
        %add3A_486 = arith.constant 0 : i32
        %add3A_487 = vector.broadcast %add3A_486 : i32 to vector<16xi32>
        %add3A_488 = arith.addi %select_n3A_472, %add3A_487 : vector<16xi32>
        %broadcast_in_dim3A_489 = vector.shape_cast %add3A_488 : vector<16xi32> to vector<16x1xi32>
        %gather3A_490 = vector.shape_cast %broadcast_in_dim3A_489 : vector<16x1xi32> to vector<16xi32>
        %gather3A_491 = tpu.dynamic_gather %exp3A_485[%gather3A_490] in [0] : vector<16xf32>, vector<16xi32> -> vector<16xf32>
        %get3A_492 = arith.index_cast %add3A_438 : i32 to index
        %get3A_493 = arith.constant 0 : index
        %get3A_494 = tpu.vector_load %arg12[%get3A_492, %get3A_493] {strides = array<i32>} : memref<128x80xf32, #tpu.memory_space<vmem>>, vector<16xf32>,
        %mul3A_495 = arith.mulf %get3A_494, %gather3A_491 : vector<16xf32>
        %swap3A_496 = arith.index_cast %add3A_438 : i32 to index
        %swap3A_497 = arith.constant 0 : index
        %swap3A_498 = tpu.vector_load %arg20[%swap3A_496, %swap3A_497] {strides = array<i32>} : memref<128x80xf32, #tpu.memory_space<vmem>>, vector<16xf32>,
        tpu.vector_store %arg20[%swap3A_496, %swap3A_497], %mul3A_495 {strides = array<i32>} : memref<128x80xf32, #tpu.memory_space<vmem>>, vector<16xf32>,
        %add3A_499 = arith.constant 2 : i32
        %add3A_500 = vector.broadcast %add3A_499 : i32 to vector<16xi32>
        %add3A_501 = arith.addi %select_n3A_472, %add3A_500 : vector<16xi32>
        %broadcast_in_dim3A_502 = vector.shape_cast %add3A_501 : vector<16xi32> to vector<16x1xi32>
        %gather3A_503 = vector.shape_cast %broadcast_in_dim3A_502 : vector<16x1xi32> to vector<16xi32>
        %gather3A_504 = tpu.dynamic_gather %exp3A_485[%gather3A_503] in [0] : vector<16xf32>, vector<16xi32> -> vector<16xf32>
        %get3A_505 = arith.index_cast %add3A_438 : i32 to index
        %get3A_506 = arith.constant 16 : index
        %get3A_507 = tpu.vector_load %arg12[%get3A_505, %get3A_506] {strides = array<i32>} : memref<128x80xf32, #tpu.memory_space<vmem>>, vector<16xf32>,
        %mul3A_508 = arith.mulf %get3A_507, %gather3A_504 : vector<16xf32>
        %swap3A_509 = arith.index_cast %add3A_438 : i32 to index
        %swap3A_510 = arith.constant 16 : index
        %swap3A_511 = tpu.vector_load %arg20[%swap3A_509, %swap3A_510] {strides = array<i32>} : memref<128x80xf32, #tpu.memory_space<vmem>>, vector<16xf32>,
        tpu.vector_store %arg20[%swap3A_509, %swap3A_510], %mul3A_508 {strides = array<i32>} : memref<128x80xf32, #tpu.memory_space<vmem>>, vector<16xf32>,
        %add3A_512 = arith.constant 4 : i32
        %add3A_513 = vector.broadcast %add3A_512 : i32 to vector<16xi32>
        %add3A_514 = arith.addi %select_n3A_472, %add3A_513 : vector<16xi32>
        %broadcast_in_dim3A_515 = vector.shape_cast %add3A_514 : vector<16xi32> to vector<16x1xi32>
        %gather3A_516 = vector.shape_cast %broadcast_in_dim3A_515 : vector<16x1xi32> to vector<16xi32>
        %gather3A_517 = tpu.dynamic_gather %exp3A_485[%gather3A_516] in [0] : vector<16xf32>, vector<16xi32> -> vector<16xf32>
        %get3A_518 = arith.index_cast %add3A_438 : i32 to index
        %get3A_519 = arith.constant 32 : index
        %get3A_520 = tpu.vector_load %arg12[%get3A_518, %get3A_519] {strides = array<i32>} : memref<128x80xf32, #tpu.memory_space<vmem>>, vector<16xf32>,
        %mul3A_521 = arith.mulf %get3A_520, %gather3A_517 : vector<16xf32>
        %swap3A_522 = arith.index_cast %add3A_438 : i32 to index
        %swap3A_523 = arith.constant 32 : index
        %swap3A_524 = tpu.vector_load %arg20[%swap3A_522, %swap3A_523] {strides = array<i32>} : memref<128x80xf32, #tpu.memory_space<vmem>>, vector<16xf32>,
        tpu.vector_store %arg20[%swap3A_522, %swap3A_523], %mul3A_521 {strides = array<i32>} : memref<128x80xf32, #tpu.memory_space<vmem>>, vector<16xf32>,
        %add3A_525 = arith.constant 6 : i32
        %add3A_526 = vector.broadcast %add3A_525 : i32 to vector<16xi32>
        %add3A_527 = arith.addi %select_n3A_472, %add3A_526 : vector<16xi32>
        %broadcast_in_dim3A_528 = vector.shape_cast %add3A_527 : vector<16xi32> to vector<16x1xi32>
        %gather3A_529 = vector.shape_cast %broadcast_in_dim3A_528 : vector<16x1xi32> to vector<16xi32>
        %gather3A_530 = tpu.dynamic_gather %exp3A_485[%gather3A_529] in [0] : vector<16xf32>, vector<16xi32> -> vector<16xf32>
        %get3A_531 = arith.index_cast %add3A_438 : i32 to index
        %get3A_532 = arith.constant 48 : index
        %get3A_533 = tpu.vector_load %arg12[%get3A_531, %get3A_532] {strides = array<i32>} : memref<128x80xf32, #tpu.memory_space<vmem>>, vector<16xf32>,
        %mul3A_534 = arith.mulf %get3A_533, %gather3A_530 : vector<16xf32>
        %swap3A_535 = arith.index_cast %add3A_438 : i32 to index
        %swap3A_536 = arith.constant 48 : index
        %swap3A_537 = tpu.vector_load %arg20[%swap3A_535, %swap3A_536] {strides = array<i32>} : memref<128x80xf32, #tpu.memory_space<vmem>>, vector<16xf32>,
        tpu.vector_store %arg20[%swap3A_535, %swap3A_536], %mul3A_534 {strides = array<i32>} : memref<128x80xf32, #tpu.memory_space<vmem>>, vector<16xf32>,
        %swap3A_538 = arith.index_cast %add3A_438 : i32 to index
        %swap3A_539 = arith.constant 64 : index
        %swap3A_540 = tpu.vector_load %arg20[%swap3A_538, %swap3A_539] {strides = array<i32>} : memref<128x80xf32, #tpu.memory_space<vmem>>, vector<16xf32>,
        tpu.vector_store %arg20[%swap3A_538, %swap3A_539], %exp3A_485 {strides = array<i32>} : memref<128x80xf32, #tpu.memory_space<vmem>>, vector<16xf32>,
        %mul3A_541 = arith.constant 4 : i32
        %mul3A_542 = arith.muli %mul3A_541, %scan3A_237 : i32
        %add3A_543 = arith.constant 3 : i32
        %add3A_544 = arith.addi %mul3A_542, %add3A_543 : i32
        %get3A_545 = arith.constant 0 : index
        %get3A_546 = tpu.vector_load %arg22[%get3A_545] {strides = array<i32>} : memref<16xf32, #tpu.memory_space<vmem>>, vector<16xf32>,
        %iota3A_547 = tpu.iota {dimensions = array<i32: 0>} : vector<16xi32>
        %jit3A_548 = arith.constant 8 : i32
        %div3A_549 = vector.broadcast %jit3A_548 : i32 to vector<16xi32>
        %div3A_550 = arith.divsi %iota3A_547, %div3A_549 : vector<16xi32>
        %sign3A_551 = arith.constant 0 : i32
        %sign3A_552 = vector.broadcast %sign3A_551 : i32 to vector<16xi32>
        %sign3A_553 = arith.cmpi sgt, %iota3A_547, %sign3A_552 : vector<16xi32>
        %sign3A_554 = arith.extui %sign3A_553 : vector<16xi1> to vector<16xi32>
        %sign3A_555 = arith.constant 0 : i32
        %sign3A_556 = vector.broadcast %sign3A_555 : i32 to vector<16xi32>
        %sign3A_557 = arith.cmpi slt, %iota3A_547, %sign3A_556 : vector<16xi32>
        %sign3A_558 = arith.extui %sign3A_557 : vector<16xi1> to vector<16xi32>
        %sign3A_559 = arith.subi %sign3A_554, %sign3A_558 : vector<16xi32>
        %sign3A_560 = arith.constant 0 : i32
        %sign3A_561 = arith.cmpi sgt, %jit3A_548, %sign3A_560 : i32
        %sign3A_562 = arith.extui %sign3A_561 : i1 to i32
        %sign3A_563 = arith.constant 0 : i32
        %sign3A_564 = arith.cmpi slt, %jit3A_548, %sign3A_563 : i32
        %sign3A_565 = arith.extui %sign3A_564 : i1 to i32
        %sign3A_566 = arith.subi %sign3A_562, %sign3A_565 : i32
        %ne3A_567 = vector.broadcast %sign3A_566 : i32 to vector<16xi32>
        %ne3A_568 = arith.cmpi ne, %sign3A_559, %ne3A_567 : vector<16xi32>
        %rem3A_569 = vector.broadcast %jit3A_548 : i32 to vector<16xi32>
        %rem3A_570 = arith.remsi %iota3A_547, %rem3A_569 : vector<16xi32>
        %ne3A_571 = arith.constant 0 : i32
        %ne3A_572 = vector.broadcast %ne3A_571 : i32 to vector<16xi32>
        %ne3A_573 = arith.cmpi ne, %rem3A_570, %ne3A_572 : vector<16xi32>
        %and3A_574 = arith.andi %ne3A_568, %ne3A_573 : vector<16xi1>
        %sub3A_575 = arith.constant 1 : i32
        %sub3A_576 = vector.broadcast %sub3A_575 : i32 to vector<16xi32>
        %sub3A_577 = arith.subi %div3A_550, %sub3A_576 : vector<16xi32>
        %select_n3A_578 = arith.select %and3A_574, %sub3A_577, %div3A_550 : vector<16xi1>, vector<16xi32>
        %get3A_579 = arith.index_cast %add3A_544 : i32 to index
        %get3A_580 = arith.constant 64 : index
        %get3A_581 = tpu.vector_load %arg12[%get3A_579, %get3A_580] {strides = array<i32>} : memref<128x80xf32, #tpu.memory_space<vmem>>, vector<16xf32>,
        %get3A_582 = arith.index_cast %add3A_544 : i32 to index
        %get3A_583 = arith.constant 0 : index
        %get3A_584 = tpu.vector_load %arg14[%get3A_582, %get3A_583] {strides = array<i32>} : memref<128x16xf32, #tpu.memory_space<vmem>>, vector<16xf32>,
        %add3A_585 = arith.addf %get3A_581, %get3A_584 : vector<16xf32>
        %mul3A_586 = arith.constant 2.000000e-01 : f32
        %mul3A_587 = vector.broadcast %mul3A_586 : f32 to vector<16xf32>
        %mul3A_588 = arith.mulf %mul3A_587, %add3A_585 : vector<16xf32>
        %max3A_589 = arith.maximumf %add3A_585, %mul3A_588 : vector<16xf32>
        %sub3A_590 = arith.subf %max3A_589, %get3A_546 : vector<16xf32>
        %exp3A_591 = math.exp %sub3A_590 : vector<16xf32>
        %add3A_592 = arith.constant 0 : i32
        %add3A_593 = vector.broadcast %add3A_592 : i32 to vector<16xi32>
        %add3A_594 = arith.addi %select_n3A_578, %add3A_593 : vector<16xi32>
        %broadcast_in_dim3A_595 = vector.shape_cast %add3A_594 : vector<16xi32> to vector<16x1xi32>
        %gather3A_596 = vector.shape_cast %broadcast_in_dim3A_595 : vector<16x1xi32> to vector<16xi32>
        %gather3A_597 = tpu.dynamic_gather %exp3A_591[%gather3A_596] in [0] : vector<16xf32>, vector<16xi32> -> vector<16xf32>
        %get3A_598 = arith.index_cast %add3A_544 : i32 to index
        %get3A_599 = arith.constant 0 : index
        %get3A_600 = tpu.vector_load %arg12[%get3A_598, %get3A_599] {strides = array<i32>} : memref<128x80xf32, #tpu.memory_space<vmem>>, vector<16xf32>,
        %mul3A_601 = arith.mulf %get3A_600, %gather3A_597 : vector<16xf32>
        %swap3A_602 = arith.index_cast %add3A_544 : i32 to index
        %swap3A_603 = arith.constant 0 : index
        %swap3A_604 = tpu.vector_load %arg20[%swap3A_602, %swap3A_603] {strides = array<i32>} : memref<128x80xf32, #tpu.memory_space<vmem>>, vector<16xf32>,
        tpu.vector_store %arg20[%swap3A_602, %swap3A_603], %mul3A_601 {strides = array<i32>} : memref<128x80xf32, #tpu.memory_space<vmem>>, vector<16xf32>,
        %add3A_605 = arith.constant 2 : i32
        %add3A_606 = vector.broadcast %add3A_605 : i32 to vector<16xi32>
        %add3A_607 = arith.addi %select_n3A_578, %add3A_606 : vector<16xi32>
        %broadcast_in_dim3A_608 = vector.shape_cast %add3A_607 : vector<16xi32> to vector<16x1xi32>
        %gather3A_609 = vector.shape_cast %broadcast_in_dim3A_608 : vector<16x1xi32> to vector<16xi32>
        %gather3A_610 = tpu.dynamic_gather %exp3A_591[%gather3A_609] in [0] : vector<16xf32>, vector<16xi32> -> vector<16xf32>
        %get3A_611 = arith.index_cast %add3A_544 : i32 to index
        %get3A_612 = arith.constant 16 : index
        %get3A_613 = tpu.vector_load %arg12[%get3A_611, %get3A_612] {strides = array<i32>} : memref<128x80xf32, #tpu.memory_space<vmem>>, vector<16xf32>,
        %mul3A_614 = arith.mulf %get3A_613, %gather3A_610 : vector<16xf32>
        %swap3A_615 = arith.index_cast %add3A_544 : i32 to index
        %swap3A_616 = arith.constant 16 : index
        %swap3A_617 = tpu.vector_load %arg20[%swap3A_615, %swap3A_616] {strides = array<i32>} : memref<128x80xf32, #tpu.memory_space<vmem>>, vector<16xf32>,
        tpu.vector_store %arg20[%swap3A_615, %swap3A_616], %mul3A_614 {strides = array<i32>} : memref<128x80xf32, #tpu.memory_space<vmem>>, vector<16xf32>,
        %add3A_618 = arith.constant 4 : i32
        %add3A_619 = vector.broadcast %add3A_618 : i32 to vector<16xi32>
        %add3A_620 = arith.addi %select_n3A_578, %add3A_619 : vector<16xi32>
        %broadcast_in_dim3A_621 = vector.shape_cast %add3A_620 : vector<16xi32> to vector<16x1xi32>
        %gather3A_622 = vector.shape_cast %broadcast_in_dim3A_621 : vector<16x1xi32> to vector<16xi32>
        %gather3A_623 = tpu.dynamic_gather %exp3A_591[%gather3A_622] in [0] : vector<16xf32>, vector<16xi32> -> vector<16xf32>
        %get3A_624 = arith.index_cast %add3A_544 : i32 to index
        %get3A_625 = arith.constant 32 : index
        %get3A_626 = tpu.vector_load %arg12[%get3A_624, %get3A_625] {strides = array<i32>} : memref<128x80xf32, #tpu.memory_space<vmem>>, vector<16xf32>,
        %mul3A_627 = arith.mulf %get3A_626, %gather3A_623 : vector<16xf32>
        %swap3A_628 = arith.index_cast %add3A_544 : i32 to index
        %swap3A_629 = arith.constant 32 : index
        %swap3A_630 = tpu.vector_load %arg20[%swap3A_628, %swap3A_629] {strides = array<i32>} : memref<128x80xf32, #tpu.memory_space<vmem>>, vector<16xf32>,
        tpu.vector_store %arg20[%swap3A_628, %swap3A_629], %mul3A_627 {strides = array<i32>} : memref<128x80xf32, #tpu.memory_space<vmem>>, vector<16xf32>,
        %add3A_631 = arith.constant 6 : i32
        %add3A_632 = vector.broadcast %add3A_631 : i32 to vector<16xi32>
        %add3A_633 = arith.addi %select_n3A_578, %add3A_632 : vector<16xi32>
        %broadcast_in_dim3A_634 = vector.shape_cast %add3A_633 : vector<16xi32> to vector<16x1xi32>
        %gather3A_635 = vector.shape_cast %broadcast_in_dim3A_634 : vector<16x1xi32> to vector<16xi32>
        %gather3A_636 = tpu.dynamic_gather %exp3A_591[%gather3A_635] in [0] : vector<16xf32>, vector<16xi32> -> vector<16xf32>
        %get3A_637 = arith.index_cast %add3A_544 : i32 to index
        %get3A_638 = arith.constant 48 : index
        %get3A_639 = tpu.vector_load %arg12[%get3A_637, %get3A_638] {strides = array<i32>} : memref<128x80xf32, #tpu.memory_space<vmem>>, vector<16xf32>,
        %mul3A_640 = arith.mulf %get3A_639, %gather3A_636 : vector<16xf32>
        %swap3A_641 = arith.index_cast %add3A_544 : i32 to index
        %swap3A_642 = arith.constant 48 : index
        %swap3A_643 = tpu.vector_load %arg20[%swap3A_641, %swap3A_642] {strides = array<i32>} : memref<128x80xf32, #tpu.memory_space<vmem>>, vector<16xf32>,
        tpu.vector_store %arg20[%swap3A_641, %swap3A_642], %mul3A_640 {strides = array<i32>} : memref<128x80xf32, #tpu.memory_space<vmem>>, vector<16xf32>,
        %swap3A_644 = arith.index_cast %add3A_544 : i32 to index
        %swap3A_645 = arith.constant 64 : index
        %swap3A_646 = tpu.vector_load %arg20[%swap3A_644, %swap3A_645] {strides = array<i32>} : memref<128x80xf32, #tpu.memory_space<vmem>>, vector<16xf32>,
        tpu.vector_store %arg20[%swap3A_644, %swap3A_645], %exp3A_591 {strides = array<i32>} : memref<128x80xf32, #tpu.memory_space<vmem>>, vector<16xf32>,
      }
      %scan3A_140 = arith.constant 32 : i32
      %dma_start3A_141 = arith.constant 0 : i32
      %dma_start3A_142 = arith.constant 0 : i32
      %dma_start3A_143 = tpu.memref_slice %arg23[%dma_start3A_141, %dma_start3A_142] : memref<10240x80xf32, #tpu.memory_space<vmem_shared>> -> memref<10240x80xf32, #tpu.memory_space<vmem_shared>>
      tpu.enqueue_indirect_dma source(%arg20 : memref<128x80xf32, #tpu.memory_space<vmem>>) target(%dma_start3A_143 : memref<10240x80xf32, #tpu.memory_space<vmem_shared>>) offsets(%arg16 : memref<128xi32, #tpu.memory_space<vmem>>) semaphore(%arg27 : memref<!tpu.dma_semaphore, #tpu.memory_space<semaphore_mem>>) {add = true}
      %add3A_144 = arith.constant 2 : i32
      %add3A_145 = arith.addi %add3A_111, %add3A_144 : i32
      %dma_start3A_146 = arith.constant 0 : i32
      %dma_start3A_147 = tpu.memref_slice %arg9[%add3A_145, %dma_start3A_146] : memref<80x128xi32, #tpu.memory_space<vmem>> -> memref<1x128xi32, #tpu.memory_space<vmem>>
      %dma_start3A_148 = tpu.memref_squeeze %dma_start3A_147 : memref<1x128xi32, #tpu.memory_space<vmem>> -> memref<128xi32, #tpu.memory_space<vmem>>
      %dma_start3A_149 = arith.constant 0 : i32
      %dma_start3A_150 = arith.constant 0 : i32
      %dma_start3A_151 = tpu.memref_slice %arg2[%dma_start3A_149, %dma_start3A_150] : memref<10240x80xf32, #tpu.memory_space<hbm>> -> memref<10240x80xf32, #tpu.memory_space<hbm>>
      tpu.enqueue_indirect_dma source(%dma_start3A_151 : memref<10240x80xf32, #tpu.memory_space<hbm>>) target(%arg12 : memref<128x80xf32, #tpu.memory_space<vmem>>) offsets(%dma_start3A_148 : memref<128xi32, #tpu.memory_space<vmem>>) semaphore(%arg25 : memref<!tpu.dma_semaphore, #tpu.memory_space<semaphore_mem>>)
      %dma_start3A_152 = arith.constant 0 : i32
      %dma_start3A_153 = tpu.memref_slice %arg10[%add3A_145, %dma_start3A_152] : memref<80x128xi32, #tpu.memory_space<vmem>> -> memref<1x128xi32, #tpu.memory_space<vmem>>
      %dma_start3A_154 = tpu.memref_squeeze %dma_start3A_153 : memref<1x128xi32, #tpu.memory_space<vmem>> -> memref<128xi32, #tpu.memory_space<vmem>>
      %dma_start3A_155 = arith.constant 0 : i32
      %dma_start3A_156 = arith.constant 0 : i32
      %dma_start3A_157 = tpu.memref_slice %arg3[%dma_start3A_155, %dma_start3A_156] : memref<10240x16xf32, #tpu.memory_space<hbm>> -> memref<10240x16xf32, #tpu.memory_space<hbm>>
      tpu.enqueue_indirect_dma source(%dma_start3A_157 : memref<10240x16xf32, #tpu.memory_space<hbm>>) target(%arg14 : memref<128x16xf32, #tpu.memory_space<vmem>>) offsets(%dma_start3A_154 : memref<128xi32, #tpu.memory_space<vmem>>) semaphore(%arg25 : memref<!tpu.dma_semaphore, #tpu.memory_space<semaphore_mem>>)
      %dma_start3A_158 = arith.constant 0 : i32
      %dma_start3A_159 = tpu.memref_slice %arg5[%add3A, %add3A_145, %dma_start3A_158] : memref<32x80x128xi32, #tpu.memory_space<hbm>> -> memref<1x1x128xi32, #tpu.memory_space<hbm>>
      %dma_start3A_160 = tpu.memref_squeeze %dma_start3A_159 : memref<1x1x128xi32, #tpu.memory_space<hbm>> -> memref<128xi32, #tpu.memory_space<hbm>>
      %dma_start3A_161 = arith.constant 0 : i32
      %dma_start3A_162 = tpu.memref_slice %arg5[%add3A, %add3A_145, %dma_start3A_161] : memref<32x80x128xi32, #tpu.memory_space<hbm>> -> memref<1x1x128xi32, #tpu.memory_space<hbm>>
      %dma_start3A_163 = tpu.memref_squeeze %dma_start3A_162 : memref<1x1x128xi32, #tpu.memory_space<hbm>> -> memref<128xi32, #tpu.memory_space<hbm>>
      tpu.enqueue_dma source(%dma_start3A_163 : memref<128xi32, #tpu.memory_space<hbm>>) target(%arg18 : memref<128xi32, #tpu.memory_space<vmem>>) target_semaphore(%arg25 : memref<!tpu.dma_semaphore, #tpu.memory_space<semaphore_mem>>)
      %add3A_164 = arith.constant 2 : i32
      %add3A_165 = arith.addi %mul3A_57, %add3A_164 : i32
      %not3A = arith.constant true
      %not3A_166 = arith.xori %ge3A_58, %not3A : i1
      %dma_wait3A_167 = arith.constant 0 : i32
      %dma_wait3A_168 = tpu.memref_slice %arg9[%add3A_165, %dma_wait3A_167] : memref<80x128xi32, #tpu.memory_space<vmem>> -> memref<1x128xi32, #tpu.memory_space<vmem>>
      %dma_wait3A_169 = tpu.memref_squeeze %dma_wait3A_168 : memref<1x128xi32, #tpu.memory_space<vmem>> -> memref<128xi32, #tpu.memory_space<vmem>>
      %dma_wait3A_170 = arith.constant 0 : i32
      %dma_wait3A_171 = arith.constant 0 : i32
      %dma_wait3A_172 = tpu.memref_slice %arg2[%dma_wait3A_170, %dma_wait3A_171] : memref<10240x80xf32, #tpu.memory_space<hbm>> -> memref<10240x80xf32, #tpu.memory_space<hbm>>
      tpu.wait_indirect_dma semaphore(%arg24 : memref<!tpu.dma_semaphore, #tpu.memory_space<semaphore_mem>>) src(%dma_wait3A_172 : memref<10240x80xf32, #tpu.memory_space<hbm>>) dst(%arg11 : memref<128x80xf32, #tpu.memory_space<vmem>>)
      %dma_wait3A_173 = arith.constant 0 : i32
      %dma_wait3A_174 = tpu.memref_slice %arg10[%add3A_165, %dma_wait3A_173] : memref<80x128xi32, #tpu.memory_space<vmem>> -> memref<1x128xi32, #tpu.memory_space<vmem>>
      %dma_wait3A_175 = tpu.memref_squeeze %dma_wait3A_174 : memref<1x128xi32, #tpu.memory_space<vmem>> -> memref<128xi32, #tpu.memory_space<vmem>>
      %dma_wait3A_176 = arith.constant 0 : i32
      %dma_wait3A_177 = arith.constant 0 : i32
      %dma_wait3A_178 = tpu.memref_slice %arg3[%dma_wait3A_176, %dma_wait3A_177] : memref<10240x16xf32, #tpu.memory_space<hbm>> -> memref<10240x16xf32, #tpu.memory_space<hbm>>
      tpu.wait_indirect_dma semaphore(%arg24 : memref<!tpu.dma_semaphore, #tpu.memory_space<semaphore_mem>>) src(%dma_wait3A_178 : memref<10240x16xf32, #tpu.memory_space<hbm>>) dst(%arg13 : memref<128x16xf32, #tpu.memory_space<vmem>>)
      %dma_wait3A_179 = arith.constant 0 : i32
      %dma_wait3A_180 = tpu.memref_slice %arg5[%add3A, %add3A_165, %dma_wait3A_179] : memref<32x80x128xi32, #tpu.memory_space<hbm>> -> memref<1x1x128xi32, #tpu.memory_space<hbm>>
      %dma_wait3A_181 = tpu.memref_squeeze %dma_wait3A_180 : memref<1x1x128xi32, #tpu.memory_space<hbm>> -> memref<128xi32, #tpu.memory_space<hbm>>
      %dma_wait3A_182 = arith.constant 0 : i32
      %dma_wait3A_183 = tpu.memref_slice %arg5[%add3A, %add3A_165, %dma_wait3A_182] : memref<32x80x128xi32, #tpu.memory_space<hbm>> -> memref<1x1x128xi32, #tpu.memory_space<hbm>>
      %dma_wait3A_184 = tpu.memref_squeeze %dma_wait3A_183 : memref<1x1x128xi32, #tpu.memory_space<hbm>> -> memref<128xi32, #tpu.memory_space<hbm>>
      tpu.wait_dma2 semaphore(%arg24 : memref<!tpu.dma_semaphore, #tpu.memory_space<semaphore_mem>>) src(%dma_wait3A_184 : memref<128xi32, #tpu.memory_space<hbm>>) dst(%arg17 : memref<128xi32, #tpu.memory_space<vmem>>)
      %dma_wait3A_185 = arith.constant 0 : i32
      %dma_wait3A_186 = arith.constant 0 : i32
      %dma_wait3A_187 = tpu.memref_slice %arg23[%dma_wait3A_185, %dma_wait3A_186] : memref<10240x80xf32, #tpu.memory_space<vmem_shared>> -> memref<10240x80xf32, #tpu.memory_space<vmem_shared>>
      tpu.wait_indirect_dma semaphore(%arg26 : memref<!tpu.dma_semaphore, #tpu.memory_space<semaphore_mem>>) src(%arg19 : memref<128x80xf32, #tpu.memory_space<vmem>>) dst(%dma_wait3A_187 : memref<10240x80xf32, #tpu.memory_space<vmem_shared>>)
      %scan3A_188 = arith.constant 0 : i32
      %scan3A_189 = arith.constant 0 : i32
      %scan3A_190 = arith.constant 32 : i32
      %scan3A_191 = arith.addi %scan3A_189, %scan3A_190 : i32
      %scan3A_192 = arith.constant 1 : i32
      scf.for %scan3A_237 = %scan3A_189 to %scan3A_191 step %scan3A_192  : i32 {
        %mul3A_238 = arith.constant 4 : i32
        %mul3A_239 = arith.muli %mul3A_238, %scan3A_237 : i32
        %add3A_240 = arith.constant 0 : i32
        %add3A_241 = arith.addi %mul3A_239, %add3A_240 : i32
        %get3A = arith.constant 0 : index
        %get3A_242 = tpu.vector_load %arg22[%get3A] {strides = array<i32>} : memref<16xf32, #tpu.memory_space<vmem>>, vector<16xf32>,
        %iota3A = tpu.iota {dimensions = array<i32: 0>} : vector<16xi32>
        %jit3A = arith.constant 8 : i32
        %div3A = vector.broadcast %jit3A : i32 to vector<16xi32>
        %div3A_243 = arith.divsi %iota3A, %div3A : vector<16xi32>
        %sign3A = arith.constant 0 : i32
        %sign3A_244 = vector.broadcast %sign3A : i32 to vector<16xi32>
        %sign3A_245 = arith.cmpi sgt, %iota3A, %sign3A_244 : vector<16xi32>
        %sign3A_246 = arith.extui %sign3A_245 : vector<16xi1> to vector<16xi32>
        %sign3A_247 = arith.constant 0 : i32
        %sign3A_248 = vector.broadcast %sign3A_247 : i32 to vector<16xi32>
        %sign3A_249 = arith.cmpi slt, %iota3A, %sign3A_248 : vector<16xi32>
        %sign3A_250 = arith.extui %sign3A_249 : vector<16xi1> to vector<16xi32>
        %sign3A_251 = arith.subi %sign3A_246, %sign3A_250 : vector<16xi32>
        %sign3A_252 = arith.constant 0 : i32
        %sign3A_253 = arith.cmpi sgt, %jit3A, %sign3A_252 : i32
        %sign3A_254 = arith.extui %sign3A_253 : i1 to i32
        %sign3A_255 = arith.constant 0 : i32
        %sign3A_256 = arith.cmpi slt, %jit3A, %sign3A_255 : i32
        %sign3A_257 = arith.extui %sign3A_256 : i1 to i32
        %sign3A_258 = arith.subi %sign3A_254, %sign3A_257 : i32
        %ne3A = vector.broadcast %sign3A_258 : i32 to vector<16xi32>
        %ne3A_259 = arith.cmpi ne, %sign3A_251, %ne3A : vector<16xi32>
        %rem3A = vector.broadcast %jit3A : i32 to vector<16xi32>
        %rem3A_260 = arith.remsi %iota3A, %rem3A : vector<16xi32>
        %ne3A_261 = arith.constant 0 : i32
        %ne3A_262 = vector.broadcast %ne3A_261 : i32 to vector<16xi32>
        %ne3A_263 = arith.cmpi ne, %rem3A_260, %ne3A_262 : vector<16xi32>
        %and3A = arith.andi %ne3A_259, %ne3A_263 : vector<16xi1>
        %sub3A = arith.constant 1 : i32
        %sub3A_264 = vector.broadcast %sub3A : i32 to vector<16xi32>
        %sub3A_265 = arith.subi %div3A_243, %sub3A_264 : vector<16xi32>
        %select_n3A = arith.select %and3A, %sub3A_265, %div3A_243 : vector<16xi1>, vector<16xi32>
        %get3A_266 = arith.index_cast %add3A_241 : i32 to index
        %get3A_267 = arith.constant 64 : index
        %get3A_268 = tpu.vector_load %arg11[%get3A_266, %get3A_267] {strides = array<i32>} : memref<128x80xf32, #tpu.memory_space<vmem>>, vector<16xf32>,
        %get3A_269 = arith.index_cast %add3A_241 : i32 to index
        %get3A_270 = arith.constant 0 : index
        %get3A_271 = tpu.vector_load %arg13[%get3A_269, %get3A_270] {strides = array<i32>} : memref<128x16xf32, #tpu.memory_space<vmem>>, vector<16xf32>,
        %add3A_272 = arith.addf %get3A_268, %get3A_271 : vector<16xf32>
        %mul3A_273 = arith.constant 2.000000e-01 : f32
        %mul3A_274 = vector.broadcast %mul3A_273 : f32 to vector<16xf32>
        %mul3A_275 = arith.mulf %mul3A_274, %add3A_272 : vector<16xf32>
        %max3A = arith.maximumf %add3A_272, %mul3A_275 : vector<16xf32>
        %sub3A_276 = arith.subf %max3A, %get3A_242 : vector<16xf32>
        %exp3A = math.exp %sub3A_276 : vector<16xf32>
        %add3A_277 = arith.constant 0 : i32
        %add3A_278 = vector.broadcast %add3A_277 : i32 to vector<16xi32>
        %add3A_279 = arith.addi %select_n3A, %add3A_278 : vector<16xi32>
        %broadcast_in_dim3A = vector.shape_cast %add3A_279 : vector<16xi32> to vector<16x1xi32>
        %gather3A = vector.shape_cast %broadcast_in_dim3A : vector<16x1xi32> to vector<16xi32>
        %gather3A_280 = tpu.dynamic_gather %exp3A[%gather3A] in [0] : vector<16xf32>, vector<16xi32> -> vector<16xf32>
        %get3A_281 = arith.index_cast %add3A_241 : i32 to index
        %get3A_282 = arith.constant 0 : index
        %get3A_283 = tpu.vector_load %arg11[%get3A_281, %get3A_282] {strides = array<i32>} : memref<128x80xf32, #tpu.memory_space<vmem>>, vector<16xf32>,
        %mul3A_284 = arith.mulf %get3A_283, %gather3A_280 : vector<16xf32>
        %swap3A = arith.index_cast %add3A_241 : i32 to index
        %swap3A_285 = arith.constant 0 : index
        %swap3A_286 = tpu.vector_load %arg19[%swap3A, %swap3A_285] {strides = array<i32>} : memref<128x80xf32, #tpu.memory_space<vmem>>, vector<16xf32>,
        tpu.vector_store %arg19[%swap3A, %swap3A_285], %mul3A_284 {strides = array<i32>} : memref<128x80xf32, #tpu.memory_space<vmem>>, vector<16xf32>,
        %add3A_287 = arith.constant 2 : i32
        %add3A_288 = vector.broadcast %add3A_287 : i32 to vector<16xi32>
        %add3A_289 = arith.addi %select_n3A, %add3A_288 : vector<16xi32>
        %broadcast_in_dim3A_290 = vector.shape_cast %add3A_289 : vector<16xi32> to vector<16x1xi32>
        %gather3A_291 = vector.shape_cast %broadcast_in_dim3A_290 : vector<16x1xi32> to vector<16xi32>
        %gather3A_292 = tpu.dynamic_gather %exp3A[%gather3A_291] in [0] : vector<16xf32>, vector<16xi32> -> vector<16xf32>
        %get3A_293 = arith.index_cast %add3A_241 : i32 to index
        %get3A_294 = arith.constant 16 : index
        %get3A_295 = tpu.vector_load %arg11[%get3A_293, %get3A_294] {strides = array<i32>} : memref<128x80xf32, #tpu.memory_space<vmem>>, vector<16xf32>,
        %mul3A_296 = arith.mulf %get3A_295, %gather3A_292 : vector<16xf32>
        %swap3A_297 = arith.index_cast %add3A_241 : i32 to index
        %swap3A_298 = arith.constant 16 : index
        %swap3A_299 = tpu.vector_load %arg19[%swap3A_297, %swap3A_298] {strides = array<i32>} : memref<128x80xf32, #tpu.memory_space<vmem>>, vector<16xf32>,
        tpu.vector_store %arg19[%swap3A_297, %swap3A_298], %mul3A_296 {strides = array<i32>} : memref<128x80xf32, #tpu.memory_space<vmem>>, vector<16xf32>,
        %add3A_300 = arith.constant 4 : i32
        %add3A_301 = vector.broadcast %add3A_300 : i32 to vector<16xi32>
        %add3A_302 = arith.addi %select_n3A, %add3A_301 : vector<16xi32>
        %broadcast_in_dim3A_303 = vector.shape_cast %add3A_302 : vector<16xi32> to vector<16x1xi32>
        %gather3A_304 = vector.shape_cast %broadcast_in_dim3A_303 : vector<16x1xi32> to vector<16xi32>
        %gather3A_305 = tpu.dynamic_gather %exp3A[%gather3A_304] in [0] : vector<16xf32>, vector<16xi32> -> vector<16xf32>
        %get3A_306 = arith.index_cast %add3A_241 : i32 to index
        %get3A_307 = arith.constant 32 : index
        %get3A_308 = tpu.vector_load %arg11[%get3A_306, %get3A_307] {strides = array<i32>} : memref<128x80xf32, #tpu.memory_space<vmem>>, vector<16xf32>,
        %mul3A_309 = arith.mulf %get3A_308, %gather3A_305 : vector<16xf32>
        %swap3A_310 = arith.index_cast %add3A_241 : i32 to index
        %swap3A_311 = arith.constant 32 : index
        %swap3A_312 = tpu.vector_load %arg19[%swap3A_310, %swap3A_311] {strides = array<i32>} : memref<128x80xf32, #tpu.memory_space<vmem>>, vector<16xf32>,
        tpu.vector_store %arg19[%swap3A_310, %swap3A_311], %mul3A_309 {strides = array<i32>} : memref<128x80xf32, #tpu.memory_space<vmem>>, vector<16xf32>,
        %add3A_313 = arith.constant 6 : i32
        %add3A_314 = vector.broadcast %add3A_313 : i32 to vector<16xi32>
        %add3A_315 = arith.addi %select_n3A, %add3A_314 : vector<16xi32>
        %broadcast_in_dim3A_316 = vector.shape_cast %add3A_315 : vector<16xi32> to vector<16x1xi32>
        %gather3A_317 = vector.shape_cast %broadcast_in_dim3A_316 : vector<16x1xi32> to vector<16xi32>
        %gather3A_318 = tpu.dynamic_gather %exp3A[%gather3A_317] in [0] : vector<16xf32>, vector<16xi32> -> vector<16xf32>
        %get3A_319 = arith.index_cast %add3A_241 : i32 to index
        %get3A_320 = arith.constant 48 : index
        %get3A_321 = tpu.vector_load %arg11[%get3A_319, %get3A_320] {strides = array<i32>} : memref<128x80xf32, #tpu.memory_space<vmem>>, vector<16xf32>,
        %mul3A_322 = arith.mulf %get3A_321, %gather3A_318 : vector<16xf32>
        %swap3A_323 = arith.index_cast %add3A_241 : i32 to index
        %swap3A_324 = arith.constant 48 : index
        %swap3A_325 = tpu.vector_load %arg19[%swap3A_323, %swap3A_324] {strides = array<i32>} : memref<128x80xf32, #tpu.memory_space<vmem>>, vector<16xf32>,
        tpu.vector_store %arg19[%swap3A_323, %swap3A_324], %mul3A_322 {strides = array<i32>} : memref<128x80xf32, #tpu.memory_space<vmem>>, vector<16xf32>,
        %swap3A_326 = arith.index_cast %add3A_241 : i32 to index
        %swap3A_327 = arith.constant 64 : index
        %swap3A_328 = tpu.vector_load %arg19[%swap3A_326, %swap3A_327] {strides = array<i32>} : memref<128x80xf32, #tpu.memory_space<vmem>>, vector<16xf32>,
        tpu.vector_store %arg19[%swap3A_326, %swap3A_327], %exp3A {strides = array<i32>} : memref<128x80xf32, #tpu.memory_space<vmem>>, vector<16xf32>,
        %mul3A_329 = arith.constant 4 : i32
        %mul3A_330 = arith.muli %mul3A_329, %scan3A_237 : i32
        %add3A_331 = arith.constant 1 : i32
        %add3A_332 = arith.addi %mul3A_330, %add3A_331 : i32
        %get3A_333 = arith.constant 0 : index
        %get3A_334 = tpu.vector_load %arg22[%get3A_333] {strides = array<i32>} : memref<16xf32, #tpu.memory_space<vmem>>, vector<16xf32>,
        %iota3A_335 = tpu.iota {dimensions = array<i32: 0>} : vector<16xi32>
        %jit3A_336 = arith.constant 8 : i32
        %div3A_337 = vector.broadcast %jit3A_336 : i32 to vector<16xi32>
        %div3A_338 = arith.divsi %iota3A_335, %div3A_337 : vector<16xi32>
        %sign3A_339 = arith.constant 0 : i32
        %sign3A_340 = vector.broadcast %sign3A_339 : i32 to vector<16xi32>
        %sign3A_341 = arith.cmpi sgt, %iota3A_335, %sign3A_340 : vector<16xi32>
        %sign3A_342 = arith.extui %sign3A_341 : vector<16xi1> to vector<16xi32>
        %sign3A_343 = arith.constant 0 : i32
        %sign3A_344 = vector.broadcast %sign3A_343 : i32 to vector<16xi32>
        %sign3A_345 = arith.cmpi slt, %iota3A_335, %sign3A_344 : vector<16xi32>
        %sign3A_346 = arith.extui %sign3A_345 : vector<16xi1> to vector<16xi32>
        %sign3A_347 = arith.subi %sign3A_342, %sign3A_346 : vector<16xi32>
        %sign3A_348 = arith.constant 0 : i32
        %sign3A_349 = arith.cmpi sgt, %jit3A_336, %sign3A_348 : i32
        %sign3A_350 = arith.extui %sign3A_349 : i1 to i32
        %sign3A_351 = arith.constant 0 : i32
        %sign3A_352 = arith.cmpi slt, %jit3A_336, %sign3A_351 : i32
        %sign3A_353 = arith.extui %sign3A_352 : i1 to i32
        %sign3A_354 = arith.subi %sign3A_350, %sign3A_353 : i32
        %ne3A_355 = vector.broadcast %sign3A_354 : i32 to vector<16xi32>
        %ne3A_356 = arith.cmpi ne, %sign3A_347, %ne3A_355 : vector<16xi32>
        %rem3A_357 = vector.broadcast %jit3A_336 : i32 to vector<16xi32>
        %rem3A_358 = arith.remsi %iota3A_335, %rem3A_357 : vector<16xi32>
        %ne3A_359 = arith.constant 0 : i32
        %ne3A_360 = vector.broadcast %ne3A_359 : i32 to vector<16xi32>
        %ne3A_361 = arith.cmpi ne, %rem3A_358, %ne3A_360 : vector<16xi32>
        %and3A_362 = arith.andi %ne3A_356, %ne3A_361 : vector<16xi1>
        %sub3A_363 = arith.constant 1 : i32
        %sub3A_364 = vector.broadcast %sub3A_363 : i32 to vector<16xi32>
        %sub3A_365 = arith.subi %div3A_338, %sub3A_364 : vector<16xi32>
        %select_n3A_366 = arith.select %and3A_362, %sub3A_365, %div3A_338 : vector<16xi1>, vector<16xi32>
        %get3A_367 = arith.index_cast %add3A_332 : i32 to index
        %get3A_368 = arith.constant 64 : index
        %get3A_369 = tpu.vector_load %arg11[%get3A_367, %get3A_368] {strides = array<i32>} : memref<128x80xf32, #tpu.memory_space<vmem>>, vector<16xf32>,
        %get3A_370 = arith.index_cast %add3A_332 : i32 to index
        %get3A_371 = arith.constant 0 : index
        %get3A_372 = tpu.vector_load %arg13[%get3A_370, %get3A_371] {strides = array<i32>} : memref<128x16xf32, #tpu.memory_space<vmem>>, vector<16xf32>,
        %add3A_373 = arith.addf %get3A_369, %get3A_372 : vector<16xf32>
        %mul3A_374 = arith.constant 2.000000e-01 : f32
        %mul3A_375 = vector.broadcast %mul3A_374 : f32 to vector<16xf32>
        %mul3A_376 = arith.mulf %mul3A_375, %add3A_373 : vector<16xf32>
        %max3A_377 = arith.maximumf %add3A_373, %mul3A_376 : vector<16xf32>
        %sub3A_378 = arith.subf %max3A_377, %get3A_334 : vector<16xf32>
        %exp3A_379 = math.exp %sub3A_378 : vector<16xf32>
        %add3A_380 = arith.constant 0 : i32
        %add3A_381 = vector.broadcast %add3A_380 : i32 to vector<16xi32>
        %add3A_382 = arith.addi %select_n3A_366, %add3A_381 : vector<16xi32>
        %broadcast_in_dim3A_383 = vector.shape_cast %add3A_382 : vector<16xi32> to vector<16x1xi32>
        %gather3A_384 = vector.shape_cast %broadcast_in_dim3A_383 : vector<16x1xi32> to vector<16xi32>
        %gather3A_385 = tpu.dynamic_gather %exp3A_379[%gather3A_384] in [0] : vector<16xf32>, vector<16xi32> -> vector<16xf32>
        %get3A_386 = arith.index_cast %add3A_332 : i32 to index
        %get3A_387 = arith.constant 0 : index
        %get3A_388 = tpu.vector_load %arg11[%get3A_386, %get3A_387] {strides = array<i32>} : memref<128x80xf32, #tpu.memory_space<vmem>>, vector<16xf32>,
        %mul3A_389 = arith.mulf %get3A_388, %gather3A_385 : vector<16xf32>
        %swap3A_390 = arith.index_cast %add3A_332 : i32 to index
        %swap3A_391 = arith.constant 0 : index
        %swap3A_392 = tpu.vector_load %arg19[%swap3A_390, %swap3A_391] {strides = array<i32>} : memref<128x80xf32, #tpu.memory_space<vmem>>, vector<16xf32>,
        tpu.vector_store %arg19[%swap3A_390, %swap3A_391], %mul3A_389 {strides = array<i32>} : memref<128x80xf32, #tpu.memory_space<vmem>>, vector<16xf32>,
        %add3A_393 = arith.constant 2 : i32
        %add3A_394 = vector.broadcast %add3A_393 : i32 to vector<16xi32>
        %add3A_395 = arith.addi %select_n3A_366, %add3A_394 : vector<16xi32>
        %broadcast_in_dim3A_396 = vector.shape_cast %add3A_395 : vector<16xi32> to vector<16x1xi32>
        %gather3A_397 = vector.shape_cast %broadcast_in_dim3A_396 : vector<16x1xi32> to vector<16xi32>
        %gather3A_398 = tpu.dynamic_gather %exp3A_379[%gather3A_397] in [0] : vector<16xf32>, vector<16xi32> -> vector<16xf32>
        %get3A_399 = arith.index_cast %add3A_332 : i32 to index
        %get3A_400 = arith.constant 16 : index
        %get3A_401 = tpu.vector_load %arg11[%get3A_399, %get3A_400] {strides = array<i32>} : memref<128x80xf32, #tpu.memory_space<vmem>>, vector<16xf32>,
        %mul3A_402 = arith.mulf %get3A_401, %gather3A_398 : vector<16xf32>
        %swap3A_403 = arith.index_cast %add3A_332 : i32 to index
        %swap3A_404 = arith.constant 16 : index
        %swap3A_405 = tpu.vector_load %arg19[%swap3A_403, %swap3A_404] {strides = array<i32>} : memref<128x80xf32, #tpu.memory_space<vmem>>, vector<16xf32>,
        tpu.vector_store %arg19[%swap3A_403, %swap3A_404], %mul3A_402 {strides = array<i32>} : memref<128x80xf32, #tpu.memory_space<vmem>>, vector<16xf32>,
        %add3A_406 = arith.constant 4 : i32
        %add3A_407 = vector.broadcast %add3A_406 : i32 to vector<16xi32>
        %add3A_408 = arith.addi %select_n3A_366, %add3A_407 : vector<16xi32>
        %broadcast_in_dim3A_409 = vector.shape_cast %add3A_408 : vector<16xi32> to vector<16x1xi32>
        %gather3A_410 = vector.shape_cast %broadcast_in_dim3A_409 : vector<16x1xi32> to vector<16xi32>
        %gather3A_411 = tpu.dynamic_gather %exp3A_379[%gather3A_410] in [0] : vector<16xf32>, vector<16xi32> -> vector<16xf32>
        %get3A_412 = arith.index_cast %add3A_332 : i32 to index
        %get3A_413 = arith.constant 32 : index
        %get3A_414 = tpu.vector_load %arg11[%get3A_412, %get3A_413] {strides = array<i32>} : memref<128x80xf32, #tpu.memory_space<vmem>>, vector<16xf32>,
        %mul3A_415 = arith.mulf %get3A_414, %gather3A_411 : vector<16xf32>
        %swap3A_416 = arith.index_cast %add3A_332 : i32 to index
        %swap3A_417 = arith.constant 32 : index
        %swap3A_418 = tpu.vector_load %arg19[%swap3A_416, %swap3A_417] {strides = array<i32>} : memref<128x80xf32, #tpu.memory_space<vmem>>, vector<16xf32>,
        tpu.vector_store %arg19[%swap3A_416, %swap3A_417], %mul3A_415 {strides = array<i32>} : memref<128x80xf32, #tpu.memory_space<vmem>>, vector<16xf32>,
        %add3A_419 = arith.constant 6 : i32
        %add3A_420 = vector.broadcast %add3A_419 : i32 to vector<16xi32>
        %add3A_421 = arith.addi %select_n3A_366, %add3A_420 : vector<16xi32>
        %broadcast_in_dim3A_422 = vector.shape_cast %add3A_421 : vector<16xi32> to vector<16x1xi32>
        %gather3A_423 = vector.shape_cast %broadcast_in_dim3A_422 : vector<16x1xi32> to vector<16xi32>
        %gather3A_424 = tpu.dynamic_gather %exp3A_379[%gather3A_423] in [0] : vector<16xf32>, vector<16xi32> -> vector<16xf32>
        %get3A_425 = arith.index_cast %add3A_332 : i32 to index
        %get3A_426 = arith.constant 48 : index
        %get3A_427 = tpu.vector_load %arg11[%get3A_425, %get3A_426] {strides = array<i32>} : memref<128x80xf32, #tpu.memory_space<vmem>>, vector<16xf32>,
        %mul3A_428 = arith.mulf %get3A_427, %gather3A_424 : vector<16xf32>
        %swap3A_429 = arith.index_cast %add3A_332 : i32 to index
        %swap3A_430 = arith.constant 48 : index
        %swap3A_431 = tpu.vector_load %arg19[%swap3A_429, %swap3A_430] {strides = array<i32>} : memref<128x80xf32, #tpu.memory_space<vmem>>, vector<16xf32>,
        tpu.vector_store %arg19[%swap3A_429, %swap3A_430], %mul3A_428 {strides = array<i32>} : memref<128x80xf32, #tpu.memory_space<vmem>>, vector<16xf32>,
        %swap3A_432 = arith.index_cast %add3A_332 : i32 to index
        %swap3A_433 = arith.constant 64 : index
        %swap3A_434 = tpu.vector_load %arg19[%swap3A_432, %swap3A_433] {strides = array<i32>} : memref<128x80xf32, #tpu.memory_space<vmem>>, vector<16xf32>,
        tpu.vector_store %arg19[%swap3A_432, %swap3A_433], %exp3A_379 {strides = array<i32>} : memref<128x80xf32, #tpu.memory_space<vmem>>, vector<16xf32>,
        %mul3A_435 = arith.constant 4 : i32
        %mul3A_436 = arith.muli %mul3A_435, %scan3A_237 : i32
        %add3A_437 = arith.constant 2 : i32
        %add3A_438 = arith.addi %mul3A_436, %add3A_437 : i32
        %get3A_439 = arith.constant 0 : index
        %get3A_440 = tpu.vector_load %arg22[%get3A_439] {strides = array<i32>} : memref<16xf32, #tpu.memory_space<vmem>>, vector<16xf32>,
        %iota3A_441 = tpu.iota {dimensions = array<i32: 0>} : vector<16xi32>
        %jit3A_442 = arith.constant 8 : i32
        %div3A_443 = vector.broadcast %jit3A_442 : i32 to vector<16xi32>
        %div3A_444 = arith.divsi %iota3A_441, %div3A_443 : vector<16xi32>
        %sign3A_445 = arith.constant 0 : i32
        %sign3A_446 = vector.broadcast %sign3A_445 : i32 to vector<16xi32>
        %sign3A_447 = arith.cmpi sgt, %iota3A_441, %sign3A_446 : vector<16xi32>
        %sign3A_448 = arith.extui %sign3A_447 : vector<16xi1> to vector<16xi32>
        %sign3A_449 = arith.constant 0 : i32
        %sign3A_450 = vector.broadcast %sign3A_449 : i32 to vector<16xi32>
        %sign3A_451 = arith.cmpi slt, %iota3A_441, %sign3A_450 : vector<16xi32>
        %sign3A_452 = arith.extui %sign3A_451 : vector<16xi1> to vector<16xi32>
        %sign3A_453 = arith.subi %sign3A_448, %sign3A_452 : vector<16xi32>
        %sign3A_454 = arith.constant 0 : i32
        %sign3A_455 = arith.cmpi sgt, %jit3A_442, %sign3A_454 : i32
        %sign3A_456 = arith.extui %sign3A_455 : i1 to i32
        %sign3A_457 = arith.constant 0 : i32
        %sign3A_458 = arith.cmpi slt, %jit3A_442, %sign3A_457 : i32
        %sign3A_459 = arith.extui %sign3A_458 : i1 to i32
        %sign3A_460 = arith.subi %sign3A_456, %sign3A_459 : i32
        %ne3A_461 = vector.broadcast %sign3A_460 : i32 to vector<16xi32>
        %ne3A_462 = arith.cmpi ne, %sign3A_453, %ne3A_461 : vector<16xi32>
        %rem3A_463 = vector.broadcast %jit3A_442 : i32 to vector<16xi32>
        %rem3A_464 = arith.remsi %iota3A_441, %rem3A_463 : vector<16xi32>
        %ne3A_465 = arith.constant 0 : i32
        %ne3A_466 = vector.broadcast %ne3A_465 : i32 to vector<16xi32>
        %ne3A_467 = arith.cmpi ne, %rem3A_464, %ne3A_466 : vector<16xi32>
        %and3A_468 = arith.andi %ne3A_462, %ne3A_467 : vector<16xi1>
        %sub3A_469 = arith.constant 1 : i32
        %sub3A_470 = vector.broadcast %sub3A_469 : i32 to vector<16xi32>
        %sub3A_471 = arith.subi %div3A_444, %sub3A_470 : vector<16xi32>
        %select_n3A_472 = arith.select %and3A_468, %sub3A_471, %div3A_444 : vector<16xi1>, vector<16xi32>
        %get3A_473 = arith.index_cast %add3A_438 : i32 to index
        %get3A_474 = arith.constant 64 : index
        %get3A_475 = tpu.vector_load %arg11[%get3A_473, %get3A_474] {strides = array<i32>} : memref<128x80xf32, #tpu.memory_space<vmem>>, vector<16xf32>,
        %get3A_476 = arith.index_cast %add3A_438 : i32 to index
        %get3A_477 = arith.constant 0 : index
        %get3A_478 = tpu.vector_load %arg13[%get3A_476, %get3A_477] {strides = array<i32>} : memref<128x16xf32, #tpu.memory_space<vmem>>, vector<16xf32>,
        %add3A_479 = arith.addf %get3A_475, %get3A_478 : vector<16xf32>
        %mul3A_480 = arith.constant 2.000000e-01 : f32
        %mul3A_481 = vector.broadcast %mul3A_480 : f32 to vector<16xf32>
        %mul3A_482 = arith.mulf %mul3A_481, %add3A_479 : vector<16xf32>
        %max3A_483 = arith.maximumf %add3A_479, %mul3A_482 : vector<16xf32>
        %sub3A_484 = arith.subf %max3A_483, %get3A_440 : vector<16xf32>
        %exp3A_485 = math.exp %sub3A_484 : vector<16xf32>
        %add3A_486 = arith.constant 0 : i32
        %add3A_487 = vector.broadcast %add3A_486 : i32 to vector<16xi32>
        %add3A_488 = arith.addi %select_n3A_472, %add3A_487 : vector<16xi32>
        %broadcast_in_dim3A_489 = vector.shape_cast %add3A_488 : vector<16xi32> to vector<16x1xi32>
        %gather3A_490 = vector.shape_cast %broadcast_in_dim3A_489 : vector<16x1xi32> to vector<16xi32>
        %gather3A_491 = tpu.dynamic_gather %exp3A_485[%gather3A_490] in [0] : vector<16xf32>, vector<16xi32> -> vector<16xf32>
        %get3A_492 = arith.index_cast %add3A_438 : i32 to index
        %get3A_493 = arith.constant 0 : index
        %get3A_494 = tpu.vector_load %arg11[%get3A_492, %get3A_493] {strides = array<i32>} : memref<128x80xf32, #tpu.memory_space<vmem>>, vector<16xf32>,
        %mul3A_495 = arith.mulf %get3A_494, %gather3A_491 : vector<16xf32>
        %swap3A_496 = arith.index_cast %add3A_438 : i32 to index
        %swap3A_497 = arith.constant 0 : index
        %swap3A_498 = tpu.vector_load %arg19[%swap3A_496, %swap3A_497] {strides = array<i32>} : memref<128x80xf32, #tpu.memory_space<vmem>>, vector<16xf32>,
        tpu.vector_store %arg19[%swap3A_496, %swap3A_497], %mul3A_495 {strides = array<i32>} : memref<128x80xf32, #tpu.memory_space<vmem>>, vector<16xf32>,
        %add3A_499 = arith.constant 2 : i32
        %add3A_500 = vector.broadcast %add3A_499 : i32 to vector<16xi32>
        %add3A_501 = arith.addi %select_n3A_472, %add3A_500 : vector<16xi32>
        %broadcast_in_dim3A_502 = vector.shape_cast %add3A_501 : vector<16xi32> to vector<16x1xi32>
        %gather3A_503 = vector.shape_cast %broadcast_in_dim3A_502 : vector<16x1xi32> to vector<16xi32>
        %gather3A_504 = tpu.dynamic_gather %exp3A_485[%gather3A_503] in [0] : vector<16xf32>, vector<16xi32> -> vector<16xf32>
        %get3A_505 = arith.index_cast %add3A_438 : i32 to index
        %get3A_506 = arith.constant 16 : index
        %get3A_507 = tpu.vector_load %arg11[%get3A_505, %get3A_506] {strides = array<i32>} : memref<128x80xf32, #tpu.memory_space<vmem>>, vector<16xf32>,
        %mul3A_508 = arith.mulf %get3A_507, %gather3A_504 : vector<16xf32>
        %swap3A_509 = arith.index_cast %add3A_438 : i32 to index
        %swap3A_510 = arith.constant 16 : index
        %swap3A_511 = tpu.vector_load %arg19[%swap3A_509, %swap3A_510] {strides = array<i32>} : memref<128x80xf32, #tpu.memory_space<vmem>>, vector<16xf32>,
        tpu.vector_store %arg19[%swap3A_509, %swap3A_510], %mul3A_508 {strides = array<i32>} : memref<128x80xf32, #tpu.memory_space<vmem>>, vector<16xf32>,
        %add3A_512 = arith.constant 4 : i32
        %add3A_513 = vector.broadcast %add3A_512 : i32 to vector<16xi32>
        %add3A_514 = arith.addi %select_n3A_472, %add3A_513 : vector<16xi32>
        %broadcast_in_dim3A_515 = vector.shape_cast %add3A_514 : vector<16xi32> to vector<16x1xi32>
        %gather3A_516 = vector.shape_cast %broadcast_in_dim3A_515 : vector<16x1xi32> to vector<16xi32>
        %gather3A_517 = tpu.dynamic_gather %exp3A_485[%gather3A_516] in [0] : vector<16xf32>, vector<16xi32> -> vector<16xf32>
        %get3A_518 = arith.index_cast %add3A_438 : i32 to index
        %get3A_519 = arith.constant 32 : index
        %get3A_520 = tpu.vector_load %arg11[%get3A_518, %get3A_519] {strides = array<i32>} : memref<128x80xf32, #tpu.memory_space<vmem>>, vector<16xf32>,
        %mul3A_521 = arith.mulf %get3A_520, %gather3A_517 : vector<16xf32>
        %swap3A_522 = arith.index_cast %add3A_438 : i32 to index
        %swap3A_523 = arith.constant 32 : index
        %swap3A_524 = tpu.vector_load %arg19[%swap3A_522, %swap3A_523] {strides = array<i32>} : memref<128x80xf32, #tpu.memory_space<vmem>>, vector<16xf32>,
        tpu.vector_store %arg19[%swap3A_522, %swap3A_523], %mul3A_521 {strides = array<i32>} : memref<128x80xf32, #tpu.memory_space<vmem>>, vector<16xf32>,
        %add3A_525 = arith.constant 6 : i32
        %add3A_526 = vector.broadcast %add3A_525 : i32 to vector<16xi32>
        %add3A_527 = arith.addi %select_n3A_472, %add3A_526 : vector<16xi32>
        %broadcast_in_dim3A_528 = vector.shape_cast %add3A_527 : vector<16xi32> to vector<16x1xi32>
        %gather3A_529 = vector.shape_cast %broadcast_in_dim3A_528 : vector<16x1xi32> to vector<16xi32>
        %gather3A_530 = tpu.dynamic_gather %exp3A_485[%gather3A_529] in [0] : vector<16xf32>, vector<16xi32> -> vector<16xf32>
        %get3A_531 = arith.index_cast %add3A_438 : i32 to index
        %get3A_532 = arith.constant 48 : index
        %get3A_533 = tpu.vector_load %arg11[%get3A_531, %get3A_532] {strides = array<i32>} : memref<128x80xf32, #tpu.memory_space<vmem>>, vector<16xf32>,
        %mul3A_534 = arith.mulf %get3A_533, %gather3A_530 : vector<16xf32>
        %swap3A_535 = arith.index_cast %add3A_438 : i32 to index
        %swap3A_536 = arith.constant 48 : index
        %swap3A_537 = tpu.vector_load %arg19[%swap3A_535, %swap3A_536] {strides = array<i32>} : memref<128x80xf32, #tpu.memory_space<vmem>>, vector<16xf32>,
        tpu.vector_store %arg19[%swap3A_535, %swap3A_536], %mul3A_534 {strides = array<i32>} : memref<128x80xf32, #tpu.memory_space<vmem>>, vector<16xf32>,
        %swap3A_538 = arith.index_cast %add3A_438 : i32 to index
        %swap3A_539 = arith.constant 64 : index
        %swap3A_540 = tpu.vector_load %arg19[%swap3A_538, %swap3A_539] {strides = array<i32>} : memref<128x80xf32, #tpu.memory_space<vmem>>, vector<16xf32>,
        tpu.vector_store %arg19[%swap3A_538, %swap3A_539], %exp3A_485 {strides = array<i32>} : memref<128x80xf32, #tpu.memory_space<vmem>>, vector<16xf32>,
        %mul3A_541 = arith.constant 4 : i32
        %mul3A_542 = arith.muli %mul3A_541, %scan3A_237 : i32
        %add3A_543 = arith.constant 3 : i32
        %add3A_544 = arith.addi %mul3A_542, %add3A_543 : i32
        %get3A_545 = arith.constant 0 : index
        %get3A_546 = tpu.vector_load %arg22[%get3A_545] {strides = array<i32>} : memref<16xf32, #tpu.memory_space<vmem>>, vector<16xf32>,
        %iota3A_547 = tpu.iota {dimensions = array<i32: 0>} : vector<16xi32>
        %jit3A_548 = arith.constant 8 : i32
        %div3A_549 = vector.broadcast %jit3A_548 : i32 to vector<16xi32>
        %div3A_550 = arith.divsi %iota3A_547, %div3A_549 : vector<16xi32>
        %sign3A_551 = arith.constant 0 : i32
        %sign3A_552 = vector.broadcast %sign3A_551 : i32 to vector<16xi32>
        %sign3A_553 = arith.cmpi sgt, %iota3A_547, %sign3A_552 : vector<16xi32>
        %sign3A_554 = arith.extui %sign3A_553 : vector<16xi1> to vector<16xi32>
        %sign3A_555 = arith.constant 0 : i32
        %sign3A_556 = vector.broadcast %sign3A_555 : i32 to vector<16xi32>
        %sign3A_557 = arith.cmpi slt, %iota3A_547, %sign3A_556 : vector<16xi32>
        %sign3A_558 = arith.extui %sign3A_557 : vector<16xi1> to vector<16xi32>
        %sign3A_559 = arith.subi %sign3A_554, %sign3A_558 : vector<16xi32>
        %sign3A_560 = arith.constant 0 : i32
        %sign3A_561 = arith.cmpi sgt, %jit3A_548, %sign3A_560 : i32
        %sign3A_562 = arith.extui %sign3A_561 : i1 to i32
        %sign3A_563 = arith.constant 0 : i32
        %sign3A_564 = arith.cmpi slt, %jit3A_548, %sign3A_563 : i32
        %sign3A_565 = arith.extui %sign3A_564 : i1 to i32
        %sign3A_566 = arith.subi %sign3A_562, %sign3A_565 : i32
        %ne3A_567 = vector.broadcast %sign3A_566 : i32 to vector<16xi32>
        %ne3A_568 = arith.cmpi ne, %sign3A_559, %ne3A_567 : vector<16xi32>
        %rem3A_569 = vector.broadcast %jit3A_548 : i32 to vector<16xi32>
        %rem3A_570 = arith.remsi %iota3A_547, %rem3A_569 : vector<16xi32>
        %ne3A_571 = arith.constant 0 : i32
        %ne3A_572 = vector.broadcast %ne3A_571 : i32 to vector<16xi32>
        %ne3A_573 = arith.cmpi ne, %rem3A_570, %ne3A_572 : vector<16xi32>
        %and3A_574 = arith.andi %ne3A_568, %ne3A_573 : vector<16xi1>
        %sub3A_575 = arith.constant 1 : i32
        %sub3A_576 = vector.broadcast %sub3A_575 : i32 to vector<16xi32>
        %sub3A_577 = arith.subi %div3A_550, %sub3A_576 : vector<16xi32>
        %select_n3A_578 = arith.select %and3A_574, %sub3A_577, %div3A_550 : vector<16xi1>, vector<16xi32>
        %get3A_579 = arith.index_cast %add3A_544 : i32 to index
        %get3A_580 = arith.constant 64 : index
        %get3A_581 = tpu.vector_load %arg11[%get3A_579, %get3A_580] {strides = array<i32>} : memref<128x80xf32, #tpu.memory_space<vmem>>, vector<16xf32>,
        %get3A_582 = arith.index_cast %add3A_544 : i32 to index
        %get3A_583 = arith.constant 0 : index
        %get3A_584 = tpu.vector_load %arg13[%get3A_582, %get3A_583] {strides = array<i32>} : memref<128x16xf32, #tpu.memory_space<vmem>>, vector<16xf32>,
        %add3A_585 = arith.addf %get3A_581, %get3A_584 : vector<16xf32>
        %mul3A_586 = arith.constant 2.000000e-01 : f32
        %mul3A_587 = vector.broadcast %mul3A_586 : f32 to vector<16xf32>
        %mul3A_588 = arith.mulf %mul3A_587, %add3A_585 : vector<16xf32>
        %max3A_589 = arith.maximumf %add3A_585, %mul3A_588 : vector<16xf32>
        %sub3A_590 = arith.subf %max3A_589, %get3A_546 : vector<16xf32>
        %exp3A_591 = math.exp %sub3A_590 : vector<16xf32>
        %add3A_592 = arith.constant 0 : i32
        %add3A_593 = vector.broadcast %add3A_592 : i32 to vector<16xi32>
        %add3A_594 = arith.addi %select_n3A_578, %add3A_593 : vector<16xi32>
        %broadcast_in_dim3A_595 = vector.shape_cast %add3A_594 : vector<16xi32> to vector<16x1xi32>
        %gather3A_596 = vector.shape_cast %broadcast_in_dim3A_595 : vector<16x1xi32> to vector<16xi32>
        %gather3A_597 = tpu.dynamic_gather %exp3A_591[%gather3A_596] in [0] : vector<16xf32>, vector<16xi32> -> vector<16xf32>
        %get3A_598 = arith.index_cast %add3A_544 : i32 to index
        %get3A_599 = arith.constant 0 : index
        %get3A_600 = tpu.vector_load %arg11[%get3A_598, %get3A_599] {strides = array<i32>} : memref<128x80xf32, #tpu.memory_space<vmem>>, vector<16xf32>,
        %mul3A_601 = arith.mulf %get3A_600, %gather3A_597 : vector<16xf32>
        %swap3A_602 = arith.index_cast %add3A_544 : i32 to index
        %swap3A_603 = arith.constant 0 : index
        %swap3A_604 = tpu.vector_load %arg19[%swap3A_602, %swap3A_603] {strides = array<i32>} : memref<128x80xf32, #tpu.memory_space<vmem>>, vector<16xf32>,
        tpu.vector_store %arg19[%swap3A_602, %swap3A_603], %mul3A_601 {strides = array<i32>} : memref<128x80xf32, #tpu.memory_space<vmem>>, vector<16xf32>,
        %add3A_605 = arith.constant 2 : i32
        %add3A_606 = vector.broadcast %add3A_605 : i32 to vector<16xi32>
        %add3A_607 = arith.addi %select_n3A_578, %add3A_606 : vector<16xi32>
        %broadcast_in_dim3A_608 = vector.shape_cast %add3A_607 : vector<16xi32> to vector<16x1xi32>
        %gather3A_609 = vector.shape_cast %broadcast_in_dim3A_608 : vector<16x1xi32> to vector<16xi32>
        %gather3A_610 = tpu.dynamic_gather %exp3A_591[%gather3A_609] in [0] : vector<16xf32>, vector<16xi32> -> vector<16xf32>
        %get3A_611 = arith.index_cast %add3A_544 : i32 to index
        %get3A_612 = arith.constant 16 : index
        %get3A_613 = tpu.vector_load %arg11[%get3A_611, %get3A_612] {strides = array<i32>} : memref<128x80xf32, #tpu.memory_space<vmem>>, vector<16xf32>,
        %mul3A_614 = arith.mulf %get3A_613, %gather3A_610 : vector<16xf32>
        %swap3A_615 = arith.index_cast %add3A_544 : i32 to index
        %swap3A_616 = arith.constant 16 : index
        %swap3A_617 = tpu.vector_load %arg19[%swap3A_615, %swap3A_616] {strides = array<i32>} : memref<128x80xf32, #tpu.memory_space<vmem>>, vector<16xf32>,
        tpu.vector_store %arg19[%swap3A_615, %swap3A_616], %mul3A_614 {strides = array<i32>} : memref<128x80xf32, #tpu.memory_space<vmem>>, vector<16xf32>,
        %add3A_618 = arith.constant 4 : i32
        %add3A_619 = vector.broadcast %add3A_618 : i32 to vector<16xi32>
        %add3A_620 = arith.addi %select_n3A_578, %add3A_619 : vector<16xi32>
        %broadcast_in_dim3A_621 = vector.shape_cast %add3A_620 : vector<16xi32> to vector<16x1xi32>
        %gather3A_622 = vector.shape_cast %broadcast_in_dim3A_621 : vector<16x1xi32> to vector<16xi32>
        %gather3A_623 = tpu.dynamic_gather %exp3A_591[%gather3A_622] in [0] : vector<16xf32>, vector<16xi32> -> vector<16xf32>
        %get3A_624 = arith.index_cast %add3A_544 : i32 to index
        %get3A_625 = arith.constant 32 : index
        %get3A_626 = tpu.vector_load %arg11[%get3A_624, %get3A_625] {strides = array<i32>} : memref<128x80xf32, #tpu.memory_space<vmem>>, vector<16xf32>,
        %mul3A_627 = arith.mulf %get3A_626, %gather3A_623 : vector<16xf32>
        %swap3A_628 = arith.index_cast %add3A_544 : i32 to index
        %swap3A_629 = arith.constant 32 : index
        %swap3A_630 = tpu.vector_load %arg19[%swap3A_628, %swap3A_629] {strides = array<i32>} : memref<128x80xf32, #tpu.memory_space<vmem>>, vector<16xf32>,
        tpu.vector_store %arg19[%swap3A_628, %swap3A_629], %mul3A_627 {strides = array<i32>} : memref<128x80xf32, #tpu.memory_space<vmem>>, vector<16xf32>,
        %add3A_631 = arith.constant 6 : i32
        %add3A_632 = vector.broadcast %add3A_631 : i32 to vector<16xi32>
        %add3A_633 = arith.addi %select_n3A_578, %add3A_632 : vector<16xi32>
        %broadcast_in_dim3A_634 = vector.shape_cast %add3A_633 : vector<16xi32> to vector<16x1xi32>
        %gather3A_635 = vector.shape_cast %broadcast_in_dim3A_634 : vector<16x1xi32> to vector<16xi32>
        %gather3A_636 = tpu.dynamic_gather %exp3A_591[%gather3A_635] in [0] : vector<16xf32>, vector<16xi32> -> vector<16xf32>
        %get3A_637 = arith.index_cast %add3A_544 : i32 to index
        %get3A_638 = arith.constant 48 : index
        %get3A_639 = tpu.vector_load %arg11[%get3A_637, %get3A_638] {strides = array<i32>} : memref<128x80xf32, #tpu.memory_space<vmem>>, vector<16xf32>,
        %mul3A_640 = arith.mulf %get3A_639, %gather3A_636 : vector<16xf32>
        %swap3A_641 = arith.index_cast %add3A_544 : i32 to index
        %swap3A_642 = arith.constant 48 : index
        %swap3A_643 = tpu.vector_load %arg19[%swap3A_641, %swap3A_642] {strides = array<i32>} : memref<128x80xf32, #tpu.memory_space<vmem>>, vector<16xf32>,
        tpu.vector_store %arg19[%swap3A_641, %swap3A_642], %mul3A_640 {strides = array<i32>} : memref<128x80xf32, #tpu.memory_space<vmem>>, vector<16xf32>,
        %swap3A_644 = arith.index_cast %add3A_544 : i32 to index
        %swap3A_645 = arith.constant 64 : index
        %swap3A_646 = tpu.vector_load %arg19[%swap3A_644, %swap3A_645] {strides = array<i32>} : memref<128x80xf32, #tpu.memory_space<vmem>>, vector<16xf32>,
        tpu.vector_store %arg19[%swap3A_644, %swap3A_645], %exp3A_591 {strides = array<i32>} : memref<128x80xf32, #tpu.memory_space<vmem>>, vector<16xf32>,
      }
      %scan3A_193 = arith.constant 32 : i32
      %dma_start3A_194 = arith.constant 0 : i32
      %dma_start3A_195 = arith.constant 0 : i32
      %dma_start3A_196 = tpu.memref_slice %arg23[%dma_start3A_194, %dma_start3A_195] : memref<10240x80xf32, #tpu.memory_space<vmem_shared>> -> memref<10240x80xf32, #tpu.memory_space<vmem_shared>>
      tpu.enqueue_indirect_dma source(%arg19 : memref<128x80xf32, #tpu.memory_space<vmem>>) target(%dma_start3A_196 : memref<10240x80xf32, #tpu.memory_space<vmem_shared>>) offsets(%arg17 : memref<128xi32, #tpu.memory_space<vmem>>) semaphore(%arg26 : memref<!tpu.dma_semaphore, #tpu.memory_space<semaphore_mem>>) {add = true}
      %convert_element_type3A_197 = arith.extui %not3A_166 : i1 to i32
      %cond3A_198 = arith.constant 0 : i32
      %cond3A_199 = arith.cmpi ne, %convert_element_type3A_197, %cond3A_198 : i32
      scf.if %cond3A_199 {
        %add3A_237 = arith.constant 2 : i32
        %add3A_238 = arith.addi %add3A_165, %add3A_237 : i32
        %dma_start3A_239 = arith.constant 0 : i32
        %dma_start3A_240 = tpu.memref_slice %arg9[%add3A_238, %dma_start3A_239] : memref<80x128xi32, #tpu.memory_space<vmem>> -> memref<1x128xi32, #tpu.memory_space<vmem>>
        %dma_start3A_241 = tpu.memref_squeeze %dma_start3A_240 : memref<1x128xi32, #tpu.memory_space<vmem>> -> memref<128xi32, #tpu.memory_space<vmem>>
        %dma_start3A_242 = arith.constant 0 : i32
        %dma_start3A_243 = arith.constant 0 : i32
        %dma_start3A_244 = tpu.memref_slice %arg2[%dma_start3A_242, %dma_start3A_243] : memref<10240x80xf32, #tpu.memory_space<hbm>> -> memref<10240x80xf32, #tpu.memory_space<hbm>>
        tpu.enqueue_indirect_dma source(%dma_start3A_244 : memref<10240x80xf32, #tpu.memory_space<hbm>>) target(%arg11 : memref<128x80xf32, #tpu.memory_space<vmem>>) offsets(%dma_start3A_241 : memref<128xi32, #tpu.memory_space<vmem>>) semaphore(%arg24 : memref<!tpu.dma_semaphore, #tpu.memory_space<semaphore_mem>>)
        %dma_start3A_245 = arith.constant 0 : i32
        %dma_start3A_246 = tpu.memref_slice %arg10[%add3A_238, %dma_start3A_245] : memref<80x128xi32, #tpu.memory_space<vmem>> -> memref<1x128xi32, #tpu.memory_space<vmem>>
        %dma_start3A_247 = tpu.memref_squeeze %dma_start3A_246 : memref<1x128xi32, #tpu.memory_space<vmem>> -> memref<128xi32, #tpu.memory_space<vmem>>
        %dma_start3A_248 = arith.constant 0 : i32
        %dma_start3A_249 = arith.constant 0 : i32
        %dma_start3A_250 = tpu.memref_slice %arg3[%dma_start3A_248, %dma_start3A_249] : memref<10240x16xf32, #tpu.memory_space<hbm>> -> memref<10240x16xf32, #tpu.memory_space<hbm>>
        tpu.enqueue_indirect_dma source(%dma_start3A_250 : memref<10240x16xf32, #tpu.memory_space<hbm>>) target(%arg13 : memref<128x16xf32, #tpu.memory_space<vmem>>) offsets(%dma_start3A_247 : memref<128xi32, #tpu.memory_space<vmem>>) semaphore(%arg24 : memref<!tpu.dma_semaphore, #tpu.memory_space<semaphore_mem>>)
        %dma_start3A_251 = arith.constant 0 : i32
        %dma_start3A_252 = tpu.memref_slice %arg5[%add3A, %add3A_238, %dma_start3A_251] : memref<32x80x128xi32, #tpu.memory_space<hbm>> -> memref<1x1x128xi32, #tpu.memory_space<hbm>>
        %dma_start3A_253 = tpu.memref_squeeze %dma_start3A_252 : memref<1x1x128xi32, #tpu.memory_space<hbm>> -> memref<128xi32, #tpu.memory_space<hbm>>
        %dma_start3A_254 = arith.constant 0 : i32
        %dma_start3A_255 = tpu.memref_slice %arg5[%add3A, %add3A_238, %dma_start3A_254] : memref<32x80x128xi32, #tpu.memory_space<hbm>> -> memref<1x1x128xi32, #tpu.memory_space<hbm>>
        %dma_start3A_256 = tpu.memref_squeeze %dma_start3A_255 : memref<1x1x128xi32, #tpu.memory_space<hbm>> -> memref<128xi32, #tpu.memory_space<hbm>>
        tpu.enqueue_dma source(%dma_start3A_256 : memref<128xi32, #tpu.memory_space<hbm>>) target(%arg15 : memref<128xi32, #tpu.memory_space<vmem>>) target_semaphore(%arg24 : memref<!tpu.dma_semaphore, #tpu.memory_space<semaphore_mem>>)
      } else {
      }
      %add3A_200 = arith.constant 3 : i32
      %add3A_201 = arith.addi %mul3A_57, %add3A_200 : i32
      %not3A_202 = arith.constant true
      %not3A_203 = arith.xori %ge3A_58, %not3A_202 : i1
      %dma_wait3A_204 = arith.constant 0 : i32
      %dma_wait3A_205 = tpu.memref_slice %arg9[%add3A_201, %dma_wait3A_204] : memref<80x128xi32, #tpu.memory_space<vmem>> -> memref<1x128xi32, #tpu.memory_space<vmem>>
      %dma_wait3A_206 = tpu.memref_squeeze %dma_wait3A_205 : memref<1x128xi32, #tpu.memory_space<vmem>> -> memref<128xi32, #tpu.memory_space<vmem>>
      %dma_wait3A_207 = arith.constant 0 : i32
      %dma_wait3A_208 = arith.constant 0 : i32
      %dma_wait3A_209 = tpu.memref_slice %arg2[%dma_wait3A_207, %dma_wait3A_208] : memref<10240x80xf32, #tpu.memory_space<hbm>> -> memref<10240x80xf32, #tpu.memory_space<hbm>>
      tpu.wait_indirect_dma semaphore(%arg25 : memref<!tpu.dma_semaphore, #tpu.memory_space<semaphore_mem>>) src(%dma_wait3A_209 : memref<10240x80xf32, #tpu.memory_space<hbm>>) dst(%arg12 : memref<128x80xf32, #tpu.memory_space<vmem>>)
      %dma_wait3A_210 = arith.constant 0 : i32
      %dma_wait3A_211 = tpu.memref_slice %arg10[%add3A_201, %dma_wait3A_210] : memref<80x128xi32, #tpu.memory_space<vmem>> -> memref<1x128xi32, #tpu.memory_space<vmem>>
      %dma_wait3A_212 = tpu.memref_squeeze %dma_wait3A_211 : memref<1x128xi32, #tpu.memory_space<vmem>> -> memref<128xi32, #tpu.memory_space<vmem>>
      %dma_wait3A_213 = arith.constant 0 : i32
      %dma_wait3A_214 = arith.constant 0 : i32
      %dma_wait3A_215 = tpu.memref_slice %arg3[%dma_wait3A_213, %dma_wait3A_214] : memref<10240x16xf32, #tpu.memory_space<hbm>> -> memref<10240x16xf32, #tpu.memory_space<hbm>>
      tpu.wait_indirect_dma semaphore(%arg25 : memref<!tpu.dma_semaphore, #tpu.memory_space<semaphore_mem>>) src(%dma_wait3A_215 : memref<10240x16xf32, #tpu.memory_space<hbm>>) dst(%arg14 : memref<128x16xf32, #tpu.memory_space<vmem>>)
      %dma_wait3A_216 = arith.constant 0 : i32
      %dma_wait3A_217 = tpu.memref_slice %arg5[%add3A, %add3A_201, %dma_wait3A_216] : memref<32x80x128xi32, #tpu.memory_space<hbm>> -> memref<1x1x128xi32, #tpu.memory_space<hbm>>
      %dma_wait3A_218 = tpu.memref_squeeze %dma_wait3A_217 : memref<1x1x128xi32, #tpu.memory_space<hbm>> -> memref<128xi32, #tpu.memory_space<hbm>>
      %dma_wait3A_219 = arith.constant 0 : i32
      %dma_wait3A_220 = tpu.memref_slice %arg5[%add3A, %add3A_201, %dma_wait3A_219] : memref<32x80x128xi32, #tpu.memory_space<hbm>> -> memref<1x1x128xi32, #tpu.memory_space<hbm>>
      %dma_wait3A_221 = tpu.memref_squeeze %dma_wait3A_220 : memref<1x1x128xi32, #tpu.memory_space<hbm>> -> memref<128xi32, #tpu.memory_space<hbm>>
      tpu.wait_dma2 semaphore(%arg25 : memref<!tpu.dma_semaphore, #tpu.memory_space<semaphore_mem>>) src(%dma_wait3A_221 : memref<128xi32, #tpu.memory_space<hbm>>) dst(%arg18 : memref<128xi32, #tpu.memory_space<vmem>>)
      %dma_wait3A_222 = arith.constant 0 : i32
      %dma_wait3A_223 = arith.constant 0 : i32
      %dma_wait3A_224 = tpu.memref_slice %arg23[%dma_wait3A_222, %dma_wait3A_223] : memref<10240x80xf32, #tpu.memory_space<vmem_shared>> -> memref<10240x80xf32, #tpu.memory_space<vmem_shared>>
      tpu.wait_indirect_dma semaphore(%arg27 : memref<!tpu.dma_semaphore, #tpu.memory_space<semaphore_mem>>) src(%arg20 : memref<128x80xf32, #tpu.memory_space<vmem>>) dst(%dma_wait3A_224 : memref<10240x80xf32, #tpu.memory_space<vmem_shared>>)
      %scan3A_225 = arith.constant 0 : i32
      %scan3A_226 = arith.constant 0 : i32
      %scan3A_227 = arith.constant 32 : i32
      %scan3A_228 = arith.addi %scan3A_226, %scan3A_227 : i32
      %scan3A_229 = arith.constant 1 : i32
      scf.for %scan3A_237 = %scan3A_226 to %scan3A_228 step %scan3A_229  : i32 {
        %mul3A_238 = arith.constant 4 : i32
        %mul3A_239 = arith.muli %mul3A_238, %scan3A_237 : i32
        %add3A_240 = arith.constant 0 : i32
        %add3A_241 = arith.addi %mul3A_239, %add3A_240 : i32
        %get3A = arith.constant 0 : index
        %get3A_242 = tpu.vector_load %arg22[%get3A] {strides = array<i32>} : memref<16xf32, #tpu.memory_space<vmem>>, vector<16xf32>,
        %iota3A = tpu.iota {dimensions = array<i32: 0>} : vector<16xi32>
        %jit3A = arith.constant 8 : i32
        %div3A = vector.broadcast %jit3A : i32 to vector<16xi32>
        %div3A_243 = arith.divsi %iota3A, %div3A : vector<16xi32>
        %sign3A = arith.constant 0 : i32
        %sign3A_244 = vector.broadcast %sign3A : i32 to vector<16xi32>
        %sign3A_245 = arith.cmpi sgt, %iota3A, %sign3A_244 : vector<16xi32>
        %sign3A_246 = arith.extui %sign3A_245 : vector<16xi1> to vector<16xi32>
        %sign3A_247 = arith.constant 0 : i32
        %sign3A_248 = vector.broadcast %sign3A_247 : i32 to vector<16xi32>
        %sign3A_249 = arith.cmpi slt, %iota3A, %sign3A_248 : vector<16xi32>
        %sign3A_250 = arith.extui %sign3A_249 : vector<16xi1> to vector<16xi32>
        %sign3A_251 = arith.subi %sign3A_246, %sign3A_250 : vector<16xi32>
        %sign3A_252 = arith.constant 0 : i32
        %sign3A_253 = arith.cmpi sgt, %jit3A, %sign3A_252 : i32
        %sign3A_254 = arith.extui %sign3A_253 : i1 to i32
        %sign3A_255 = arith.constant 0 : i32
        %sign3A_256 = arith.cmpi slt, %jit3A, %sign3A_255 : i32
        %sign3A_257 = arith.extui %sign3A_256 : i1 to i32
        %sign3A_258 = arith.subi %sign3A_254, %sign3A_257 : i32
        %ne3A = vector.broadcast %sign3A_258 : i32 to vector<16xi32>
        %ne3A_259 = arith.cmpi ne, %sign3A_251, %ne3A : vector<16xi32>
        %rem3A = vector.broadcast %jit3A : i32 to vector<16xi32>
        %rem3A_260 = arith.remsi %iota3A, %rem3A : vector<16xi32>
        %ne3A_261 = arith.constant 0 : i32
        %ne3A_262 = vector.broadcast %ne3A_261 : i32 to vector<16xi32>
        %ne3A_263 = arith.cmpi ne, %rem3A_260, %ne3A_262 : vector<16xi32>
        %and3A = arith.andi %ne3A_259, %ne3A_263 : vector<16xi1>
        %sub3A = arith.constant 1 : i32
        %sub3A_264 = vector.broadcast %sub3A : i32 to vector<16xi32>
        %sub3A_265 = arith.subi %div3A_243, %sub3A_264 : vector<16xi32>
        %select_n3A = arith.select %and3A, %sub3A_265, %div3A_243 : vector<16xi1>, vector<16xi32>
        %get3A_266 = arith.index_cast %add3A_241 : i32 to index
        %get3A_267 = arith.constant 64 : index
        %get3A_268 = tpu.vector_load %arg12[%get3A_266, %get3A_267] {strides = array<i32>} : memref<128x80xf32, #tpu.memory_space<vmem>>, vector<16xf32>,
        %get3A_269 = arith.index_cast %add3A_241 : i32 to index
        %get3A_270 = arith.constant 0 : index
        %get3A_271 = tpu.vector_load %arg14[%get3A_269, %get3A_270] {strides = array<i32>} : memref<128x16xf32, #tpu.memory_space<vmem>>, vector<16xf32>,
        %add3A_272 = arith.addf %get3A_268, %get3A_271 : vector<16xf32>
        %mul3A_273 = arith.constant 2.000000e-01 : f32
        %mul3A_274 = vector.broadcast %mul3A_273 : f32 to vector<16xf32>
        %mul3A_275 = arith.mulf %mul3A_274, %add3A_272 : vector<16xf32>
        %max3A = arith.maximumf %add3A_272, %mul3A_275 : vector<16xf32>
        %sub3A_276 = arith.subf %max3A, %get3A_242 : vector<16xf32>
        %exp3A = math.exp %sub3A_276 : vector<16xf32>
        %add3A_277 = arith.constant 0 : i32
        %add3A_278 = vector.broadcast %add3A_277 : i32 to vector<16xi32>
        %add3A_279 = arith.addi %select_n3A, %add3A_278 : vector<16xi32>
        %broadcast_in_dim3A = vector.shape_cast %add3A_279 : vector<16xi32> to vector<16x1xi32>
        %gather3A = vector.shape_cast %broadcast_in_dim3A : vector<16x1xi32> to vector<16xi32>
        %gather3A_280 = tpu.dynamic_gather %exp3A[%gather3A] in [0] : vector<16xf32>, vector<16xi32> -> vector<16xf32>
        %get3A_281 = arith.index_cast %add3A_241 : i32 to index
        %get3A_282 = arith.constant 0 : index
        %get3A_283 = tpu.vector_load %arg12[%get3A_281, %get3A_282] {strides = array<i32>} : memref<128x80xf32, #tpu.memory_space<vmem>>, vector<16xf32>,
        %mul3A_284 = arith.mulf %get3A_283, %gather3A_280 : vector<16xf32>
        %swap3A = arith.index_cast %add3A_241 : i32 to index
        %swap3A_285 = arith.constant 0 : index
        %swap3A_286 = tpu.vector_load %arg20[%swap3A, %swap3A_285] {strides = array<i32>} : memref<128x80xf32, #tpu.memory_space<vmem>>, vector<16xf32>,
        tpu.vector_store %arg20[%swap3A, %swap3A_285], %mul3A_284 {strides = array<i32>} : memref<128x80xf32, #tpu.memory_space<vmem>>, vector<16xf32>,
        %add3A_287 = arith.constant 2 : i32
        %add3A_288 = vector.broadcast %add3A_287 : i32 to vector<16xi32>
        %add3A_289 = arith.addi %select_n3A, %add3A_288 : vector<16xi32>
        %broadcast_in_dim3A_290 = vector.shape_cast %add3A_289 : vector<16xi32> to vector<16x1xi32>
        %gather3A_291 = vector.shape_cast %broadcast_in_dim3A_290 : vector<16x1xi32> to vector<16xi32>
        %gather3A_292 = tpu.dynamic_gather %exp3A[%gather3A_291] in [0] : vector<16xf32>, vector<16xi32> -> vector<16xf32>
        %get3A_293 = arith.index_cast %add3A_241 : i32 to index
        %get3A_294 = arith.constant 16 : index
        %get3A_295 = tpu.vector_load %arg12[%get3A_293, %get3A_294] {strides = array<i32>} : memref<128x80xf32, #tpu.memory_space<vmem>>, vector<16xf32>,
        %mul3A_296 = arith.mulf %get3A_295, %gather3A_292 : vector<16xf32>
        %swap3A_297 = arith.index_cast %add3A_241 : i32 to index
        %swap3A_298 = arith.constant 16 : index
        %swap3A_299 = tpu.vector_load %arg20[%swap3A_297, %swap3A_298] {strides = array<i32>} : memref<128x80xf32, #tpu.memory_space<vmem>>, vector<16xf32>,
        tpu.vector_store %arg20[%swap3A_297, %swap3A_298], %mul3A_296 {strides = array<i32>} : memref<128x80xf32, #tpu.memory_space<vmem>>, vector<16xf32>,
        %add3A_300 = arith.constant 4 : i32
        %add3A_301 = vector.broadcast %add3A_300 : i32 to vector<16xi32>
        %add3A_302 = arith.addi %select_n3A, %add3A_301 : vector<16xi32>
        %broadcast_in_dim3A_303 = vector.shape_cast %add3A_302 : vector<16xi32> to vector<16x1xi32>
        %gather3A_304 = vector.shape_cast %broadcast_in_dim3A_303 : vector<16x1xi32> to vector<16xi32>
        %gather3A_305 = tpu.dynamic_gather %exp3A[%gather3A_304] in [0] : vector<16xf32>, vector<16xi32> -> vector<16xf32>
        %get3A_306 = arith.index_cast %add3A_241 : i32 to index
        %get3A_307 = arith.constant 32 : index
        %get3A_308 = tpu.vector_load %arg12[%get3A_306, %get3A_307] {strides = array<i32>} : memref<128x80xf32, #tpu.memory_space<vmem>>, vector<16xf32>,
        %mul3A_309 = arith.mulf %get3A_308, %gather3A_305 : vector<16xf32>
        %swap3A_310 = arith.index_cast %add3A_241 : i32 to index
        %swap3A_311 = arith.constant 32 : index
        %swap3A_312 = tpu.vector_load %arg20[%swap3A_310, %swap3A_311] {strides = array<i32>} : memref<128x80xf32, #tpu.memory_space<vmem>>, vector<16xf32>,
        tpu.vector_store %arg20[%swap3A_310, %swap3A_311], %mul3A_309 {strides = array<i32>} : memref<128x80xf32, #tpu.memory_space<vmem>>, vector<16xf32>,
        %add3A_313 = arith.constant 6 : i32
        %add3A_314 = vector.broadcast %add3A_313 : i32 to vector<16xi32>
        %add3A_315 = arith.addi %select_n3A, %add3A_314 : vector<16xi32>
        %broadcast_in_dim3A_316 = vector.shape_cast %add3A_315 : vector<16xi32> to vector<16x1xi32>
        %gather3A_317 = vector.shape_cast %broadcast_in_dim3A_316 : vector<16x1xi32> to vector<16xi32>
        %gather3A_318 = tpu.dynamic_gather %exp3A[%gather3A_317] in [0] : vector<16xf32>, vector<16xi32> -> vector<16xf32>
        %get3A_319 = arith.index_cast %add3A_241 : i32 to index
        %get3A_320 = arith.constant 48 : index
        %get3A_321 = tpu.vector_load %arg12[%get3A_319, %get3A_320] {strides = array<i32>} : memref<128x80xf32, #tpu.memory_space<vmem>>, vector<16xf32>,
        %mul3A_322 = arith.mulf %get3A_321, %gather3A_318 : vector<16xf32>
        %swap3A_323 = arith.index_cast %add3A_241 : i32 to index
        %swap3A_324 = arith.constant 48 : index
        %swap3A_325 = tpu.vector_load %arg20[%swap3A_323, %swap3A_324] {strides = array<i32>} : memref<128x80xf32, #tpu.memory_space<vmem>>, vector<16xf32>,
        tpu.vector_store %arg20[%swap3A_323, %swap3A_324], %mul3A_322 {strides = array<i32>} : memref<128x80xf32, #tpu.memory_space<vmem>>, vector<16xf32>,
        %swap3A_326 = arith.index_cast %add3A_241 : i32 to index
        %swap3A_327 = arith.constant 64 : index
        %swap3A_328 = tpu.vector_load %arg20[%swap3A_326, %swap3A_327] {strides = array<i32>} : memref<128x80xf32, #tpu.memory_space<vmem>>, vector<16xf32>,
        tpu.vector_store %arg20[%swap3A_326, %swap3A_327], %exp3A {strides = array<i32>} : memref<128x80xf32, #tpu.memory_space<vmem>>, vector<16xf32>,
        %mul3A_329 = arith.constant 4 : i32
        %mul3A_330 = arith.muli %mul3A_329, %scan3A_237 : i32
        %add3A_331 = arith.constant 1 : i32
        %add3A_332 = arith.addi %mul3A_330, %add3A_331 : i32
        %get3A_333 = arith.constant 0 : index
        %get3A_334 = tpu.vector_load %arg22[%get3A_333] {strides = array<i32>} : memref<16xf32, #tpu.memory_space<vmem>>, vector<16xf32>,
        %iota3A_335 = tpu.iota {dimensions = array<i32: 0>} : vector<16xi32>
        %jit3A_336 = arith.constant 8 : i32
        %div3A_337 = vector.broadcast %jit3A_336 : i32 to vector<16xi32>
        %div3A_338 = arith.divsi %iota3A_335, %div3A_337 : vector<16xi32>
        %sign3A_339 = arith.constant 0 : i32
        %sign3A_340 = vector.broadcast %sign3A_339 : i32 to vector<16xi32>
        %sign3A_341 = arith.cmpi sgt, %iota3A_335, %sign3A_340 : vector<16xi32>
        %sign3A_342 = arith.extui %sign3A_341 : vector<16xi1> to vector<16xi32>
        %sign3A_343 = arith.constant 0 : i32
        %sign3A_344 = vector.broadcast %sign3A_343 : i32 to vector<16xi32>
        %sign3A_345 = arith.cmpi slt, %iota3A_335, %sign3A_344 : vector<16xi32>
        %sign3A_346 = arith.extui %sign3A_345 : vector<16xi1> to vector<16xi32>
        %sign3A_347 = arith.subi %sign3A_342, %sign3A_346 : vector<16xi32>
        %sign3A_348 = arith.constant 0 : i32
        %sign3A_349 = arith.cmpi sgt, %jit3A_336, %sign3A_348 : i32
        %sign3A_350 = arith.extui %sign3A_349 : i1 to i32
        %sign3A_351 = arith.constant 0 : i32
        %sign3A_352 = arith.cmpi slt, %jit3A_336, %sign3A_351 : i32
        %sign3A_353 = arith.extui %sign3A_352 : i1 to i32
        %sign3A_354 = arith.subi %sign3A_350, %sign3A_353 : i32
        %ne3A_355 = vector.broadcast %sign3A_354 : i32 to vector<16xi32>
        %ne3A_356 = arith.cmpi ne, %sign3A_347, %ne3A_355 : vector<16xi32>
        %rem3A_357 = vector.broadcast %jit3A_336 : i32 to vector<16xi32>
        %rem3A_358 = arith.remsi %iota3A_335, %rem3A_357 : vector<16xi32>
        %ne3A_359 = arith.constant 0 : i32
        %ne3A_360 = vector.broadcast %ne3A_359 : i32 to vector<16xi32>
        %ne3A_361 = arith.cmpi ne, %rem3A_358, %ne3A_360 : vector<16xi32>
        %and3A_362 = arith.andi %ne3A_356, %ne3A_361 : vector<16xi1>
        %sub3A_363 = arith.constant 1 : i32
        %sub3A_364 = vector.broadcast %sub3A_363 : i32 to vector<16xi32>
        %sub3A_365 = arith.subi %div3A_338, %sub3A_364 : vector<16xi32>
        %select_n3A_366 = arith.select %and3A_362, %sub3A_365, %div3A_338 : vector<16xi1>, vector<16xi32>
        %get3A_367 = arith.index_cast %add3A_332 : i32 to index
        %get3A_368 = arith.constant 64 : index
        %get3A_369 = tpu.vector_load %arg12[%get3A_367, %get3A_368] {strides = array<i32>} : memref<128x80xf32, #tpu.memory_space<vmem>>, vector<16xf32>,
        %get3A_370 = arith.index_cast %add3A_332 : i32 to index
        %get3A_371 = arith.constant 0 : index
        %get3A_372 = tpu.vector_load %arg14[%get3A_370, %get3A_371] {strides = array<i32>} : memref<128x16xf32, #tpu.memory_space<vmem>>, vector<16xf32>,
        %add3A_373 = arith.addf %get3A_369, %get3A_372 : vector<16xf32>
        %mul3A_374 = arith.constant 2.000000e-01 : f32
        %mul3A_375 = vector.broadcast %mul3A_374 : f32 to vector<16xf32>
        %mul3A_376 = arith.mulf %mul3A_375, %add3A_373 : vector<16xf32>
        %max3A_377 = arith.maximumf %add3A_373, %mul3A_376 : vector<16xf32>
        %sub3A_378 = arith.subf %max3A_377, %get3A_334 : vector<16xf32>
        %exp3A_379 = math.exp %sub3A_378 : vector<16xf32>
        %add3A_380 = arith.constant 0 : i32
        %add3A_381 = vector.broadcast %add3A_380 : i32 to vector<16xi32>
        %add3A_382 = arith.addi %select_n3A_366, %add3A_381 : vector<16xi32>
        %broadcast_in_dim3A_383 = vector.shape_cast %add3A_382 : vector<16xi32> to vector<16x1xi32>
        %gather3A_384 = vector.shape_cast %broadcast_in_dim3A_383 : vector<16x1xi32> to vector<16xi32>
        %gather3A_385 = tpu.dynamic_gather %exp3A_379[%gather3A_384] in [0] : vector<16xf32>, vector<16xi32> -> vector<16xf32>
        %get3A_386 = arith.index_cast %add3A_332 : i32 to index
        %get3A_387 = arith.constant 0 : index
        %get3A_388 = tpu.vector_load %arg12[%get3A_386, %get3A_387] {strides = array<i32>} : memref<128x80xf32, #tpu.memory_space<vmem>>, vector<16xf32>,
        %mul3A_389 = arith.mulf %get3A_388, %gather3A_385 : vector<16xf32>
        %swap3A_390 = arith.index_cast %add3A_332 : i32 to index
        %swap3A_391 = arith.constant 0 : index
        %swap3A_392 = tpu.vector_load %arg20[%swap3A_390, %swap3A_391] {strides = array<i32>} : memref<128x80xf32, #tpu.memory_space<vmem>>, vector<16xf32>,
        tpu.vector_store %arg20[%swap3A_390, %swap3A_391], %mul3A_389 {strides = array<i32>} : memref<128x80xf32, #tpu.memory_space<vmem>>, vector<16xf32>,
        %add3A_393 = arith.constant 2 : i32
        %add3A_394 = vector.broadcast %add3A_393 : i32 to vector<16xi32>
        %add3A_395 = arith.addi %select_n3A_366, %add3A_394 : vector<16xi32>
        %broadcast_in_dim3A_396 = vector.shape_cast %add3A_395 : vector<16xi32> to vector<16x1xi32>
        %gather3A_397 = vector.shape_cast %broadcast_in_dim3A_396 : vector<16x1xi32> to vector<16xi32>
        %gather3A_398 = tpu.dynamic_gather %exp3A_379[%gather3A_397] in [0] : vector<16xf32>, vector<16xi32> -> vector<16xf32>
        %get3A_399 = arith.index_cast %add3A_332 : i32 to index
        %get3A_400 = arith.constant 16 : index
        %get3A_401 = tpu.vector_load %arg12[%get3A_399, %get3A_400] {strides = array<i32>} : memref<128x80xf32, #tpu.memory_space<vmem>>, vector<16xf32>,
        %mul3A_402 = arith.mulf %get3A_401, %gather3A_398 : vector<16xf32>
        %swap3A_403 = arith.index_cast %add3A_332 : i32 to index
        %swap3A_404 = arith.constant 16 : index
        %swap3A_405 = tpu.vector_load %arg20[%swap3A_403, %swap3A_404] {strides = array<i32>} : memref<128x80xf32, #tpu.memory_space<vmem>>, vector<16xf32>,
        tpu.vector_store %arg20[%swap3A_403, %swap3A_404], %mul3A_402 {strides = array<i32>} : memref<128x80xf32, #tpu.memory_space<vmem>>, vector<16xf32>,
        %add3A_406 = arith.constant 4 : i32
        %add3A_407 = vector.broadcast %add3A_406 : i32 to vector<16xi32>
        %add3A_408 = arith.addi %select_n3A_366, %add3A_407 : vector<16xi32>
        %broadcast_in_dim3A_409 = vector.shape_cast %add3A_408 : vector<16xi32> to vector<16x1xi32>
        %gather3A_410 = vector.shape_cast %broadcast_in_dim3A_409 : vector<16x1xi32> to vector<16xi32>
        %gather3A_411 = tpu.dynamic_gather %exp3A_379[%gather3A_410] in [0] : vector<16xf32>, vector<16xi32> -> vector<16xf32>
        %get3A_412 = arith.index_cast %add3A_332 : i32 to index
        %get3A_413 = arith.constant 32 : index
        %get3A_414 = tpu.vector_load %arg12[%get3A_412, %get3A_413] {strides = array<i32>} : memref<128x80xf32, #tpu.memory_space<vmem>>, vector<16xf32>,
        %mul3A_415 = arith.mulf %get3A_414, %gather3A_411 : vector<16xf32>
        %swap3A_416 = arith.index_cast %add3A_332 : i32 to index
        %swap3A_417 = arith.constant 32 : index
        %swap3A_418 = tpu.vector_load %arg20[%swap3A_416, %swap3A_417] {strides = array<i32>} : memref<128x80xf32, #tpu.memory_space<vmem>>, vector<16xf32>,
        tpu.vector_store %arg20[%swap3A_416, %swap3A_417], %mul3A_415 {strides = array<i32>} : memref<128x80xf32, #tpu.memory_space<vmem>>, vector<16xf32>,
        %add3A_419 = arith.constant 6 : i32
        %add3A_420 = vector.broadcast %add3A_419 : i32 to vector<16xi32>
        %add3A_421 = arith.addi %select_n3A_366, %add3A_420 : vector<16xi32>
        %broadcast_in_dim3A_422 = vector.shape_cast %add3A_421 : vector<16xi32> to vector<16x1xi32>
        %gather3A_423 = vector.shape_cast %broadcast_in_dim3A_422 : vector<16x1xi32> to vector<16xi32>
        %gather3A_424 = tpu.dynamic_gather %exp3A_379[%gather3A_423] in [0] : vector<16xf32>, vector<16xi32> -> vector<16xf32>
        %get3A_425 = arith.index_cast %add3A_332 : i32 to index
        %get3A_426 = arith.constant 48 : index
        %get3A_427 = tpu.vector_load %arg12[%get3A_425, %get3A_426] {strides = array<i32>} : memref<128x80xf32, #tpu.memory_space<vmem>>, vector<16xf32>,
        %mul3A_428 = arith.mulf %get3A_427, %gather3A_424 : vector<16xf32>
        %swap3A_429 = arith.index_cast %add3A_332 : i32 to index
        %swap3A_430 = arith.constant 48 : index
        %swap3A_431 = tpu.vector_load %arg20[%swap3A_429, %swap3A_430] {strides = array<i32>} : memref<128x80xf32, #tpu.memory_space<vmem>>, vector<16xf32>,
        tpu.vector_store %arg20[%swap3A_429, %swap3A_430], %mul3A_428 {strides = array<i32>} : memref<128x80xf32, #tpu.memory_space<vmem>>, vector<16xf32>,
        %swap3A_432 = arith.index_cast %add3A_332 : i32 to index
        %swap3A_433 = arith.constant 64 : index
        %swap3A_434 = tpu.vector_load %arg20[%swap3A_432, %swap3A_433] {strides = array<i32>} : memref<128x80xf32, #tpu.memory_space<vmem>>, vector<16xf32>,
        tpu.vector_store %arg20[%swap3A_432, %swap3A_433], %exp3A_379 {strides = array<i32>} : memref<128x80xf32, #tpu.memory_space<vmem>>, vector<16xf32>,
        %mul3A_435 = arith.constant 4 : i32
        %mul3A_436 = arith.muli %mul3A_435, %scan3A_237 : i32
        %add3A_437 = arith.constant 2 : i32
        %add3A_438 = arith.addi %mul3A_436, %add3A_437 : i32
        %get3A_439 = arith.constant 0 : index
        %get3A_440 = tpu.vector_load %arg22[%get3A_439] {strides = array<i32>} : memref<16xf32, #tpu.memory_space<vmem>>, vector<16xf32>,
        %iota3A_441 = tpu.iota {dimensions = array<i32: 0>} : vector<16xi32>
        %jit3A_442 = arith.constant 8 : i32
        %div3A_443 = vector.broadcast %jit3A_442 : i32 to vector<16xi32>
        %div3A_444 = arith.divsi %iota3A_441, %div3A_443 : vector<16xi32>
        %sign3A_445 = arith.constant 0 : i32
        %sign3A_446 = vector.broadcast %sign3A_445 : i32 to vector<16xi32>
        %sign3A_447 = arith.cmpi sgt, %iota3A_441, %sign3A_446 : vector<16xi32>
        %sign3A_448 = arith.extui %sign3A_447 : vector<16xi1> to vector<16xi32>
        %sign3A_449 = arith.constant 0 : i32
        %sign3A_450 = vector.broadcast %sign3A_449 : i32 to vector<16xi32>
        %sign3A_451 = arith.cmpi slt, %iota3A_441, %sign3A_450 : vector<16xi32>
        %sign3A_452 = arith.extui %sign3A_451 : vector<16xi1> to vector<16xi32>
        %sign3A_453 = arith.subi %sign3A_448, %sign3A_452 : vector<16xi32>
        %sign3A_454 = arith.constant 0 : i32
        %sign3A_455 = arith.cmpi sgt, %jit3A_442, %sign3A_454 : i32
        %sign3A_456 = arith.extui %sign3A_455 : i1 to i32
        %sign3A_457 = arith.constant 0 : i32
        %sign3A_458 = arith.cmpi slt, %jit3A_442, %sign3A_457 : i32
        %sign3A_459 = arith.extui %sign3A_458 : i1 to i32
        %sign3A_460 = arith.subi %sign3A_456, %sign3A_459 : i32
        %ne3A_461 = vector.broadcast %sign3A_460 : i32 to vector<16xi32>
        %ne3A_462 = arith.cmpi ne, %sign3A_453, %ne3A_461 : vector<16xi32>
        %rem3A_463 = vector.broadcast %jit3A_442 : i32 to vector<16xi32>
        %rem3A_464 = arith.remsi %iota3A_441, %rem3A_463 : vector<16xi32>
        %ne3A_465 = arith.constant 0 : i32
        %ne3A_466 = vector.broadcast %ne3A_465 : i32 to vector<16xi32>
        %ne3A_467 = arith.cmpi ne, %rem3A_464, %ne3A_466 : vector<16xi32>
        %and3A_468 = arith.andi %ne3A_462, %ne3A_467 : vector<16xi1>
        %sub3A_469 = arith.constant 1 : i32
        %sub3A_470 = vector.broadcast %sub3A_469 : i32 to vector<16xi32>
        %sub3A_471 = arith.subi %div3A_444, %sub3A_470 : vector<16xi32>
        %select_n3A_472 = arith.select %and3A_468, %sub3A_471, %div3A_444 : vector<16xi1>, vector<16xi32>
        %get3A_473 = arith.index_cast %add3A_438 : i32 to index
        %get3A_474 = arith.constant 64 : index
        %get3A_475 = tpu.vector_load %arg12[%get3A_473, %get3A_474] {strides = array<i32>} : memref<128x80xf32, #tpu.memory_space<vmem>>, vector<16xf32>,
        %get3A_476 = arith.index_cast %add3A_438 : i32 to index
        %get3A_477 = arith.constant 0 : index
        %get3A_478 = tpu.vector_load %arg14[%get3A_476, %get3A_477] {strides = array<i32>} : memref<128x16xf32, #tpu.memory_space<vmem>>, vector<16xf32>,
        %add3A_479 = arith.addf %get3A_475, %get3A_478 : vector<16xf32>
        %mul3A_480 = arith.constant 2.000000e-01 : f32
        %mul3A_481 = vector.broadcast %mul3A_480 : f32 to vector<16xf32>
        %mul3A_482 = arith.mulf %mul3A_481, %add3A_479 : vector<16xf32>
        %max3A_483 = arith.maximumf %add3A_479, %mul3A_482 : vector<16xf32>
        %sub3A_484 = arith.subf %max3A_483, %get3A_440 : vector<16xf32>
        %exp3A_485 = math.exp %sub3A_484 : vector<16xf32>
        %add3A_486 = arith.constant 0 : i32
        %add3A_487 = vector.broadcast %add3A_486 : i32 to vector<16xi32>
        %add3A_488 = arith.addi %select_n3A_472, %add3A_487 : vector<16xi32>
        %broadcast_in_dim3A_489 = vector.shape_cast %add3A_488 : vector<16xi32> to vector<16x1xi32>
        %gather3A_490 = vector.shape_cast %broadcast_in_dim3A_489 : vector<16x1xi32> to vector<16xi32>
        %gather3A_491 = tpu.dynamic_gather %exp3A_485[%gather3A_490] in [0] : vector<16xf32>, vector<16xi32> -> vector<16xf32>
        %get3A_492 = arith.index_cast %add3A_438 : i32 to index
        %get3A_493 = arith.constant 0 : index
        %get3A_494 = tpu.vector_load %arg12[%get3A_492, %get3A_493] {strides = array<i32>} : memref<128x80xf32, #tpu.memory_space<vmem>>, vector<16xf32>,
        %mul3A_495 = arith.mulf %get3A_494, %gather3A_491 : vector<16xf32>
        %swap3A_496 = arith.index_cast %add3A_438 : i32 to index
        %swap3A_497 = arith.constant 0 : index
        %swap3A_498 = tpu.vector_load %arg20[%swap3A_496, %swap3A_497] {strides = array<i32>} : memref<128x80xf32, #tpu.memory_space<vmem>>, vector<16xf32>,
        tpu.vector_store %arg20[%swap3A_496, %swap3A_497], %mul3A_495 {strides = array<i32>} : memref<128x80xf32, #tpu.memory_space<vmem>>, vector<16xf32>,
        %add3A_499 = arith.constant 2 : i32
        %add3A_500 = vector.broadcast %add3A_499 : i32 to vector<16xi32>
        %add3A_501 = arith.addi %select_n3A_472, %add3A_500 : vector<16xi32>
        %broadcast_in_dim3A_502 = vector.shape_cast %add3A_501 : vector<16xi32> to vector<16x1xi32>
        %gather3A_503 = vector.shape_cast %broadcast_in_dim3A_502 : vector<16x1xi32> to vector<16xi32>
        %gather3A_504 = tpu.dynamic_gather %exp3A_485[%gather3A_503] in [0] : vector<16xf32>, vector<16xi32> -> vector<16xf32>
        %get3A_505 = arith.index_cast %add3A_438 : i32 to index
        %get3A_506 = arith.constant 16 : index
        %get3A_507 = tpu.vector_load %arg12[%get3A_505, %get3A_506] {strides = array<i32>} : memref<128x80xf32, #tpu.memory_space<vmem>>, vector<16xf32>,
        %mul3A_508 = arith.mulf %get3A_507, %gather3A_504 : vector<16xf32>
        %swap3A_509 = arith.index_cast %add3A_438 : i32 to index
        %swap3A_510 = arith.constant 16 : index
        %swap3A_511 = tpu.vector_load %arg20[%swap3A_509, %swap3A_510] {strides = array<i32>} : memref<128x80xf32, #tpu.memory_space<vmem>>, vector<16xf32>,
        tpu.vector_store %arg20[%swap3A_509, %swap3A_510], %mul3A_508 {strides = array<i32>} : memref<128x80xf32, #tpu.memory_space<vmem>>, vector<16xf32>,
        %add3A_512 = arith.constant 4 : i32
        %add3A_513 = vector.broadcast %add3A_512 : i32 to vector<16xi32>
        %add3A_514 = arith.addi %select_n3A_472, %add3A_513 : vector<16xi32>
        %broadcast_in_dim3A_515 = vector.shape_cast %add3A_514 : vector<16xi32> to vector<16x1xi32>
        %gather3A_516 = vector.shape_cast %broadcast_in_dim3A_515 : vector<16x1xi32> to vector<16xi32>
        %gather3A_517 = tpu.dynamic_gather %exp3A_485[%gather3A_516] in [0] : vector<16xf32>, vector<16xi32> -> vector<16xf32>
        %get3A_518 = arith.index_cast %add3A_438 : i32 to index
        %get3A_519 = arith.constant 32 : index
        %get3A_520 = tpu.vector_load %arg12[%get3A_518, %get3A_519] {strides = array<i32>} : memref<128x80xf32, #tpu.memory_space<vmem>>, vector<16xf32>,
        %mul3A_521 = arith.mulf %get3A_520, %gather3A_517 : vector<16xf32>
        %swap3A_522 = arith.index_cast %add3A_438 : i32 to index
        %swap3A_523 = arith.constant 32 : index
        %swap3A_524 = tpu.vector_load %arg20[%swap3A_522, %swap3A_523] {strides = array<i32>} : memref<128x80xf32, #tpu.memory_space<vmem>>, vector<16xf32>,
        tpu.vector_store %arg20[%swap3A_522, %swap3A_523], %mul3A_521 {strides = array<i32>} : memref<128x80xf32, #tpu.memory_space<vmem>>, vector<16xf32>,
        %add3A_525 = arith.constant 6 : i32
        %add3A_526 = vector.broadcast %add3A_525 : i32 to vector<16xi32>
        %add3A_527 = arith.addi %select_n3A_472, %add3A_526 : vector<16xi32>
        %broadcast_in_dim3A_528 = vector.shape_cast %add3A_527 : vector<16xi32> to vector<16x1xi32>
        %gather3A_529 = vector.shape_cast %broadcast_in_dim3A_528 : vector<16x1xi32> to vector<16xi32>
        %gather3A_530 = tpu.dynamic_gather %exp3A_485[%gather3A_529] in [0] : vector<16xf32>, vector<16xi32> -> vector<16xf32>
        %get3A_531 = arith.index_cast %add3A_438 : i32 to index
        %get3A_532 = arith.constant 48 : index
        %get3A_533 = tpu.vector_load %arg12[%get3A_531, %get3A_532] {strides = array<i32>} : memref<128x80xf32, #tpu.memory_space<vmem>>, vector<16xf32>,
        %mul3A_534 = arith.mulf %get3A_533, %gather3A_530 : vector<16xf32>
        %swap3A_535 = arith.index_cast %add3A_438 : i32 to index
        %swap3A_536 = arith.constant 48 : index
        %swap3A_537 = tpu.vector_load %arg20[%swap3A_535, %swap3A_536] {strides = array<i32>} : memref<128x80xf32, #tpu.memory_space<vmem>>, vector<16xf32>,
        tpu.vector_store %arg20[%swap3A_535, %swap3A_536], %mul3A_534 {strides = array<i32>} : memref<128x80xf32, #tpu.memory_space<vmem>>, vector<16xf32>,
        %swap3A_538 = arith.index_cast %add3A_438 : i32 to index
        %swap3A_539 = arith.constant 64 : index
        %swap3A_540 = tpu.vector_load %arg20[%swap3A_538, %swap3A_539] {strides = array<i32>} : memref<128x80xf32, #tpu.memory_space<vmem>>, vector<16xf32>,
        tpu.vector_store %arg20[%swap3A_538, %swap3A_539], %exp3A_485 {strides = array<i32>} : memref<128x80xf32, #tpu.memory_space<vmem>>, vector<16xf32>,
        %mul3A_541 = arith.constant 4 : i32
        %mul3A_542 = arith.muli %mul3A_541, %scan3A_237 : i32
        %add3A_543 = arith.constant 3 : i32
        %add3A_544 = arith.addi %mul3A_542, %add3A_543 : i32
        %get3A_545 = arith.constant 0 : index
        %get3A_546 = tpu.vector_load %arg22[%get3A_545] {strides = array<i32>} : memref<16xf32, #tpu.memory_space<vmem>>, vector<16xf32>,
        %iota3A_547 = tpu.iota {dimensions = array<i32: 0>} : vector<16xi32>
        %jit3A_548 = arith.constant 8 : i32
        %div3A_549 = vector.broadcast %jit3A_548 : i32 to vector<16xi32>
        %div3A_550 = arith.divsi %iota3A_547, %div3A_549 : vector<16xi32>
        %sign3A_551 = arith.constant 0 : i32
        %sign3A_552 = vector.broadcast %sign3A_551 : i32 to vector<16xi32>
        %sign3A_553 = arith.cmpi sgt, %iota3A_547, %sign3A_552 : vector<16xi32>
        %sign3A_554 = arith.extui %sign3A_553 : vector<16xi1> to vector<16xi32>
        %sign3A_555 = arith.constant 0 : i32
        %sign3A_556 = vector.broadcast %sign3A_555 : i32 to vector<16xi32>
        %sign3A_557 = arith.cmpi slt, %iota3A_547, %sign3A_556 : vector<16xi32>
        %sign3A_558 = arith.extui %sign3A_557 : vector<16xi1> to vector<16xi32>
        %sign3A_559 = arith.subi %sign3A_554, %sign3A_558 : vector<16xi32>
        %sign3A_560 = arith.constant 0 : i32
        %sign3A_561 = arith.cmpi sgt, %jit3A_548, %sign3A_560 : i32
        %sign3A_562 = arith.extui %sign3A_561 : i1 to i32
        %sign3A_563 = arith.constant 0 : i32
        %sign3A_564 = arith.cmpi slt, %jit3A_548, %sign3A_563 : i32
        %sign3A_565 = arith.extui %sign3A_564 : i1 to i32
        %sign3A_566 = arith.subi %sign3A_562, %sign3A_565 : i32
        %ne3A_567 = vector.broadcast %sign3A_566 : i32 to vector<16xi32>
        %ne3A_568 = arith.cmpi ne, %sign3A_559, %ne3A_567 : vector<16xi32>
        %rem3A_569 = vector.broadcast %jit3A_548 : i32 to vector<16xi32>
        %rem3A_570 = arith.remsi %iota3A_547, %rem3A_569 : vector<16xi32>
        %ne3A_571 = arith.constant 0 : i32
        %ne3A_572 = vector.broadcast %ne3A_571 : i32 to vector<16xi32>
        %ne3A_573 = arith.cmpi ne, %rem3A_570, %ne3A_572 : vector<16xi32>
        %and3A_574 = arith.andi %ne3A_568, %ne3A_573 : vector<16xi1>
        %sub3A_575 = arith.constant 1 : i32
        %sub3A_576 = vector.broadcast %sub3A_575 : i32 to vector<16xi32>
        %sub3A_577 = arith.subi %div3A_550, %sub3A_576 : vector<16xi32>
        %select_n3A_578 = arith.select %and3A_574, %sub3A_577, %div3A_550 : vector<16xi1>, vector<16xi32>
        %get3A_579 = arith.index_cast %add3A_544 : i32 to index
        %get3A_580 = arith.constant 64 : index
        %get3A_581 = tpu.vector_load %arg12[%get3A_579, %get3A_580] {strides = array<i32>} : memref<128x80xf32, #tpu.memory_space<vmem>>, vector<16xf32>,
        %get3A_582 = arith.index_cast %add3A_544 : i32 to index
        %get3A_583 = arith.constant 0 : index
        %get3A_584 = tpu.vector_load %arg14[%get3A_582, %get3A_583] {strides = array<i32>} : memref<128x16xf32, #tpu.memory_space<vmem>>, vector<16xf32>,
        %add3A_585 = arith.addf %get3A_581, %get3A_584 : vector<16xf32>
        %mul3A_586 = arith.constant 2.000000e-01 : f32
        %mul3A_587 = vector.broadcast %mul3A_586 : f32 to vector<16xf32>
        %mul3A_588 = arith.mulf %mul3A_587, %add3A_585 : vector<16xf32>
        %max3A_589 = arith.maximumf %add3A_585, %mul3A_588 : vector<16xf32>
        %sub3A_590 = arith.subf %max3A_589, %get3A_546 : vector<16xf32>
        %exp3A_591 = math.exp %sub3A_590 : vector<16xf32>
        %add3A_592 = arith.constant 0 : i32
        %add3A_593 = vector.broadcast %add3A_592 : i32 to vector<16xi32>
        %add3A_594 = arith.addi %select_n3A_578, %add3A_593 : vector<16xi32>
        %broadcast_in_dim3A_595 = vector.shape_cast %add3A_594 : vector<16xi32> to vector<16x1xi32>
        %gather3A_596 = vector.shape_cast %broadcast_in_dim3A_595 : vector<16x1xi32> to vector<16xi32>
        %gather3A_597 = tpu.dynamic_gather %exp3A_591[%gather3A_596] in [0] : vector<16xf32>, vector<16xi32> -> vector<16xf32>
        %get3A_598 = arith.index_cast %add3A_544 : i32 to index
        %get3A_599 = arith.constant 0 : index
        %get3A_600 = tpu.vector_load %arg12[%get3A_598, %get3A_599] {strides = array<i32>} : memref<128x80xf32, #tpu.memory_space<vmem>>, vector<16xf32>,
        %mul3A_601 = arith.mulf %get3A_600, %gather3A_597 : vector<16xf32>
        %swap3A_602 = arith.index_cast %add3A_544 : i32 to index
        %swap3A_603 = arith.constant 0 : index
        %swap3A_604 = tpu.vector_load %arg20[%swap3A_602, %swap3A_603] {strides = array<i32>} : memref<128x80xf32, #tpu.memory_space<vmem>>, vector<16xf32>,
        tpu.vector_store %arg20[%swap3A_602, %swap3A_603], %mul3A_601 {strides = array<i32>} : memref<128x80xf32, #tpu.memory_space<vmem>>, vector<16xf32>,
        %add3A_605 = arith.constant 2 : i32
        %add3A_606 = vector.broadcast %add3A_605 : i32 to vector<16xi32>
        %add3A_607 = arith.addi %select_n3A_578, %add3A_606 : vector<16xi32>
        %broadcast_in_dim3A_608 = vector.shape_cast %add3A_607 : vector<16xi32> to vector<16x1xi32>
        %gather3A_609 = vector.shape_cast %broadcast_in_dim3A_608 : vector<16x1xi32> to vector<16xi32>
        %gather3A_610 = tpu.dynamic_gather %exp3A_591[%gather3A_609] in [0] : vector<16xf32>, vector<16xi32> -> vector<16xf32>
        %get3A_611 = arith.index_cast %add3A_544 : i32 to index
        %get3A_612 = arith.constant 16 : index
        %get3A_613 = tpu.vector_load %arg12[%get3A_611, %get3A_612] {strides = array<i32>} : memref<128x80xf32, #tpu.memory_space<vmem>>, vector<16xf32>,
        %mul3A_614 = arith.mulf %get3A_613, %gather3A_610 : vector<16xf32>
        %swap3A_615 = arith.index_cast %add3A_544 : i32 to index
        %swap3A_616 = arith.constant 16 : index
        %swap3A_617 = tpu.vector_load %arg20[%swap3A_615, %swap3A_616] {strides = array<i32>} : memref<128x80xf32, #tpu.memory_space<vmem>>, vector<16xf32>,
        tpu.vector_store %arg20[%swap3A_615, %swap3A_616], %mul3A_614 {strides = array<i32>} : memref<128x80xf32, #tpu.memory_space<vmem>>, vector<16xf32>,
        %add3A_618 = arith.constant 4 : i32
        %add3A_619 = vector.broadcast %add3A_618 : i32 to vector<16xi32>
        %add3A_620 = arith.addi %select_n3A_578, %add3A_619 : vector<16xi32>
        %broadcast_in_dim3A_621 = vector.shape_cast %add3A_620 : vector<16xi32> to vector<16x1xi32>
        %gather3A_622 = vector.shape_cast %broadcast_in_dim3A_621 : vector<16x1xi32> to vector<16xi32>
        %gather3A_623 = tpu.dynamic_gather %exp3A_591[%gather3A_622] in [0] : vector<16xf32>, vector<16xi32> -> vector<16xf32>
        %get3A_624 = arith.index_cast %add3A_544 : i32 to index
        %get3A_625 = arith.constant 32 : index
        %get3A_626 = tpu.vector_load %arg12[%get3A_624, %get3A_625] {strides = array<i32>} : memref<128x80xf32, #tpu.memory_space<vmem>>, vector<16xf32>,
        %mul3A_627 = arith.mulf %get3A_626, %gather3A_623 : vector<16xf32>
        %swap3A_628 = arith.index_cast %add3A_544 : i32 to index
        %swap3A_629 = arith.constant 32 : index
        %swap3A_630 = tpu.vector_load %arg20[%swap3A_628, %swap3A_629] {strides = array<i32>} : memref<128x80xf32, #tpu.memory_space<vmem>>, vector<16xf32>,
        tpu.vector_store %arg20[%swap3A_628, %swap3A_629], %mul3A_627 {strides = array<i32>} : memref<128x80xf32, #tpu.memory_space<vmem>>, vector<16xf32>,
        %add3A_631 = arith.constant 6 : i32
        %add3A_632 = vector.broadcast %add3A_631 : i32 to vector<16xi32>
        %add3A_633 = arith.addi %select_n3A_578, %add3A_632 : vector<16xi32>
        %broadcast_in_dim3A_634 = vector.shape_cast %add3A_633 : vector<16xi32> to vector<16x1xi32>
        %gather3A_635 = vector.shape_cast %broadcast_in_dim3A_634 : vector<16x1xi32> to vector<16xi32>
        %gather3A_636 = tpu.dynamic_gather %exp3A_591[%gather3A_635] in [0] : vector<16xf32>, vector<16xi32> -> vector<16xf32>
        %get3A_637 = arith.index_cast %add3A_544 : i32 to index
        %get3A_638 = arith.constant 48 : index
        %get3A_639 = tpu.vector_load %arg12[%get3A_637, %get3A_638] {strides = array<i32>} : memref<128x80xf32, #tpu.memory_space<vmem>>, vector<16xf32>,
        %mul3A_640 = arith.mulf %get3A_639, %gather3A_636 : vector<16xf32>
        %swap3A_641 = arith.index_cast %add3A_544 : i32 to index
        %swap3A_642 = arith.constant 48 : index
        %swap3A_643 = tpu.vector_load %arg20[%swap3A_641, %swap3A_642] {strides = array<i32>} : memref<128x80xf32, #tpu.memory_space<vmem>>, vector<16xf32>,
        tpu.vector_store %arg20[%swap3A_641, %swap3A_642], %mul3A_640 {strides = array<i32>} : memref<128x80xf32, #tpu.memory_space<vmem>>, vector<16xf32>,
        %swap3A_644 = arith.index_cast %add3A_544 : i32 to index
        %swap3A_645 = arith.constant 64 : index
        %swap3A_646 = tpu.vector_load %arg20[%swap3A_644, %swap3A_645] {strides = array<i32>} : memref<128x80xf32, #tpu.memory_space<vmem>>, vector<16xf32>,
        tpu.vector_store %arg20[%swap3A_644, %swap3A_645], %exp3A_591 {strides = array<i32>} : memref<128x80xf32, #tpu.memory_space<vmem>>, vector<16xf32>,
      }
      %scan3A_230 = arith.constant 32 : i32
      %dma_start3A_231 = arith.constant 0 : i32
      %dma_start3A_232 = arith.constant 0 : i32
      %dma_start3A_233 = tpu.memref_slice %arg23[%dma_start3A_231, %dma_start3A_232] : memref<10240x80xf32, #tpu.memory_space<vmem_shared>> -> memref<10240x80xf32, #tpu.memory_space<vmem_shared>>
      tpu.enqueue_indirect_dma source(%arg20 : memref<128x80xf32, #tpu.memory_space<vmem>>) target(%dma_start3A_233 : memref<10240x80xf32, #tpu.memory_space<vmem_shared>>) offsets(%arg18 : memref<128xi32, #tpu.memory_space<vmem>>) semaphore(%arg27 : memref<!tpu.dma_semaphore, #tpu.memory_space<semaphore_mem>>) {add = true}
      %convert_element_type3A_234 = arith.extui %not3A_203 : i1 to i32
      %cond3A_235 = arith.constant 0 : i32
      %cond3A_236 = arith.cmpi ne, %convert_element_type3A_234, %cond3A_235 : i32
      scf.if %cond3A_236 {
        %add3A_237 = arith.constant 2 : i32
        %add3A_238 = arith.addi %add3A_201, %add3A_237 : i32
        %dma_start3A_239 = arith.constant 0 : i32
        %dma_start3A_240 = tpu.memref_slice %arg9[%add3A_238, %dma_start3A_239] : memref<80x128xi32, #tpu.memory_space<vmem>> -> memref<1x128xi32, #tpu.memory_space<vmem>>
        %dma_start3A_241 = tpu.memref_squeeze %dma_start3A_240 : memref<1x128xi32, #tpu.memory_space<vmem>> -> memref<128xi32, #tpu.memory_space<vmem>>
        %dma_start3A_242 = arith.constant 0 : i32
        %dma_start3A_243 = arith.constant 0 : i32
        %dma_start3A_244 = tpu.memref_slice %arg2[%dma_start3A_242, %dma_start3A_243] : memref<10240x80xf32, #tpu.memory_space<hbm>> -> memref<10240x80xf32, #tpu.memory_space<hbm>>
        tpu.enqueue_indirect_dma source(%dma_start3A_244 : memref<10240x80xf32, #tpu.memory_space<hbm>>) target(%arg12 : memref<128x80xf32, #tpu.memory_space<vmem>>) offsets(%dma_start3A_241 : memref<128xi32, #tpu.memory_space<vmem>>) semaphore(%arg25 : memref<!tpu.dma_semaphore, #tpu.memory_space<semaphore_mem>>)
        %dma_start3A_245 = arith.constant 0 : i32
        %dma_start3A_246 = tpu.memref_slice %arg10[%add3A_238, %dma_start3A_245] : memref<80x128xi32, #tpu.memory_space<vmem>> -> memref<1x128xi32, #tpu.memory_space<vmem>>
        %dma_start3A_247 = tpu.memref_squeeze %dma_start3A_246 : memref<1x128xi32, #tpu.memory_space<vmem>> -> memref<128xi32, #tpu.memory_space<vmem>>
        %dma_start3A_248 = arith.constant 0 : i32
        %dma_start3A_249 = arith.constant 0 : i32
        %dma_start3A_250 = tpu.memref_slice %arg3[%dma_start3A_248, %dma_start3A_249] : memref<10240x16xf32, #tpu.memory_space<hbm>> -> memref<10240x16xf32, #tpu.memory_space<hbm>>
        tpu.enqueue_indirect_dma source(%dma_start3A_250 : memref<10240x16xf32, #tpu.memory_space<hbm>>) target(%arg14 : memref<128x16xf32, #tpu.memory_space<vmem>>) offsets(%dma_start3A_247 : memref<128xi32, #tpu.memory_space<vmem>>) semaphore(%arg25 : memref<!tpu.dma_semaphore, #tpu.memory_space<semaphore_mem>>)
        %dma_start3A_251 = arith.constant 0 : i32
        %dma_start3A_252 = tpu.memref_slice %arg5[%add3A, %add3A_238, %dma_start3A_251] : memref<32x80x128xi32, #tpu.memory_space<hbm>> -> memref<1x1x128xi32, #tpu.memory_space<hbm>>
        %dma_start3A_253 = tpu.memref_squeeze %dma_start3A_252 : memref<1x1x128xi32, #tpu.memory_space<hbm>> -> memref<128xi32, #tpu.memory_space<hbm>>
        %dma_start3A_254 = arith.constant 0 : i32
        %dma_start3A_255 = tpu.memref_slice %arg5[%add3A, %add3A_238, %dma_start3A_254] : memref<32x80x128xi32, #tpu.memory_space<hbm>> -> memref<1x1x128xi32, #tpu.memory_space<hbm>>
        %dma_start3A_256 = tpu.memref_squeeze %dma_start3A_255 : memref<1x1x128xi32, #tpu.memory_space<hbm>> -> memref<128xi32, #tpu.memory_space<hbm>>
        tpu.enqueue_dma source(%dma_start3A_256 : memref<128xi32, #tpu.memory_space<hbm>>) target(%arg16 : memref<128xi32, #tpu.memory_space<vmem>>) target_semaphore(%arg25 : memref<!tpu.dma_semaphore, #tpu.memory_space<semaphore_mem>>)
      } else {
      }
    }
    %scan3A_48 = arith.constant 20 : i32
    %dma_wait3A = arith.constant 0 : i32
    %dma_wait3A_49 = arith.constant 0 : i32
    %dma_wait3A_50 = tpu.memref_slice %arg23[%dma_wait3A, %dma_wait3A_49] : memref<10240x80xf32, #tpu.memory_space<vmem_shared>> -> memref<10240x80xf32, #tpu.memory_space<vmem_shared>>
    tpu.wait_indirect_dma semaphore(%arg26 : memref<!tpu.dma_semaphore, #tpu.memory_space<semaphore_mem>>) src(%arg19 : memref<128x80xf32, #tpu.memory_space<vmem>>) dst(%dma_wait3A_50 : memref<10240x80xf32, #tpu.memory_space<vmem_shared>>)
    %dma_wait3A_51 = arith.constant 0 : i32
    %dma_wait3A_52 = arith.constant 0 : i32
    %dma_wait3A_53 = tpu.memref_slice %arg23[%dma_wait3A_51, %dma_wait3A_52] : memref<10240x80xf32, #tpu.memory_space<vmem_shared>> -> memref<10240x80xf32, #tpu.memory_space<vmem_shared>>
    tpu.wait_indirect_dma semaphore(%arg27 : memref<!tpu.dma_semaphore, #tpu.memory_space<semaphore_mem>>) src(%arg20 : memref<128x80xf32, #tpu.memory_space<vmem>>) dst(%dma_wait3A_53 : memref<10240x80xf32, #tpu.memory_space<vmem_shared>>)
    %barrier3A_54 = arith.constant 0 : index
    tpu.barrier barrier_id(%barrier3A_54)
    "tpu.region"() ({
      %run_scoped3A = tpu.sem_alloc : memref<!tpu.dma_semaphore, #tpu.memory_space<semaphore_mem>>
      %dma_start3A_55 = arith.constant 0 : i32
      %dma_start3A_56 = tpu.memref_slice %arg8[%arg0, %mul3A_2, %dma_start3A_55] : memref<2x10240x80xf32, #tpu.memory_space<hbm>> -> memref<1x640x80xf32, #tpu.memory_space<hbm>>
      %dma_start3A_57 = tpu.memref_squeeze %dma_start3A_56 : memref<1x640x80xf32, #tpu.memory_space<hbm>> -> memref<640x80xf32, #tpu.memory_space<hbm>>
      %dma_start3A_58 = arith.constant 0 : i32
      %dma_start3A_59 = tpu.memref_slice %arg23[%mul3A_2, %dma_start3A_58] : memref<10240x80xf32, #tpu.memory_space<vmem_shared>> -> memref<640x80xf32, #tpu.memory_space<vmem_shared>>
      tpu.enqueue_dma source(%dma_start3A_59 : memref<640x80xf32, #tpu.memory_space<vmem_shared>>) target(%dma_start3A_57 : memref<640x80xf32, #tpu.memory_space<hbm>>) target_semaphore(%run_scoped3A : memref<!tpu.dma_semaphore, #tpu.memory_space<semaphore_mem>>)
      %dma_wait3A_60 = arith.constant 0 : i32
      %dma_wait3A_61 = tpu.memref_slice %arg8[%arg0, %mul3A_2, %dma_wait3A_60] : memref<2x10240x80xf32, #tpu.memory_space<hbm>> -> memref<1x640x80xf32, #tpu.memory_space<hbm>>
      %dma_wait3A_62 = tpu.memref_squeeze %dma_wait3A_61 : memref<1x640x80xf32, #tpu.memory_space<hbm>> -> memref<640x80xf32, #tpu.memory_space<hbm>>
      %dma_wait3A_63 = arith.constant 0 : i32
      %dma_wait3A_64 = tpu.memref_slice %arg23[%mul3A_2, %dma_wait3A_63] : memref<10240x80xf32, #tpu.memory_space<vmem_shared>> -> memref<640x80xf32, #tpu.memory_space<vmem_shared>>
      tpu.wait_dma2 semaphore(%run_scoped3A : memref<!tpu.dma_semaphore, #tpu.memory_space<semaphore_mem>>) src(%dma_wait3A_64 : memref<640x80xf32, #tpu.memory_space<vmem_shared>>) dst(%dma_wait3A_62 : memref<640x80xf32, #tpu.memory_space<hbm>>)
      tpu.yield
    }) : () -> ()
    return
  }
}

#map = affine_map<(d0, d1) -> (0, 0)>
#map1 = affine_map<(d0, d1) -> (0, 0, 0)>
#map2 = affine_map<(d0, d1) -> (0)>
module attributes {stable_mosaic.version = 14 : i64} {
  func.func @sck(%arg0: i32, %arg1: i32, %arg2: memref<10240x16xf32, #tpu.memory_space<hbm>>, %arg3: memref<10240x16xf32, #tpu.memory_space<hbm>>, %arg4: memref<32x80x128xi32, #tpu.memory_space<hbm>>, %arg5: memref<32x80x128xi32, #tpu.memory_space<hbm>>, %arg6: memref<16xf32, #tpu.memory_space<hbm>>, %arg7: memref<10240x16xf32, #tpu.memory_space<hbm>>, %arg8: memref<2x10240x16xf32, #tpu.memory_space<hbm>>, %arg9: memref<80x128xi32, #tpu.memory_space<vmem>>, %arg10: memref<80x128xi32, #tpu.memory_space<vmem>>, %arg11: memref<128x16xf32, #tpu.memory_space<vmem>>, %arg12: memref<128x16xf32, #tpu.memory_space<vmem>>, %arg13: memref<128x16xf32, #tpu.memory_space<vmem>>, %arg14: memref<128x16xf32, #tpu.memory_space<vmem>>, %arg15: memref<128xi32, #tpu.memory_space<vmem>>, %arg16: memref<128xi32, #tpu.memory_space<vmem>>, %arg17: memref<128xi32, #tpu.memory_space<vmem>>, %arg18: memref<128xi32, #tpu.memory_space<vmem>>, %arg19: memref<128x16xf32, #tpu.memory_space<vmem>>, %arg20: memref<128x16xf32, #tpu.memory_space<vmem>>, %arg21: memref<16xf32, #tpu.memory_space<vmem>>, %arg22: memref<16xf32, #tpu.memory_space<vmem>>, %arg23: memref<10240x16xf32, #tpu.memory_space<vmem_shared>>, %arg24: memref<!tpu.dma_semaphore, #tpu.memory_space<semaphore_mem>>, %arg25: memref<!tpu.dma_semaphore, #tpu.memory_space<semaphore_mem>>, %arg26: memref<!tpu.dma_semaphore, #tpu.memory_space<semaphore_mem>>, %arg27: memref<!tpu.dma_semaphore, #tpu.memory_space<semaphore_mem>>) attributes {dimension_semantics = [#tpu.dimension_semantics<core_parallel>, #tpu.dimension_semantics<subcore_parallel>], iteration_bounds = array<i64: 2, 16>, scalar_prefetch = 0 : i64, scratch_operands = 19 : i64, tpu.core_type = #tpu.core_type<sc_vector_subcore>, window_params = [{transform_indices = #map}, {transform_indices = #map}, {transform_indices = #map1}, {transform_indices = #map1}, {transform_indices = #map2}, {transform_indices = #map}, {transform_indices = #map1}]} {
    %mul3A = arith.constant 16 : i32
    %mul3A_0 = arith.muli %arg0, %mul3A : i32
    %add3A = arith.addi %mul3A_0, %arg1 : i32
    %mul3A_1 = arith.constant 640 : i32
    %mul3A_2 = arith.muli %arg1, %mul3A_1 : i32
    "tpu.region"() ({
      %run_scoped3A = tpu.sem_alloc : memref<!tpu.dma_semaphore, #tpu.memory_space<semaphore_mem>>
      %dma_start3A_55 = arith.constant 0 : i32
      %dma_start3A_56 = tpu.memref_slice %arg23[%mul3A_2, %dma_start3A_55] : memref<10240x16xf32, #tpu.memory_space<vmem_shared>> -> memref<640x16xf32, #tpu.memory_space<vmem_shared>>
      %dma_start3A_57 = arith.constant 0 : i32
      %dma_start3A_58 = tpu.memref_slice %arg7[%mul3A_2, %dma_start3A_57] : memref<10240x16xf32, #tpu.memory_space<hbm>> -> memref<640x16xf32, #tpu.memory_space<hbm>>
      tpu.enqueue_dma source(%dma_start3A_58 : memref<640x16xf32, #tpu.memory_space<hbm>>) target(%dma_start3A_56 : memref<640x16xf32, #tpu.memory_space<vmem_shared>>) target_semaphore(%run_scoped3A : memref<!tpu.dma_semaphore, #tpu.memory_space<semaphore_mem>>)
      %dma_wait3A_59 = arith.constant 0 : i32
      %dma_wait3A_60 = tpu.memref_slice %arg23[%mul3A_2, %dma_wait3A_59] : memref<10240x16xf32, #tpu.memory_space<vmem_shared>> -> memref<640x16xf32, #tpu.memory_space<vmem_shared>>
      %dma_wait3A_61 = arith.constant 0 : i32
      %dma_wait3A_62 = tpu.memref_slice %arg7[%mul3A_2, %dma_wait3A_61] : memref<10240x16xf32, #tpu.memory_space<hbm>> -> memref<640x16xf32, #tpu.memory_space<hbm>>
      tpu.wait_dma2 semaphore(%run_scoped3A : memref<!tpu.dma_semaphore, #tpu.memory_space<semaphore_mem>>) src(%dma_wait3A_62 : memref<640x16xf32, #tpu.memory_space<hbm>>) dst(%dma_wait3A_60 : memref<640x16xf32, #tpu.memory_space<vmem_shared>>)
      tpu.yield
    }) : () -> ()
    "tpu.region"() ({
      %run_scoped3A = tpu.sem_alloc : memref<!tpu.dma_semaphore, #tpu.memory_space<semaphore_mem>>
      tpu.enqueue_dma source(%arg6 : memref<16xf32, #tpu.memory_space<hbm>>) target(%arg22 : memref<16xf32, #tpu.memory_space<vmem>>) target_semaphore(%run_scoped3A : memref<!tpu.dma_semaphore, #tpu.memory_space<semaphore_mem>>)
      tpu.wait_dma2 semaphore(%run_scoped3A : memref<!tpu.dma_semaphore, #tpu.memory_space<semaphore_mem>>) src(%arg6 : memref<16xf32, #tpu.memory_space<hbm>>) dst(%arg22 : memref<16xf32, #tpu.memory_space<vmem>>)
      tpu.yield
    }) : () -> ()
    "tpu.region"() ({
      %run_scoped3A = tpu.sem_alloc : memref<!tpu.dma_semaphore, #tpu.memory_space<semaphore_mem>>
      %dma_start3A_55 = arith.constant 0 : i32
      %dma_start3A_56 = arith.constant 0 : i32
      %dma_start3A_57 = tpu.memref_slice %arg4[%add3A, %dma_start3A_55, %dma_start3A_56] : memref<32x80x128xi32, #tpu.memory_space<hbm>> -> memref<1x80x128xi32, #tpu.memory_space<hbm>>
      %dma_start3A_58 = tpu.memref_squeeze %dma_start3A_57 : memref<1x80x128xi32, #tpu.memory_space<hbm>> -> memref<80x128xi32, #tpu.memory_space<hbm>>
      %dma_start3A_59 = arith.constant 0 : i32
      %dma_start3A_60 = arith.constant 0 : i32
      %dma_start3A_61 = tpu.memref_slice %arg4[%add3A, %dma_start3A_59, %dma_start3A_60] : memref<32x80x128xi32, #tpu.memory_space<hbm>> -> memref<1x80x128xi32, #tpu.memory_space<hbm>>
      %dma_start3A_62 = tpu.memref_squeeze %dma_start3A_61 : memref<1x80x128xi32, #tpu.memory_space<hbm>> -> memref<80x128xi32, #tpu.memory_space<hbm>>
      tpu.enqueue_dma source(%dma_start3A_62 : memref<80x128xi32, #tpu.memory_space<hbm>>) target(%arg9 : memref<80x128xi32, #tpu.memory_space<vmem>>) target_semaphore(%run_scoped3A : memref<!tpu.dma_semaphore, #tpu.memory_space<semaphore_mem>>)
      %dma_wait3A_63 = arith.constant 0 : i32
      %dma_wait3A_64 = arith.constant 0 : i32
      %dma_wait3A_65 = tpu.memref_slice %arg4[%add3A, %dma_wait3A_63, %dma_wait3A_64] : memref<32x80x128xi32, #tpu.memory_space<hbm>> -> memref<1x80x128xi32, #tpu.memory_space<hbm>>
      %dma_wait3A_66 = tpu.memref_squeeze %dma_wait3A_65 : memref<1x80x128xi32, #tpu.memory_space<hbm>> -> memref<80x128xi32, #tpu.memory_space<hbm>>
      %dma_wait3A_67 = arith.constant 0 : i32
      %dma_wait3A_68 = arith.constant 0 : i32
      %dma_wait3A_69 = tpu.memref_slice %arg4[%add3A, %dma_wait3A_67, %dma_wait3A_68] : memref<32x80x128xi32, #tpu.memory_space<hbm>> -> memref<1x80x128xi32, #tpu.memory_space<hbm>>
      %dma_wait3A_70 = tpu.memref_squeeze %dma_wait3A_69 : memref<1x80x128xi32, #tpu.memory_space<hbm>> -> memref<80x128xi32, #tpu.memory_space<hbm>>
      tpu.wait_dma2 semaphore(%run_scoped3A : memref<!tpu.dma_semaphore, #tpu.memory_space<semaphore_mem>>) src(%dma_wait3A_70 : memref<80x128xi32, #tpu.memory_space<hbm>>) dst(%arg9 : memref<80x128xi32, #tpu.memory_space<vmem>>)
      tpu.yield
    }) : () -> ()
    "tpu.region"() ({
      %run_scoped3A = tpu.sem_alloc : memref<!tpu.dma_semaphore, #tpu.memory_space<semaphore_mem>>
      %dma_start3A_55 = arith.constant 0 : i32
      %dma_start3A_56 = arith.constant 0 : i32
      %dma_start3A_57 = tpu.memref_slice %arg5[%add3A, %dma_start3A_55, %dma_start3A_56] : memref<32x80x128xi32, #tpu.memory_space<hbm>> -> memref<1x80x128xi32, #tpu.memory_space<hbm>>
      %dma_start3A_58 = tpu.memref_squeeze %dma_start3A_57 : memref<1x80x128xi32, #tpu.memory_space<hbm>> -> memref<80x128xi32, #tpu.memory_space<hbm>>
      %dma_start3A_59 = arith.constant 0 : i32
      %dma_start3A_60 = arith.constant 0 : i32
      %dma_start3A_61 = tpu.memref_slice %arg5[%add3A, %dma_start3A_59, %dma_start3A_60] : memref<32x80x128xi32, #tpu.memory_space<hbm>> -> memref<1x80x128xi32, #tpu.memory_space<hbm>>
      %dma_start3A_62 = tpu.memref_squeeze %dma_start3A_61 : memref<1x80x128xi32, #tpu.memory_space<hbm>> -> memref<80x128xi32, #tpu.memory_space<hbm>>
      tpu.enqueue_dma source(%dma_start3A_62 : memref<80x128xi32, #tpu.memory_space<hbm>>) target(%arg10 : memref<80x128xi32, #tpu.memory_space<vmem>>) target_semaphore(%run_scoped3A : memref<!tpu.dma_semaphore, #tpu.memory_space<semaphore_mem>>)
      %dma_wait3A_63 = arith.constant 0 : i32
      %dma_wait3A_64 = arith.constant 0 : i32
      %dma_wait3A_65 = tpu.memref_slice %arg5[%add3A, %dma_wait3A_63, %dma_wait3A_64] : memref<32x80x128xi32, #tpu.memory_space<hbm>> -> memref<1x80x128xi32, #tpu.memory_space<hbm>>
      %dma_wait3A_66 = tpu.memref_squeeze %dma_wait3A_65 : memref<1x80x128xi32, #tpu.memory_space<hbm>> -> memref<80x128xi32, #tpu.memory_space<hbm>>
      %dma_wait3A_67 = arith.constant 0 : i32
      %dma_wait3A_68 = arith.constant 0 : i32
      %dma_wait3A_69 = tpu.memref_slice %arg5[%add3A, %dma_wait3A_67, %dma_wait3A_68] : memref<32x80x128xi32, #tpu.memory_space<hbm>> -> memref<1x80x128xi32, #tpu.memory_space<hbm>>
      %dma_wait3A_70 = tpu.memref_squeeze %dma_wait3A_69 : memref<1x80x128xi32, #tpu.memory_space<hbm>> -> memref<80x128xi32, #tpu.memory_space<hbm>>
      tpu.wait_dma2 semaphore(%run_scoped3A : memref<!tpu.dma_semaphore, #tpu.memory_space<semaphore_mem>>) src(%dma_wait3A_70 : memref<80x128xi32, #tpu.memory_space<hbm>>) dst(%arg10 : memref<80x128xi32, #tpu.memory_space<vmem>>)
      tpu.yield
    }) : () -> ()
    %barrier3A = arith.constant 0 : index
    tpu.barrier barrier_id(%barrier3A)
    %dma_start3A = arith.constant 0 : i32
    %dma_start3A_3 = arith.constant 0 : i32
    %dma_start3A_4 = tpu.memref_slice %arg9[%dma_start3A, %dma_start3A_3] : memref<80x128xi32, #tpu.memory_space<vmem>> -> memref<1x128xi32, #tpu.memory_space<vmem>>
    %dma_start3A_5 = tpu.memref_squeeze %dma_start3A_4 : memref<1x128xi32, #tpu.memory_space<vmem>> -> memref<128xi32, #tpu.memory_space<vmem>>
    %dma_start3A_6 = arith.constant 0 : i32
    %dma_start3A_7 = arith.constant 0 : i32
    %dma_start3A_8 = tpu.memref_slice %arg2[%dma_start3A_6, %dma_start3A_7] : memref<10240x16xf32, #tpu.memory_space<hbm>> -> memref<10240x16xf32, #tpu.memory_space<hbm>>
    tpu.enqueue_indirect_dma source(%dma_start3A_8 : memref<10240x16xf32, #tpu.memory_space<hbm>>) target(%arg11 : memref<128x16xf32, #tpu.memory_space<vmem>>) offsets(%dma_start3A_5 : memref<128xi32, #tpu.memory_space<vmem>>) semaphore(%arg24 : memref<!tpu.dma_semaphore, #tpu.memory_space<semaphore_mem>>)
    %dma_start3A_9 = arith.constant 0 : i32
    %dma_start3A_10 = arith.constant 0 : i32
    %dma_start3A_11 = tpu.memref_slice %arg10[%dma_start3A_9, %dma_start3A_10] : memref<80x128xi32, #tpu.memory_space<vmem>> -> memref<1x128xi32, #tpu.memory_space<vmem>>
    %dma_start3A_12 = tpu.memref_squeeze %dma_start3A_11 : memref<1x128xi32, #tpu.memory_space<vmem>> -> memref<128xi32, #tpu.memory_space<vmem>>
    %dma_start3A_13 = arith.constant 0 : i32
    %dma_start3A_14 = arith.constant 0 : i32
    %dma_start3A_15 = tpu.memref_slice %arg3[%dma_start3A_13, %dma_start3A_14] : memref<10240x16xf32, #tpu.memory_space<hbm>> -> memref<10240x16xf32, #tpu.memory_space<hbm>>
    tpu.enqueue_indirect_dma source(%dma_start3A_15 : memref<10240x16xf32, #tpu.memory_space<hbm>>) target(%arg13 : memref<128x16xf32, #tpu.memory_space<vmem>>) offsets(%dma_start3A_12 : memref<128xi32, #tpu.memory_space<vmem>>) semaphore(%arg24 : memref<!tpu.dma_semaphore, #tpu.memory_space<semaphore_mem>>)
    %dma_start3A_16 = arith.constant 0 : i32
    %dma_start3A_17 = arith.constant 0 : i32
    %dma_start3A_18 = tpu.memref_slice %arg5[%add3A, %dma_start3A_16, %dma_start3A_17] : memref<32x80x128xi32, #tpu.memory_space<hbm>> -> memref<1x1x128xi32, #tpu.memory_space<hbm>>
    %dma_start3A_19 = tpu.memref_squeeze %dma_start3A_18 : memref<1x1x128xi32, #tpu.memory_space<hbm>> -> memref<128xi32, #tpu.memory_space<hbm>>
    %dma_start3A_20 = arith.constant 0 : i32
    %dma_start3A_21 = tpu.memref_slice %arg5[%add3A, %dma_start3A_16, %dma_start3A_20] : memref<32x80x128xi32, #tpu.memory_space<hbm>> -> memref<1x1x128xi32, #tpu.memory_space<hbm>>
    %dma_start3A_22 = tpu.memref_squeeze %dma_start3A_21 : memref<1x1x128xi32, #tpu.memory_space<hbm>> -> memref<128xi32, #tpu.memory_space<hbm>>
    tpu.enqueue_dma source(%dma_start3A_22 : memref<128xi32, #tpu.memory_space<hbm>>) target(%arg15 : memref<128xi32, #tpu.memory_space<vmem>>) target_semaphore(%arg24 : memref<!tpu.dma_semaphore, #tpu.memory_space<semaphore_mem>>)
    %dma_start3A_23 = arith.constant 1 : i32
    %dma_start3A_24 = arith.constant 0 : i32
    %dma_start3A_25 = tpu.memref_slice %arg9[%dma_start3A_23, %dma_start3A_24] : memref<80x128xi32, #tpu.memory_space<vmem>> -> memref<1x128xi32, #tpu.memory_space<vmem>>
    %dma_start3A_26 = tpu.memref_squeeze %dma_start3A_25 : memref<1x128xi32, #tpu.memory_space<vmem>> -> memref<128xi32, #tpu.memory_space<vmem>>
    %dma_start3A_27 = arith.constant 0 : i32
    %dma_start3A_28 = arith.constant 0 : i32
    %dma_start3A_29 = tpu.memref_slice %arg2[%dma_start3A_27, %dma_start3A_28] : memref<10240x16xf32, #tpu.memory_space<hbm>> -> memref<10240x16xf32, #tpu.memory_space<hbm>>
    tpu.enqueue_indirect_dma source(%dma_start3A_29 : memref<10240x16xf32, #tpu.memory_space<hbm>>) target(%arg12 : memref<128x16xf32, #tpu.memory_space<vmem>>) offsets(%dma_start3A_26 : memref<128xi32, #tpu.memory_space<vmem>>) semaphore(%arg25 : memref<!tpu.dma_semaphore, #tpu.memory_space<semaphore_mem>>)
    %dma_start3A_30 = arith.constant 1 : i32
    %dma_start3A_31 = arith.constant 0 : i32
    %dma_start3A_32 = tpu.memref_slice %arg10[%dma_start3A_30, %dma_start3A_31] : memref<80x128xi32, #tpu.memory_space<vmem>> -> memref<1x128xi32, #tpu.memory_space<vmem>>
    %dma_start3A_33 = tpu.memref_squeeze %dma_start3A_32 : memref<1x128xi32, #tpu.memory_space<vmem>> -> memref<128xi32, #tpu.memory_space<vmem>>
    %dma_start3A_34 = arith.constant 0 : i32
    %dma_start3A_35 = arith.constant 0 : i32
    %dma_start3A_36 = tpu.memref_slice %arg3[%dma_start3A_34, %dma_start3A_35] : memref<10240x16xf32, #tpu.memory_space<hbm>> -> memref<10240x16xf32, #tpu.memory_space<hbm>>
    tpu.enqueue_indirect_dma source(%dma_start3A_36 : memref<10240x16xf32, #tpu.memory_space<hbm>>) target(%arg14 : memref<128x16xf32, #tpu.memory_space<vmem>>) offsets(%dma_start3A_33 : memref<128xi32, #tpu.memory_space<vmem>>) semaphore(%arg25 : memref<!tpu.dma_semaphore, #tpu.memory_space<semaphore_mem>>)
    %dma_start3A_37 = arith.constant 1 : i32
    %dma_start3A_38 = arith.constant 0 : i32
    %dma_start3A_39 = tpu.memref_slice %arg5[%add3A, %dma_start3A_37, %dma_start3A_38] : memref<32x80x128xi32, #tpu.memory_space<hbm>> -> memref<1x1x128xi32, #tpu.memory_space<hbm>>
    %dma_start3A_40 = tpu.memref_squeeze %dma_start3A_39 : memref<1x1x128xi32, #tpu.memory_space<hbm>> -> memref<128xi32, #tpu.memory_space<hbm>>
    %dma_start3A_41 = arith.constant 0 : i32
    %dma_start3A_42 = tpu.memref_slice %arg5[%add3A, %dma_start3A_37, %dma_start3A_41] : memref<32x80x128xi32, #tpu.memory_space<hbm>> -> memref<1x1x128xi32, #tpu.memory_space<hbm>>
    %dma_start3A_43 = tpu.memref_squeeze %dma_start3A_42 : memref<1x1x128xi32, #tpu.memory_space<hbm>> -> memref<128xi32, #tpu.memory_space<hbm>>
    tpu.enqueue_dma source(%dma_start3A_43 : memref<128xi32, #tpu.memory_space<hbm>>) target(%arg16 : memref<128xi32, #tpu.memory_space<vmem>>) target_semaphore(%arg25 : memref<!tpu.dma_semaphore, #tpu.memory_space<semaphore_mem>>)
    %scan3A = arith.constant 0 : i32
    %scan3A_44 = arith.constant 0 : i32
    %scan3A_45 = arith.constant 20 : i32
    %scan3A_46 = arith.addi %scan3A_44, %scan3A_45 : i32
    %scan3A_47 = arith.constant 1 : i32
    scf.for %scan3A_55 = %scan3A_44 to %scan3A_46 step %scan3A_47  : i32 {
      %mul3A_56 = arith.constant 4 : i32
      %mul3A_57 = arith.muli %mul3A_56, %scan3A_55 : i32
      %ge3A = arith.constant 19 : i32
      %ge3A_58 = arith.cmpi sge, %scan3A_55, %ge3A : i32
      %add3A_59 = arith.constant 0 : i32
      %add3A_60 = arith.addi %mul3A_57, %add3A_59 : i32
      %gt3A = arith.constant 0 : i32
      %gt3A_61 = arith.cmpi sgt, %scan3A_55, %gt3A : i32
      %dma_wait3A_62 = arith.constant 0 : i32
      %dma_wait3A_63 = tpu.memref_slice %arg9[%add3A_60, %dma_wait3A_62] : memref<80x128xi32, #tpu.memory_space<vmem>> -> memref<1x128xi32, #tpu.memory_space<vmem>>
      %dma_wait3A_64 = tpu.memref_squeeze %dma_wait3A_63 : memref<1x128xi32, #tpu.memory_space<vmem>> -> memref<128xi32, #tpu.memory_space<vmem>>
      %dma_wait3A_65 = arith.constant 0 : i32
      %dma_wait3A_66 = arith.constant 0 : i32
      %dma_wait3A_67 = tpu.memref_slice %arg2[%dma_wait3A_65, %dma_wait3A_66] : memref<10240x16xf32, #tpu.memory_space<hbm>> -> memref<10240x16xf32, #tpu.memory_space<hbm>>
      tpu.wait_indirect_dma semaphore(%arg24 : memref<!tpu.dma_semaphore, #tpu.memory_space<semaphore_mem>>) src(%dma_wait3A_67 : memref<10240x16xf32, #tpu.memory_space<hbm>>) dst(%arg11 : memref<128x16xf32, #tpu.memory_space<vmem>>)
      %dma_wait3A_68 = arith.constant 0 : i32
      %dma_wait3A_69 = tpu.memref_slice %arg10[%add3A_60, %dma_wait3A_68] : memref<80x128xi32, #tpu.memory_space<vmem>> -> memref<1x128xi32, #tpu.memory_space<vmem>>
      %dma_wait3A_70 = tpu.memref_squeeze %dma_wait3A_69 : memref<1x128xi32, #tpu.memory_space<vmem>> -> memref<128xi32, #tpu.memory_space<vmem>>
      %dma_wait3A_71 = arith.constant 0 : i32
      %dma_wait3A_72 = arith.constant 0 : i32
      %dma_wait3A_73 = tpu.memref_slice %arg3[%dma_wait3A_71, %dma_wait3A_72] : memref<10240x16xf32, #tpu.memory_space<hbm>> -> memref<10240x16xf32, #tpu.memory_space<hbm>>
      tpu.wait_indirect_dma semaphore(%arg24 : memref<!tpu.dma_semaphore, #tpu.memory_space<semaphore_mem>>) src(%dma_wait3A_73 : memref<10240x16xf32, #tpu.memory_space<hbm>>) dst(%arg13 : memref<128x16xf32, #tpu.memory_space<vmem>>)
      %dma_wait3A_74 = arith.constant 0 : i32
      %dma_wait3A_75 = tpu.memref_slice %arg5[%add3A, %add3A_60, %dma_wait3A_74] : memref<32x80x128xi32, #tpu.memory_space<hbm>> -> memref<1x1x128xi32, #tpu.memory_space<hbm>>
      %dma_wait3A_76 = tpu.memref_squeeze %dma_wait3A_75 : memref<1x1x128xi32, #tpu.memory_space<hbm>> -> memref<128xi32, #tpu.memory_space<hbm>>
      %dma_wait3A_77 = arith.constant 0 : i32
      %dma_wait3A_78 = tpu.memref_slice %arg5[%add3A, %add3A_60, %dma_wait3A_77] : memref<32x80x128xi32, #tpu.memory_space<hbm>> -> memref<1x1x128xi32, #tpu.memory_space<hbm>>
      %dma_wait3A_79 = tpu.memref_squeeze %dma_wait3A_78 : memref<1x1x128xi32, #tpu.memory_space<hbm>> -> memref<128xi32, #tpu.memory_space<hbm>>
      tpu.wait_dma2 semaphore(%arg24 : memref<!tpu.dma_semaphore, #tpu.memory_space<semaphore_mem>>) src(%dma_wait3A_79 : memref<128xi32, #tpu.memory_space<hbm>>) dst(%arg15 : memref<128xi32, #tpu.memory_space<vmem>>)
      %convert_element_type3A = arith.extui %gt3A_61 : i1 to i32
      %cond3A = arith.constant 0 : i32
      %cond3A_80 = arith.cmpi ne, %convert_element_type3A, %cond3A : i32
      scf.if %cond3A_80 {
        %dma_wait3A_237 = arith.constant 0 : i32
        %dma_wait3A_238 = arith.constant 0 : i32
        %dma_wait3A_239 = tpu.memref_slice %arg23[%dma_wait3A_237, %dma_wait3A_238] : memref<10240x16xf32, #tpu.memory_space<vmem_shared>> -> memref<10240x16xf32, #tpu.memory_space<vmem_shared>>
        tpu.wait_indirect_dma semaphore(%arg26 : memref<!tpu.dma_semaphore, #tpu.memory_space<semaphore_mem>>) src(%arg19 : memref<128x16xf32, #tpu.memory_space<vmem>>) dst(%dma_wait3A_239 : memref<10240x16xf32, #tpu.memory_space<vmem_shared>>)
      } else {
      }
      %scan3A_81 = arith.constant 0 : i32
      %scan3A_82 = arith.constant 0 : i32
      %scan3A_83 = arith.constant 32 : i32
      %scan3A_84 = arith.addi %scan3A_82, %scan3A_83 : i32
      %scan3A_85 = arith.constant 1 : i32
      scf.for %scan3A_237 = %scan3A_82 to %scan3A_84 step %scan3A_85  : i32 {
        %mul3A_238 = arith.constant 4 : i32
        %mul3A_239 = arith.muli %mul3A_238, %scan3A_237 : i32
        %add3A_240 = arith.constant 0 : i32
        %add3A_241 = arith.addi %mul3A_239, %add3A_240 : i32
        %get3A = arith.constant 0 : index
        %get3A_242 = tpu.vector_load %arg22[%get3A] {strides = array<i32>} : memref<16xf32, #tpu.memory_space<vmem>>, vector<16xf32>,
        %iota3A = tpu.iota {dimensions = array<i32: 0>} : vector<16xi32>
        %broadcast_in_dim3A = arith.constant 7 : i32
        %broadcast_in_dim3A_243 = vector.broadcast %broadcast_in_dim3A : i32 to vector<16xi32>
        %broadcast_in_dim3A_244 = arith.constant 0 : i32
        %broadcast_in_dim3A_245 = vector.broadcast %broadcast_in_dim3A_244 : i32 to vector<16xi32>
        %sub3A = arith.constant 7 : i32
        %sub3A_246 = vector.broadcast %sub3A : i32 to vector<16xi32>
        %sub3A_247 = arith.subi %sub3A_246, %iota3A : vector<16xi32>
        %jit3A = arith.constant 0 : i32
        %jit3A_248 = arith.constant 1 : i32
        %max3A = vector.broadcast %jit3A : i32 to vector<16xi32>
        %max3A_249 = arith.maxsi %max3A, %sub3A_247 : vector<16xi32>
        %min3A = vector.broadcast %jit3A_248 : i32 to vector<16xi32>
        %min3A_250 = arith.minsi %min3A, %max3A_249 : vector<16xi32>
        %convert_element_type3A_251 = arith.sitofp %min3A_250 : vector<16xi32> to vector<16xf32>
        %sub3A_252 = arith.constant 8 : i32
        %sub3A_253 = vector.broadcast %sub3A_252 : i32 to vector<16xi32>
        %sub3A_254 = arith.subi %sub3A_253, %iota3A : vector<16xi32>
        %jit3A_255 = arith.constant 0 : i32
        %jit3A_256 = arith.constant 1 : i32
        %max3A_257 = vector.broadcast %jit3A_255 : i32 to vector<16xi32>
        %max3A_258 = arith.maxsi %max3A_257, %sub3A_254 : vector<16xi32>
        %min3A_259 = vector.broadcast %jit3A_256 : i32 to vector<16xi32>
        %min3A_260 = arith.minsi %min3A_259, %max3A_258 : vector<16xi32>
        %sub3A_261 = arith.constant 7 : i32
        %sub3A_262 = vector.broadcast %sub3A_261 : i32 to vector<16xi32>
        %sub3A_263 = arith.subi %sub3A_262, %iota3A : vector<16xi32>
        %jit3A_264 = arith.constant 0 : i32
        %jit3A_265 = arith.constant 1 : i32
        %max3A_266 = vector.broadcast %jit3A_264 : i32 to vector<16xi32>
        %max3A_267 = arith.maxsi %max3A_266, %sub3A_263 : vector<16xi32>
        %min3A_268 = vector.broadcast %jit3A_265 : i32 to vector<16xi32>
        %min3A_269 = arith.minsi %min3A_268, %max3A_267 : vector<16xi32>
        %sub3A_270 = arith.subi %min3A_260, %min3A_269 : vector<16xi32>
        %convert_element_type3A_271 = arith.sitofp %sub3A_270 : vector<16xi32> to vector<16xf32>
        %get3A_272 = arith.index_cast %add3A_241 : i32 to index
        %get3A_273 = arith.constant 0 : index
        %get3A_274 = tpu.vector_load %arg11[%get3A_272, %get3A_273] {strides = array<i32>} : memref<128x16xf32, #tpu.memory_space<vmem>>, vector<16xf32>,
        %get3A_275 = arith.index_cast %add3A_241 : i32 to index
        %get3A_276 = arith.constant 0 : index
        %get3A_277 = tpu.vector_load %arg13[%get3A_275, %get3A_276] {strides = array<i32>} : memref<128x16xf32, #tpu.memory_space<vmem>>, vector<16xf32>,
        %broadcast_in_dim3A_278 = vector.shape_cast %broadcast_in_dim3A_243 : vector<16xi32> to vector<16x1xi32>
        %gather3A = vector.shape_cast %broadcast_in_dim3A_278 : vector<16x1xi32> to vector<16xi32>
        %gather3A_279 = tpu.dynamic_gather %get3A_274[%gather3A] in [0] : vector<16xf32>, vector<16xi32> -> vector<16xf32>
        %broadcast_in_dim3A_280 = vector.shape_cast %broadcast_in_dim3A_245 : vector<16xi32> to vector<16x1xi32>
        %gather3A_281 = vector.shape_cast %broadcast_in_dim3A_280 : vector<16x1xi32> to vector<16xi32>
        %gather3A_282 = tpu.dynamic_gather %get3A_277[%gather3A_281] in [0] : vector<16xf32>, vector<16xi32> -> vector<16xf32>
        %add3A_283 = arith.addf %gather3A_279, %gather3A_282 : vector<16xf32>
        %mul3A_284 = arith.constant 2.000000e-01 : f32
        %mul3A_285 = vector.broadcast %mul3A_284 : f32 to vector<16xf32>
        %mul3A_286 = arith.mulf %mul3A_285, %add3A_283 : vector<16xf32>
        %max3A_287 = arith.maximumf %add3A_283, %mul3A_286 : vector<16xf32>
        %sub3A_288 = arith.subf %max3A_287, %get3A_242 : vector<16xf32>
        %exp3A = math.exp %sub3A_288 : vector<16xf32>
        %mul3A_289 = arith.mulf %get3A_274, %convert_element_type3A_251 : vector<16xf32>
        %add3A_290 = arith.addf %mul3A_289, %convert_element_type3A_271 : vector<16xf32>
        %mul3A_291 = arith.mulf %add3A_290, %exp3A : vector<16xf32>
        %swap3A = arith.index_cast %add3A_241 : i32 to index
        %swap3A_292 = arith.constant 0 : index
        %swap3A_293 = tpu.vector_load %arg19[%swap3A, %swap3A_292] {strides = array<i32>} : memref<128x16xf32, #tpu.memory_space<vmem>>, vector<16xf32>,
        tpu.vector_store %arg19[%swap3A, %swap3A_292], %mul3A_291 {strides = array<i32>} : memref<128x16xf32, #tpu.memory_space<vmem>>, vector<16xf32>,
        %mul3A_294 = arith.constant 4 : i32
        %mul3A_295 = arith.muli %mul3A_294, %scan3A_237 : i32
        %add3A_296 = arith.constant 1 : i32
        %add3A_297 = arith.addi %mul3A_295, %add3A_296 : i32
        %get3A_298 = arith.constant 0 : index
        %get3A_299 = tpu.vector_load %arg22[%get3A_298] {strides = array<i32>} : memref<16xf32, #tpu.memory_space<vmem>>, vector<16xf32>,
        %iota3A_300 = tpu.iota {dimensions = array<i32: 0>} : vector<16xi32>
        %broadcast_in_dim3A_301 = arith.constant 7 : i32
        %broadcast_in_dim3A_302 = vector.broadcast %broadcast_in_dim3A_301 : i32 to vector<16xi32>
        %broadcast_in_dim3A_303 = arith.constant 0 : i32
        %broadcast_in_dim3A_304 = vector.broadcast %broadcast_in_dim3A_303 : i32 to vector<16xi32>
        %sub3A_305 = arith.constant 7 : i32
        %sub3A_306 = vector.broadcast %sub3A_305 : i32 to vector<16xi32>
        %sub3A_307 = arith.subi %sub3A_306, %iota3A_300 : vector<16xi32>
        %jit3A_308 = arith.constant 0 : i32
        %jit3A_309 = arith.constant 1 : i32
        %max3A_310 = vector.broadcast %jit3A_308 : i32 to vector<16xi32>
        %max3A_311 = arith.maxsi %max3A_310, %sub3A_307 : vector<16xi32>
        %min3A_312 = vector.broadcast %jit3A_309 : i32 to vector<16xi32>
        %min3A_313 = arith.minsi %min3A_312, %max3A_311 : vector<16xi32>
        %convert_element_type3A_314 = arith.sitofp %min3A_313 : vector<16xi32> to vector<16xf32>
        %sub3A_315 = arith.constant 8 : i32
        %sub3A_316 = vector.broadcast %sub3A_315 : i32 to vector<16xi32>
        %sub3A_317 = arith.subi %sub3A_316, %iota3A_300 : vector<16xi32>
        %jit3A_318 = arith.constant 0 : i32
        %jit3A_319 = arith.constant 1 : i32
        %max3A_320 = vector.broadcast %jit3A_318 : i32 to vector<16xi32>
        %max3A_321 = arith.maxsi %max3A_320, %sub3A_317 : vector<16xi32>
        %min3A_322 = vector.broadcast %jit3A_319 : i32 to vector<16xi32>
        %min3A_323 = arith.minsi %min3A_322, %max3A_321 : vector<16xi32>
        %sub3A_324 = arith.constant 7 : i32
        %sub3A_325 = vector.broadcast %sub3A_324 : i32 to vector<16xi32>
        %sub3A_326 = arith.subi %sub3A_325, %iota3A_300 : vector<16xi32>
        %jit3A_327 = arith.constant 0 : i32
        %jit3A_328 = arith.constant 1 : i32
        %max3A_329 = vector.broadcast %jit3A_327 : i32 to vector<16xi32>
        %max3A_330 = arith.maxsi %max3A_329, %sub3A_326 : vector<16xi32>
        %min3A_331 = vector.broadcast %jit3A_328 : i32 to vector<16xi32>
        %min3A_332 = arith.minsi %min3A_331, %max3A_330 : vector<16xi32>
        %sub3A_333 = arith.subi %min3A_323, %min3A_332 : vector<16xi32>
        %convert_element_type3A_334 = arith.sitofp %sub3A_333 : vector<16xi32> to vector<16xf32>
        %get3A_335 = arith.index_cast %add3A_297 : i32 to index
        %get3A_336 = arith.constant 0 : index
        %get3A_337 = tpu.vector_load %arg11[%get3A_335, %get3A_336] {strides = array<i32>} : memref<128x16xf32, #tpu.memory_space<vmem>>, vector<16xf32>,
        %get3A_338 = arith.index_cast %add3A_297 : i32 to index
        %get3A_339 = arith.constant 0 : index
        %get3A_340 = tpu.vector_load %arg13[%get3A_338, %get3A_339] {strides = array<i32>} : memref<128x16xf32, #tpu.memory_space<vmem>>, vector<16xf32>,
        %broadcast_in_dim3A_341 = vector.shape_cast %broadcast_in_dim3A_302 : vector<16xi32> to vector<16x1xi32>
        %gather3A_342 = vector.shape_cast %broadcast_in_dim3A_341 : vector<16x1xi32> to vector<16xi32>
        %gather3A_343 = tpu.dynamic_gather %get3A_337[%gather3A_342] in [0] : vector<16xf32>, vector<16xi32> -> vector<16xf32>
        %broadcast_in_dim3A_344 = vector.shape_cast %broadcast_in_dim3A_304 : vector<16xi32> to vector<16x1xi32>
        %gather3A_345 = vector.shape_cast %broadcast_in_dim3A_344 : vector<16x1xi32> to vector<16xi32>
        %gather3A_346 = tpu.dynamic_gather %get3A_340[%gather3A_345] in [0] : vector<16xf32>, vector<16xi32> -> vector<16xf32>
        %add3A_347 = arith.addf %gather3A_343, %gather3A_346 : vector<16xf32>
        %mul3A_348 = arith.constant 2.000000e-01 : f32
        %mul3A_349 = vector.broadcast %mul3A_348 : f32 to vector<16xf32>
        %mul3A_350 = arith.mulf %mul3A_349, %add3A_347 : vector<16xf32>
        %max3A_351 = arith.maximumf %add3A_347, %mul3A_350 : vector<16xf32>
        %sub3A_352 = arith.subf %max3A_351, %get3A_299 : vector<16xf32>
        %exp3A_353 = math.exp %sub3A_352 : vector<16xf32>
        %mul3A_354 = arith.mulf %get3A_337, %convert_element_type3A_314 : vector<16xf32>
        %add3A_355 = arith.addf %mul3A_354, %convert_element_type3A_334 : vector<16xf32>
        %mul3A_356 = arith.mulf %add3A_355, %exp3A_353 : vector<16xf32>
        %swap3A_357 = arith.index_cast %add3A_297 : i32 to index
        %swap3A_358 = arith.constant 0 : index
        %swap3A_359 = tpu.vector_load %arg19[%swap3A_357, %swap3A_358] {strides = array<i32>} : memref<128x16xf32, #tpu.memory_space<vmem>>, vector<16xf32>,
        tpu.vector_store %arg19[%swap3A_357, %swap3A_358], %mul3A_356 {strides = array<i32>} : memref<128x16xf32, #tpu.memory_space<vmem>>, vector<16xf32>,
        %mul3A_360 = arith.constant 4 : i32
        %mul3A_361 = arith.muli %mul3A_360, %scan3A_237 : i32
        %add3A_362 = arith.constant 2 : i32
        %add3A_363 = arith.addi %mul3A_361, %add3A_362 : i32
        %get3A_364 = arith.constant 0 : index
        %get3A_365 = tpu.vector_load %arg22[%get3A_364] {strides = array<i32>} : memref<16xf32, #tpu.memory_space<vmem>>, vector<16xf32>,
        %iota3A_366 = tpu.iota {dimensions = array<i32: 0>} : vector<16xi32>
        %broadcast_in_dim3A_367 = arith.constant 7 : i32
        %broadcast_in_dim3A_368 = vector.broadcast %broadcast_in_dim3A_367 : i32 to vector<16xi32>
        %broadcast_in_dim3A_369 = arith.constant 0 : i32
        %broadcast_in_dim3A_370 = vector.broadcast %broadcast_in_dim3A_369 : i32 to vector<16xi32>
        %sub3A_371 = arith.constant 7 : i32
        %sub3A_372 = vector.broadcast %sub3A_371 : i32 to vector<16xi32>
        %sub3A_373 = arith.subi %sub3A_372, %iota3A_366 : vector<16xi32>
        %jit3A_374 = arith.constant 0 : i32
        %jit3A_375 = arith.constant 1 : i32
        %max3A_376 = vector.broadcast %jit3A_374 : i32 to vector<16xi32>
        %max3A_377 = arith.maxsi %max3A_376, %sub3A_373 : vector<16xi32>
        %min3A_378 = vector.broadcast %jit3A_375 : i32 to vector<16xi32>
        %min3A_379 = arith.minsi %min3A_378, %max3A_377 : vector<16xi32>
        %convert_element_type3A_380 = arith.sitofp %min3A_379 : vector<16xi32> to vector<16xf32>
        %sub3A_381 = arith.constant 8 : i32
        %sub3A_382 = vector.broadcast %sub3A_381 : i32 to vector<16xi32>
        %sub3A_383 = arith.subi %sub3A_382, %iota3A_366 : vector<16xi32>
        %jit3A_384 = arith.constant 0 : i32
        %jit3A_385 = arith.constant 1 : i32
        %max3A_386 = vector.broadcast %jit3A_384 : i32 to vector<16xi32>
        %max3A_387 = arith.maxsi %max3A_386, %sub3A_383 : vector<16xi32>
        %min3A_388 = vector.broadcast %jit3A_385 : i32 to vector<16xi32>
        %min3A_389 = arith.minsi %min3A_388, %max3A_387 : vector<16xi32>
        %sub3A_390 = arith.constant 7 : i32
        %sub3A_391 = vector.broadcast %sub3A_390 : i32 to vector<16xi32>
        %sub3A_392 = arith.subi %sub3A_391, %iota3A_366 : vector<16xi32>
        %jit3A_393 = arith.constant 0 : i32
        %jit3A_394 = arith.constant 1 : i32
        %max3A_395 = vector.broadcast %jit3A_393 : i32 to vector<16xi32>
        %max3A_396 = arith.maxsi %max3A_395, %sub3A_392 : vector<16xi32>
        %min3A_397 = vector.broadcast %jit3A_394 : i32 to vector<16xi32>
        %min3A_398 = arith.minsi %min3A_397, %max3A_396 : vector<16xi32>
        %sub3A_399 = arith.subi %min3A_389, %min3A_398 : vector<16xi32>
        %convert_element_type3A_400 = arith.sitofp %sub3A_399 : vector<16xi32> to vector<16xf32>
        %get3A_401 = arith.index_cast %add3A_363 : i32 to index
        %get3A_402 = arith.constant 0 : index
        %get3A_403 = tpu.vector_load %arg11[%get3A_401, %get3A_402] {strides = array<i32>} : memref<128x16xf32, #tpu.memory_space<vmem>>, vector<16xf32>,
        %get3A_404 = arith.index_cast %add3A_363 : i32 to index
        %get3A_405 = arith.constant 0 : index
        %get3A_406 = tpu.vector_load %arg13[%get3A_404, %get3A_405] {strides = array<i32>} : memref<128x16xf32, #tpu.memory_space<vmem>>, vector<16xf32>,
        %broadcast_in_dim3A_407 = vector.shape_cast %broadcast_in_dim3A_368 : vector<16xi32> to vector<16x1xi32>
        %gather3A_408 = vector.shape_cast %broadcast_in_dim3A_407 : vector<16x1xi32> to vector<16xi32>
        %gather3A_409 = tpu.dynamic_gather %get3A_403[%gather3A_408] in [0] : vector<16xf32>, vector<16xi32> -> vector<16xf32>
        %broadcast_in_dim3A_410 = vector.shape_cast %broadcast_in_dim3A_370 : vector<16xi32> to vector<16x1xi32>
        %gather3A_411 = vector.shape_cast %broadcast_in_dim3A_410 : vector<16x1xi32> to vector<16xi32>
        %gather3A_412 = tpu.dynamic_gather %get3A_406[%gather3A_411] in [0] : vector<16xf32>, vector<16xi32> -> vector<16xf32>
        %add3A_413 = arith.addf %gather3A_409, %gather3A_412 : vector<16xf32>
        %mul3A_414 = arith.constant 2.000000e-01 : f32
        %mul3A_415 = vector.broadcast %mul3A_414 : f32 to vector<16xf32>
        %mul3A_416 = arith.mulf %mul3A_415, %add3A_413 : vector<16xf32>
        %max3A_417 = arith.maximumf %add3A_413, %mul3A_416 : vector<16xf32>
        %sub3A_418 = arith.subf %max3A_417, %get3A_365 : vector<16xf32>
        %exp3A_419 = math.exp %sub3A_418 : vector<16xf32>
        %mul3A_420 = arith.mulf %get3A_403, %convert_element_type3A_380 : vector<16xf32>
        %add3A_421 = arith.addf %mul3A_420, %convert_element_type3A_400 : vector<16xf32>
        %mul3A_422 = arith.mulf %add3A_421, %exp3A_419 : vector<16xf32>
        %swap3A_423 = arith.index_cast %add3A_363 : i32 to index
        %swap3A_424 = arith.constant 0 : index
        %swap3A_425 = tpu.vector_load %arg19[%swap3A_423, %swap3A_424] {strides = array<i32>} : memref<128x16xf32, #tpu.memory_space<vmem>>, vector<16xf32>,
        tpu.vector_store %arg19[%swap3A_423, %swap3A_424], %mul3A_422 {strides = array<i32>} : memref<128x16xf32, #tpu.memory_space<vmem>>, vector<16xf32>,
        %mul3A_426 = arith.constant 4 : i32
        %mul3A_427 = arith.muli %mul3A_426, %scan3A_237 : i32
        %add3A_428 = arith.constant 3 : i32
        %add3A_429 = arith.addi %mul3A_427, %add3A_428 : i32
        %get3A_430 = arith.constant 0 : index
        %get3A_431 = tpu.vector_load %arg22[%get3A_430] {strides = array<i32>} : memref<16xf32, #tpu.memory_space<vmem>>, vector<16xf32>,
        %iota3A_432 = tpu.iota {dimensions = array<i32: 0>} : vector<16xi32>
        %broadcast_in_dim3A_433 = arith.constant 7 : i32
        %broadcast_in_dim3A_434 = vector.broadcast %broadcast_in_dim3A_433 : i32 to vector<16xi32>
        %broadcast_in_dim3A_435 = arith.constant 0 : i32
        %broadcast_in_dim3A_436 = vector.broadcast %broadcast_in_dim3A_435 : i32 to vector<16xi32>
        %sub3A_437 = arith.constant 7 : i32
        %sub3A_438 = vector.broadcast %sub3A_437 : i32 to vector<16xi32>
        %sub3A_439 = arith.subi %sub3A_438, %iota3A_432 : vector<16xi32>
        %jit3A_440 = arith.constant 0 : i32
        %jit3A_441 = arith.constant 1 : i32
        %max3A_442 = vector.broadcast %jit3A_440 : i32 to vector<16xi32>
        %max3A_443 = arith.maxsi %max3A_442, %sub3A_439 : vector<16xi32>
        %min3A_444 = vector.broadcast %jit3A_441 : i32 to vector<16xi32>
        %min3A_445 = arith.minsi %min3A_444, %max3A_443 : vector<16xi32>
        %convert_element_type3A_446 = arith.sitofp %min3A_445 : vector<16xi32> to vector<16xf32>
        %sub3A_447 = arith.constant 8 : i32
        %sub3A_448 = vector.broadcast %sub3A_447 : i32 to vector<16xi32>
        %sub3A_449 = arith.subi %sub3A_448, %iota3A_432 : vector<16xi32>
        %jit3A_450 = arith.constant 0 : i32
        %jit3A_451 = arith.constant 1 : i32
        %max3A_452 = vector.broadcast %jit3A_450 : i32 to vector<16xi32>
        %max3A_453 = arith.maxsi %max3A_452, %sub3A_449 : vector<16xi32>
        %min3A_454 = vector.broadcast %jit3A_451 : i32 to vector<16xi32>
        %min3A_455 = arith.minsi %min3A_454, %max3A_453 : vector<16xi32>
        %sub3A_456 = arith.constant 7 : i32
        %sub3A_457 = vector.broadcast %sub3A_456 : i32 to vector<16xi32>
        %sub3A_458 = arith.subi %sub3A_457, %iota3A_432 : vector<16xi32>
        %jit3A_459 = arith.constant 0 : i32
        %jit3A_460 = arith.constant 1 : i32
        %max3A_461 = vector.broadcast %jit3A_459 : i32 to vector<16xi32>
        %max3A_462 = arith.maxsi %max3A_461, %sub3A_458 : vector<16xi32>
        %min3A_463 = vector.broadcast %jit3A_460 : i32 to vector<16xi32>
        %min3A_464 = arith.minsi %min3A_463, %max3A_462 : vector<16xi32>
        %sub3A_465 = arith.subi %min3A_455, %min3A_464 : vector<16xi32>
        %convert_element_type3A_466 = arith.sitofp %sub3A_465 : vector<16xi32> to vector<16xf32>
        %get3A_467 = arith.index_cast %add3A_429 : i32 to index
        %get3A_468 = arith.constant 0 : index
        %get3A_469 = tpu.vector_load %arg11[%get3A_467, %get3A_468] {strides = array<i32>} : memref<128x16xf32, #tpu.memory_space<vmem>>, vector<16xf32>,
        %get3A_470 = arith.index_cast %add3A_429 : i32 to index
        %get3A_471 = arith.constant 0 : index
        %get3A_472 = tpu.vector_load %arg13[%get3A_470, %get3A_471] {strides = array<i32>} : memref<128x16xf32, #tpu.memory_space<vmem>>, vector<16xf32>,
        %broadcast_in_dim3A_473 = vector.shape_cast %broadcast_in_dim3A_434 : vector<16xi32> to vector<16x1xi32>
        %gather3A_474 = vector.shape_cast %broadcast_in_dim3A_473 : vector<16x1xi32> to vector<16xi32>
        %gather3A_475 = tpu.dynamic_gather %get3A_469[%gather3A_474] in [0] : vector<16xf32>, vector<16xi32> -> vector<16xf32>
        %broadcast_in_dim3A_476 = vector.shape_cast %broadcast_in_dim3A_436 : vector<16xi32> to vector<16x1xi32>
        %gather3A_477 = vector.shape_cast %broadcast_in_dim3A_476 : vector<16x1xi32> to vector<16xi32>
        %gather3A_478 = tpu.dynamic_gather %get3A_472[%gather3A_477] in [0] : vector<16xf32>, vector<16xi32> -> vector<16xf32>
        %add3A_479 = arith.addf %gather3A_475, %gather3A_478 : vector<16xf32>
        %mul3A_480 = arith.constant 2.000000e-01 : f32
        %mul3A_481 = vector.broadcast %mul3A_480 : f32 to vector<16xf32>
        %mul3A_482 = arith.mulf %mul3A_481, %add3A_479 : vector<16xf32>
        %max3A_483 = arith.maximumf %add3A_479, %mul3A_482 : vector<16xf32>
        %sub3A_484 = arith.subf %max3A_483, %get3A_431 : vector<16xf32>
        %exp3A_485 = math.exp %sub3A_484 : vector<16xf32>
        %mul3A_486 = arith.mulf %get3A_469, %convert_element_type3A_446 : vector<16xf32>
        %add3A_487 = arith.addf %mul3A_486, %convert_element_type3A_466 : vector<16xf32>
        %mul3A_488 = arith.mulf %add3A_487, %exp3A_485 : vector<16xf32>
        %swap3A_489 = arith.index_cast %add3A_429 : i32 to index
        %swap3A_490 = arith.constant 0 : index
        %swap3A_491 = tpu.vector_load %arg19[%swap3A_489, %swap3A_490] {strides = array<i32>} : memref<128x16xf32, #tpu.memory_space<vmem>>, vector<16xf32>,
        tpu.vector_store %arg19[%swap3A_489, %swap3A_490], %mul3A_488 {strides = array<i32>} : memref<128x16xf32, #tpu.memory_space<vmem>>, vector<16xf32>,
      }
      %scan3A_86 = arith.constant 32 : i32
      %dma_start3A_87 = arith.constant 0 : i32
      %dma_start3A_88 = arith.constant 0 : i32
      %dma_start3A_89 = tpu.memref_slice %arg23[%dma_start3A_87, %dma_start3A_88] : memref<10240x16xf32, #tpu.memory_space<vmem_shared>> -> memref<10240x16xf32, #tpu.memory_space<vmem_shared>>
      tpu.enqueue_indirect_dma source(%arg19 : memref<128x16xf32, #tpu.memory_space<vmem>>) target(%dma_start3A_89 : memref<10240x16xf32, #tpu.memory_space<vmem_shared>>) offsets(%arg15 : memref<128xi32, #tpu.memory_space<vmem>>) semaphore(%arg26 : memref<!tpu.dma_semaphore, #tpu.memory_space<semaphore_mem>>) {add = true}
      %add3A_90 = arith.constant 2 : i32
      %add3A_91 = arith.addi %add3A_60, %add3A_90 : i32
      %dma_start3A_92 = arith.constant 0 : i32
      %dma_start3A_93 = tpu.memref_slice %arg9[%add3A_91, %dma_start3A_92] : memref<80x128xi32, #tpu.memory_space<vmem>> -> memref<1x128xi32, #tpu.memory_space<vmem>>
      %dma_start3A_94 = tpu.memref_squeeze %dma_start3A_93 : memref<1x128xi32, #tpu.memory_space<vmem>> -> memref<128xi32, #tpu.memory_space<vmem>>
      %dma_start3A_95 = arith.constant 0 : i32
      %dma_start3A_96 = arith.constant 0 : i32
      %dma_start3A_97 = tpu.memref_slice %arg2[%dma_start3A_95, %dma_start3A_96] : memref<10240x16xf32, #tpu.memory_space<hbm>> -> memref<10240x16xf32, #tpu.memory_space<hbm>>
      tpu.enqueue_indirect_dma source(%dma_start3A_97 : memref<10240x16xf32, #tpu.memory_space<hbm>>) target(%arg11 : memref<128x16xf32, #tpu.memory_space<vmem>>) offsets(%dma_start3A_94 : memref<128xi32, #tpu.memory_space<vmem>>) semaphore(%arg24 : memref<!tpu.dma_semaphore, #tpu.memory_space<semaphore_mem>>)
      %dma_start3A_98 = arith.constant 0 : i32
      %dma_start3A_99 = tpu.memref_slice %arg10[%add3A_91, %dma_start3A_98] : memref<80x128xi32, #tpu.memory_space<vmem>> -> memref<1x128xi32, #tpu.memory_space<vmem>>
      %dma_start3A_100 = tpu.memref_squeeze %dma_start3A_99 : memref<1x128xi32, #tpu.memory_space<vmem>> -> memref<128xi32, #tpu.memory_space<vmem>>
      %dma_start3A_101 = arith.constant 0 : i32
      %dma_start3A_102 = arith.constant 0 : i32
      %dma_start3A_103 = tpu.memref_slice %arg3[%dma_start3A_101, %dma_start3A_102] : memref<10240x16xf32, #tpu.memory_space<hbm>> -> memref<10240x16xf32, #tpu.memory_space<hbm>>
      tpu.enqueue_indirect_dma source(%dma_start3A_103 : memref<10240x16xf32, #tpu.memory_space<hbm>>) target(%arg13 : memref<128x16xf32, #tpu.memory_space<vmem>>) offsets(%dma_start3A_100 : memref<128xi32, #tpu.memory_space<vmem>>) semaphore(%arg24 : memref<!tpu.dma_semaphore, #tpu.memory_space<semaphore_mem>>)
      %dma_start3A_104 = arith.constant 0 : i32
      %dma_start3A_105 = tpu.memref_slice %arg5[%add3A, %add3A_91, %dma_start3A_104] : memref<32x80x128xi32, #tpu.memory_space<hbm>> -> memref<1x1x128xi32, #tpu.memory_space<hbm>>
      %dma_start3A_106 = tpu.memref_squeeze %dma_start3A_105 : memref<1x1x128xi32, #tpu.memory_space<hbm>> -> memref<128xi32, #tpu.memory_space<hbm>>
      %dma_start3A_107 = arith.constant 0 : i32
      %dma_start3A_108 = tpu.memref_slice %arg5[%add3A, %add3A_91, %dma_start3A_107] : memref<32x80x128xi32, #tpu.memory_space<hbm>> -> memref<1x1x128xi32, #tpu.memory_space<hbm>>
      %dma_start3A_109 = tpu.memref_squeeze %dma_start3A_108 : memref<1x1x128xi32, #tpu.memory_space<hbm>> -> memref<128xi32, #tpu.memory_space<hbm>>
      tpu.enqueue_dma source(%dma_start3A_109 : memref<128xi32, #tpu.memory_space<hbm>>) target(%arg17 : memref<128xi32, #tpu.memory_space<vmem>>) target_semaphore(%arg24 : memref<!tpu.dma_semaphore, #tpu.memory_space<semaphore_mem>>)
      %add3A_110 = arith.constant 1 : i32
      %add3A_111 = arith.addi %mul3A_57, %add3A_110 : i32
      %gt3A_112 = arith.constant 0 : i32
      %gt3A_113 = arith.cmpi sgt, %scan3A_55, %gt3A_112 : i32
      %dma_wait3A_114 = arith.constant 0 : i32
      %dma_wait3A_115 = tpu.memref_slice %arg9[%add3A_111, %dma_wait3A_114] : memref<80x128xi32, #tpu.memory_space<vmem>> -> memref<1x128xi32, #tpu.memory_space<vmem>>
      %dma_wait3A_116 = tpu.memref_squeeze %dma_wait3A_115 : memref<1x128xi32, #tpu.memory_space<vmem>> -> memref<128xi32, #tpu.memory_space<vmem>>
      %dma_wait3A_117 = arith.constant 0 : i32
      %dma_wait3A_118 = arith.constant 0 : i32
      %dma_wait3A_119 = tpu.memref_slice %arg2[%dma_wait3A_117, %dma_wait3A_118] : memref<10240x16xf32, #tpu.memory_space<hbm>> -> memref<10240x16xf32, #tpu.memory_space<hbm>>
      tpu.wait_indirect_dma semaphore(%arg25 : memref<!tpu.dma_semaphore, #tpu.memory_space<semaphore_mem>>) src(%dma_wait3A_119 : memref<10240x16xf32, #tpu.memory_space<hbm>>) dst(%arg12 : memref<128x16xf32, #tpu.memory_space<vmem>>)
      %dma_wait3A_120 = arith.constant 0 : i32
      %dma_wait3A_121 = tpu.memref_slice %arg10[%add3A_111, %dma_wait3A_120] : memref<80x128xi32, #tpu.memory_space<vmem>> -> memref<1x128xi32, #tpu.memory_space<vmem>>
      %dma_wait3A_122 = tpu.memref_squeeze %dma_wait3A_121 : memref<1x128xi32, #tpu.memory_space<vmem>> -> memref<128xi32, #tpu.memory_space<vmem>>
      %dma_wait3A_123 = arith.constant 0 : i32
      %dma_wait3A_124 = arith.constant 0 : i32
      %dma_wait3A_125 = tpu.memref_slice %arg3[%dma_wait3A_123, %dma_wait3A_124] : memref<10240x16xf32, #tpu.memory_space<hbm>> -> memref<10240x16xf32, #tpu.memory_space<hbm>>
      tpu.wait_indirect_dma semaphore(%arg25 : memref<!tpu.dma_semaphore, #tpu.memory_space<semaphore_mem>>) src(%dma_wait3A_125 : memref<10240x16xf32, #tpu.memory_space<hbm>>) dst(%arg14 : memref<128x16xf32, #tpu.memory_space<vmem>>)
      %dma_wait3A_126 = arith.constant 0 : i32
      %dma_wait3A_127 = tpu.memref_slice %arg5[%add3A, %add3A_111, %dma_wait3A_126] : memref<32x80x128xi32, #tpu.memory_space<hbm>> -> memref<1x1x128xi32, #tpu.memory_space<hbm>>
      %dma_wait3A_128 = tpu.memref_squeeze %dma_wait3A_127 : memref<1x1x128xi32, #tpu.memory_space<hbm>> -> memref<128xi32, #tpu.memory_space<hbm>>
      %dma_wait3A_129 = arith.constant 0 : i32
      %dma_wait3A_130 = tpu.memref_slice %arg5[%add3A, %add3A_111, %dma_wait3A_129] : memref<32x80x128xi32, #tpu.memory_space<hbm>> -> memref<1x1x128xi32, #tpu.memory_space<hbm>>
      %dma_wait3A_131 = tpu.memref_squeeze %dma_wait3A_130 : memref<1x1x128xi32, #tpu.memory_space<hbm>> -> memref<128xi32, #tpu.memory_space<hbm>>
      tpu.wait_dma2 semaphore(%arg25 : memref<!tpu.dma_semaphore, #tpu.memory_space<semaphore_mem>>) src(%dma_wait3A_131 : memref<128xi32, #tpu.memory_space<hbm>>) dst(%arg16 : memref<128xi32, #tpu.memory_space<vmem>>)
      %convert_element_type3A_132 = arith.extui %gt3A_113 : i1 to i32
      %cond3A_133 = arith.constant 0 : i32
      %cond3A_134 = arith.cmpi ne, %convert_element_type3A_132, %cond3A_133 : i32
      scf.if %cond3A_134 {
        %dma_wait3A_237 = arith.constant 0 : i32
        %dma_wait3A_238 = arith.constant 0 : i32
        %dma_wait3A_239 = tpu.memref_slice %arg23[%dma_wait3A_237, %dma_wait3A_238] : memref<10240x16xf32, #tpu.memory_space<vmem_shared>> -> memref<10240x16xf32, #tpu.memory_space<vmem_shared>>
        tpu.wait_indirect_dma semaphore(%arg27 : memref<!tpu.dma_semaphore, #tpu.memory_space<semaphore_mem>>) src(%arg20 : memref<128x16xf32, #tpu.memory_space<vmem>>) dst(%dma_wait3A_239 : memref<10240x16xf32, #tpu.memory_space<vmem_shared>>)
      } else {
      }
      %scan3A_135 = arith.constant 0 : i32
      %scan3A_136 = arith.constant 0 : i32
      %scan3A_137 = arith.constant 32 : i32
      %scan3A_138 = arith.addi %scan3A_136, %scan3A_137 : i32
      %scan3A_139 = arith.constant 1 : i32
      scf.for %scan3A_237 = %scan3A_136 to %scan3A_138 step %scan3A_139  : i32 {
        %mul3A_238 = arith.constant 4 : i32
        %mul3A_239 = arith.muli %mul3A_238, %scan3A_237 : i32
        %add3A_240 = arith.constant 0 : i32
        %add3A_241 = arith.addi %mul3A_239, %add3A_240 : i32
        %get3A = arith.constant 0 : index
        %get3A_242 = tpu.vector_load %arg22[%get3A] {strides = array<i32>} : memref<16xf32, #tpu.memory_space<vmem>>, vector<16xf32>,
        %iota3A = tpu.iota {dimensions = array<i32: 0>} : vector<16xi32>
        %broadcast_in_dim3A = arith.constant 7 : i32
        %broadcast_in_dim3A_243 = vector.broadcast %broadcast_in_dim3A : i32 to vector<16xi32>
        %broadcast_in_dim3A_244 = arith.constant 0 : i32
        %broadcast_in_dim3A_245 = vector.broadcast %broadcast_in_dim3A_244 : i32 to vector<16xi32>
        %sub3A = arith.constant 7 : i32
        %sub3A_246 = vector.broadcast %sub3A : i32 to vector<16xi32>
        %sub3A_247 = arith.subi %sub3A_246, %iota3A : vector<16xi32>
        %jit3A = arith.constant 0 : i32
        %jit3A_248 = arith.constant 1 : i32
        %max3A = vector.broadcast %jit3A : i32 to vector<16xi32>
        %max3A_249 = arith.maxsi %max3A, %sub3A_247 : vector<16xi32>
        %min3A = vector.broadcast %jit3A_248 : i32 to vector<16xi32>
        %min3A_250 = arith.minsi %min3A, %max3A_249 : vector<16xi32>
        %convert_element_type3A_251 = arith.sitofp %min3A_250 : vector<16xi32> to vector<16xf32>
        %sub3A_252 = arith.constant 8 : i32
        %sub3A_253 = vector.broadcast %sub3A_252 : i32 to vector<16xi32>
        %sub3A_254 = arith.subi %sub3A_253, %iota3A : vector<16xi32>
        %jit3A_255 = arith.constant 0 : i32
        %jit3A_256 = arith.constant 1 : i32
        %max3A_257 = vector.broadcast %jit3A_255 : i32 to vector<16xi32>
        %max3A_258 = arith.maxsi %max3A_257, %sub3A_254 : vector<16xi32>
        %min3A_259 = vector.broadcast %jit3A_256 : i32 to vector<16xi32>
        %min3A_260 = arith.minsi %min3A_259, %max3A_258 : vector<16xi32>
        %sub3A_261 = arith.constant 7 : i32
        %sub3A_262 = vector.broadcast %sub3A_261 : i32 to vector<16xi32>
        %sub3A_263 = arith.subi %sub3A_262, %iota3A : vector<16xi32>
        %jit3A_264 = arith.constant 0 : i32
        %jit3A_265 = arith.constant 1 : i32
        %max3A_266 = vector.broadcast %jit3A_264 : i32 to vector<16xi32>
        %max3A_267 = arith.maxsi %max3A_266, %sub3A_263 : vector<16xi32>
        %min3A_268 = vector.broadcast %jit3A_265 : i32 to vector<16xi32>
        %min3A_269 = arith.minsi %min3A_268, %max3A_267 : vector<16xi32>
        %sub3A_270 = arith.subi %min3A_260, %min3A_269 : vector<16xi32>
        %convert_element_type3A_271 = arith.sitofp %sub3A_270 : vector<16xi32> to vector<16xf32>
        %get3A_272 = arith.index_cast %add3A_241 : i32 to index
        %get3A_273 = arith.constant 0 : index
        %get3A_274 = tpu.vector_load %arg12[%get3A_272, %get3A_273] {strides = array<i32>} : memref<128x16xf32, #tpu.memory_space<vmem>>, vector<16xf32>,
        %get3A_275 = arith.index_cast %add3A_241 : i32 to index
        %get3A_276 = arith.constant 0 : index
        %get3A_277 = tpu.vector_load %arg14[%get3A_275, %get3A_276] {strides = array<i32>} : memref<128x16xf32, #tpu.memory_space<vmem>>, vector<16xf32>,
        %broadcast_in_dim3A_278 = vector.shape_cast %broadcast_in_dim3A_243 : vector<16xi32> to vector<16x1xi32>
        %gather3A = vector.shape_cast %broadcast_in_dim3A_278 : vector<16x1xi32> to vector<16xi32>
        %gather3A_279 = tpu.dynamic_gather %get3A_274[%gather3A] in [0] : vector<16xf32>, vector<16xi32> -> vector<16xf32>
        %broadcast_in_dim3A_280 = vector.shape_cast %broadcast_in_dim3A_245 : vector<16xi32> to vector<16x1xi32>
        %gather3A_281 = vector.shape_cast %broadcast_in_dim3A_280 : vector<16x1xi32> to vector<16xi32>
        %gather3A_282 = tpu.dynamic_gather %get3A_277[%gather3A_281] in [0] : vector<16xf32>, vector<16xi32> -> vector<16xf32>
        %add3A_283 = arith.addf %gather3A_279, %gather3A_282 : vector<16xf32>
        %mul3A_284 = arith.constant 2.000000e-01 : f32
        %mul3A_285 = vector.broadcast %mul3A_284 : f32 to vector<16xf32>
        %mul3A_286 = arith.mulf %mul3A_285, %add3A_283 : vector<16xf32>
        %max3A_287 = arith.maximumf %add3A_283, %mul3A_286 : vector<16xf32>
        %sub3A_288 = arith.subf %max3A_287, %get3A_242 : vector<16xf32>
        %exp3A = math.exp %sub3A_288 : vector<16xf32>
        %mul3A_289 = arith.mulf %get3A_274, %convert_element_type3A_251 : vector<16xf32>
        %add3A_290 = arith.addf %mul3A_289, %convert_element_type3A_271 : vector<16xf32>
        %mul3A_291 = arith.mulf %add3A_290, %exp3A : vector<16xf32>
        %swap3A = arith.index_cast %add3A_241 : i32 to index
        %swap3A_292 = arith.constant 0 : index
        %swap3A_293 = tpu.vector_load %arg20[%swap3A, %swap3A_292] {strides = array<i32>} : memref<128x16xf32, #tpu.memory_space<vmem>>, vector<16xf32>,
        tpu.vector_store %arg20[%swap3A, %swap3A_292], %mul3A_291 {strides = array<i32>} : memref<128x16xf32, #tpu.memory_space<vmem>>, vector<16xf32>,
        %mul3A_294 = arith.constant 4 : i32
        %mul3A_295 = arith.muli %mul3A_294, %scan3A_237 : i32
        %add3A_296 = arith.constant 1 : i32
        %add3A_297 = arith.addi %mul3A_295, %add3A_296 : i32
        %get3A_298 = arith.constant 0 : index
        %get3A_299 = tpu.vector_load %arg22[%get3A_298] {strides = array<i32>} : memref<16xf32, #tpu.memory_space<vmem>>, vector<16xf32>,
        %iota3A_300 = tpu.iota {dimensions = array<i32: 0>} : vector<16xi32>
        %broadcast_in_dim3A_301 = arith.constant 7 : i32
        %broadcast_in_dim3A_302 = vector.broadcast %broadcast_in_dim3A_301 : i32 to vector<16xi32>
        %broadcast_in_dim3A_303 = arith.constant 0 : i32
        %broadcast_in_dim3A_304 = vector.broadcast %broadcast_in_dim3A_303 : i32 to vector<16xi32>
        %sub3A_305 = arith.constant 7 : i32
        %sub3A_306 = vector.broadcast %sub3A_305 : i32 to vector<16xi32>
        %sub3A_307 = arith.subi %sub3A_306, %iota3A_300 : vector<16xi32>
        %jit3A_308 = arith.constant 0 : i32
        %jit3A_309 = arith.constant 1 : i32
        %max3A_310 = vector.broadcast %jit3A_308 : i32 to vector<16xi32>
        %max3A_311 = arith.maxsi %max3A_310, %sub3A_307 : vector<16xi32>
        %min3A_312 = vector.broadcast %jit3A_309 : i32 to vector<16xi32>
        %min3A_313 = arith.minsi %min3A_312, %max3A_311 : vector<16xi32>
        %convert_element_type3A_314 = arith.sitofp %min3A_313 : vector<16xi32> to vector<16xf32>
        %sub3A_315 = arith.constant 8 : i32
        %sub3A_316 = vector.broadcast %sub3A_315 : i32 to vector<16xi32>
        %sub3A_317 = arith.subi %sub3A_316, %iota3A_300 : vector<16xi32>
        %jit3A_318 = arith.constant 0 : i32
        %jit3A_319 = arith.constant 1 : i32
        %max3A_320 = vector.broadcast %jit3A_318 : i32 to vector<16xi32>
        %max3A_321 = arith.maxsi %max3A_320, %sub3A_317 : vector<16xi32>
        %min3A_322 = vector.broadcast %jit3A_319 : i32 to vector<16xi32>
        %min3A_323 = arith.minsi %min3A_322, %max3A_321 : vector<16xi32>
        %sub3A_324 = arith.constant 7 : i32
        %sub3A_325 = vector.broadcast %sub3A_324 : i32 to vector<16xi32>
        %sub3A_326 = arith.subi %sub3A_325, %iota3A_300 : vector<16xi32>
        %jit3A_327 = arith.constant 0 : i32
        %jit3A_328 = arith.constant 1 : i32
        %max3A_329 = vector.broadcast %jit3A_327 : i32 to vector<16xi32>
        %max3A_330 = arith.maxsi %max3A_329, %sub3A_326 : vector<16xi32>
        %min3A_331 = vector.broadcast %jit3A_328 : i32 to vector<16xi32>
        %min3A_332 = arith.minsi %min3A_331, %max3A_330 : vector<16xi32>
        %sub3A_333 = arith.subi %min3A_323, %min3A_332 : vector<16xi32>
        %convert_element_type3A_334 = arith.sitofp %sub3A_333 : vector<16xi32> to vector<16xf32>
        %get3A_335 = arith.index_cast %add3A_297 : i32 to index
        %get3A_336 = arith.constant 0 : index
        %get3A_337 = tpu.vector_load %arg12[%get3A_335, %get3A_336] {strides = array<i32>} : memref<128x16xf32, #tpu.memory_space<vmem>>, vector<16xf32>,
        %get3A_338 = arith.index_cast %add3A_297 : i32 to index
        %get3A_339 = arith.constant 0 : index
        %get3A_340 = tpu.vector_load %arg14[%get3A_338, %get3A_339] {strides = array<i32>} : memref<128x16xf32, #tpu.memory_space<vmem>>, vector<16xf32>,
        %broadcast_in_dim3A_341 = vector.shape_cast %broadcast_in_dim3A_302 : vector<16xi32> to vector<16x1xi32>
        %gather3A_342 = vector.shape_cast %broadcast_in_dim3A_341 : vector<16x1xi32> to vector<16xi32>
        %gather3A_343 = tpu.dynamic_gather %get3A_337[%gather3A_342] in [0] : vector<16xf32>, vector<16xi32> -> vector<16xf32>
        %broadcast_in_dim3A_344 = vector.shape_cast %broadcast_in_dim3A_304 : vector<16xi32> to vector<16x1xi32>
        %gather3A_345 = vector.shape_cast %broadcast_in_dim3A_344 : vector<16x1xi32> to vector<16xi32>
        %gather3A_346 = tpu.dynamic_gather %get3A_340[%gather3A_345] in [0] : vector<16xf32>, vector<16xi32> -> vector<16xf32>
        %add3A_347 = arith.addf %gather3A_343, %gather3A_346 : vector<16xf32>
        %mul3A_348 = arith.constant 2.000000e-01 : f32
        %mul3A_349 = vector.broadcast %mul3A_348 : f32 to vector<16xf32>
        %mul3A_350 = arith.mulf %mul3A_349, %add3A_347 : vector<16xf32>
        %max3A_351 = arith.maximumf %add3A_347, %mul3A_350 : vector<16xf32>
        %sub3A_352 = arith.subf %max3A_351, %get3A_299 : vector<16xf32>
        %exp3A_353 = math.exp %sub3A_352 : vector<16xf32>
        %mul3A_354 = arith.mulf %get3A_337, %convert_element_type3A_314 : vector<16xf32>
        %add3A_355 = arith.addf %mul3A_354, %convert_element_type3A_334 : vector<16xf32>
        %mul3A_356 = arith.mulf %add3A_355, %exp3A_353 : vector<16xf32>
        %swap3A_357 = arith.index_cast %add3A_297 : i32 to index
        %swap3A_358 = arith.constant 0 : index
        %swap3A_359 = tpu.vector_load %arg20[%swap3A_357, %swap3A_358] {strides = array<i32>} : memref<128x16xf32, #tpu.memory_space<vmem>>, vector<16xf32>,
        tpu.vector_store %arg20[%swap3A_357, %swap3A_358], %mul3A_356 {strides = array<i32>} : memref<128x16xf32, #tpu.memory_space<vmem>>, vector<16xf32>,
        %mul3A_360 = arith.constant 4 : i32
        %mul3A_361 = arith.muli %mul3A_360, %scan3A_237 : i32
        %add3A_362 = arith.constant 2 : i32
        %add3A_363 = arith.addi %mul3A_361, %add3A_362 : i32
        %get3A_364 = arith.constant 0 : index
        %get3A_365 = tpu.vector_load %arg22[%get3A_364] {strides = array<i32>} : memref<16xf32, #tpu.memory_space<vmem>>, vector<16xf32>,
        %iota3A_366 = tpu.iota {dimensions = array<i32: 0>} : vector<16xi32>
        %broadcast_in_dim3A_367 = arith.constant 7 : i32
        %broadcast_in_dim3A_368 = vector.broadcast %broadcast_in_dim3A_367 : i32 to vector<16xi32>
        %broadcast_in_dim3A_369 = arith.constant 0 : i32
        %broadcast_in_dim3A_370 = vector.broadcast %broadcast_in_dim3A_369 : i32 to vector<16xi32>
        %sub3A_371 = arith.constant 7 : i32
        %sub3A_372 = vector.broadcast %sub3A_371 : i32 to vector<16xi32>
        %sub3A_373 = arith.subi %sub3A_372, %iota3A_366 : vector<16xi32>
        %jit3A_374 = arith.constant 0 : i32
        %jit3A_375 = arith.constant 1 : i32
        %max3A_376 = vector.broadcast %jit3A_374 : i32 to vector<16xi32>
        %max3A_377 = arith.maxsi %max3A_376, %sub3A_373 : vector<16xi32>
        %min3A_378 = vector.broadcast %jit3A_375 : i32 to vector<16xi32>
        %min3A_379 = arith.minsi %min3A_378, %max3A_377 : vector<16xi32>
        %convert_element_type3A_380 = arith.sitofp %min3A_379 : vector<16xi32> to vector<16xf32>
        %sub3A_381 = arith.constant 8 : i32
        %sub3A_382 = vector.broadcast %sub3A_381 : i32 to vector<16xi32>
        %sub3A_383 = arith.subi %sub3A_382, %iota3A_366 : vector<16xi32>
        %jit3A_384 = arith.constant 0 : i32
        %jit3A_385 = arith.constant 1 : i32
        %max3A_386 = vector.broadcast %jit3A_384 : i32 to vector<16xi32>
        %max3A_387 = arith.maxsi %max3A_386, %sub3A_383 : vector<16xi32>
        %min3A_388 = vector.broadcast %jit3A_385 : i32 to vector<16xi32>
        %min3A_389 = arith.minsi %min3A_388, %max3A_387 : vector<16xi32>
        %sub3A_390 = arith.constant 7 : i32
        %sub3A_391 = vector.broadcast %sub3A_390 : i32 to vector<16xi32>
        %sub3A_392 = arith.subi %sub3A_391, %iota3A_366 : vector<16xi32>
        %jit3A_393 = arith.constant 0 : i32
        %jit3A_394 = arith.constant 1 : i32
        %max3A_395 = vector.broadcast %jit3A_393 : i32 to vector<16xi32>
        %max3A_396 = arith.maxsi %max3A_395, %sub3A_392 : vector<16xi32>
        %min3A_397 = vector.broadcast %jit3A_394 : i32 to vector<16xi32>
        %min3A_398 = arith.minsi %min3A_397, %max3A_396 : vector<16xi32>
        %sub3A_399 = arith.subi %min3A_389, %min3A_398 : vector<16xi32>
        %convert_element_type3A_400 = arith.sitofp %sub3A_399 : vector<16xi32> to vector<16xf32>
        %get3A_401 = arith.index_cast %add3A_363 : i32 to index
        %get3A_402 = arith.constant 0 : index
        %get3A_403 = tpu.vector_load %arg12[%get3A_401, %get3A_402] {strides = array<i32>} : memref<128x16xf32, #tpu.memory_space<vmem>>, vector<16xf32>,
        %get3A_404 = arith.index_cast %add3A_363 : i32 to index
        %get3A_405 = arith.constant 0 : index
        %get3A_406 = tpu.vector_load %arg14[%get3A_404, %get3A_405] {strides = array<i32>} : memref<128x16xf32, #tpu.memory_space<vmem>>, vector<16xf32>,
        %broadcast_in_dim3A_407 = vector.shape_cast %broadcast_in_dim3A_368 : vector<16xi32> to vector<16x1xi32>
        %gather3A_408 = vector.shape_cast %broadcast_in_dim3A_407 : vector<16x1xi32> to vector<16xi32>
        %gather3A_409 = tpu.dynamic_gather %get3A_403[%gather3A_408] in [0] : vector<16xf32>, vector<16xi32> -> vector<16xf32>
        %broadcast_in_dim3A_410 = vector.shape_cast %broadcast_in_dim3A_370 : vector<16xi32> to vector<16x1xi32>
        %gather3A_411 = vector.shape_cast %broadcast_in_dim3A_410 : vector<16x1xi32> to vector<16xi32>
        %gather3A_412 = tpu.dynamic_gather %get3A_406[%gather3A_411] in [0] : vector<16xf32>, vector<16xi32> -> vector<16xf32>
        %add3A_413 = arith.addf %gather3A_409, %gather3A_412 : vector<16xf32>
        %mul3A_414 = arith.constant 2.000000e-01 : f32
        %mul3A_415 = vector.broadcast %mul3A_414 : f32 to vector<16xf32>
        %mul3A_416 = arith.mulf %mul3A_415, %add3A_413 : vector<16xf32>
        %max3A_417 = arith.maximumf %add3A_413, %mul3A_416 : vector<16xf32>
        %sub3A_418 = arith.subf %max3A_417, %get3A_365 : vector<16xf32>
        %exp3A_419 = math.exp %sub3A_418 : vector<16xf32>
        %mul3A_420 = arith.mulf %get3A_403, %convert_element_type3A_380 : vector<16xf32>
        %add3A_421 = arith.addf %mul3A_420, %convert_element_type3A_400 : vector<16xf32>
        %mul3A_422 = arith.mulf %add3A_421, %exp3A_419 : vector<16xf32>
        %swap3A_423 = arith.index_cast %add3A_363 : i32 to index
        %swap3A_424 = arith.constant 0 : index
        %swap3A_425 = tpu.vector_load %arg20[%swap3A_423, %swap3A_424] {strides = array<i32>} : memref<128x16xf32, #tpu.memory_space<vmem>>, vector<16xf32>,
        tpu.vector_store %arg20[%swap3A_423, %swap3A_424], %mul3A_422 {strides = array<i32>} : memref<128x16xf32, #tpu.memory_space<vmem>>, vector<16xf32>,
        %mul3A_426 = arith.constant 4 : i32
        %mul3A_427 = arith.muli %mul3A_426, %scan3A_237 : i32
        %add3A_428 = arith.constant 3 : i32
        %add3A_429 = arith.addi %mul3A_427, %add3A_428 : i32
        %get3A_430 = arith.constant 0 : index
        %get3A_431 = tpu.vector_load %arg22[%get3A_430] {strides = array<i32>} : memref<16xf32, #tpu.memory_space<vmem>>, vector<16xf32>,
        %iota3A_432 = tpu.iota {dimensions = array<i32: 0>} : vector<16xi32>
        %broadcast_in_dim3A_433 = arith.constant 7 : i32
        %broadcast_in_dim3A_434 = vector.broadcast %broadcast_in_dim3A_433 : i32 to vector<16xi32>
        %broadcast_in_dim3A_435 = arith.constant 0 : i32
        %broadcast_in_dim3A_436 = vector.broadcast %broadcast_in_dim3A_435 : i32 to vector<16xi32>
        %sub3A_437 = arith.constant 7 : i32
        %sub3A_438 = vector.broadcast %sub3A_437 : i32 to vector<16xi32>
        %sub3A_439 = arith.subi %sub3A_438, %iota3A_432 : vector<16xi32>
        %jit3A_440 = arith.constant 0 : i32
        %jit3A_441 = arith.constant 1 : i32
        %max3A_442 = vector.broadcast %jit3A_440 : i32 to vector<16xi32>
        %max3A_443 = arith.maxsi %max3A_442, %sub3A_439 : vector<16xi32>
        %min3A_444 = vector.broadcast %jit3A_441 : i32 to vector<16xi32>
        %min3A_445 = arith.minsi %min3A_444, %max3A_443 : vector<16xi32>
        %convert_element_type3A_446 = arith.sitofp %min3A_445 : vector<16xi32> to vector<16xf32>
        %sub3A_447 = arith.constant 8 : i32
        %sub3A_448 = vector.broadcast %sub3A_447 : i32 to vector<16xi32>
        %sub3A_449 = arith.subi %sub3A_448, %iota3A_432 : vector<16xi32>
        %jit3A_450 = arith.constant 0 : i32
        %jit3A_451 = arith.constant 1 : i32
        %max3A_452 = vector.broadcast %jit3A_450 : i32 to vector<16xi32>
        %max3A_453 = arith.maxsi %max3A_452, %sub3A_449 : vector<16xi32>
        %min3A_454 = vector.broadcast %jit3A_451 : i32 to vector<16xi32>
        %min3A_455 = arith.minsi %min3A_454, %max3A_453 : vector<16xi32>
        %sub3A_456 = arith.constant 7 : i32
        %sub3A_457 = vector.broadcast %sub3A_456 : i32 to vector<16xi32>
        %sub3A_458 = arith.subi %sub3A_457, %iota3A_432 : vector<16xi32>
        %jit3A_459 = arith.constant 0 : i32
        %jit3A_460 = arith.constant 1 : i32
        %max3A_461 = vector.broadcast %jit3A_459 : i32 to vector<16xi32>
        %max3A_462 = arith.maxsi %max3A_461, %sub3A_458 : vector<16xi32>
        %min3A_463 = vector.broadcast %jit3A_460 : i32 to vector<16xi32>
        %min3A_464 = arith.minsi %min3A_463, %max3A_462 : vector<16xi32>
        %sub3A_465 = arith.subi %min3A_455, %min3A_464 : vector<16xi32>
        %convert_element_type3A_466 = arith.sitofp %sub3A_465 : vector<16xi32> to vector<16xf32>
        %get3A_467 = arith.index_cast %add3A_429 : i32 to index
        %get3A_468 = arith.constant 0 : index
        %get3A_469 = tpu.vector_load %arg12[%get3A_467, %get3A_468] {strides = array<i32>} : memref<128x16xf32, #tpu.memory_space<vmem>>, vector<16xf32>,
        %get3A_470 = arith.index_cast %add3A_429 : i32 to index
        %get3A_471 = arith.constant 0 : index
        %get3A_472 = tpu.vector_load %arg14[%get3A_470, %get3A_471] {strides = array<i32>} : memref<128x16xf32, #tpu.memory_space<vmem>>, vector<16xf32>,
        %broadcast_in_dim3A_473 = vector.shape_cast %broadcast_in_dim3A_434 : vector<16xi32> to vector<16x1xi32>
        %gather3A_474 = vector.shape_cast %broadcast_in_dim3A_473 : vector<16x1xi32> to vector<16xi32>
        %gather3A_475 = tpu.dynamic_gather %get3A_469[%gather3A_474] in [0] : vector<16xf32>, vector<16xi32> -> vector<16xf32>
        %broadcast_in_dim3A_476 = vector.shape_cast %broadcast_in_dim3A_436 : vector<16xi32> to vector<16x1xi32>
        %gather3A_477 = vector.shape_cast %broadcast_in_dim3A_476 : vector<16x1xi32> to vector<16xi32>
        %gather3A_478 = tpu.dynamic_gather %get3A_472[%gather3A_477] in [0] : vector<16xf32>, vector<16xi32> -> vector<16xf32>
        %add3A_479 = arith.addf %gather3A_475, %gather3A_478 : vector<16xf32>
        %mul3A_480 = arith.constant 2.000000e-01 : f32
        %mul3A_481 = vector.broadcast %mul3A_480 : f32 to vector<16xf32>
        %mul3A_482 = arith.mulf %mul3A_481, %add3A_479 : vector<16xf32>
        %max3A_483 = arith.maximumf %add3A_479, %mul3A_482 : vector<16xf32>
        %sub3A_484 = arith.subf %max3A_483, %get3A_431 : vector<16xf32>
        %exp3A_485 = math.exp %sub3A_484 : vector<16xf32>
        %mul3A_486 = arith.mulf %get3A_469, %convert_element_type3A_446 : vector<16xf32>
        %add3A_487 = arith.addf %mul3A_486, %convert_element_type3A_466 : vector<16xf32>
        %mul3A_488 = arith.mulf %add3A_487, %exp3A_485 : vector<16xf32>
        %swap3A_489 = arith.index_cast %add3A_429 : i32 to index
        %swap3A_490 = arith.constant 0 : index
        %swap3A_491 = tpu.vector_load %arg20[%swap3A_489, %swap3A_490] {strides = array<i32>} : memref<128x16xf32, #tpu.memory_space<vmem>>, vector<16xf32>,
        tpu.vector_store %arg20[%swap3A_489, %swap3A_490], %mul3A_488 {strides = array<i32>} : memref<128x16xf32, #tpu.memory_space<vmem>>, vector<16xf32>,
      }
      %scan3A_140 = arith.constant 32 : i32
      %dma_start3A_141 = arith.constant 0 : i32
      %dma_start3A_142 = arith.constant 0 : i32
      %dma_start3A_143 = tpu.memref_slice %arg23[%dma_start3A_141, %dma_start3A_142] : memref<10240x16xf32, #tpu.memory_space<vmem_shared>> -> memref<10240x16xf32, #tpu.memory_space<vmem_shared>>
      tpu.enqueue_indirect_dma source(%arg20 : memref<128x16xf32, #tpu.memory_space<vmem>>) target(%dma_start3A_143 : memref<10240x16xf32, #tpu.memory_space<vmem_shared>>) offsets(%arg16 : memref<128xi32, #tpu.memory_space<vmem>>) semaphore(%arg27 : memref<!tpu.dma_semaphore, #tpu.memory_space<semaphore_mem>>) {add = true}
      %add3A_144 = arith.constant 2 : i32
      %add3A_145 = arith.addi %add3A_111, %add3A_144 : i32
      %dma_start3A_146 = arith.constant 0 : i32
      %dma_start3A_147 = tpu.memref_slice %arg9[%add3A_145, %dma_start3A_146] : memref<80x128xi32, #tpu.memory_space<vmem>> -> memref<1x128xi32, #tpu.memory_space<vmem>>
      %dma_start3A_148 = tpu.memref_squeeze %dma_start3A_147 : memref<1x128xi32, #tpu.memory_space<vmem>> -> memref<128xi32, #tpu.memory_space<vmem>>
      %dma_start3A_149 = arith.constant 0 : i32
      %dma_start3A_150 = arith.constant 0 : i32
      %dma_start3A_151 = tpu.memref_slice %arg2[%dma_start3A_149, %dma_start3A_150] : memref<10240x16xf32, #tpu.memory_space<hbm>> -> memref<10240x16xf32, #tpu.memory_space<hbm>>
      tpu.enqueue_indirect_dma source(%dma_start3A_151 : memref<10240x16xf32, #tpu.memory_space<hbm>>) target(%arg12 : memref<128x16xf32, #tpu.memory_space<vmem>>) offsets(%dma_start3A_148 : memref<128xi32, #tpu.memory_space<vmem>>) semaphore(%arg25 : memref<!tpu.dma_semaphore, #tpu.memory_space<semaphore_mem>>)
      %dma_start3A_152 = arith.constant 0 : i32
      %dma_start3A_153 = tpu.memref_slice %arg10[%add3A_145, %dma_start3A_152] : memref<80x128xi32, #tpu.memory_space<vmem>> -> memref<1x128xi32, #tpu.memory_space<vmem>>
      %dma_start3A_154 = tpu.memref_squeeze %dma_start3A_153 : memref<1x128xi32, #tpu.memory_space<vmem>> -> memref<128xi32, #tpu.memory_space<vmem>>
      %dma_start3A_155 = arith.constant 0 : i32
      %dma_start3A_156 = arith.constant 0 : i32
      %dma_start3A_157 = tpu.memref_slice %arg3[%dma_start3A_155, %dma_start3A_156] : memref<10240x16xf32, #tpu.memory_space<hbm>> -> memref<10240x16xf32, #tpu.memory_space<hbm>>
      tpu.enqueue_indirect_dma source(%dma_start3A_157 : memref<10240x16xf32, #tpu.memory_space<hbm>>) target(%arg14 : memref<128x16xf32, #tpu.memory_space<vmem>>) offsets(%dma_start3A_154 : memref<128xi32, #tpu.memory_space<vmem>>) semaphore(%arg25 : memref<!tpu.dma_semaphore, #tpu.memory_space<semaphore_mem>>)
      %dma_start3A_158 = arith.constant 0 : i32
      %dma_start3A_159 = tpu.memref_slice %arg5[%add3A, %add3A_145, %dma_start3A_158] : memref<32x80x128xi32, #tpu.memory_space<hbm>> -> memref<1x1x128xi32, #tpu.memory_space<hbm>>
      %dma_start3A_160 = tpu.memref_squeeze %dma_start3A_159 : memref<1x1x128xi32, #tpu.memory_space<hbm>> -> memref<128xi32, #tpu.memory_space<hbm>>
      %dma_start3A_161 = arith.constant 0 : i32
      %dma_start3A_162 = tpu.memref_slice %arg5[%add3A, %add3A_145, %dma_start3A_161] : memref<32x80x128xi32, #tpu.memory_space<hbm>> -> memref<1x1x128xi32, #tpu.memory_space<hbm>>
      %dma_start3A_163 = tpu.memref_squeeze %dma_start3A_162 : memref<1x1x128xi32, #tpu.memory_space<hbm>> -> memref<128xi32, #tpu.memory_space<hbm>>
      tpu.enqueue_dma source(%dma_start3A_163 : memref<128xi32, #tpu.memory_space<hbm>>) target(%arg18 : memref<128xi32, #tpu.memory_space<vmem>>) target_semaphore(%arg25 : memref<!tpu.dma_semaphore, #tpu.memory_space<semaphore_mem>>)
      %add3A_164 = arith.constant 2 : i32
      %add3A_165 = arith.addi %mul3A_57, %add3A_164 : i32
      %not3A = arith.constant true
      %not3A_166 = arith.xori %ge3A_58, %not3A : i1
      %dma_wait3A_167 = arith.constant 0 : i32
      %dma_wait3A_168 = tpu.memref_slice %arg9[%add3A_165, %dma_wait3A_167] : memref<80x128xi32, #tpu.memory_space<vmem>> -> memref<1x128xi32, #tpu.memory_space<vmem>>
      %dma_wait3A_169 = tpu.memref_squeeze %dma_wait3A_168 : memref<1x128xi32, #tpu.memory_space<vmem>> -> memref<128xi32, #tpu.memory_space<vmem>>
      %dma_wait3A_170 = arith.constant 0 : i32
      %dma_wait3A_171 = arith.constant 0 : i32
      %dma_wait3A_172 = tpu.memref_slice %arg2[%dma_wait3A_170, %dma_wait3A_171] : memref<10240x16xf32, #tpu.memory_space<hbm>> -> memref<10240x16xf32, #tpu.memory_space<hbm>>
      tpu.wait_indirect_dma semaphore(%arg24 : memref<!tpu.dma_semaphore, #tpu.memory_space<semaphore_mem>>) src(%dma_wait3A_172 : memref<10240x16xf32, #tpu.memory_space<hbm>>) dst(%arg11 : memref<128x16xf32, #tpu.memory_space<vmem>>)
      %dma_wait3A_173 = arith.constant 0 : i32
      %dma_wait3A_174 = tpu.memref_slice %arg10[%add3A_165, %dma_wait3A_173] : memref<80x128xi32, #tpu.memory_space<vmem>> -> memref<1x128xi32, #tpu.memory_space<vmem>>
      %dma_wait3A_175 = tpu.memref_squeeze %dma_wait3A_174 : memref<1x128xi32, #tpu.memory_space<vmem>> -> memref<128xi32, #tpu.memory_space<vmem>>
      %dma_wait3A_176 = arith.constant 0 : i32
      %dma_wait3A_177 = arith.constant 0 : i32
      %dma_wait3A_178 = tpu.memref_slice %arg3[%dma_wait3A_176, %dma_wait3A_177] : memref<10240x16xf32, #tpu.memory_space<hbm>> -> memref<10240x16xf32, #tpu.memory_space<hbm>>
      tpu.wait_indirect_dma semaphore(%arg24 : memref<!tpu.dma_semaphore, #tpu.memory_space<semaphore_mem>>) src(%dma_wait3A_178 : memref<10240x16xf32, #tpu.memory_space<hbm>>) dst(%arg13 : memref<128x16xf32, #tpu.memory_space<vmem>>)
      %dma_wait3A_179 = arith.constant 0 : i32
      %dma_wait3A_180 = tpu.memref_slice %arg5[%add3A, %add3A_165, %dma_wait3A_179] : memref<32x80x128xi32, #tpu.memory_space<hbm>> -> memref<1x1x128xi32, #tpu.memory_space<hbm>>
      %dma_wait3A_181 = tpu.memref_squeeze %dma_wait3A_180 : memref<1x1x128xi32, #tpu.memory_space<hbm>> -> memref<128xi32, #tpu.memory_space<hbm>>
      %dma_wait3A_182 = arith.constant 0 : i32
      %dma_wait3A_183 = tpu.memref_slice %arg5[%add3A, %add3A_165, %dma_wait3A_182] : memref<32x80x128xi32, #tpu.memory_space<hbm>> -> memref<1x1x128xi32, #tpu.memory_space<hbm>>
      %dma_wait3A_184 = tpu.memref_squeeze %dma_wait3A_183 : memref<1x1x128xi32, #tpu.memory_space<hbm>> -> memref<128xi32, #tpu.memory_space<hbm>>
      tpu.wait_dma2 semaphore(%arg24 : memref<!tpu.dma_semaphore, #tpu.memory_space<semaphore_mem>>) src(%dma_wait3A_184 : memref<128xi32, #tpu.memory_space<hbm>>) dst(%arg17 : memref<128xi32, #tpu.memory_space<vmem>>)
      %dma_wait3A_185 = arith.constant 0 : i32
      %dma_wait3A_186 = arith.constant 0 : i32
      %dma_wait3A_187 = tpu.memref_slice %arg23[%dma_wait3A_185, %dma_wait3A_186] : memref<10240x16xf32, #tpu.memory_space<vmem_shared>> -> memref<10240x16xf32, #tpu.memory_space<vmem_shared>>
      tpu.wait_indirect_dma semaphore(%arg26 : memref<!tpu.dma_semaphore, #tpu.memory_space<semaphore_mem>>) src(%arg19 : memref<128x16xf32, #tpu.memory_space<vmem>>) dst(%dma_wait3A_187 : memref<10240x16xf32, #tpu.memory_space<vmem_shared>>)
      %scan3A_188 = arith.constant 0 : i32
      %scan3A_189 = arith.constant 0 : i32
      %scan3A_190 = arith.constant 32 : i32
      %scan3A_191 = arith.addi %scan3A_189, %scan3A_190 : i32
      %scan3A_192 = arith.constant 1 : i32
      scf.for %scan3A_237 = %scan3A_189 to %scan3A_191 step %scan3A_192  : i32 {
        %mul3A_238 = arith.constant 4 : i32
        %mul3A_239 = arith.muli %mul3A_238, %scan3A_237 : i32
        %add3A_240 = arith.constant 0 : i32
        %add3A_241 = arith.addi %mul3A_239, %add3A_240 : i32
        %get3A = arith.constant 0 : index
        %get3A_242 = tpu.vector_load %arg22[%get3A] {strides = array<i32>} : memref<16xf32, #tpu.memory_space<vmem>>, vector<16xf32>,
        %iota3A = tpu.iota {dimensions = array<i32: 0>} : vector<16xi32>
        %broadcast_in_dim3A = arith.constant 7 : i32
        %broadcast_in_dim3A_243 = vector.broadcast %broadcast_in_dim3A : i32 to vector<16xi32>
        %broadcast_in_dim3A_244 = arith.constant 0 : i32
        %broadcast_in_dim3A_245 = vector.broadcast %broadcast_in_dim3A_244 : i32 to vector<16xi32>
        %sub3A = arith.constant 7 : i32
        %sub3A_246 = vector.broadcast %sub3A : i32 to vector<16xi32>
        %sub3A_247 = arith.subi %sub3A_246, %iota3A : vector<16xi32>
        %jit3A = arith.constant 0 : i32
        %jit3A_248 = arith.constant 1 : i32
        %max3A = vector.broadcast %jit3A : i32 to vector<16xi32>
        %max3A_249 = arith.maxsi %max3A, %sub3A_247 : vector<16xi32>
        %min3A = vector.broadcast %jit3A_248 : i32 to vector<16xi32>
        %min3A_250 = arith.minsi %min3A, %max3A_249 : vector<16xi32>
        %convert_element_type3A_251 = arith.sitofp %min3A_250 : vector<16xi32> to vector<16xf32>
        %sub3A_252 = arith.constant 8 : i32
        %sub3A_253 = vector.broadcast %sub3A_252 : i32 to vector<16xi32>
        %sub3A_254 = arith.subi %sub3A_253, %iota3A : vector<16xi32>
        %jit3A_255 = arith.constant 0 : i32
        %jit3A_256 = arith.constant 1 : i32
        %max3A_257 = vector.broadcast %jit3A_255 : i32 to vector<16xi32>
        %max3A_258 = arith.maxsi %max3A_257, %sub3A_254 : vector<16xi32>
        %min3A_259 = vector.broadcast %jit3A_256 : i32 to vector<16xi32>
        %min3A_260 = arith.minsi %min3A_259, %max3A_258 : vector<16xi32>
        %sub3A_261 = arith.constant 7 : i32
        %sub3A_262 = vector.broadcast %sub3A_261 : i32 to vector<16xi32>
        %sub3A_263 = arith.subi %sub3A_262, %iota3A : vector<16xi32>
        %jit3A_264 = arith.constant 0 : i32
        %jit3A_265 = arith.constant 1 : i32
        %max3A_266 = vector.broadcast %jit3A_264 : i32 to vector<16xi32>
        %max3A_267 = arith.maxsi %max3A_266, %sub3A_263 : vector<16xi32>
        %min3A_268 = vector.broadcast %jit3A_265 : i32 to vector<16xi32>
        %min3A_269 = arith.minsi %min3A_268, %max3A_267 : vector<16xi32>
        %sub3A_270 = arith.subi %min3A_260, %min3A_269 : vector<16xi32>
        %convert_element_type3A_271 = arith.sitofp %sub3A_270 : vector<16xi32> to vector<16xf32>
        %get3A_272 = arith.index_cast %add3A_241 : i32 to index
        %get3A_273 = arith.constant 0 : index
        %get3A_274 = tpu.vector_load %arg11[%get3A_272, %get3A_273] {strides = array<i32>} : memref<128x16xf32, #tpu.memory_space<vmem>>, vector<16xf32>,
        %get3A_275 = arith.index_cast %add3A_241 : i32 to index
        %get3A_276 = arith.constant 0 : index
        %get3A_277 = tpu.vector_load %arg13[%get3A_275, %get3A_276] {strides = array<i32>} : memref<128x16xf32, #tpu.memory_space<vmem>>, vector<16xf32>,
        %broadcast_in_dim3A_278 = vector.shape_cast %broadcast_in_dim3A_243 : vector<16xi32> to vector<16x1xi32>
        %gather3A = vector.shape_cast %broadcast_in_dim3A_278 : vector<16x1xi32> to vector<16xi32>
        %gather3A_279 = tpu.dynamic_gather %get3A_274[%gather3A] in [0] : vector<16xf32>, vector<16xi32> -> vector<16xf32>
        %broadcast_in_dim3A_280 = vector.shape_cast %broadcast_in_dim3A_245 : vector<16xi32> to vector<16x1xi32>
        %gather3A_281 = vector.shape_cast %broadcast_in_dim3A_280 : vector<16x1xi32> to vector<16xi32>
        %gather3A_282 = tpu.dynamic_gather %get3A_277[%gather3A_281] in [0] : vector<16xf32>, vector<16xi32> -> vector<16xf32>
        %add3A_283 = arith.addf %gather3A_279, %gather3A_282 : vector<16xf32>
        %mul3A_284 = arith.constant 2.000000e-01 : f32
        %mul3A_285 = vector.broadcast %mul3A_284 : f32 to vector<16xf32>
        %mul3A_286 = arith.mulf %mul3A_285, %add3A_283 : vector<16xf32>
        %max3A_287 = arith.maximumf %add3A_283, %mul3A_286 : vector<16xf32>
        %sub3A_288 = arith.subf %max3A_287, %get3A_242 : vector<16xf32>
        %exp3A = math.exp %sub3A_288 : vector<16xf32>
        %mul3A_289 = arith.mulf %get3A_274, %convert_element_type3A_251 : vector<16xf32>
        %add3A_290 = arith.addf %mul3A_289, %convert_element_type3A_271 : vector<16xf32>
        %mul3A_291 = arith.mulf %add3A_290, %exp3A : vector<16xf32>
        %swap3A = arith.index_cast %add3A_241 : i32 to index
        %swap3A_292 = arith.constant 0 : index
        %swap3A_293 = tpu.vector_load %arg19[%swap3A, %swap3A_292] {strides = array<i32>} : memref<128x16xf32, #tpu.memory_space<vmem>>, vector<16xf32>,
        tpu.vector_store %arg19[%swap3A, %swap3A_292], %mul3A_291 {strides = array<i32>} : memref<128x16xf32, #tpu.memory_space<vmem>>, vector<16xf32>,
        %mul3A_294 = arith.constant 4 : i32
        %mul3A_295 = arith.muli %mul3A_294, %scan3A_237 : i32
        %add3A_296 = arith.constant 1 : i32
        %add3A_297 = arith.addi %mul3A_295, %add3A_296 : i32
        %get3A_298 = arith.constant 0 : index
        %get3A_299 = tpu.vector_load %arg22[%get3A_298] {strides = array<i32>} : memref<16xf32, #tpu.memory_space<vmem>>, vector<16xf32>,
        %iota3A_300 = tpu.iota {dimensions = array<i32: 0>} : vector<16xi32>
        %broadcast_in_dim3A_301 = arith.constant 7 : i32
        %broadcast_in_dim3A_302 = vector.broadcast %broadcast_in_dim3A_301 : i32 to vector<16xi32>
        %broadcast_in_dim3A_303 = arith.constant 0 : i32
        %broadcast_in_dim3A_304 = vector.broadcast %broadcast_in_dim3A_303 : i32 to vector<16xi32>
        %sub3A_305 = arith.constant 7 : i32
        %sub3A_306 = vector.broadcast %sub3A_305 : i32 to vector<16xi32>
        %sub3A_307 = arith.subi %sub3A_306, %iota3A_300 : vector<16xi32>
        %jit3A_308 = arith.constant 0 : i32
        %jit3A_309 = arith.constant 1 : i32
        %max3A_310 = vector.broadcast %jit3A_308 : i32 to vector<16xi32>
        %max3A_311 = arith.maxsi %max3A_310, %sub3A_307 : vector<16xi32>
        %min3A_312 = vector.broadcast %jit3A_309 : i32 to vector<16xi32>
        %min3A_313 = arith.minsi %min3A_312, %max3A_311 : vector<16xi32>
        %convert_element_type3A_314 = arith.sitofp %min3A_313 : vector<16xi32> to vector<16xf32>
        %sub3A_315 = arith.constant 8 : i32
        %sub3A_316 = vector.broadcast %sub3A_315 : i32 to vector<16xi32>
        %sub3A_317 = arith.subi %sub3A_316, %iota3A_300 : vector<16xi32>
        %jit3A_318 = arith.constant 0 : i32
        %jit3A_319 = arith.constant 1 : i32
        %max3A_320 = vector.broadcast %jit3A_318 : i32 to vector<16xi32>
        %max3A_321 = arith.maxsi %max3A_320, %sub3A_317 : vector<16xi32>
        %min3A_322 = vector.broadcast %jit3A_319 : i32 to vector<16xi32>
        %min3A_323 = arith.minsi %min3A_322, %max3A_321 : vector<16xi32>
        %sub3A_324 = arith.constant 7 : i32
        %sub3A_325 = vector.broadcast %sub3A_324 : i32 to vector<16xi32>
        %sub3A_326 = arith.subi %sub3A_325, %iota3A_300 : vector<16xi32>
        %jit3A_327 = arith.constant 0 : i32
        %jit3A_328 = arith.constant 1 : i32
        %max3A_329 = vector.broadcast %jit3A_327 : i32 to vector<16xi32>
        %max3A_330 = arith.maxsi %max3A_329, %sub3A_326 : vector<16xi32>
        %min3A_331 = vector.broadcast %jit3A_328 : i32 to vector<16xi32>
        %min3A_332 = arith.minsi %min3A_331, %max3A_330 : vector<16xi32>
        %sub3A_333 = arith.subi %min3A_323, %min3A_332 : vector<16xi32>
        %convert_element_type3A_334 = arith.sitofp %sub3A_333 : vector<16xi32> to vector<16xf32>
        %get3A_335 = arith.index_cast %add3A_297 : i32 to index
        %get3A_336 = arith.constant 0 : index
        %get3A_337 = tpu.vector_load %arg11[%get3A_335, %get3A_336] {strides = array<i32>} : memref<128x16xf32, #tpu.memory_space<vmem>>, vector<16xf32>,
        %get3A_338 = arith.index_cast %add3A_297 : i32 to index
        %get3A_339 = arith.constant 0 : index
        %get3A_340 = tpu.vector_load %arg13[%get3A_338, %get3A_339] {strides = array<i32>} : memref<128x16xf32, #tpu.memory_space<vmem>>, vector<16xf32>,
        %broadcast_in_dim3A_341 = vector.shape_cast %broadcast_in_dim3A_302 : vector<16xi32> to vector<16x1xi32>
        %gather3A_342 = vector.shape_cast %broadcast_in_dim3A_341 : vector<16x1xi32> to vector<16xi32>
        %gather3A_343 = tpu.dynamic_gather %get3A_337[%gather3A_342] in [0] : vector<16xf32>, vector<16xi32> -> vector<16xf32>
        %broadcast_in_dim3A_344 = vector.shape_cast %broadcast_in_dim3A_304 : vector<16xi32> to vector<16x1xi32>
        %gather3A_345 = vector.shape_cast %broadcast_in_dim3A_344 : vector<16x1xi32> to vector<16xi32>
        %gather3A_346 = tpu.dynamic_gather %get3A_340[%gather3A_345] in [0] : vector<16xf32>, vector<16xi32> -> vector<16xf32>
        %add3A_347 = arith.addf %gather3A_343, %gather3A_346 : vector<16xf32>
        %mul3A_348 = arith.constant 2.000000e-01 : f32
        %mul3A_349 = vector.broadcast %mul3A_348 : f32 to vector<16xf32>
        %mul3A_350 = arith.mulf %mul3A_349, %add3A_347 : vector<16xf32>
        %max3A_351 = arith.maximumf %add3A_347, %mul3A_350 : vector<16xf32>
        %sub3A_352 = arith.subf %max3A_351, %get3A_299 : vector<16xf32>
        %exp3A_353 = math.exp %sub3A_352 : vector<16xf32>
        %mul3A_354 = arith.mulf %get3A_337, %convert_element_type3A_314 : vector<16xf32>
        %add3A_355 = arith.addf %mul3A_354, %convert_element_type3A_334 : vector<16xf32>
        %mul3A_356 = arith.mulf %add3A_355, %exp3A_353 : vector<16xf32>
        %swap3A_357 = arith.index_cast %add3A_297 : i32 to index
        %swap3A_358 = arith.constant 0 : index
        %swap3A_359 = tpu.vector_load %arg19[%swap3A_357, %swap3A_358] {strides = array<i32>} : memref<128x16xf32, #tpu.memory_space<vmem>>, vector<16xf32>,
        tpu.vector_store %arg19[%swap3A_357, %swap3A_358], %mul3A_356 {strides = array<i32>} : memref<128x16xf32, #tpu.memory_space<vmem>>, vector<16xf32>,
        %mul3A_360 = arith.constant 4 : i32
        %mul3A_361 = arith.muli %mul3A_360, %scan3A_237 : i32
        %add3A_362 = arith.constant 2 : i32
        %add3A_363 = arith.addi %mul3A_361, %add3A_362 : i32
        %get3A_364 = arith.constant 0 : index
        %get3A_365 = tpu.vector_load %arg22[%get3A_364] {strides = array<i32>} : memref<16xf32, #tpu.memory_space<vmem>>, vector<16xf32>,
        %iota3A_366 = tpu.iota {dimensions = array<i32: 0>} : vector<16xi32>
        %broadcast_in_dim3A_367 = arith.constant 7 : i32
        %broadcast_in_dim3A_368 = vector.broadcast %broadcast_in_dim3A_367 : i32 to vector<16xi32>
        %broadcast_in_dim3A_369 = arith.constant 0 : i32
        %broadcast_in_dim3A_370 = vector.broadcast %broadcast_in_dim3A_369 : i32 to vector<16xi32>
        %sub3A_371 = arith.constant 7 : i32
        %sub3A_372 = vector.broadcast %sub3A_371 : i32 to vector<16xi32>
        %sub3A_373 = arith.subi %sub3A_372, %iota3A_366 : vector<16xi32>
        %jit3A_374 = arith.constant 0 : i32
        %jit3A_375 = arith.constant 1 : i32
        %max3A_376 = vector.broadcast %jit3A_374 : i32 to vector<16xi32>
        %max3A_377 = arith.maxsi %max3A_376, %sub3A_373 : vector<16xi32>
        %min3A_378 = vector.broadcast %jit3A_375 : i32 to vector<16xi32>
        %min3A_379 = arith.minsi %min3A_378, %max3A_377 : vector<16xi32>
        %convert_element_type3A_380 = arith.sitofp %min3A_379 : vector<16xi32> to vector<16xf32>
        %sub3A_381 = arith.constant 8 : i32
        %sub3A_382 = vector.broadcast %sub3A_381 : i32 to vector<16xi32>
        %sub3A_383 = arith.subi %sub3A_382, %iota3A_366 : vector<16xi32>
        %jit3A_384 = arith.constant 0 : i32
        %jit3A_385 = arith.constant 1 : i32
        %max3A_386 = vector.broadcast %jit3A_384 : i32 to vector<16xi32>
        %max3A_387 = arith.maxsi %max3A_386, %sub3A_383 : vector<16xi32>
        %min3A_388 = vector.broadcast %jit3A_385 : i32 to vector<16xi32>
        %min3A_389 = arith.minsi %min3A_388, %max3A_387 : vector<16xi32>
        %sub3A_390 = arith.constant 7 : i32
        %sub3A_391 = vector.broadcast %sub3A_390 : i32 to vector<16xi32>
        %sub3A_392 = arith.subi %sub3A_391, %iota3A_366 : vector<16xi32>
        %jit3A_393 = arith.constant 0 : i32
        %jit3A_394 = arith.constant 1 : i32
        %max3A_395 = vector.broadcast %jit3A_393 : i32 to vector<16xi32>
        %max3A_396 = arith.maxsi %max3A_395, %sub3A_392 : vector<16xi32>
        %min3A_397 = vector.broadcast %jit3A_394 : i32 to vector<16xi32>
        %min3A_398 = arith.minsi %min3A_397, %max3A_396 : vector<16xi32>
        %sub3A_399 = arith.subi %min3A_389, %min3A_398 : vector<16xi32>
        %convert_element_type3A_400 = arith.sitofp %sub3A_399 : vector<16xi32> to vector<16xf32>
        %get3A_401 = arith.index_cast %add3A_363 : i32 to index
        %get3A_402 = arith.constant 0 : index
        %get3A_403 = tpu.vector_load %arg11[%get3A_401, %get3A_402] {strides = array<i32>} : memref<128x16xf32, #tpu.memory_space<vmem>>, vector<16xf32>,
        %get3A_404 = arith.index_cast %add3A_363 : i32 to index
        %get3A_405 = arith.constant 0 : index
        %get3A_406 = tpu.vector_load %arg13[%get3A_404, %get3A_405] {strides = array<i32>} : memref<128x16xf32, #tpu.memory_space<vmem>>, vector<16xf32>,
        %broadcast_in_dim3A_407 = vector.shape_cast %broadcast_in_dim3A_368 : vector<16xi32> to vector<16x1xi32>
        %gather3A_408 = vector.shape_cast %broadcast_in_dim3A_407 : vector<16x1xi32> to vector<16xi32>
        %gather3A_409 = tpu.dynamic_gather %get3A_403[%gather3A_408] in [0] : vector<16xf32>, vector<16xi32> -> vector<16xf32>
        %broadcast_in_dim3A_410 = vector.shape_cast %broadcast_in_dim3A_370 : vector<16xi32> to vector<16x1xi32>
        %gather3A_411 = vector.shape_cast %broadcast_in_dim3A_410 : vector<16x1xi32> to vector<16xi32>
        %gather3A_412 = tpu.dynamic_gather %get3A_406[%gather3A_411] in [0] : vector<16xf32>, vector<16xi32> -> vector<16xf32>
        %add3A_413 = arith.addf %gather3A_409, %gather3A_412 : vector<16xf32>
        %mul3A_414 = arith.constant 2.000000e-01 : f32
        %mul3A_415 = vector.broadcast %mul3A_414 : f32 to vector<16xf32>
        %mul3A_416 = arith.mulf %mul3A_415, %add3A_413 : vector<16xf32>
        %max3A_417 = arith.maximumf %add3A_413, %mul3A_416 : vector<16xf32>
        %sub3A_418 = arith.subf %max3A_417, %get3A_365 : vector<16xf32>
        %exp3A_419 = math.exp %sub3A_418 : vector<16xf32>
        %mul3A_420 = arith.mulf %get3A_403, %convert_element_type3A_380 : vector<16xf32>
        %add3A_421 = arith.addf %mul3A_420, %convert_element_type3A_400 : vector<16xf32>
        %mul3A_422 = arith.mulf %add3A_421, %exp3A_419 : vector<16xf32>
        %swap3A_423 = arith.index_cast %add3A_363 : i32 to index
        %swap3A_424 = arith.constant 0 : index
        %swap3A_425 = tpu.vector_load %arg19[%swap3A_423, %swap3A_424] {strides = array<i32>} : memref<128x16xf32, #tpu.memory_space<vmem>>, vector<16xf32>,
        tpu.vector_store %arg19[%swap3A_423, %swap3A_424], %mul3A_422 {strides = array<i32>} : memref<128x16xf32, #tpu.memory_space<vmem>>, vector<16xf32>,
        %mul3A_426 = arith.constant 4 : i32
        %mul3A_427 = arith.muli %mul3A_426, %scan3A_237 : i32
        %add3A_428 = arith.constant 3 : i32
        %add3A_429 = arith.addi %mul3A_427, %add3A_428 : i32
        %get3A_430 = arith.constant 0 : index
        %get3A_431 = tpu.vector_load %arg22[%get3A_430] {strides = array<i32>} : memref<16xf32, #tpu.memory_space<vmem>>, vector<16xf32>,
        %iota3A_432 = tpu.iota {dimensions = array<i32: 0>} : vector<16xi32>
        %broadcast_in_dim3A_433 = arith.constant 7 : i32
        %broadcast_in_dim3A_434 = vector.broadcast %broadcast_in_dim3A_433 : i32 to vector<16xi32>
        %broadcast_in_dim3A_435 = arith.constant 0 : i32
        %broadcast_in_dim3A_436 = vector.broadcast %broadcast_in_dim3A_435 : i32 to vector<16xi32>
        %sub3A_437 = arith.constant 7 : i32
        %sub3A_438 = vector.broadcast %sub3A_437 : i32 to vector<16xi32>
        %sub3A_439 = arith.subi %sub3A_438, %iota3A_432 : vector<16xi32>
        %jit3A_440 = arith.constant 0 : i32
        %jit3A_441 = arith.constant 1 : i32
        %max3A_442 = vector.broadcast %jit3A_440 : i32 to vector<16xi32>
        %max3A_443 = arith.maxsi %max3A_442, %sub3A_439 : vector<16xi32>
        %min3A_444 = vector.broadcast %jit3A_441 : i32 to vector<16xi32>
        %min3A_445 = arith.minsi %min3A_444, %max3A_443 : vector<16xi32>
        %convert_element_type3A_446 = arith.sitofp %min3A_445 : vector<16xi32> to vector<16xf32>
        %sub3A_447 = arith.constant 8 : i32
        %sub3A_448 = vector.broadcast %sub3A_447 : i32 to vector<16xi32>
        %sub3A_449 = arith.subi %sub3A_448, %iota3A_432 : vector<16xi32>
        %jit3A_450 = arith.constant 0 : i32
        %jit3A_451 = arith.constant 1 : i32
        %max3A_452 = vector.broadcast %jit3A_450 : i32 to vector<16xi32>
        %max3A_453 = arith.maxsi %max3A_452, %sub3A_449 : vector<16xi32>
        %min3A_454 = vector.broadcast %jit3A_451 : i32 to vector<16xi32>
        %min3A_455 = arith.minsi %min3A_454, %max3A_453 : vector<16xi32>
        %sub3A_456 = arith.constant 7 : i32
        %sub3A_457 = vector.broadcast %sub3A_456 : i32 to vector<16xi32>
        %sub3A_458 = arith.subi %sub3A_457, %iota3A_432 : vector<16xi32>
        %jit3A_459 = arith.constant 0 : i32
        %jit3A_460 = arith.constant 1 : i32
        %max3A_461 = vector.broadcast %jit3A_459 : i32 to vector<16xi32>
        %max3A_462 = arith.maxsi %max3A_461, %sub3A_458 : vector<16xi32>
        %min3A_463 = vector.broadcast %jit3A_460 : i32 to vector<16xi32>
        %min3A_464 = arith.minsi %min3A_463, %max3A_462 : vector<16xi32>
        %sub3A_465 = arith.subi %min3A_455, %min3A_464 : vector<16xi32>
        %convert_element_type3A_466 = arith.sitofp %sub3A_465 : vector<16xi32> to vector<16xf32>
        %get3A_467 = arith.index_cast %add3A_429 : i32 to index
        %get3A_468 = arith.constant 0 : index
        %get3A_469 = tpu.vector_load %arg11[%get3A_467, %get3A_468] {strides = array<i32>} : memref<128x16xf32, #tpu.memory_space<vmem>>, vector<16xf32>,
        %get3A_470 = arith.index_cast %add3A_429 : i32 to index
        %get3A_471 = arith.constant 0 : index
        %get3A_472 = tpu.vector_load %arg13[%get3A_470, %get3A_471] {strides = array<i32>} : memref<128x16xf32, #tpu.memory_space<vmem>>, vector<16xf32>,
        %broadcast_in_dim3A_473 = vector.shape_cast %broadcast_in_dim3A_434 : vector<16xi32> to vector<16x1xi32>
        %gather3A_474 = vector.shape_cast %broadcast_in_dim3A_473 : vector<16x1xi32> to vector<16xi32>
        %gather3A_475 = tpu.dynamic_gather %get3A_469[%gather3A_474] in [0] : vector<16xf32>, vector<16xi32> -> vector<16xf32>
        %broadcast_in_dim3A_476 = vector.shape_cast %broadcast_in_dim3A_436 : vector<16xi32> to vector<16x1xi32>
        %gather3A_477 = vector.shape_cast %broadcast_in_dim3A_476 : vector<16x1xi32> to vector<16xi32>
        %gather3A_478 = tpu.dynamic_gather %get3A_472[%gather3A_477] in [0] : vector<16xf32>, vector<16xi32> -> vector<16xf32>
        %add3A_479 = arith.addf %gather3A_475, %gather3A_478 : vector<16xf32>
        %mul3A_480 = arith.constant 2.000000e-01 : f32
        %mul3A_481 = vector.broadcast %mul3A_480 : f32 to vector<16xf32>
        %mul3A_482 = arith.mulf %mul3A_481, %add3A_479 : vector<16xf32>
        %max3A_483 = arith.maximumf %add3A_479, %mul3A_482 : vector<16xf32>
        %sub3A_484 = arith.subf %max3A_483, %get3A_431 : vector<16xf32>
        %exp3A_485 = math.exp %sub3A_484 : vector<16xf32>
        %mul3A_486 = arith.mulf %get3A_469, %convert_element_type3A_446 : vector<16xf32>
        %add3A_487 = arith.addf %mul3A_486, %convert_element_type3A_466 : vector<16xf32>
        %mul3A_488 = arith.mulf %add3A_487, %exp3A_485 : vector<16xf32>
        %swap3A_489 = arith.index_cast %add3A_429 : i32 to index
        %swap3A_490 = arith.constant 0 : index
        %swap3A_491 = tpu.vector_load %arg19[%swap3A_489, %swap3A_490] {strides = array<i32>} : memref<128x16xf32, #tpu.memory_space<vmem>>, vector<16xf32>,
        tpu.vector_store %arg19[%swap3A_489, %swap3A_490], %mul3A_488 {strides = array<i32>} : memref<128x16xf32, #tpu.memory_space<vmem>>, vector<16xf32>,
      }
      %scan3A_193 = arith.constant 32 : i32
      %dma_start3A_194 = arith.constant 0 : i32
      %dma_start3A_195 = arith.constant 0 : i32
      %dma_start3A_196 = tpu.memref_slice %arg23[%dma_start3A_194, %dma_start3A_195] : memref<10240x16xf32, #tpu.memory_space<vmem_shared>> -> memref<10240x16xf32, #tpu.memory_space<vmem_shared>>
      tpu.enqueue_indirect_dma source(%arg19 : memref<128x16xf32, #tpu.memory_space<vmem>>) target(%dma_start3A_196 : memref<10240x16xf32, #tpu.memory_space<vmem_shared>>) offsets(%arg17 : memref<128xi32, #tpu.memory_space<vmem>>) semaphore(%arg26 : memref<!tpu.dma_semaphore, #tpu.memory_space<semaphore_mem>>) {add = true}
      %convert_element_type3A_197 = arith.extui %not3A_166 : i1 to i32
      %cond3A_198 = arith.constant 0 : i32
      %cond3A_199 = arith.cmpi ne, %convert_element_type3A_197, %cond3A_198 : i32
      scf.if %cond3A_199 {
        %add3A_237 = arith.constant 2 : i32
        %add3A_238 = arith.addi %add3A_165, %add3A_237 : i32
        %dma_start3A_239 = arith.constant 0 : i32
        %dma_start3A_240 = tpu.memref_slice %arg9[%add3A_238, %dma_start3A_239] : memref<80x128xi32, #tpu.memory_space<vmem>> -> memref<1x128xi32, #tpu.memory_space<vmem>>
        %dma_start3A_241 = tpu.memref_squeeze %dma_start3A_240 : memref<1x128xi32, #tpu.memory_space<vmem>> -> memref<128xi32, #tpu.memory_space<vmem>>
        %dma_start3A_242 = arith.constant 0 : i32
        %dma_start3A_243 = arith.constant 0 : i32
        %dma_start3A_244 = tpu.memref_slice %arg2[%dma_start3A_242, %dma_start3A_243] : memref<10240x16xf32, #tpu.memory_space<hbm>> -> memref<10240x16xf32, #tpu.memory_space<hbm>>
        tpu.enqueue_indirect_dma source(%dma_start3A_244 : memref<10240x16xf32, #tpu.memory_space<hbm>>) target(%arg11 : memref<128x16xf32, #tpu.memory_space<vmem>>) offsets(%dma_start3A_241 : memref<128xi32, #tpu.memory_space<vmem>>) semaphore(%arg24 : memref<!tpu.dma_semaphore, #tpu.memory_space<semaphore_mem>>)
        %dma_start3A_245 = arith.constant 0 : i32
        %dma_start3A_246 = tpu.memref_slice %arg10[%add3A_238, %dma_start3A_245] : memref<80x128xi32, #tpu.memory_space<vmem>> -> memref<1x128xi32, #tpu.memory_space<vmem>>
        %dma_start3A_247 = tpu.memref_squeeze %dma_start3A_246 : memref<1x128xi32, #tpu.memory_space<vmem>> -> memref<128xi32, #tpu.memory_space<vmem>>
        %dma_start3A_248 = arith.constant 0 : i32
        %dma_start3A_249 = arith.constant 0 : i32
        %dma_start3A_250 = tpu.memref_slice %arg3[%dma_start3A_248, %dma_start3A_249] : memref<10240x16xf32, #tpu.memory_space<hbm>> -> memref<10240x16xf32, #tpu.memory_space<hbm>>
        tpu.enqueue_indirect_dma source(%dma_start3A_250 : memref<10240x16xf32, #tpu.memory_space<hbm>>) target(%arg13 : memref<128x16xf32, #tpu.memory_space<vmem>>) offsets(%dma_start3A_247 : memref<128xi32, #tpu.memory_space<vmem>>) semaphore(%arg24 : memref<!tpu.dma_semaphore, #tpu.memory_space<semaphore_mem>>)
        %dma_start3A_251 = arith.constant 0 : i32
        %dma_start3A_252 = tpu.memref_slice %arg5[%add3A, %add3A_238, %dma_start3A_251] : memref<32x80x128xi32, #tpu.memory_space<hbm>> -> memref<1x1x128xi32, #tpu.memory_space<hbm>>
        %dma_start3A_253 = tpu.memref_squeeze %dma_start3A_252 : memref<1x1x128xi32, #tpu.memory_space<hbm>> -> memref<128xi32, #tpu.memory_space<hbm>>
        %dma_start3A_254 = arith.constant 0 : i32
        %dma_start3A_255 = tpu.memref_slice %arg5[%add3A, %add3A_238, %dma_start3A_254] : memref<32x80x128xi32, #tpu.memory_space<hbm>> -> memref<1x1x128xi32, #tpu.memory_space<hbm>>
        %dma_start3A_256 = tpu.memref_squeeze %dma_start3A_255 : memref<1x1x128xi32, #tpu.memory_space<hbm>> -> memref<128xi32, #tpu.memory_space<hbm>>
        tpu.enqueue_dma source(%dma_start3A_256 : memref<128xi32, #tpu.memory_space<hbm>>) target(%arg15 : memref<128xi32, #tpu.memory_space<vmem>>) target_semaphore(%arg24 : memref<!tpu.dma_semaphore, #tpu.memory_space<semaphore_mem>>)
      } else {
      }
      %add3A_200 = arith.constant 3 : i32
      %add3A_201 = arith.addi %mul3A_57, %add3A_200 : i32
      %not3A_202 = arith.constant true
      %not3A_203 = arith.xori %ge3A_58, %not3A_202 : i1
      %dma_wait3A_204 = arith.constant 0 : i32
      %dma_wait3A_205 = tpu.memref_slice %arg9[%add3A_201, %dma_wait3A_204] : memref<80x128xi32, #tpu.memory_space<vmem>> -> memref<1x128xi32, #tpu.memory_space<vmem>>
      %dma_wait3A_206 = tpu.memref_squeeze %dma_wait3A_205 : memref<1x128xi32, #tpu.memory_space<vmem>> -> memref<128xi32, #tpu.memory_space<vmem>>
      %dma_wait3A_207 = arith.constant 0 : i32
      %dma_wait3A_208 = arith.constant 0 : i32
      %dma_wait3A_209 = tpu.memref_slice %arg2[%dma_wait3A_207, %dma_wait3A_208] : memref<10240x16xf32, #tpu.memory_space<hbm>> -> memref<10240x16xf32, #tpu.memory_space<hbm>>
      tpu.wait_indirect_dma semaphore(%arg25 : memref<!tpu.dma_semaphore, #tpu.memory_space<semaphore_mem>>) src(%dma_wait3A_209 : memref<10240x16xf32, #tpu.memory_space<hbm>>) dst(%arg12 : memref<128x16xf32, #tpu.memory_space<vmem>>)
      %dma_wait3A_210 = arith.constant 0 : i32
      %dma_wait3A_211 = tpu.memref_slice %arg10[%add3A_201, %dma_wait3A_210] : memref<80x128xi32, #tpu.memory_space<vmem>> -> memref<1x128xi32, #tpu.memory_space<vmem>>
      %dma_wait3A_212 = tpu.memref_squeeze %dma_wait3A_211 : memref<1x128xi32, #tpu.memory_space<vmem>> -> memref<128xi32, #tpu.memory_space<vmem>>
      %dma_wait3A_213 = arith.constant 0 : i32
      %dma_wait3A_214 = arith.constant 0 : i32
      %dma_wait3A_215 = tpu.memref_slice %arg3[%dma_wait3A_213, %dma_wait3A_214] : memref<10240x16xf32, #tpu.memory_space<hbm>> -> memref<10240x16xf32, #tpu.memory_space<hbm>>
      tpu.wait_indirect_dma semaphore(%arg25 : memref<!tpu.dma_semaphore, #tpu.memory_space<semaphore_mem>>) src(%dma_wait3A_215 : memref<10240x16xf32, #tpu.memory_space<hbm>>) dst(%arg14 : memref<128x16xf32, #tpu.memory_space<vmem>>)
      %dma_wait3A_216 = arith.constant 0 : i32
      %dma_wait3A_217 = tpu.memref_slice %arg5[%add3A, %add3A_201, %dma_wait3A_216] : memref<32x80x128xi32, #tpu.memory_space<hbm>> -> memref<1x1x128xi32, #tpu.memory_space<hbm>>
      %dma_wait3A_218 = tpu.memref_squeeze %dma_wait3A_217 : memref<1x1x128xi32, #tpu.memory_space<hbm>> -> memref<128xi32, #tpu.memory_space<hbm>>
      %dma_wait3A_219 = arith.constant 0 : i32
      %dma_wait3A_220 = tpu.memref_slice %arg5[%add3A, %add3A_201, %dma_wait3A_219] : memref<32x80x128xi32, #tpu.memory_space<hbm>> -> memref<1x1x128xi32, #tpu.memory_space<hbm>>
      %dma_wait3A_221 = tpu.memref_squeeze %dma_wait3A_220 : memref<1x1x128xi32, #tpu.memory_space<hbm>> -> memref<128xi32, #tpu.memory_space<hbm>>
      tpu.wait_dma2 semaphore(%arg25 : memref<!tpu.dma_semaphore, #tpu.memory_space<semaphore_mem>>) src(%dma_wait3A_221 : memref<128xi32, #tpu.memory_space<hbm>>) dst(%arg18 : memref<128xi32, #tpu.memory_space<vmem>>)
      %dma_wait3A_222 = arith.constant 0 : i32
      %dma_wait3A_223 = arith.constant 0 : i32
      %dma_wait3A_224 = tpu.memref_slice %arg23[%dma_wait3A_222, %dma_wait3A_223] : memref<10240x16xf32, #tpu.memory_space<vmem_shared>> -> memref<10240x16xf32, #tpu.memory_space<vmem_shared>>
      tpu.wait_indirect_dma semaphore(%arg27 : memref<!tpu.dma_semaphore, #tpu.memory_space<semaphore_mem>>) src(%arg20 : memref<128x16xf32, #tpu.memory_space<vmem>>) dst(%dma_wait3A_224 : memref<10240x16xf32, #tpu.memory_space<vmem_shared>>)
      %scan3A_225 = arith.constant 0 : i32
      %scan3A_226 = arith.constant 0 : i32
      %scan3A_227 = arith.constant 32 : i32
      %scan3A_228 = arith.addi %scan3A_226, %scan3A_227 : i32
      %scan3A_229 = arith.constant 1 : i32
      scf.for %scan3A_237 = %scan3A_226 to %scan3A_228 step %scan3A_229  : i32 {
        %mul3A_238 = arith.constant 4 : i32
        %mul3A_239 = arith.muli %mul3A_238, %scan3A_237 : i32
        %add3A_240 = arith.constant 0 : i32
        %add3A_241 = arith.addi %mul3A_239, %add3A_240 : i32
        %get3A = arith.constant 0 : index
        %get3A_242 = tpu.vector_load %arg22[%get3A] {strides = array<i32>} : memref<16xf32, #tpu.memory_space<vmem>>, vector<16xf32>,
        %iota3A = tpu.iota {dimensions = array<i32: 0>} : vector<16xi32>
        %broadcast_in_dim3A = arith.constant 7 : i32
        %broadcast_in_dim3A_243 = vector.broadcast %broadcast_in_dim3A : i32 to vector<16xi32>
        %broadcast_in_dim3A_244 = arith.constant 0 : i32
        %broadcast_in_dim3A_245 = vector.broadcast %broadcast_in_dim3A_244 : i32 to vector<16xi32>
        %sub3A = arith.constant 7 : i32
        %sub3A_246 = vector.broadcast %sub3A : i32 to vector<16xi32>
        %sub3A_247 = arith.subi %sub3A_246, %iota3A : vector<16xi32>
        %jit3A = arith.constant 0 : i32
        %jit3A_248 = arith.constant 1 : i32
        %max3A = vector.broadcast %jit3A : i32 to vector<16xi32>
        %max3A_249 = arith.maxsi %max3A, %sub3A_247 : vector<16xi32>
        %min3A = vector.broadcast %jit3A_248 : i32 to vector<16xi32>
        %min3A_250 = arith.minsi %min3A, %max3A_249 : vector<16xi32>
        %convert_element_type3A_251 = arith.sitofp %min3A_250 : vector<16xi32> to vector<16xf32>
        %sub3A_252 = arith.constant 8 : i32
        %sub3A_253 = vector.broadcast %sub3A_252 : i32 to vector<16xi32>
        %sub3A_254 = arith.subi %sub3A_253, %iota3A : vector<16xi32>
        %jit3A_255 = arith.constant 0 : i32
        %jit3A_256 = arith.constant 1 : i32
        %max3A_257 = vector.broadcast %jit3A_255 : i32 to vector<16xi32>
        %max3A_258 = arith.maxsi %max3A_257, %sub3A_254 : vector<16xi32>
        %min3A_259 = vector.broadcast %jit3A_256 : i32 to vector<16xi32>
        %min3A_260 = arith.minsi %min3A_259, %max3A_258 : vector<16xi32>
        %sub3A_261 = arith.constant 7 : i32
        %sub3A_262 = vector.broadcast %sub3A_261 : i32 to vector<16xi32>
        %sub3A_263 = arith.subi %sub3A_262, %iota3A : vector<16xi32>
        %jit3A_264 = arith.constant 0 : i32
        %jit3A_265 = arith.constant 1 : i32
        %max3A_266 = vector.broadcast %jit3A_264 : i32 to vector<16xi32>
        %max3A_267 = arith.maxsi %max3A_266, %sub3A_263 : vector<16xi32>
        %min3A_268 = vector.broadcast %jit3A_265 : i32 to vector<16xi32>
        %min3A_269 = arith.minsi %min3A_268, %max3A_267 : vector<16xi32>
        %sub3A_270 = arith.subi %min3A_260, %min3A_269 : vector<16xi32>
        %convert_element_type3A_271 = arith.sitofp %sub3A_270 : vector<16xi32> to vector<16xf32>
        %get3A_272 = arith.index_cast %add3A_241 : i32 to index
        %get3A_273 = arith.constant 0 : index
        %get3A_274 = tpu.vector_load %arg12[%get3A_272, %get3A_273] {strides = array<i32>} : memref<128x16xf32, #tpu.memory_space<vmem>>, vector<16xf32>,
        %get3A_275 = arith.index_cast %add3A_241 : i32 to index
        %get3A_276 = arith.constant 0 : index
        %get3A_277 = tpu.vector_load %arg14[%get3A_275, %get3A_276] {strides = array<i32>} : memref<128x16xf32, #tpu.memory_space<vmem>>, vector<16xf32>,
        %broadcast_in_dim3A_278 = vector.shape_cast %broadcast_in_dim3A_243 : vector<16xi32> to vector<16x1xi32>
        %gather3A = vector.shape_cast %broadcast_in_dim3A_278 : vector<16x1xi32> to vector<16xi32>
        %gather3A_279 = tpu.dynamic_gather %get3A_274[%gather3A] in [0] : vector<16xf32>, vector<16xi32> -> vector<16xf32>
        %broadcast_in_dim3A_280 = vector.shape_cast %broadcast_in_dim3A_245 : vector<16xi32> to vector<16x1xi32>
        %gather3A_281 = vector.shape_cast %broadcast_in_dim3A_280 : vector<16x1xi32> to vector<16xi32>
        %gather3A_282 = tpu.dynamic_gather %get3A_277[%gather3A_281] in [0] : vector<16xf32>, vector<16xi32> -> vector<16xf32>
        %add3A_283 = arith.addf %gather3A_279, %gather3A_282 : vector<16xf32>
        %mul3A_284 = arith.constant 2.000000e-01 : f32
        %mul3A_285 = vector.broadcast %mul3A_284 : f32 to vector<16xf32>
        %mul3A_286 = arith.mulf %mul3A_285, %add3A_283 : vector<16xf32>
        %max3A_287 = arith.maximumf %add3A_283, %mul3A_286 : vector<16xf32>
        %sub3A_288 = arith.subf %max3A_287, %get3A_242 : vector<16xf32>
        %exp3A = math.exp %sub3A_288 : vector<16xf32>
        %mul3A_289 = arith.mulf %get3A_274, %convert_element_type3A_251 : vector<16xf32>
        %add3A_290 = arith.addf %mul3A_289, %convert_element_type3A_271 : vector<16xf32>
        %mul3A_291 = arith.mulf %add3A_290, %exp3A : vector<16xf32>
        %swap3A = arith.index_cast %add3A_241 : i32 to index
        %swap3A_292 = arith.constant 0 : index
        %swap3A_293 = tpu.vector_load %arg20[%swap3A, %swap3A_292] {strides = array<i32>} : memref<128x16xf32, #tpu.memory_space<vmem>>, vector<16xf32>,
        tpu.vector_store %arg20[%swap3A, %swap3A_292], %mul3A_291 {strides = array<i32>} : memref<128x16xf32, #tpu.memory_space<vmem>>, vector<16xf32>,
        %mul3A_294 = arith.constant 4 : i32
        %mul3A_295 = arith.muli %mul3A_294, %scan3A_237 : i32
        %add3A_296 = arith.constant 1 : i32
        %add3A_297 = arith.addi %mul3A_295, %add3A_296 : i32
        %get3A_298 = arith.constant 0 : index
        %get3A_299 = tpu.vector_load %arg22[%get3A_298] {strides = array<i32>} : memref<16xf32, #tpu.memory_space<vmem>>, vector<16xf32>,
        %iota3A_300 = tpu.iota {dimensions = array<i32: 0>} : vector<16xi32>
        %broadcast_in_dim3A_301 = arith.constant 7 : i32
        %broadcast_in_dim3A_302 = vector.broadcast %broadcast_in_dim3A_301 : i32 to vector<16xi32>
        %broadcast_in_dim3A_303 = arith.constant 0 : i32
        %broadcast_in_dim3A_304 = vector.broadcast %broadcast_in_dim3A_303 : i32 to vector<16xi32>
        %sub3A_305 = arith.constant 7 : i32
        %sub3A_306 = vector.broadcast %sub3A_305 : i32 to vector<16xi32>
        %sub3A_307 = arith.subi %sub3A_306, %iota3A_300 : vector<16xi32>
        %jit3A_308 = arith.constant 0 : i32
        %jit3A_309 = arith.constant 1 : i32
        %max3A_310 = vector.broadcast %jit3A_308 : i32 to vector<16xi32>
        %max3A_311 = arith.maxsi %max3A_310, %sub3A_307 : vector<16xi32>
        %min3A_312 = vector.broadcast %jit3A_309 : i32 to vector<16xi32>
        %min3A_313 = arith.minsi %min3A_312, %max3A_311 : vector<16xi32>
        %convert_element_type3A_314 = arith.sitofp %min3A_313 : vector<16xi32> to vector<16xf32>
        %sub3A_315 = arith.constant 8 : i32
        %sub3A_316 = vector.broadcast %sub3A_315 : i32 to vector<16xi32>
        %sub3A_317 = arith.subi %sub3A_316, %iota3A_300 : vector<16xi32>
        %jit3A_318 = arith.constant 0 : i32
        %jit3A_319 = arith.constant 1 : i32
        %max3A_320 = vector.broadcast %jit3A_318 : i32 to vector<16xi32>
        %max3A_321 = arith.maxsi %max3A_320, %sub3A_317 : vector<16xi32>
        %min3A_322 = vector.broadcast %jit3A_319 : i32 to vector<16xi32>
        %min3A_323 = arith.minsi %min3A_322, %max3A_321 : vector<16xi32>
        %sub3A_324 = arith.constant 7 : i32
        %sub3A_325 = vector.broadcast %sub3A_324 : i32 to vector<16xi32>
        %sub3A_326 = arith.subi %sub3A_325, %iota3A_300 : vector<16xi32>
        %jit3A_327 = arith.constant 0 : i32
        %jit3A_328 = arith.constant 1 : i32
        %max3A_329 = vector.broadcast %jit3A_327 : i32 to vector<16xi32>
        %max3A_330 = arith.maxsi %max3A_329, %sub3A_326 : vector<16xi32>
        %min3A_331 = vector.broadcast %jit3A_328 : i32 to vector<16xi32>
        %min3A_332 = arith.minsi %min3A_331, %max3A_330 : vector<16xi32>
        %sub3A_333 = arith.subi %min3A_323, %min3A_332 : vector<16xi32>
        %convert_element_type3A_334 = arith.sitofp %sub3A_333 : vector<16xi32> to vector<16xf32>
        %get3A_335 = arith.index_cast %add3A_297 : i32 to index
        %get3A_336 = arith.constant 0 : index
        %get3A_337 = tpu.vector_load %arg12[%get3A_335, %get3A_336] {strides = array<i32>} : memref<128x16xf32, #tpu.memory_space<vmem>>, vector<16xf32>,
        %get3A_338 = arith.index_cast %add3A_297 : i32 to index
        %get3A_339 = arith.constant 0 : index
        %get3A_340 = tpu.vector_load %arg14[%get3A_338, %get3A_339] {strides = array<i32>} : memref<128x16xf32, #tpu.memory_space<vmem>>, vector<16xf32>,
        %broadcast_in_dim3A_341 = vector.shape_cast %broadcast_in_dim3A_302 : vector<16xi32> to vector<16x1xi32>
        %gather3A_342 = vector.shape_cast %broadcast_in_dim3A_341 : vector<16x1xi32> to vector<16xi32>
        %gather3A_343 = tpu.dynamic_gather %get3A_337[%gather3A_342] in [0] : vector<16xf32>, vector<16xi32> -> vector<16xf32>
        %broadcast_in_dim3A_344 = vector.shape_cast %broadcast_in_dim3A_304 : vector<16xi32> to vector<16x1xi32>
        %gather3A_345 = vector.shape_cast %broadcast_in_dim3A_344 : vector<16x1xi32> to vector<16xi32>
        %gather3A_346 = tpu.dynamic_gather %get3A_340[%gather3A_345] in [0] : vector<16xf32>, vector<16xi32> -> vector<16xf32>
        %add3A_347 = arith.addf %gather3A_343, %gather3A_346 : vector<16xf32>
        %mul3A_348 = arith.constant 2.000000e-01 : f32
        %mul3A_349 = vector.broadcast %mul3A_348 : f32 to vector<16xf32>
        %mul3A_350 = arith.mulf %mul3A_349, %add3A_347 : vector<16xf32>
        %max3A_351 = arith.maximumf %add3A_347, %mul3A_350 : vector<16xf32>
        %sub3A_352 = arith.subf %max3A_351, %get3A_299 : vector<16xf32>
        %exp3A_353 = math.exp %sub3A_352 : vector<16xf32>
        %mul3A_354 = arith.mulf %get3A_337, %convert_element_type3A_314 : vector<16xf32>
        %add3A_355 = arith.addf %mul3A_354, %convert_element_type3A_334 : vector<16xf32>
        %mul3A_356 = arith.mulf %add3A_355, %exp3A_353 : vector<16xf32>
        %swap3A_357 = arith.index_cast %add3A_297 : i32 to index
        %swap3A_358 = arith.constant 0 : index
        %swap3A_359 = tpu.vector_load %arg20[%swap3A_357, %swap3A_358] {strides = array<i32>} : memref<128x16xf32, #tpu.memory_space<vmem>>, vector<16xf32>,
        tpu.vector_store %arg20[%swap3A_357, %swap3A_358], %mul3A_356 {strides = array<i32>} : memref<128x16xf32, #tpu.memory_space<vmem>>, vector<16xf32>,
        %mul3A_360 = arith.constant 4 : i32
        %mul3A_361 = arith.muli %mul3A_360, %scan3A_237 : i32
        %add3A_362 = arith.constant 2 : i32
        %add3A_363 = arith.addi %mul3A_361, %add3A_362 : i32
        %get3A_364 = arith.constant 0 : index
        %get3A_365 = tpu.vector_load %arg22[%get3A_364] {strides = array<i32>} : memref<16xf32, #tpu.memory_space<vmem>>, vector<16xf32>,
        %iota3A_366 = tpu.iota {dimensions = array<i32: 0>} : vector<16xi32>
        %broadcast_in_dim3A_367 = arith.constant 7 : i32
        %broadcast_in_dim3A_368 = vector.broadcast %broadcast_in_dim3A_367 : i32 to vector<16xi32>
        %broadcast_in_dim3A_369 = arith.constant 0 : i32
        %broadcast_in_dim3A_370 = vector.broadcast %broadcast_in_dim3A_369 : i32 to vector<16xi32>
        %sub3A_371 = arith.constant 7 : i32
        %sub3A_372 = vector.broadcast %sub3A_371 : i32 to vector<16xi32>
        %sub3A_373 = arith.subi %sub3A_372, %iota3A_366 : vector<16xi32>
        %jit3A_374 = arith.constant 0 : i32
        %jit3A_375 = arith.constant 1 : i32
        %max3A_376 = vector.broadcast %jit3A_374 : i32 to vector<16xi32>
        %max3A_377 = arith.maxsi %max3A_376, %sub3A_373 : vector<16xi32>
        %min3A_378 = vector.broadcast %jit3A_375 : i32 to vector<16xi32>
        %min3A_379 = arith.minsi %min3A_378, %max3A_377 : vector<16xi32>
        %convert_element_type3A_380 = arith.sitofp %min3A_379 : vector<16xi32> to vector<16xf32>
        %sub3A_381 = arith.constant 8 : i32
        %sub3A_382 = vector.broadcast %sub3A_381 : i32 to vector<16xi32>
        %sub3A_383 = arith.subi %sub3A_382, %iota3A_366 : vector<16xi32>
        %jit3A_384 = arith.constant 0 : i32
        %jit3A_385 = arith.constant 1 : i32
        %max3A_386 = vector.broadcast %jit3A_384 : i32 to vector<16xi32>
        %max3A_387 = arith.maxsi %max3A_386, %sub3A_383 : vector<16xi32>
        %min3A_388 = vector.broadcast %jit3A_385 : i32 to vector<16xi32>
        %min3A_389 = arith.minsi %min3A_388, %max3A_387 : vector<16xi32>
        %sub3A_390 = arith.constant 7 : i32
        %sub3A_391 = vector.broadcast %sub3A_390 : i32 to vector<16xi32>
        %sub3A_392 = arith.subi %sub3A_391, %iota3A_366 : vector<16xi32>
        %jit3A_393 = arith.constant 0 : i32
        %jit3A_394 = arith.constant 1 : i32
        %max3A_395 = vector.broadcast %jit3A_393 : i32 to vector<16xi32>
        %max3A_396 = arith.maxsi %max3A_395, %sub3A_392 : vector<16xi32>
        %min3A_397 = vector.broadcast %jit3A_394 : i32 to vector<16xi32>
        %min3A_398 = arith.minsi %min3A_397, %max3A_396 : vector<16xi32>
        %sub3A_399 = arith.subi %min3A_389, %min3A_398 : vector<16xi32>
        %convert_element_type3A_400 = arith.sitofp %sub3A_399 : vector<16xi32> to vector<16xf32>
        %get3A_401 = arith.index_cast %add3A_363 : i32 to index
        %get3A_402 = arith.constant 0 : index
        %get3A_403 = tpu.vector_load %arg12[%get3A_401, %get3A_402] {strides = array<i32>} : memref<128x16xf32, #tpu.memory_space<vmem>>, vector<16xf32>,
        %get3A_404 = arith.index_cast %add3A_363 : i32 to index
        %get3A_405 = arith.constant 0 : index
        %get3A_406 = tpu.vector_load %arg14[%get3A_404, %get3A_405] {strides = array<i32>} : memref<128x16xf32, #tpu.memory_space<vmem>>, vector<16xf32>,
        %broadcast_in_dim3A_407 = vector.shape_cast %broadcast_in_dim3A_368 : vector<16xi32> to vector<16x1xi32>
        %gather3A_408 = vector.shape_cast %broadcast_in_dim3A_407 : vector<16x1xi32> to vector<16xi32>
        %gather3A_409 = tpu.dynamic_gather %get3A_403[%gather3A_408] in [0] : vector<16xf32>, vector<16xi32> -> vector<16xf32>
        %broadcast_in_dim3A_410 = vector.shape_cast %broadcast_in_dim3A_370 : vector<16xi32> to vector<16x1xi32>
        %gather3A_411 = vector.shape_cast %broadcast_in_dim3A_410 : vector<16x1xi32> to vector<16xi32>
        %gather3A_412 = tpu.dynamic_gather %get3A_406[%gather3A_411] in [0] : vector<16xf32>, vector<16xi32> -> vector<16xf32>
        %add3A_413 = arith.addf %gather3A_409, %gather3A_412 : vector<16xf32>
        %mul3A_414 = arith.constant 2.000000e-01 : f32
        %mul3A_415 = vector.broadcast %mul3A_414 : f32 to vector<16xf32>
        %mul3A_416 = arith.mulf %mul3A_415, %add3A_413 : vector<16xf32>
        %max3A_417 = arith.maximumf %add3A_413, %mul3A_416 : vector<16xf32>
        %sub3A_418 = arith.subf %max3A_417, %get3A_365 : vector<16xf32>
        %exp3A_419 = math.exp %sub3A_418 : vector<16xf32>
        %mul3A_420 = arith.mulf %get3A_403, %convert_element_type3A_380 : vector<16xf32>
        %add3A_421 = arith.addf %mul3A_420, %convert_element_type3A_400 : vector<16xf32>
        %mul3A_422 = arith.mulf %add3A_421, %exp3A_419 : vector<16xf32>
        %swap3A_423 = arith.index_cast %add3A_363 : i32 to index
        %swap3A_424 = arith.constant 0 : index
        %swap3A_425 = tpu.vector_load %arg20[%swap3A_423, %swap3A_424] {strides = array<i32>} : memref<128x16xf32, #tpu.memory_space<vmem>>, vector<16xf32>,
        tpu.vector_store %arg20[%swap3A_423, %swap3A_424], %mul3A_422 {strides = array<i32>} : memref<128x16xf32, #tpu.memory_space<vmem>>, vector<16xf32>,
        %mul3A_426 = arith.constant 4 : i32
        %mul3A_427 = arith.muli %mul3A_426, %scan3A_237 : i32
        %add3A_428 = arith.constant 3 : i32
        %add3A_429 = arith.addi %mul3A_427, %add3A_428 : i32
        %get3A_430 = arith.constant 0 : index
        %get3A_431 = tpu.vector_load %arg22[%get3A_430] {strides = array<i32>} : memref<16xf32, #tpu.memory_space<vmem>>, vector<16xf32>,
        %iota3A_432 = tpu.iota {dimensions = array<i32: 0>} : vector<16xi32>
        %broadcast_in_dim3A_433 = arith.constant 7 : i32
        %broadcast_in_dim3A_434 = vector.broadcast %broadcast_in_dim3A_433 : i32 to vector<16xi32>
        %broadcast_in_dim3A_435 = arith.constant 0 : i32
        %broadcast_in_dim3A_436 = vector.broadcast %broadcast_in_dim3A_435 : i32 to vector<16xi32>
        %sub3A_437 = arith.constant 7 : i32
        %sub3A_438 = vector.broadcast %sub3A_437 : i32 to vector<16xi32>
        %sub3A_439 = arith.subi %sub3A_438, %iota3A_432 : vector<16xi32>
        %jit3A_440 = arith.constant 0 : i32
        %jit3A_441 = arith.constant 1 : i32
        %max3A_442 = vector.broadcast %jit3A_440 : i32 to vector<16xi32>
        %max3A_443 = arith.maxsi %max3A_442, %sub3A_439 : vector<16xi32>
        %min3A_444 = vector.broadcast %jit3A_441 : i32 to vector<16xi32>
        %min3A_445 = arith.minsi %min3A_444, %max3A_443 : vector<16xi32>
        %convert_element_type3A_446 = arith.sitofp %min3A_445 : vector<16xi32> to vector<16xf32>
        %sub3A_447 = arith.constant 8 : i32
        %sub3A_448 = vector.broadcast %sub3A_447 : i32 to vector<16xi32>
        %sub3A_449 = arith.subi %sub3A_448, %iota3A_432 : vector<16xi32>
        %jit3A_450 = arith.constant 0 : i32
        %jit3A_451 = arith.constant 1 : i32
        %max3A_452 = vector.broadcast %jit3A_450 : i32 to vector<16xi32>
        %max3A_453 = arith.maxsi %max3A_452, %sub3A_449 : vector<16xi32>
        %min3A_454 = vector.broadcast %jit3A_451 : i32 to vector<16xi32>
        %min3A_455 = arith.minsi %min3A_454, %max3A_453 : vector<16xi32>
        %sub3A_456 = arith.constant 7 : i32
        %sub3A_457 = vector.broadcast %sub3A_456 : i32 to vector<16xi32>
        %sub3A_458 = arith.subi %sub3A_457, %iota3A_432 : vector<16xi32>
        %jit3A_459 = arith.constant 0 : i32
        %jit3A_460 = arith.constant 1 : i32
        %max3A_461 = vector.broadcast %jit3A_459 : i32 to vector<16xi32>
        %max3A_462 = arith.maxsi %max3A_461, %sub3A_458 : vector<16xi32>
        %min3A_463 = vector.broadcast %jit3A_460 : i32 to vector<16xi32>
        %min3A_464 = arith.minsi %min3A_463, %max3A_462 : vector<16xi32>
        %sub3A_465 = arith.subi %min3A_455, %min3A_464 : vector<16xi32>
        %convert_element_type3A_466 = arith.sitofp %sub3A_465 : vector<16xi32> to vector<16xf32>
        %get3A_467 = arith.index_cast %add3A_429 : i32 to index
        %get3A_468 = arith.constant 0 : index
        %get3A_469 = tpu.vector_load %arg12[%get3A_467, %get3A_468] {strides = array<i32>} : memref<128x16xf32, #tpu.memory_space<vmem>>, vector<16xf32>,
        %get3A_470 = arith.index_cast %add3A_429 : i32 to index
        %get3A_471 = arith.constant 0 : index
        %get3A_472 = tpu.vector_load %arg14[%get3A_470, %get3A_471] {strides = array<i32>} : memref<128x16xf32, #tpu.memory_space<vmem>>, vector<16xf32>,
        %broadcast_in_dim3A_473 = vector.shape_cast %broadcast_in_dim3A_434 : vector<16xi32> to vector<16x1xi32>
        %gather3A_474 = vector.shape_cast %broadcast_in_dim3A_473 : vector<16x1xi32> to vector<16xi32>
        %gather3A_475 = tpu.dynamic_gather %get3A_469[%gather3A_474] in [0] : vector<16xf32>, vector<16xi32> -> vector<16xf32>
        %broadcast_in_dim3A_476 = vector.shape_cast %broadcast_in_dim3A_436 : vector<16xi32> to vector<16x1xi32>
        %gather3A_477 = vector.shape_cast %broadcast_in_dim3A_476 : vector<16x1xi32> to vector<16xi32>
        %gather3A_478 = tpu.dynamic_gather %get3A_472[%gather3A_477] in [0] : vector<16xf32>, vector<16xi32> -> vector<16xf32>
        %add3A_479 = arith.addf %gather3A_475, %gather3A_478 : vector<16xf32>
        %mul3A_480 = arith.constant 2.000000e-01 : f32
        %mul3A_481 = vector.broadcast %mul3A_480 : f32 to vector<16xf32>
        %mul3A_482 = arith.mulf %mul3A_481, %add3A_479 : vector<16xf32>
        %max3A_483 = arith.maximumf %add3A_479, %mul3A_482 : vector<16xf32>
        %sub3A_484 = arith.subf %max3A_483, %get3A_431 : vector<16xf32>
        %exp3A_485 = math.exp %sub3A_484 : vector<16xf32>
        %mul3A_486 = arith.mulf %get3A_469, %convert_element_type3A_446 : vector<16xf32>
        %add3A_487 = arith.addf %mul3A_486, %convert_element_type3A_466 : vector<16xf32>
        %mul3A_488 = arith.mulf %add3A_487, %exp3A_485 : vector<16xf32>
        %swap3A_489 = arith.index_cast %add3A_429 : i32 to index
        %swap3A_490 = arith.constant 0 : index
        %swap3A_491 = tpu.vector_load %arg20[%swap3A_489, %swap3A_490] {strides = array<i32>} : memref<128x16xf32, #tpu.memory_space<vmem>>, vector<16xf32>,
        tpu.vector_store %arg20[%swap3A_489, %swap3A_490], %mul3A_488 {strides = array<i32>} : memref<128x16xf32, #tpu.memory_space<vmem>>, vector<16xf32>,
      }
      %scan3A_230 = arith.constant 32 : i32
      %dma_start3A_231 = arith.constant 0 : i32
      %dma_start3A_232 = arith.constant 0 : i32
      %dma_start3A_233 = tpu.memref_slice %arg23[%dma_start3A_231, %dma_start3A_232] : memref<10240x16xf32, #tpu.memory_space<vmem_shared>> -> memref<10240x16xf32, #tpu.memory_space<vmem_shared>>
      tpu.enqueue_indirect_dma source(%arg20 : memref<128x16xf32, #tpu.memory_space<vmem>>) target(%dma_start3A_233 : memref<10240x16xf32, #tpu.memory_space<vmem_shared>>) offsets(%arg18 : memref<128xi32, #tpu.memory_space<vmem>>) semaphore(%arg27 : memref<!tpu.dma_semaphore, #tpu.memory_space<semaphore_mem>>) {add = true}
      %convert_element_type3A_234 = arith.extui %not3A_203 : i1 to i32
      %cond3A_235 = arith.constant 0 : i32
      %cond3A_236 = arith.cmpi ne, %convert_element_type3A_234, %cond3A_235 : i32
      scf.if %cond3A_236 {
        %add3A_237 = arith.constant 2 : i32
        %add3A_238 = arith.addi %add3A_201, %add3A_237 : i32
        %dma_start3A_239 = arith.constant 0 : i32
        %dma_start3A_240 = tpu.memref_slice %arg9[%add3A_238, %dma_start3A_239] : memref<80x128xi32, #tpu.memory_space<vmem>> -> memref<1x128xi32, #tpu.memory_space<vmem>>
        %dma_start3A_241 = tpu.memref_squeeze %dma_start3A_240 : memref<1x128xi32, #tpu.memory_space<vmem>> -> memref<128xi32, #tpu.memory_space<vmem>>
        %dma_start3A_242 = arith.constant 0 : i32
        %dma_start3A_243 = arith.constant 0 : i32
        %dma_start3A_244 = tpu.memref_slice %arg2[%dma_start3A_242, %dma_start3A_243] : memref<10240x16xf32, #tpu.memory_space<hbm>> -> memref<10240x16xf32, #tpu.memory_space<hbm>>
        tpu.enqueue_indirect_dma source(%dma_start3A_244 : memref<10240x16xf32, #tpu.memory_space<hbm>>) target(%arg12 : memref<128x16xf32, #tpu.memory_space<vmem>>) offsets(%dma_start3A_241 : memref<128xi32, #tpu.memory_space<vmem>>) semaphore(%arg25 : memref<!tpu.dma_semaphore, #tpu.memory_space<semaphore_mem>>)
        %dma_start3A_245 = arith.constant 0 : i32
        %dma_start3A_246 = tpu.memref_slice %arg10[%add3A_238, %dma_start3A_245] : memref<80x128xi32, #tpu.memory_space<vmem>> -> memref<1x128xi32, #tpu.memory_space<vmem>>
        %dma_start3A_247 = tpu.memref_squeeze %dma_start3A_246 : memref<1x128xi32, #tpu.memory_space<vmem>> -> memref<128xi32, #tpu.memory_space<vmem>>
        %dma_start3A_248 = arith.constant 0 : i32
        %dma_start3A_249 = arith.constant 0 : i32
        %dma_start3A_250 = tpu.memref_slice %arg3[%dma_start3A_248, %dma_start3A_249] : memref<10240x16xf32, #tpu.memory_space<hbm>> -> memref<10240x16xf32, #tpu.memory_space<hbm>>
        tpu.enqueue_indirect_dma source(%dma_start3A_250 : memref<10240x16xf32, #tpu.memory_space<hbm>>) target(%arg14 : memref<128x16xf32, #tpu.memory_space<vmem>>) offsets(%dma_start3A_247 : memref<128xi32, #tpu.memory_space<vmem>>) semaphore(%arg25 : memref<!tpu.dma_semaphore, #tpu.memory_space<semaphore_mem>>)
        %dma_start3A_251 = arith.constant 0 : i32
        %dma_start3A_252 = tpu.memref_slice %arg5[%add3A, %add3A_238, %dma_start3A_251] : memref<32x80x128xi32, #tpu.memory_space<hbm>> -> memref<1x1x128xi32, #tpu.memory_space<hbm>>
        %dma_start3A_253 = tpu.memref_squeeze %dma_start3A_252 : memref<1x1x128xi32, #tpu.memory_space<hbm>> -> memref<128xi32, #tpu.memory_space<hbm>>
        %dma_start3A_254 = arith.constant 0 : i32
        %dma_start3A_255 = tpu.memref_slice %arg5[%add3A, %add3A_238, %dma_start3A_254] : memref<32x80x128xi32, #tpu.memory_space<hbm>> -> memref<1x1x128xi32, #tpu.memory_space<hbm>>
        %dma_start3A_256 = tpu.memref_squeeze %dma_start3A_255 : memref<1x1x128xi32, #tpu.memory_space<hbm>> -> memref<128xi32, #tpu.memory_space<hbm>>
        tpu.enqueue_dma source(%dma_start3A_256 : memref<128xi32, #tpu.memory_space<hbm>>) target(%arg16 : memref<128xi32, #tpu.memory_space<vmem>>) target_semaphore(%arg25 : memref<!tpu.dma_semaphore, #tpu.memory_space<semaphore_mem>>)
      } else {
      }
    }
    %scan3A_48 = arith.constant 20 : i32
    %dma_wait3A = arith.constant 0 : i32
    %dma_wait3A_49 = arith.constant 0 : i32
    %dma_wait3A_50 = tpu.memref_slice %arg23[%dma_wait3A, %dma_wait3A_49] : memref<10240x16xf32, #tpu.memory_space<vmem_shared>> -> memref<10240x16xf32, #tpu.memory_space<vmem_shared>>
    tpu.wait_indirect_dma semaphore(%arg26 : memref<!tpu.dma_semaphore, #tpu.memory_space<semaphore_mem>>) src(%arg19 : memref<128x16xf32, #tpu.memory_space<vmem>>) dst(%dma_wait3A_50 : memref<10240x16xf32, #tpu.memory_space<vmem_shared>>)
    %dma_wait3A_51 = arith.constant 0 : i32
    %dma_wait3A_52 = arith.constant 0 : i32
    %dma_wait3A_53 = tpu.memref_slice %arg23[%dma_wait3A_51, %dma_wait3A_52] : memref<10240x16xf32, #tpu.memory_space<vmem_shared>> -> memref<10240x16xf32, #tpu.memory_space<vmem_shared>>
    tpu.wait_indirect_dma semaphore(%arg27 : memref<!tpu.dma_semaphore, #tpu.memory_space<semaphore_mem>>) src(%arg20 : memref<128x16xf32, #tpu.memory_space<vmem>>) dst(%dma_wait3A_53 : memref<10240x16xf32, #tpu.memory_space<vmem_shared>>)
    %barrier3A_54 = arith.constant 0 : index
    tpu.barrier barrier_id(%barrier3A_54)
    "tpu.region"() ({
      %run_scoped3A = tpu.sem_alloc : memref<!tpu.dma_semaphore, #tpu.memory_space<semaphore_mem>>
      %dma_start3A_55 = arith.constant 0 : i32
      %dma_start3A_56 = tpu.memref_slice %arg8[%arg0, %mul3A_2, %dma_start3A_55] : memref<2x10240x16xf32, #tpu.memory_space<hbm>> -> memref<1x640x16xf32, #tpu.memory_space<hbm>>
      %dma_start3A_57 = tpu.memref_squeeze %dma_start3A_56 : memref<1x640x16xf32, #tpu.memory_space<hbm>> -> memref<640x16xf32, #tpu.memory_space<hbm>>
      %dma_start3A_58 = arith.constant 0 : i32
      %dma_start3A_59 = tpu.memref_slice %arg23[%mul3A_2, %dma_start3A_58] : memref<10240x16xf32, #tpu.memory_space<vmem_shared>> -> memref<640x16xf32, #tpu.memory_space<vmem_shared>>
      tpu.enqueue_dma source(%dma_start3A_59 : memref<640x16xf32, #tpu.memory_space<vmem_shared>>) target(%dma_start3A_57 : memref<640x16xf32, #tpu.memory_space<hbm>>) target_semaphore(%run_scoped3A : memref<!tpu.dma_semaphore, #tpu.memory_space<semaphore_mem>>)
      %dma_wait3A_60 = arith.constant 0 : i32
      %dma_wait3A_61 = tpu.memref_slice %arg8[%arg0, %mul3A_2, %dma_wait3A_60] : memref<2x10240x16xf32, #tpu.memory_space<hbm>> -> memref<1x640x16xf32, #tpu.memory_space<hbm>>
      %dma_wait3A_62 = tpu.memref_squeeze %dma_wait3A_61 : memref<1x640x16xf32, #tpu.memory_space<hbm>> -> memref<640x16xf32, #tpu.memory_space<hbm>>
      %dma_wait3A_63 = arith.constant 0 : i32
      %dma_wait3A_64 = tpu.memref_slice %arg23[%mul3A_2, %dma_wait3A_63] : memref<10240x16xf32, #tpu.memory_space<vmem_shared>> -> memref<640x16xf32, #tpu.memory_space<vmem_shared>>
      tpu.wait_dma2 semaphore(%run_scoped3A : memref<!tpu.dma_semaphore, #tpu.memory_space<semaphore_mem>>) src(%dma_wait3A_64 : memref<640x16xf32, #tpu.memory_space<vmem_shared>>) dst(%dma_wait3A_62 : memref<640x16xf32, #tpu.memory_space<hbm>>)
      tpu.yield
    }) : () -> ()
    return
  }
}

module attributes {stable_mosaic.version = 14 : i64} {
  func.func @_tc1_body(%arg0: memref<10000x128xf32, #tpu.memory_space<vmem>>, %arg1: memref<128x64xf32, #tpu.memory_space<vmem>>, %arg2: memref<64x8xf32, #tpu.memory_space<vmem>>, %arg3: memref<64x8xf32, #tpu.memory_space<vmem>>, %arg4: memref<10240x80xf32, #tpu.memory_space<vmem>>, %arg5: memref<10240x16xf32, #tpu.memory_space<vmem>>, %arg6: memref<1x128xf32, #tpu.memory_space<vmem>>) attributes {dimension_semantics = [], scalar_prefetch = 0 : i64, scratch_operands = 0 : i64, tpu.core_type = #tpu.core_type<tc>} {
    %get3A = arith.constant 0 : index
    %get3A_0 = arith.constant 0 : index
    %get3A_1 = vector.load %arg0[%get3A, %get3A_0] : memref<10000x128xf32, #tpu.memory_space<vmem>>, vector<10000x128xf32>
    %get3A_2 = arith.constant 0 : index
    %get3A_3 = arith.constant 0 : index
    %get3A_4 = vector.load %arg1[%get3A_2, %get3A_3] : memref<128x64xf32, #tpu.memory_space<vmem>>, vector<128x64xf32>
    %dot_general3A = arith.constant dense<0.000000e+00> : vector<10000x64xf32>
    %dot_general3A_5 = tpu.matmul %get3A_1, %get3A_4, %dot_general3A {dimension_numbers = #tpu.dot_dimension_numbers<[1], [0], [0], [1], [0, 0, 1, 1], [], []>, transpose_lhs_hint = false} : vector<10000x128xf32>, vector<128x64xf32>, vector<10000x64xf32> -> vector<10000x64xf32>
    %get3A_6 = arith.constant 0 : index
    %get3A_7 = arith.constant 0 : index
    %get3A_8 = vector.load %arg2[%get3A_6, %get3A_7] : memref<64x8xf32, #tpu.memory_space<vmem>>, vector<64x8xf32>
    %dot_general3A_9 = arith.constant dense<0.000000e+00> : vector<10000x8xf32>
    %dot_general3A_10 = tpu.matmul %dot_general3A_5, %get3A_8, %dot_general3A_9 {dimension_numbers = #tpu.dot_dimension_numbers<[1], [0], [0], [1], [0, 0, 1, 1], [], []>, transpose_lhs_hint = false} : vector<10000x64xf32>, vector<64x8xf32>, vector<10000x8xf32> -> vector<10000x8xf32>
    %get3A_11 = arith.constant 0 : index
    %get3A_12 = arith.constant 0 : index
    %get3A_13 = vector.load %arg3[%get3A_11, %get3A_12] : memref<64x8xf32, #tpu.memory_space<vmem>>, vector<64x8xf32>
    %dot_general3A_14 = arith.constant dense<0.000000e+00> : vector<10000x8xf32>
    %dot_general3A_15 = tpu.matmul %dot_general3A_5, %get3A_13, %dot_general3A_14 {dimension_numbers = #tpu.dot_dimension_numbers<[1], [0], [0], [1], [0, 0, 1, 1], [], []>, transpose_lhs_hint = false} : vector<10000x64xf32>, vector<64x8xf32>, vector<10000x8xf32> -> vector<10000x8xf32>
    %reduce_max3A = vector.shape_cast %dot_general3A_10 : vector<10000x8xf32> to vector<1x10000x8xf32>
    %reduce_max3A_16 = arith.constant dense<0xFF800000> : vector<1xf32>
    %reduce_max3A_17 = vector.multi_reduction <maximumf>, %reduce_max3A, %reduce_max3A_16 [1, 2] : vector<1x10000x8xf32> to vector<1xf32>
    %reduce_max3A_18 = vector.shape_cast %reduce_max3A_17 : vector<1xf32> to vector<1x1x1xf32>
    %reduce_max3A_19 = vector.extract %reduce_max3A_18[0, 0, 0] : f32 from vector<1x1x1xf32>
    %reduce_max3A_20 = vector.shape_cast %dot_general3A_15 : vector<10000x8xf32> to vector<1x10000x8xf32>
    %reduce_max3A_21 = arith.constant dense<0xFF800000> : vector<1xf32>
    %reduce_max3A_22 = vector.multi_reduction <maximumf>, %reduce_max3A_20, %reduce_max3A_21 [1, 2] : vector<1x10000x8xf32> to vector<1xf32>
    %reduce_max3A_23 = vector.shape_cast %reduce_max3A_22 : vector<1xf32> to vector<1x1x1xf32>
    %reduce_max3A_24 = vector.extract %reduce_max3A_23[0, 0, 0] : f32 from vector<1x1x1xf32>
    %add3A = arith.addf %reduce_max3A_19, %reduce_max3A_24 : f32
    %broadcast_in_dim3A = arith.constant 0.000000e+00 : f32
    %broadcast_in_dim3A_25 = vector.broadcast %broadcast_in_dim3A : f32 to vector<10240x80xf32>
    %swap3A = arith.constant 0 : index
    %swap3A_26 = arith.constant 0 : index
    %swap3A_27 = vector.load %arg4[%swap3A, %swap3A_26] : memref<10240x80xf32, #tpu.memory_space<vmem>>, vector<10240x80xf32>
    tpu.vector_store %arg4[%swap3A, %swap3A_26], %broadcast_in_dim3A_25 {strides = array<i32>} : memref<10240x80xf32, #tpu.memory_space<vmem>>, vector<10240x80xf32>,
    %swap3A_28 = arith.constant 0 : index
    %swap3A_29 = arith.constant 0 : index
    %swap3A_30 = vector.load %arg4[%swap3A_28, %swap3A_29] : memref<10240x80xf32, #tpu.memory_space<vmem>>, vector<10000x64xf32>
    tpu.vector_store %arg4[%swap3A_28, %swap3A_29], %dot_general3A_5 {strides = array<i32>} : memref<10240x80xf32, #tpu.memory_space<vmem>>, vector<10000x64xf32>,
    %swap3A_31 = arith.constant 0 : index
    %swap3A_32 = arith.constant 64 : index
    %swap3A_33 = vector.load %arg4[%swap3A_31, %swap3A_32] : memref<10240x80xf32, #tpu.memory_space<vmem>>, vector<10000x8xf32>
    tpu.vector_store %arg4[%swap3A_31, %swap3A_32], %dot_general3A_10 {strides = array<i32>} : memref<10240x80xf32, #tpu.memory_space<vmem>>, vector<10000x8xf32>,
    %broadcast_in_dim3A_34 = arith.constant 0.000000e+00 : f32
    %broadcast_in_dim3A_35 = vector.broadcast %broadcast_in_dim3A_34 : f32 to vector<10240x16xf32>
    %swap3A_36 = arith.constant 0 : index
    %swap3A_37 = arith.constant 0 : index
    %swap3A_38 = vector.load %arg5[%swap3A_36, %swap3A_37] : memref<10240x16xf32, #tpu.memory_space<vmem>>, vector<10240x16xf32>
    tpu.vector_store %arg5[%swap3A_36, %swap3A_37], %broadcast_in_dim3A_35 {strides = array<i32>} : memref<10240x16xf32, #tpu.memory_space<vmem>>, vector<10240x16xf32>,
    %swap3A_39 = arith.constant 0 : index
    %swap3A_40 = arith.constant 0 : index
    %swap3A_41 = vector.load %arg5[%swap3A_39, %swap3A_40] : memref<10240x16xf32, #tpu.memory_space<vmem>>, vector<10000x8xf32>
    tpu.vector_store %arg5[%swap3A_39, %swap3A_40], %dot_general3A_15 {strides = array<i32>} : memref<10240x16xf32, #tpu.memory_space<vmem>>, vector<10000x8xf32>,
    %broadcast_in_dim3A_42 = vector.broadcast %add3A : f32 to vector<1x128xf32>
    %swap3A_43 = arith.constant 0 : index
    %swap3A_44 = arith.constant 0 : index
    %swap3A_45 = vector.load %arg6[%swap3A_43, %swap3A_44] : memref<1x128xf32, #tpu.memory_space<vmem>>, vector<1x128xf32>
    tpu.vector_store %arg6[%swap3A_43, %swap3A_44], %broadcast_in_dim3A_42 {strides = array<i32>} : memref<1x128xf32, #tpu.memory_space<vmem>>, vector<1x128xf32>,
    return
  }
}

module attributes {stable_mosaic.version = 14 : i64} {
  func.func @_tc2_body(%arg0: memref<2x10240x80xf32, #tpu.memory_space<vmem>>, %arg1: memref<10240x80xf32, #tpu.memory_space<vmem>>, %arg2: memref<10240x16xf32, #tpu.memory_space<vmem>>, %arg3: memref<1x128xf32, #tpu.memory_space<vmem>>, %arg4: memref<64xf32, #tpu.memory_space<vmem>>, %arg5: memref<64x7xf32, #tpu.memory_space<vmem>>, %arg6: memref<7x1xf32, #tpu.memory_space<vmem>>, %arg7: memref<7x1xf32, #tpu.memory_space<vmem>>, %arg8: memref<8x64xf32, #tpu.memory_space<vmem>>, %arg9: memref<10240x16xf32, #tpu.memory_space<vmem>>, %arg10: memref<10240x16xf32, #tpu.memory_space<vmem>>, %arg11: memref<1x128xf32, #tpu.memory_space<vmem>>) attributes {dimension_semantics = [], scalar_prefetch = 0 : i64, scratch_operands = 0 : i64, tpu.core_type = #tpu.core_type<tc>} {
    %get3A = arith.constant 0 : index
    %get3A_0 = arith.constant 0 : index
    %get3A_1 = arith.constant 0 : index
    %get3A_2 = vector.load %arg0[%get3A, %get3A_0, %get3A_1] : memref<2x10240x80xf32, #tpu.memory_space<vmem>>, vector<1x10240x80xf32>
    %get3A_3 = vector.shape_cast %get3A_2 : vector<1x10240x80xf32> to vector<10240x80xf32>
    %get3A_4 = arith.constant 1 : index
    %get3A_5 = arith.constant 0 : index
    %get3A_6 = arith.constant 0 : index
    %get3A_7 = vector.load %arg0[%get3A_4, %get3A_5, %get3A_6] : memref<2x10240x80xf32, #tpu.memory_space<vmem>>, vector<1x10240x80xf32>
    %get3A_8 = vector.shape_cast %get3A_7 : vector<1x10240x80xf32> to vector<10240x80xf32>
    %add3A = arith.addf %get3A_3, %get3A_8 : vector<10240x80xf32>
    %get3A_9 = arith.constant 0 : index
    %get3A_10 = arith.constant 64 : index
    %get3A_11 = vector.load %arg1[%get3A_9, %get3A_10] : memref<10240x80xf32, #tpu.memory_space<vmem>>, vector<10000x8xf32>
    %get3A_12 = arith.constant 0 : index
    %get3A_13 = arith.constant 0 : index
    %get3A_14 = vector.load %arg2[%get3A_12, %get3A_13] : memref<10240x16xf32, #tpu.memory_space<vmem>>, vector<10000x8xf32>
    %get3A_15 = arith.constant 0 : index
    %get3A_16 = arith.constant 0 : index
    %get3A_17 = vector.load %arg3[%get3A_15, %get3A_16] : memref<1x128xf32, #tpu.memory_space<vmem>>, vector<1x1xf32>
    %get3A_18 = vector.extract %get3A_17[0, 0] : f32 from vector<1x1xf32>
    %add3A_19 = arith.addf %get3A_11, %get3A_14 : vector<10000x8xf32>
    %mul3A = arith.constant 2.000000e-01 : f32
    %mul3A_20 = vector.broadcast %mul3A : f32 to vector<10000x8xf32>
    %mul3A_21 = arith.mulf %mul3A_20, %add3A_19 : vector<10000x8xf32>
    %max3A = arith.maximumf %add3A_19, %mul3A_21 : vector<10000x8xf32>
    %sub3A = vector.broadcast %get3A_18 : f32 to vector<10000x8xf32>
    %sub3A_22 = arith.subf %max3A, %sub3A : vector<10000x8xf32>
    %exp3A = math.exp %sub3A_22 : vector<10000x8xf32>
    %slice3A = vector.extract_strided_slice %add3A {offsets = [0, 64], sizes = [10000, 8], strides = [1, 1]} : vector<10240x80xf32> to vector<10000x8xf32>
    %add3A_23 = arith.addf %slice3A, %exp3A : vector<10000x8xf32>
    %get3A_24 = arith.constant 0 : index
    %get3A_25 = arith.constant 0 : index
    %get3A_26 = vector.load %arg1[%get3A_24, %get3A_25] : memref<10240x80xf32, #tpu.memory_space<vmem>>, vector<10000x64xf32>
    %slice3A_27 = vector.extract_strided_slice %add3A {offsets = [0, 0], sizes = [10000, 64], strides = [1, 1]} : vector<10240x80xf32> to vector<10000x64xf32>
    %get3A_28 = arith.constant 0 : index
    %get3A_29 = arith.constant 0 : index
    %get3A_30 = vector.load %arg8[%get3A_28, %get3A_29] : memref<8x64xf32, #tpu.memory_space<vmem>>, vector<8x64xf32>
    %dot_general3A = arith.constant dense<0.000000e+00> : vector<10000x64xf32>
    %dot_general3A_31 = tpu.matmul %exp3A, %get3A_30, %dot_general3A {dimension_numbers = #tpu.dot_dimension_numbers<[1], [0], [0], [1], [0, 0, 1, 1], [], []>, transpose_lhs_hint = false} : vector<10000x8xf32>, vector<8x64xf32>, vector<10000x64xf32> -> vector<10000x64xf32>
    %mul3A_32 = arith.mulf %dot_general3A_31, %get3A_26 : vector<10000x64xf32>
    %add3A_33 = arith.addf %slice3A_27, %mul3A_32 : vector<10000x64xf32>
    %get3A_34 = arith.constant 0 : index
    %get3A_35 = arith.constant 0 : index
    %get3A_36 = vector.load %arg8[%get3A_34, %get3A_35] : memref<8x64xf32, #tpu.memory_space<vmem>>, vector<8x64xf32>
    %dot_general3A_37 = arith.constant dense<0.000000e+00> : vector<10000x64xf32>
    %dot_general3A_38 = tpu.matmul %add3A_23, %get3A_36, %dot_general3A_37 {dimension_numbers = #tpu.dot_dimension_numbers<[1], [0], [0], [1], [0, 0, 1, 1], [], []>, transpose_lhs_hint = false} : vector<10000x8xf32>, vector<8x64xf32>, vector<10000x64xf32> -> vector<10000x64xf32>
    %div3A = arith.divf %add3A_33, %dot_general3A_38 : vector<10000x64xf32>
    %get3A_39 = arith.constant 0 : index
    %get3A_40 = vector.load %arg4[%get3A_39] : memref<64xf32, #tpu.memory_space<vmem>>, vector<64xf32>
    %broadcast_in_dim3A = vector.shape_cast %get3A_40 : vector<64xf32> to vector<1x64xf32>
    %add3A_41 = vector.broadcast %broadcast_in_dim3A : vector<1x64xf32> to vector<10000x64xf32>
    %add3A_42 = arith.addf %div3A, %add3A_41 : vector<10000x64xf32>
    %get3A_43 = arith.constant 0 : index
    %get3A_44 = arith.constant 0 : index
    %get3A_45 = vector.load %arg5[%get3A_43, %get3A_44] : memref<64x7xf32, #tpu.memory_space<vmem>>, vector<64x7xf32>
    %dot_general3A_46 = arith.constant dense<0.000000e+00> : vector<10000x7xf32>
    %dot_general3A_47 = tpu.matmul %add3A_42, %get3A_45, %dot_general3A_46 {dimension_numbers = #tpu.dot_dimension_numbers<[1], [0], [0], [1], [0, 0, 1, 1], [], []>, transpose_lhs_hint = false} : vector<10000x64xf32>, vector<64x7xf32>, vector<10000x7xf32> -> vector<10000x7xf32>
    %get3A_48 = arith.constant 0 : index
    %get3A_49 = arith.constant 0 : index
    %get3A_50 = vector.load %arg6[%get3A_48, %get3A_49] : memref<7x1xf32, #tpu.memory_space<vmem>>, vector<7x1xf32>
    %dot_general3A_51 = arith.constant dense<0.000000e+00> : vector<10000x1xf32>
    %dot_general3A_52 = tpu.matmul %dot_general3A_47, %get3A_50, %dot_general3A_51 {dimension_numbers = #tpu.dot_dimension_numbers<[1], [0], [0], [1], [0, 0, 1, 1], [], []>, transpose_lhs_hint = false} : vector<10000x7xf32>, vector<7x1xf32>, vector<10000x1xf32> -> vector<10000x1xf32>
    %get3A_53 = arith.constant 0 : index
    %get3A_54 = arith.constant 0 : index
    %get3A_55 = vector.load %arg7[%get3A_53, %get3A_54] : memref<7x1xf32, #tpu.memory_space<vmem>>, vector<7x1xf32>
    %dot_general3A_56 = arith.constant dense<0.000000e+00> : vector<10000x1xf32>
    %dot_general3A_57 = tpu.matmul %dot_general3A_47, %get3A_55, %dot_general3A_56 {dimension_numbers = #tpu.dot_dimension_numbers<[1], [0], [0], [1], [0, 0, 1, 1], [], []>, transpose_lhs_hint = false} : vector<10000x7xf32>, vector<7x1xf32>, vector<10000x1xf32> -> vector<10000x1xf32>
    %reduce_max3A = vector.shape_cast %dot_general3A_52 : vector<10000x1xf32> to vector<1x10000x1xf32>
    %reduce_max3A_58 = arith.constant dense<0xFF800000> : vector<1xf32>
    %reduce_max3A_59 = vector.multi_reduction <maximumf>, %reduce_max3A, %reduce_max3A_58 [1, 2] : vector<1x10000x1xf32> to vector<1xf32>
    %reduce_max3A_60 = vector.shape_cast %reduce_max3A_59 : vector<1xf32> to vector<1x1x1xf32>
    %reduce_max3A_61 = vector.extract %reduce_max3A_60[0, 0, 0] : f32 from vector<1x1x1xf32>
    %reduce_max3A_62 = vector.shape_cast %dot_general3A_57 : vector<10000x1xf32> to vector<1x10000x1xf32>
    %reduce_max3A_63 = arith.constant dense<0xFF800000> : vector<1xf32>
    %reduce_max3A_64 = vector.multi_reduction <maximumf>, %reduce_max3A_62, %reduce_max3A_63 [1, 2] : vector<1x10000x1xf32> to vector<1xf32>
    %reduce_max3A_65 = vector.shape_cast %reduce_max3A_64 : vector<1xf32> to vector<1x1x1xf32>
    %reduce_max3A_66 = vector.extract %reduce_max3A_65[0, 0, 0] : f32 from vector<1x1x1xf32>
    %add3A_67 = arith.addf %reduce_max3A_61, %reduce_max3A_66 : f32
    %broadcast_in_dim3A_68 = arith.constant 0.000000e+00 : f32
    %broadcast_in_dim3A_69 = vector.broadcast %broadcast_in_dim3A_68 : f32 to vector<10240x16xf32>
    %swap3A = arith.constant 0 : index
    %swap3A_70 = arith.constant 0 : index
    %swap3A_71 = vector.load %arg9[%swap3A, %swap3A_70] : memref<10240x16xf32, #tpu.memory_space<vmem>>, vector<10240x16xf32>
    tpu.vector_store %arg9[%swap3A, %swap3A_70], %broadcast_in_dim3A_69 {strides = array<i32>} : memref<10240x16xf32, #tpu.memory_space<vmem>>, vector<10240x16xf32>,
    %swap3A_72 = arith.constant 0 : index
    %swap3A_73 = arith.constant 0 : index
    %swap3A_74 = vector.load %arg9[%swap3A_72, %swap3A_73] : memref<10240x16xf32, #tpu.memory_space<vmem>>, vector<10000x7xf32>
    tpu.vector_store %arg9[%swap3A_72, %swap3A_73], %dot_general3A_47 {strides = array<i32>} : memref<10240x16xf32, #tpu.memory_space<vmem>>, vector<10000x7xf32>,
    %swap3A_75 = arith.constant 0 : index
    %swap3A_76 = arith.constant 7 : index
    %swap3A_77 = vector.load %arg9[%swap3A_75, %swap3A_76] : memref<10240x16xf32, #tpu.memory_space<vmem>>, vector<10000x1xf32>
    tpu.vector_store %arg9[%swap3A_75, %swap3A_76], %dot_general3A_52 {strides = array<i32>} : memref<10240x16xf32, #tpu.memory_space<vmem>>, vector<10000x1xf32>,
    %broadcast_in_dim3A_78 = arith.constant 0.000000e+00 : f32
    %broadcast_in_dim3A_79 = vector.broadcast %broadcast_in_dim3A_78 : f32 to vector<10240x16xf32>
    %swap3A_80 = arith.constant 0 : index
    %swap3A_81 = arith.constant 0 : index
    %swap3A_82 = vector.load %arg10[%swap3A_80, %swap3A_81] : memref<10240x16xf32, #tpu.memory_space<vmem>>, vector<10240x16xf32>
    tpu.vector_store %arg10[%swap3A_80, %swap3A_81], %broadcast_in_dim3A_79 {strides = array<i32>} : memref<10240x16xf32, #tpu.memory_space<vmem>>, vector<10240x16xf32>,
    %swap3A_83 = arith.constant 0 : index
    %swap3A_84 = arith.constant 0 : index
    %swap3A_85 = vector.load %arg10[%swap3A_83, %swap3A_84] : memref<10240x16xf32, #tpu.memory_space<vmem>>, vector<10000x1xf32>
    tpu.vector_store %arg10[%swap3A_83, %swap3A_84], %dot_general3A_57 {strides = array<i32>} : memref<10240x16xf32, #tpu.memory_space<vmem>>, vector<10000x1xf32>,
    %broadcast_in_dim3A_86 = vector.broadcast %add3A_67 : f32 to vector<1x128xf32>
    %swap3A_87 = arith.constant 0 : index
    %swap3A_88 = arith.constant 0 : index
    %swap3A_89 = vector.load %arg11[%swap3A_87, %swap3A_88] : memref<1x128xf32, #tpu.memory_space<vmem>>, vector<1x128xf32>
    tpu.vector_store %arg11[%swap3A_87, %swap3A_88], %broadcast_in_dim3A_86 {strides = array<i32>} : memref<1x128xf32, #tpu.memory_space<vmem>>, vector<1x128xf32>,
    return
  }
}

module attributes {stable_mosaic.version = 14 : i64} {
  func.func @_tc3_body(%arg0: memref<2x10240x16xf32, #tpu.memory_space<vmem>>, %arg1: memref<10240x16xf32, #tpu.memory_space<vmem>>, %arg2: memref<10240x16xf32, #tpu.memory_space<vmem>>, %arg3: memref<1x128xf32, #tpu.memory_space<vmem>>, %arg4: memref<7xf32, #tpu.memory_space<vmem>>, %arg5: memref<10000x7xf32, #tpu.memory_space<vmem>>) attributes {dimension_semantics = [], scalar_prefetch = 0 : i64, scratch_operands = 0 : i64, tpu.core_type = #tpu.core_type<tc>} {
    %get3A = arith.constant 0 : index
    %get3A_0 = arith.constant 0 : index
    %get3A_1 = arith.constant 0 : index
    %get3A_2 = vector.load %arg0[%get3A, %get3A_0, %get3A_1] : memref<2x10240x16xf32, #tpu.memory_space<vmem>>, vector<1x10240x16xf32>
    %get3A_3 = vector.shape_cast %get3A_2 : vector<1x10240x16xf32> to vector<10240x16xf32>
    %get3A_4 = arith.constant 1 : index
    %get3A_5 = arith.constant 0 : index
    %get3A_6 = arith.constant 0 : index
    %get3A_7 = vector.load %arg0[%get3A_4, %get3A_5, %get3A_6] : memref<2x10240x16xf32, #tpu.memory_space<vmem>>, vector<1x10240x16xf32>
    %get3A_8 = vector.shape_cast %get3A_7 : vector<1x10240x16xf32> to vector<10240x16xf32>
    %add3A = arith.addf %get3A_3, %get3A_8 : vector<10240x16xf32>
    %get3A_9 = arith.constant 0 : index
    %get3A_10 = arith.constant 0 : index
    %get3A_11 = vector.load %arg1[%get3A_9, %get3A_10] : memref<10240x16xf32, #tpu.memory_space<vmem>>, vector<10000x7xf32>
    %get3A_12 = arith.constant 0 : index
    %get3A_13 = arith.constant 7 : index
    %get3A_14 = vector.load %arg1[%get3A_12, %get3A_13] : memref<10240x16xf32, #tpu.memory_space<vmem>>, vector<10000x1xf32>
    %get3A_15 = arith.constant 0 : index
    %get3A_16 = arith.constant 0 : index
    %get3A_17 = vector.load %arg2[%get3A_15, %get3A_16] : memref<10240x16xf32, #tpu.memory_space<vmem>>, vector<10000x1xf32>
    %get3A_18 = arith.constant 0 : index
    %get3A_19 = arith.constant 0 : index
    %get3A_20 = vector.load %arg3[%get3A_18, %get3A_19] : memref<1x128xf32, #tpu.memory_space<vmem>>, vector<1x1xf32>
    %get3A_21 = vector.extract %get3A_20[0, 0] : f32 from vector<1x1xf32>
    %add3A_22 = arith.addf %get3A_14, %get3A_17 : vector<10000x1xf32>
    %mul3A = arith.constant 2.000000e-01 : f32
    %mul3A_23 = vector.broadcast %mul3A : f32 to vector<10000x1xf32>
    %mul3A_24 = arith.mulf %mul3A_23, %add3A_22 : vector<10000x1xf32>
    %max3A = arith.maximumf %add3A_22, %mul3A_24 : vector<10000x1xf32>
    %sub3A = vector.broadcast %get3A_21 : f32 to vector<10000x1xf32>
    %sub3A_25 = arith.subf %max3A, %sub3A : vector<10000x1xf32>
    %exp3A = math.exp %sub3A_25 : vector<10000x1xf32>
    %slice3A = vector.extract_strided_slice %add3A {offsets = [0, 0], sizes = [10000, 7], strides = [1, 1]} : vector<10240x16xf32> to vector<10000x7xf32>
    %mul3A_26 = vector.broadcast %exp3A : vector<10000x1xf32> to vector<10000x7xf32>
    %mul3A_27 = arith.mulf %mul3A_26, %get3A_11 : vector<10000x7xf32>
    %add3A_28 = arith.addf %slice3A, %mul3A_27 : vector<10000x7xf32>
    %slice3A_29 = vector.extract_strided_slice %add3A {offsets = [0, 7], sizes = [10000, 1], strides = [1, 1]} : vector<10240x16xf32> to vector<10000x1xf32>
    %add3A_30 = arith.addf %slice3A_29, %exp3A : vector<10000x1xf32>
    %div3A = vector.broadcast %add3A_30 : vector<10000x1xf32> to vector<10000x7xf32>
    %div3A_31 = arith.divf %add3A_28, %div3A : vector<10000x7xf32>
    %get3A_32 = arith.constant 0 : index
    %get3A_33 = vector.load %arg4[%get3A_32] : memref<7xf32, #tpu.memory_space<vmem>>, vector<7xf32>
    %broadcast_in_dim3A = vector.shape_cast %get3A_33 : vector<7xf32> to vector<1x7xf32>
    %add3A_34 = vector.broadcast %broadcast_in_dim3A : vector<1x7xf32> to vector<10000x7xf32>
    %add3A_35 = arith.addf %div3A_31, %add3A_34 : vector<10000x7xf32>
    %reduce_max3A = arith.constant dense<0xFF800000> : vector<10000xf32>
    %reduce_max3A_36 = vector.multi_reduction <maximumf>, %add3A_35, %reduce_max3A [1] : vector<10000x7xf32> to vector<10000xf32>
    %broadcast_in_dim3A_37 = vector.shape_cast %reduce_max3A_36 : vector<10000xf32> to vector<10000x1xf32>
    %sub3A_38 = vector.broadcast %broadcast_in_dim3A_37 : vector<10000x1xf32> to vector<10000x7xf32>
    %sub3A_39 = arith.subf %add3A_35, %sub3A_38 : vector<10000x7xf32>
    %exp3A_40 = math.exp %sub3A_39 : vector<10000x7xf32>
    %reduce_sum3A = arith.constant dense<0.000000e+00> : vector<10000xf32>
    %reduce_sum3A_41 = vector.multi_reduction <add>, %exp3A_40, %reduce_sum3A [1] : vector<10000x7xf32> to vector<10000xf32>
    %broadcast_in_dim3A_42 = vector.shape_cast %reduce_sum3A_41 : vector<10000xf32> to vector<10000x1xf32>
    %log3A = math.log %broadcast_in_dim3A_42 : vector<10000x1xf32>
    %sub3A_43 = vector.broadcast %log3A : vector<10000x1xf32> to vector<10000x7xf32>
    %sub3A_44 = arith.subf %sub3A_39, %sub3A_43 : vector<10000x7xf32>
    %swap3A = arith.constant 0 : index
    %swap3A_45 = arith.constant 0 : index
    %swap3A_46 = vector.load %arg5[%swap3A, %swap3A_45] : memref<10000x7xf32, #tpu.memory_space<vmem>>, vector<10000x7xf32>
    tpu.vector_store %arg5[%swap3A, %swap3A_45], %sub3A_44 {strides = array<i32>} : memref<10000x7xf32, #tpu.memory_space<vmem>>, vector<10000x7xf32>,
    return
  }
}

</mosaic_0001>

<sc_bundles>
// kernel: kernel.10.cloned.1.call-start
scs
__scs_entry_jumppad:
0x0: {  	(pc) =	sbr.rel $0x88, $3  }
0x1: {  	(tag) =	ssettag $0x0;
	lr =	simm.s32 $0x1  }
0x2: {  	[smem:$0x3F97] =	sst lr;
	_ =	strace $0xD0000000  }
0x3: {  	_ = 	snop  }
0x4: {  	_ = 	snop  }
0x5: {  	_ = 	snop  }
0x6: {  	_ = 	snop  }
0x7: {  	_ = 	snop  }
__scs_overlays_trampoline_lowered:
0x8: {  	[smem:$0x3FA6] =	sst s0  }
0x9: {  	[smem:$0x3FA7] =	sst s1  }
0xa: {  	[smem:$0x3FA8] =	sst s2  }
0xb: {  	[smem:$0x3FA9] =	sst s3  }
0xc: {  	[smem:$0x3FAA] =	sst s4  }
0xd: {  	[smem:$0x3FAB] =	sst s5  }
0xe: {  	[smem:$0x3FAC] =	sst s6  }
0xf: {  	[smem:$0x3FAD] =	sst s7  }
0x10: {  	[smem:$0x3FAE] =	sst s8  }
0x11: {  	[smem:$0x3FAF] =	sst s9;
	s0 =	simm.s32 @!p0 $0x0  }
0x12: {  	s1 =	sld [smem:$0x3F95];
	s0 =	simm.s32 @p0 $0x1  }
0x13: {  	[smem:$0x3FB0] =	sst s0;
	s0 =	simm.s32 @!p1 $0x0  }
0x14: {  	s2 =	sld [smem:$0x3F94];
	s0 =	simm.s32 @p1 $0x1  }
0x15: {  	[smem:$0x3FB1] =	sst s0;
	s0 =	simm.s32 @!p2 $0x0  }
0x16: {  	s3 =	sld [smem:$0x3FDB];
	s0 =	simm.s32 @p2 $0x1  }
0x17: {  	s4 =	simm.s32 $0x1BF5;
	[smem:$0x3FB3] =	sst s0  }
0x18: {  	s0 =	sld [smem:$0x3F96];
	_ =	swait.ge [sflag:s4], $0x0  }
0x19: {  	s7 =	sld [smem:$0x3F97]  }
0x1a: {  	s8 =	sadd.s32 $0xFFFFE003, lr  }
0x1b: {  	s9 =	sadd.s32 $0xFFFFFEF7, lr;
	s5 =	simm.s32 $0xFFFFFFFF;
	p2 =	slt.u32 s8, $0xFFFFF086  }
0x1c: {  	p1 =	slt.u32 s9, $0xF7A;
	s5 =	simm.s32 @!p2 $0x0  }
0x1d: {  	s5 =	simm.s32 @p1 $0x1;
	p0 =	seq.s32 s7, s2  }
0x1e: {  	s7 =	smul.u32 @!p0 $0xF7A, s2;
	p2 =	seq.s32 @!p0 s5, $0x0  }
0x1f: {  	s9 =	smul.u32 $0xF7A, s1;
	s8 =	simm.s32 @!p0 $0x1BF5;
	p2 =	por !p2, p0  }
0x20: {  	[sflag:s8] =	ssyncset.s32 @!p0 $0xFFFFF086;
	s6 =	sadd.s32 @!p0 s3, s7;
	s7 =	simm.s32 @!p0 $0x108  }
0x21: {  	s3 =	sadd.s32 s3, s9;
	s6 =	sadd.s32 @!p0 $0x88, s6;
	s7 =	simm.s32 @p2 $0x1082  }
0x22: {  	[simem:s7], [sflag:s8] =	dma.local @!p0 [hbm:s6], $0xF7A  }
0x23: {  	s9 =	sor.u32 $0xD0000000, s2;
	s6 =	simm.s32 $0x108;
	_ =	swait.ge @!p0 [sflag:s8], $0x0  }
0x24: {  	s3 =	sadd.s32 $0x88, s3;
	s6 =	simm.s32 @!p1 $0x1082;
	[sflag:s4] =	ssyncset.s32 $0xFFFFF086  }
0x25: {  	[simem:s6], [sflag:s4] =	dma.local [hbm:s3], $0xF7A  }
0x26: {  	[smem:$0x3F97] =	sst s1;
	(tag) =	ssettag s2;
	_ =	strace s9  }
0x27: {  	s1 =	sld [smem:$0x3FA7]  }
0x28: {  	s2 =	sld [smem:$0x3FA8]  }
0x29: {  	s4 =	sld [smem:$0x3FAA]  }
0x2a: {  	p0 =	seq.s32 s5, $0x0;
	s5 =	sld [smem:$0x3FAB]  }
0x2b: {  	s6 =	sld [smem:$0x3FAC]  }
0x2c: {  	s7 =	sld [smem:$0x3FAD]  }
0x2d: {  	s3 =	simm.s32 $0x108;
	s8 =	sld [smem:$0x3FAE]  }
0x2e: {  	s3 =	simm.s32 @!p0 $0x1082;
	s9 =	sld [smem:$0x3FAF]  }
0x2f: {  	lr =	sadd.s32 s0, s3;
	s0 =	sld [smem:$0x3FA6]  }
0x30: {  	s3 =	sld [smem:$0x3FA9]  }
0x31: {  	[smem:$0x3FB2] =	sst s10  }
0x32: {  	s10 =	sld [smem:$0x3FB0];
	_ =	sdelay $0x3  }
0x33: {  	p0 =	seq.s32 s10, $0x1;
	s10 =	sld [smem:$0x3FB2];
	_ =	sdelay $0x3  }
0x34: {  	[smem:$0x3FB2] =	sst s10  }
0x35: {  	s10 =	sld [smem:$0x3FB1];
	_ =	sdelay $0x3  }
0x36: {  	p1 =	seq.s32 s10, $0x1;
	s10 =	sld [smem:$0x3FB2];
	_ =	sdelay $0x3  }
0x37: {  	[smem:$0x3FB2] =	sst s10  }
0x38: {  	s10 =	sld [smem:$0x3FB3]  }
0x39: {  	_ = 	snop;
	(pc) =	sbr.ind lr, $3  }
0x3a: {  	_ = 	snop  }
0x3b: {  	_ = 	snop  }
0x3c: {  	p2 =	seq.s32 s10, $0x1;
	s10 =	sld [smem:$0x3FB2]  }
0x3d: {  	_ =	shalt  }
0x3e: {  	_ =	shalt  }
0x3f: {  	_ =	shalt  }
0x40: {  	_ =	shalt  }
0x41: {  	_ =	shalt  }
0x42: {  	_ =	shalt  }
0x43: {  	_ =	shalt  }
0x44: {  	_ =	shalt  }
0x45: {  	_ =	shalt  }
0x46: {  	_ =	shalt  }
0x47: {  	_ =	shalt  }
0x48: {  	_ =	shalt  }
0x49: {  	_ =	shalt  }
0x4a: {  	_ =	shalt  }
0x4b: {  	_ =	shalt  }
0x4c: {  	_ =	shalt  }
0x4d: {  	_ =	shalt  }
0x4e: {  	_ =	shalt  }
0x4f: {  	_ =	shalt  }
0x50: {  	_ =	shalt  }
0x51: {  	_ =	shalt  }
0x52: {  	_ =	shalt  }
0x53: {  	_ =	shalt  }
0x54: {  	_ =	shalt  }
0x55: {  	_ =	shalt  }
0x56: {  	_ =	shalt  }
0x57: {  	_ =	shalt  }
0x58: {  	_ =	shalt  }
0x59: {  	_ =	shalt  }
0x5a: {  	_ =	shalt  }
0x5b: {  	_ =	shalt  }
0x5c: {  	_ =	shalt  }
0x5d: {  	_ =	shalt  }
0x5e: {  	_ =	shalt  }
0x5f: {  	_ =	shalt  }
0x60: {  	_ =	shalt  }
0x61: {  	_ =	shalt  }
0x62: {  	_ =	shalt  }
0x63: {  	_ =	shalt  }
0x64: {  	_ =	shalt  }
0x65: {  	_ =	shalt  }
0x66: {  	_ =	shalt  }
0x67: {  	_ =	shalt  }
0x68: {  	_ =	shalt  }
0x69: {  	_ =	shalt  }
0x6a: {  	_ =	shalt  }
0x6b: {  	_ =	shalt  }
0x6c: {  	_ =	shalt  }
0x6d: {  	_ =	shalt  }
0x6e: {  	_ =	shalt  }
0x6f: {  	_ =	shalt  }
0x70: {  	_ =	shalt  }
0x71: {  	_ =	shalt  }
0x72: {  	_ =	shalt  }
0x73: {  	_ =	shalt  }
0x74: {  	_ =	shalt  }
0x75: {  	_ =	shalt  }
0x76: {  	_ =	shalt  }
0x77: {  	_ =	shalt  }
0x78: {  	_ =	shalt  }
0x79: {  	_ =	shalt  }
0x7a: {  	_ =	shalt  }
0x7b: {  	_ =	shalt  }
0x7c: {  	_ =	shalt  }
0x7d: {  	_ =	shalt  }
0x7e: {  	_ =	shalt  }
0x7f: {  	_ =	shalt  }
0x80: {  	_ =	shalt  }
0x81: {  	_ =	shalt  }
0x82: {  	_ =	shalt  }
0x83: {  	_ =	shalt  }
0x84: {  	_ =	shalt  }
0x85: {  	_ =	shalt  }
0x86: {  	_ =	shalt  }
0x87: {  	_ =	shalt  }
.Lfunc_end0:
.L_simem_size_0:
called_computation.1_lowered:
.L_overlay_start_0:
0x88: {  	s2 =	sld [smem:$0x3FD9]  }
0x89: {  	s3 =	sld [smem:$0x3FFE];
	_ =	sdelay $0x1  }
0x8a: {  	s1 =	srdreg.scid  }
0x8b: {  	s0 =	sand.u32 $0x1, s1  }
0x8c: {  	s17 =	sshll.u32 s0, $0xA;
	s2 =	sadd.s32 s3, s2  }
0x8d: {  	s2 =	sadd.s32 s2, s17  }
0x8e: {  	[smem:$0x3FBE] =	sst s2  }
0x8f: {  	_ = 	snop  }
0x90: {  	s2 =	sld [smem:$0x3FD0];
	(tm) =	ssettm $0x1  }
0x91: {  	s18 =	sld [smem:$0x3FFB];
	_ =	sdelay $0x3  }
0x92: {  	_ =	strace s18  }
0x93: {  	s3 =	sld [smem:$0x3FFC];
	_ =	sdelay $0x3  }
0x94: {  	_ =	strace s3  }
0x95: {  	s3 =	sld [smem:$0x3FFD];
	_ =	sdelay $0x3  }
0x96: {  	_ =	strace s3  }
0x97: {  	_ =	strace $0x8FFFFFFF  }
0x98: {  	s19 =	sld [smem:$0x3FDB];
	_ =	sdelay $0x1  }
0x99: {  	s4 =	simm.s32 $_scs_section_size  }
0x9a: {  	s5 =	simm.s32 $_size__tile_overlayer_lowered;
	s6 =	simm.s32 $_tile_overlayer_lowered  }
0x9b: {  	s22 =	simm.s32 $0x1BFF;
	s21 =	sshll.u32 s6, $0x1;
	s3 =	sadd.s32 s4, s19  }
0x9c: {  	s7 =	simm.s32 $0x0;
	s20 =	sshll.u32 s5, $0x1;
	s5 =	sadd.s32 s21, s3  }
0x9d: {  	[timem:s7], [sflag:s22] =	dma.local [hbm:s5], s20  }
0x9e: {  	_ =	swait.ge [sflag:s22], s20  }
0x9f: {  	s4 =	ssub.s32 $0x0, s20;
	[sflag:s22] =	ssyncset.done $0x0  }
0xa0: {  	[sflag:s22] =	ssyncadd.s32 s4;
	_ =	sdelay $0x1  }
0xa1: {  	s23 =	simm.s32 $0x1B8B  }
0xa2: {  	_ =	swait.ge [sflag:s23], $0x1  }
0xa3: {  	[sflag:s23] =	ssyncset.done $0x0  }
0xa4: {  	s25 =	simm.s32 $0x1B8E;
	s24 =	sld [smem:$0x3FFE];
	[sflag:s23] =	ssyncadd.s32 $0xFFFFFFFF  }
0xa5: {  	s26 =	simm.s32 $execute0_lowered;
	[smem:$0x3FD2] =	sst s25  }
0xa6: {  	s5 =	sshll.u32 s26, $0x1;
	_ =	strace $0x80000049;
	[dreg:$0x1] =	wrdreg $0xFFFFFFFF  }
0xa7: {  	s28 =	simm.s32 $_size_execute0_lowered;
	s3 =	sadd.s32 s3, s5;
	[dreg:$0x0] =	wrdreg $0x0  }
0xa8: {  	s5 =	sshll.u32 s28, $0x1;
	[dreg:$0x2] =	wrdreg s3  }
0xa9: {  	[dreg:$0x3] =	wrdreg s5  }
0xaa: {  	[dreg:$0x4] =	wrdreg $0xC0  }
0xab: {  	_ =	task [dreg:s7], $0x5FFFF  }
0xac: {  	[dreg:$0x1] =	wrdreg $0xFFFFFFFF  }
0xad: {  	[dreg:$0x0] =	wrdreg $0x60  }
0xae: {  	[dreg:$0x2] =	wrdreg s24  }
0xaf: {  	[dreg:$0x3] =	wrdreg s2  }
0xb0: {  	[dreg:$0x4] =	wrdreg $0x82100  }
0xb1: {  	[dreg:$0x5] =	wrdreg $0x9  }
0xb2: {  	_ =	task.clear_ibuf [dreg:s7], $0x6FFFF;
	_ =	strace $0x90000049  }
0xb3: {  	s29 =	simm.s32 $0x9;
	_ =	strace $0x8000004B  }
0xb4: {  	_ =	swait.ge [sflag:s29], $0x1  }
0xb5: {  	[sflag:s29] =	ssyncadd.s32 $0xFFFFFFFF  }
0xb6: {  	_ =	strace $0x9000004B  }
0xb7: {  	_ =	sfence  }
0xb8: {  	s30 =	sld [smem:$0x0];
	_ =	sdelay $0x2  }
0xb9: {  	s31 =	sshll.u32 s1, $0xD;
	s1 =	sshrl.u32 s1, $0x2  }
0xba: {  	s3 =	sand.u32 $0x4000, s31;
	s1 =	sadd.s32 s1, s30  }
0xbb: {  	s0 =	sor.u32 s3, s0;
	s1 =	sshll.u32 s1, $0x11  }
0xbc: {  	s0 =	sor.u32 s1, s0  }
0xbd: {  	s0 =	sadd.s32 $0x8F2B, s0  }
0xbe: {  	[sflag:s0] =	ssyncadd.remote.s32 $0x1  }
0xbf: {  	_ =	sfence.sel $0xFFFF  }
0xc0: {  	[dreg:$0x0] =	wrdreg $0xFFFFFFFF;
	(pc) =	sbr.abs _section_cstart, $3  }
0xc1: {  	[dreg:$0x1] =	wrdreg $0xFFFFFFFF  }
0xc2: {  	_ =	task.clear_ibuf [dreg:s7], $0x2FFFF;
	_ =	strace $0x9FFFFFFF  }
0xc3: {  	(tm) =	ssettm $0x7FFFFFFF  }
tec
execute0_lowered:
.L_overlay_start_1:
0x0: {  	(tag) =	ssettag $0x1  }
0x1: {  	s0 =	srdreg.scid  }
0x2: {  	s1 =	rddreg [dreg:$0x0];
	s14 =	stileid.u32  }
0x3: {  	s3 =	rddreg [dreg:$0x2];
	s4 =	simm.s32 $0x0;
	s17 =	simm.s32 $0x5  }
0x4: {  	s20 =	simm.s32 $0x80;
	s21 =	simm.s32 $0x5000;
	s22 =	simm.s32 $0x6000  }
0x5: {  	s23 =	simm.s32 $0x7000;
	s28 =	simm.s32 $0x7080;
	s29 =	simm.s32 $0x1  }
0x6: {  	s30 =	simm.s32 $0x7200;
	s31 =	simm.s32 $0x7100;
	s18 =	simm.s32 $0x3  }
0x7: {  	s19 =	simm.s32 $0x0;
	s0 =	sand.u32 $0x1, s0;
	[smem:$0x7FF] =	sst s4  }
0x8: {  	s24 =	smul.u32 $0x2800, s14;
	s6 =	sadd.s32 $0x7600, s1;
	s7 =	sadd.s32 $0x2600, s1  }
0x9: {  	s8 =	sadd.s32 $0x48600, s1;
	s26 =	sshll.u32 s14, $0x6;
	s2 =	sshll.u32 s0, $0x4  }
0xa: {  	_ =	strace $0x8000004A;
	s10 =	smul.u32 $0x28000, s0;
	s0 =	ssub.s32 $0x2, s0  }
0xb: {  	s2 =	sor.u32 s14, s2;
	s12 =	sshrl.u32 s24, $0x3;
	s13 =	sshrl.u32 s0, $0x1  }
0xc: {  	s5 =	smul.u32 $0x2800, s2;
	s10 =	sadd.s32 s24, s10;
	s12 =	sadd.s32 s12, s1  }
0xd: {  	s0 =	ssub.s32 s0, s13;
	s2 =	sadd.s32 s24, s3;
	s25 =	sadd.s32 $0xC600, s12  }
0xe: {  	s24 =	simm.s32 $0x5800;
	s0 =	smax.u32 s0, $0x1;
	[dreg:$0x4] =	wrdreg s25  }
0xf: {  	s10 =	sshrl.u32 s10, $0x3;
	s9 =	sshrl.u32 s5, $0x3;
	[dreg:$0x8] =	wrdreg s0  }
0x10: {  	s0 =	simm.s32 $0x7A00;
	s11 =	sadd.s32 s9, s1;
	s9 =	sadd.s32 s8, s9  }
.Ltmp0:
0x11: {  	s11 =	sadd.s32 $0x52600, s11;
	[dreg:$0x9] =	wrdreg s9;
	(pc) =	sbr.rel .LBB2_1-.Ltmp0, $4  }
0x12: {  	s1 =	sadd.s32 s10, s1;
	s9 =	sadd.s32 $0x10, s9;
	[dreg:$0x5] =	wrdreg s11  }
0x13: {  	vm0 =	vcmask $0x1B00;
	s25 =	simm.s32 $0x4;
	s1 =	sadd.s32 $0x11600, s1;
	[dreg:$0x6] =	wrdreg s9  }
0x14: {  	v3 =	vimm.f32 $0.0e+00;
	vm15 =	vcmask $0x1F1C;
	v1 =	vimm.s32 $0x7;
	s10 =	sor.u32 $0x1C05, s26;
	s26 =	simm.s32 $0x6800;
	[dreg:$0x7] =	wrdreg s1  }
0x15: {  	v2 =	vimm.s32 $0x0;
	v0 =	vsel vm0, $0x3F800000, v3;
	v3 =	vsel vm15, $0x3F800000, v3;
	s11 =	sshrl.u32 s2, $0x3;
	s1 =	simm.s32 $0x2;
	s2 =	simm.s32 $0x7180  }
.LBB2_12:
0x16: {  	_ =	swait.ge [sflag:s18], $0x800  }
0x17: {  	[sflag:s18] =	ssyncset.done $0x0  }
0x18: {  	[sflag:s18] =	ssyncadd.s32 $0xFFFFF800  }
0x19: {  	_ =	swait.ge [sflag:s25], $0x800  }
0x1a: {  	[sflag:s25] =	ssyncset.done $0x0  }
0x1b: {  	[sflag:s25] =	ssyncadd.s32 $0xFFFFF800  }
0x1c: {  	[bflag:$0x0] =	sbarrier.arrive $0xFFFF  }
0x1d: {  	s9 =	rddreg [dreg:$0x7]  }
0x1e: {  	[hbm:s9], [sflag:s16] =	dma.local [spmem:s12], $0x500  }
0x1f: {  	_ =	swait.ge [sflag:s17], $0x500  }
0x20: {  	s10 =	smov.u32 s16;
	s19 =	sadd.s32 $0x1, s19;
	s16 =	rddreg [dreg:$0x8]  }
0x21: {  	p0 =	sne.s32 s19, s16  }
.Ltmp1:
0x22: {  	_ = 	snop;
	(pc) =	sbr.rel @!p0 .LBB2_13-.Ltmp1, $3  }
0x23: {  	_ =	sdelay $0x1  }
0x24: {  	[sflag:s17] =	ssyncset.done $0x0  }
0x25: {  	s11 =	smov.u32 s12;
	[sflag:s17] =	ssyncadd.s32 $0xFFFFFB00  }
.LBB2_1:
0x26: {  	s9 =	rddreg [dreg:$0x4]  }
0x27: {  	[spmem:s11], [sflag:s10] =	dma.local [hbm:s9], $0x500  }
0x28: {  	_ =	swait.ge [sflag:s17], $0x500  }
0x29: {  	[sflag:s17] =	ssyncset.done $0x0  }
0x2a: {  	[sflag:s17] =	ssyncadd.s32 $0xFFFFFB00  }
0x2b: {  	s15 =	simm.s32 $0x8200;
	s14 =	rddreg [dreg:$0x1]  }
0x2c: {  	[tilespmem:s15], [sflag:$0x5] =	stream.linear.gather [hbm4b:s14+s4], $0x10, $0x38;
	[tilespmem:$0xAA10] =	vst v63  }
0x2d: {  	_ =	swait.ge [sflag:s17], $0x10  }
0x2e: {  	[sflag:s17] =	ssyncset.done $0x0  }
0x2f: {  	s16 =	smov.u32 s10;
	s10 =	rddreg [dreg:$0x5];
	[sflag:s17] =	ssyncadd.s32 $0xFFFFFFF0  }
0x30: {  	[tilespmem:s4], [sflag:$0x5] =	stream.linear.gather [hbm4b:s10+s4], $0x2800, $0x38;
	[tilespmem:$0xAA10] =	vst v63  }
0x31: {  	_ =	swait.ge [sflag:s17], $0x2800  }
0x32: {  	s12 =	smov.u32 s11;
	[sflag:s17] =	ssyncset.done $0x0  }
0x33: {  	s13 =	simm.s32 $0x2800;
	s11 =	rddreg [dreg:$0x9];
	[sflag:s17] =	ssyncadd.s32 $0xFFFFD800  }
0x34: {  	[tilespmem:s13], [sflag:$0x5] =	stream.linear.gather [hbm4b:s11+s4], $0x2800, $0x38;
	[tilespmem:$0xAA10] =	vst v63  }
0x35: {  	_ =	swait.ge [sflag:s17], $0x2800  }
0x36: {  	[sflag:s17] =	ssyncset.done $0x0  }
0x37: {  	[sflag:s17] =	ssyncadd.s32 $0xFFFFD800  }
0x38: {  	[bflag:$0x0] =	sbarrier.arrive $0xFFFF  }
0x39: {  	[tilespmem:s21], [sflag:$0x1] =	stream.indirect.gather [hbm4b:s6+s20], $0x10, s4, s20, $0xb8;
	[tilespmem:$0xAA10] =	vst v63  }
0x3a: {  	_ = 	snop  }
0x3b: {  	[tilespmem:s22], [sflag:$0x1] =	stream.indirect.gather [hbm4b:s7+s20], $0x10, s13, s20, $0xb8;
	[tilespmem:$0xAA10] =	vst v63  }
0x3c: {  	_ = 	snop  }
0x3d: {  	[tilespmem:s23], [sflag:$0x1] =	stream.linear.gather [hbm4b:s11+s4], $0x80, $0x38;
	[tilespmem:$0xAA10] =	vst v63  }
0x3e: {  	_ = 	snop  }
0x3f: {  	[tilespmem:s24], [sflag:$0x2] =	stream.indirect.gather [hbm4b:s6+s20], $0x10, s20, s20, $0xb8;
	[tilespmem:$0xAA10] =	vst v63  }
0x40: {  	s14 =	simm.s32 $0x2880  }
0x41: {  	[tilespmem:s26], [sflag:$0x2] =	stream.indirect.gather [hbm4b:s7+s20], $0x10, s14, s20, $0xb8;
	[tilespmem:$0xAA10] =	vst v63  }
0x42: {  	s9 =	simm.s32 $0x0;
	s15 =	rddreg [dreg:$0x6]  }
0x43: {  	[tilespmem:s28], [sflag:$0x2] =	stream.linear.gather [hbm4b:s15+s4], $0x80, $0x38;
	[tilespmem:$0xAA10] =	vst v63  }
.LBB2_2:
0x44: {  	_ =	swait.ge [sflag:s29], $0x800  }
0x45: {  	[sflag:s29] =	ssyncset.done $0x0  }
0x46: {  	[sflag:s29] =	ssyncadd.s32 $0xFFFFF800  }
0x47: {  	_ =	swait.ge [sflag:s29], $0x800  }
0x48: {  	[sflag:s29] =	ssyncset.done $0x0  }
0x49: {  	[sflag:s29] =	ssyncadd.s32 $0xFFFFF800  }
0x4a: {  	_ =	swait.ge [sflag:s29], $0x80  }
0x4b: {  	p0 =	seq.s32 s9, $0x0;
	[sflag:s29] =	ssyncset.done $0x0  }
0x4c: {  	s11 =	simm.s32 @!p0 $0x3;
	[sflag:s29] =	ssyncadd.s32 $0xFFFFFF80  }
0x4d: {  	_ =	swait.ge @!p0 [sflag:s11], $0x800  }
0x4e: {  	[sflag:s11] =	ssyncset.done @!p0 $0x0  }
0x4f: {  	s13 =	simm.s32 $0x0;
	[sflag:s11] =	ssyncadd.s32 @!p0 $0xFFFFF800  }
0x50: {  	v4 =	vld [tilespmem:s13+$0x5000]  }
0x51: {  	v5 =	vld [tilespmem:s13+$0x6000];
	_ =	sdelay $0x4  }
0x52: {  	v6 =	vperm.xlane v4, v1;
	v5 =	vperm.xlane v5, v2;
	_ =	sdelay $0x1  }
0x53: {  	v7 =	vld [tilespmem:$0x8200];
	v5 =	vadd.f32 v5, v6;
	_ =	sdelay $0x1  }
0x54: {  	v6 =	vmul.f32 $2.000000030e-01, v5;
	_ =	sdelay $0x1  }
0x55: {  	v5 =	vmax.f32 v5, v6  }
0x56: {  	v5 =	vsub.f32 v5, v7;
	_ =	sdelay $0x1  }
0x57: {  	v5 =	vmul.f32 $1.442695020e+00, v5;
	_ =	sdelay $0x1  }
0x58: {  	(erf) = vpow2.f32 v5;
	_ =	sdelay $0x4  }
0x59: {  	v6 =	vld [tilespmem:s13+$0x6010]  }
0x5a: {  	v4 =	vmul.f32 v0, v4;
	v5 =	vld [tilespmem:s13+$0x5010];
	_ =	sdelay $0x1  }
0x5b: {  	v4 =	vadd.f32 v3, v4  }
0x5c: {  	v7 =	vpop (erf)  }
0x5d: {  	v4 =	vmul.f32 v7, v4  }
0x5e: {  	v6 =	vperm.xlane v6, v2;
	v7 =	vperm.xlane v5, v1  }
0x5f: {  	[tilespmem:s13+$0x7200] =	vst v4  }
0x60: {  	v6 =	vadd.f32 v6, v7;
	v4 =	vld [tilespmem:$0x8200];
	_ =	sdelay $0x1  }
0x61: {  	v7 =	vmul.f32 $2.000000030e-01, v6;
	_ =	sdelay $0x1  }
0x62: {  	v6 =	vmax.f32 v6, v7  }
0x63: {  	v4 =	vsub.f32 v6, v4;
	_ =	sdelay $0x1  }
0x64: {  	v4 =	vmul.f32 $1.442695020e+00, v4;
	_ =	sdelay $0x1  }
0x65: {  	(erf) = vpow2.f32 v4;
	_ =	sdelay $0x4  }
0x66: {  	v6 =	vld [tilespmem:s13+$0x5020]  }
0x67: {  	v4 =	vmul.f32 v0, v5;
	v5 =	vld [tilespmem:s13+$0x6020];
	_ =	sdelay $0x1  }
0x68: {  	v4 =	vadd.f32 v3, v4  }
0x69: {  	v7 =	vpop (erf)  }
0x6a: {  	v4 =	vmul.f32 v7, v4  }
0x6b: {  	v5 =	vperm.xlane v5, v2;
	v7 =	vperm.xlane v6, v1  }
0x6c: {  	[tilespmem:s13+$0x7210] =	vst v4  }
0x6d: {  	v5 =	vadd.f32 v5, v7;
	v4 =	vld [tilespmem:$0x8200];
	_ =	sdelay $0x1  }
0x6e: {  	v7 =	vmul.f32 $2.000000030e-01, v5;
	_ =	sdelay $0x1  }
0x6f: {  	v5 =	vmax.f32 v5, v7  }
0x70: {  	v4 =	vsub.f32 v5, v4;
	_ =	sdelay $0x1  }
0x71: {  	v4 =	vmul.f32 $1.442695020e+00, v4;
	_ =	sdelay $0x1  }
0x72: {  	(erf) = vpow2.f32 v4;
	_ =	sdelay $0x4  }
0x73: {  	v5 =	vmul.f32 v0, v6;
	v6 =	vld [tilespmem:s13+$0x6030]  }
0x74: {  	v4 =	vld [tilespmem:s13+$0x5030];
	_ =	sdelay $0x1  }
0x75: {  	v5 =	vadd.f32 v3, v5  }
0x76: {  	v7 =	vpop (erf)  }
0x77: {  	v5 =	vmul.f32 v7, v5  }
0x78: {  	v6 =	vperm.xlane v6, v2;
	v7 =	vperm.xlane v4, v1  }
0x79: {  	[tilespmem:s13+$0x7220] =	vst v5  }
0x7a: {  	v6 =	vadd.f32 v6, v7;
	v5 =	vld [tilespmem:$0x8200];
	_ =	sdelay $0x1  }
0x7b: {  	v7 =	vmul.f32 $2.000000030e-01, v6;
	_ =	sdelay $0x1  }
0x7c: {  	v6 =	vmax.f32 v6, v7  }
0x7d: {  	v5 =	vsub.f32 v6, v5;
	_ =	sdelay $0x1  }
0x7e: {  	v5 =	vmul.f32 $1.442695020e+00, v5;
	_ =	sdelay $0x1  }
0x7f: {  	(erf) = vpow2.f32 v5;
	_ =	sdelay $0x3  }
0x80: {  	s15 =	simm.s32 $0x40  }
0x81: {  	s14 =	simm.s32 $0x200;
	s11 =	sshll.u32 s9, $0x9;
	v5 =	vld [tilespmem:s15+$0x5000]  }
.LBB2_3:
0x82: {  	p1 =	sne.s32 s14, $0x1F00;
	v6 =	vld [tilespmem:s15+$0x6000];
	v4 =	vmul.f32 v0, v4;
	_ =	sdelay $0x1  }
0x83: {  	v4 =	vadd.f32 v3, v4  }
0x84: {  	v7 =	vpop (erf)  }
0x85: {  	v4 =	vmul.f32 v7, v4  }
0x86: {  	v7 =	vperm.xlane v5, v1;
	v6 =	vperm.xlane v6, v2  }
0x87: {  	[tilespmem:s13+$0x7230] =	vst v4;
	s13 =	smov.u32 s15  }
0x88: {  	v4 =	vld [tilespmem:$0x8200];
	v6 =	vadd.f32 v6, v7;
	_ =	sdelay $0x1  }
0x89: {  	v7 =	vmul.f32 $2.000000030e-01, v6;
	_ =	sdelay $0x1  }
0x8a: {  	v6 =	vmax.f32 v6, v7  }
0x8b: {  	v4 =	vsub.f32 v6, v4;
	_ =	sdelay $0x1  }
0x8c: {  	v4 =	vmul.f32 $1.442695020e+00, v4;
	_ =	sdelay $0x1  }
0x8d: {  	(erf) = vpow2.f32 v4;
	_ =	sdelay $0x4  }
0x8e: {  	v4 =	vld [tilespmem:s13+$0x5010]  }
0x8f: {  	v5 =	vmul.f32 v0, v5;
	v6 =	vld [tilespmem:s13+$0x6010];
	_ =	sdelay $0x1  }
0x90: {  	v5 =	vadd.f32 v3, v5  }
0x91: {  	v7 =	vpop (erf)  }
0x92: {  	v5 =	vmul.f32 v7, v5  }
0x93: {  	v7 =	vperm.xlane v4, v1;
	v6 =	vperm.xlane v6, v2  }
0x94: {  	[tilespmem:s13+$0x7200] =	vst v5  }
0x95: {  	v5 =	vld [tilespmem:$0x8200];
	v6 =	vadd.f32 v6, v7;
	_ =	sdelay $0x1  }
0x96: {  	v7 =	vmul.f32 $2.000000030e-01, v6;
	_ =	sdelay $0x1  }
0x97: {  	v6 =	vmax.f32 v6, v7  }
0x98: {  	v5 =	vsub.f32 v6, v5;
	_ =	sdelay $0x1  }
0x99: {  	v5 =	vmul.f32 $1.442695020e+00, v5;
	_ =	sdelay $0x1  }
0x9a: {  	(erf) = vpow2.f32 v5;
	_ =	sdelay $0x4  }
0x9b: {  	v5 =	vld [tilespmem:s13+$0x5020]  }
0x9c: {  	v4 =	vmul.f32 v0, v4;
	v6 =	vld [tilespmem:s13+$0x6020];
	_ =	sdelay $0x1  }
0x9d: {  	v4 =	vadd.f32 v3, v4  }
0x9e: {  	v7 =	vpop (erf)  }
0x9f: {  	v4 =	vmul.f32 v7, v4  }
0xa0: {  	v7 =	vperm.xlane v5, v1;
	v6 =	vperm.xlane v6, v2  }
0xa1: {  	[tilespmem:s13+$0x7210] =	vst v4  }
0xa2: {  	v4 =	vld [tilespmem:$0x8200];
	v6 =	vadd.f32 v6, v7;
	_ =	sdelay $0x1  }
0xa3: {  	v7 =	vmul.f32 $2.000000030e-01, v6;
	_ =	sdelay $0x1  }
0xa4: {  	v6 =	vmax.f32 v6, v7  }
0xa5: {  	v4 =	vsub.f32 v6, v4;
	_ =	sdelay $0x1  }
0xa6: {  	v4 =	vmul.f32 $1.442695020e+00, v4;
	_ =	sdelay $0x1  }
0xa7: {  	(erf) = vpow2.f32 v4;
	_ =	sdelay $0x4  }
0xa8: {  	v4 =	vld [tilespmem:s13+$0x5030]  }
0xa9: {  	v5 =	vmul.f32 v0, v5;
	v6 =	vld [tilespmem:s13+$0x6030];
	_ =	sdelay $0x1  }
0xaa: {  	v5 =	vadd.f32 v3, v5  }
0xab: {  	v7 =	vpop (erf)  }
0xac: {  	v5 =	vmul.f32 v7, v5  }
0xad: {  	v7 =	vperm.xlane v4, v1;
	v6 =	vperm.xlane v6, v2  }
0xae: {  	[tilespmem:s13+$0x7220] =	vst v5  }
0xaf: {  	v5 =	vld [tilespmem:$0x8200];
	v6 =	vadd.f32 v6, v7;
	_ =	sdelay $0x1  }
0xb0: {  	v7 =	vmul.f32 $2.000000030e-01, v6;
	_ =	sdelay $0x1  }
0xb1: {  	v6 =	vmax.f32 v6, v7  }
0xb2: {  	v5 =	vsub.f32 v6, v5;
	_ =	sdelay $0x1  }
0xb3: {  	v5 =	vmul.f32 $1.442695020e+00, v5;
	_ =	sdelay $0x1  }
0xb4: {  	(erf) = vpow2.f32 v5  }
.Ltmp2:
0xb5: {  	(pc) =	sbr.rel @p1 .LBB2_3-.Ltmp2, $3  }
0xb6: {  	_ =	sdelay $0x1  }
0xb7: {  	s15 =	sshra.s32 s14, $0x2  }
0xb8: {  	s14 =	sadd.s32 $0x100, s14;
	v5 =	vld [tilespmem:s15+$0x5000]  }
0xb9: {  	v6 =	vld [tilespmem:s15+$0x6000];
	v4 =	vmul.f32 v0, v4;
	_ =	sdelay $0x1  }
0xba: {  	v4 =	vadd.f32 v3, v4  }
0xbb: {  	v7 =	vpop (erf)  }
0xbc: {  	v4 =	vmul.f32 v7, v4  }
0xbd: {  	v7 =	vperm.xlane v5, v1;
	v6 =	vperm.xlane v6, v2  }
0xbe: {  	[tilespmem:s13+$0x7230] =	vst v4  }
0xbf: {  	v4 =	vld [tilespmem:$0x8200];
	v6 =	vadd.f32 v6, v7;
	_ =	sdelay $0x1  }
0xc0: {  	v7 =	vmul.f32 $2.000000030e-01, v6;
	_ =	sdelay $0x1  }
0xc1: {  	v6 =	vmax.f32 v6, v7  }
0xc2: {  	v4 =	vsub.f32 v6, v4;
	_ =	sdelay $0x1  }
0xc3: {  	v4 =	vmul.f32 $1.442695020e+00, v4;
	_ =	sdelay $0x1  }
0xc4: {  	(erf) = vpow2.f32 v4;
	_ =	sdelay $0x4  }
0xc5: {  	v6 =	vld [tilespmem:s15+$0x6010]  }
0xc6: {  	v5 =	vmul.f32 v0, v5;
	v4 =	vld [tilespmem:s15+$0x5010];
	_ =	sdelay $0x1  }
0xc7: {  	v5 =	vadd.f32 v3, v5  }
0xc8: {  	v7 =	vpop (erf)  }
0xc9: {  	v5 =	vmul.f32 v7, v5  }
0xca: {  	v6 =	vperm.xlane v6, v2;
	v7 =	vperm.xlane v4, v1  }
0xcb: {  	[tilespmem:s15+$0x7200] =	vst v5  }
0xcc: {  	v6 =	vadd.f32 v6, v7;
	v5 =	vld [tilespmem:$0x8200];
	_ =	sdelay $0x1  }
0xcd: {  	v7 =	vmul.f32 $2.000000030e-01, v6;
	_ =	sdelay $0x1  }
0xce: {  	v6 =	vmax.f32 v6, v7  }
0xcf: {  	v5 =	vsub.f32 v6, v5;
	_ =	sdelay $0x1  }
0xd0: {  	v5 =	vmul.f32 $1.442695020e+00, v5;
	_ =	sdelay $0x1  }
0xd1: {  	(erf) = vpow2.f32 v5;
	_ =	sdelay $0x4  }
0xd2: {  	v6 =	vld [tilespmem:s15+$0x6020]  }
0xd3: {  	v4 =	vmul.f32 v0, v4;
	v5 =	vld [tilespmem:s15+$0x5020];
	_ =	sdelay $0x1  }
0xd4: {  	v4 =	vadd.f32 v3, v4  }
0xd5: {  	v7 =	vpop (erf)  }
0xd6: {  	v4 =	vmul.f32 v7, v4  }
0xd7: {  	v6 =	vperm.xlane v6, v2;
	v7 =	vperm.xlane v5, v1  }
0xd8: {  	[tilespmem:s15+$0x7210] =	vst v4  }
0xd9: {  	v6 =	vadd.f32 v6, v7;
	v4 =	vld [tilespmem:$0x8200];
	_ =	sdelay $0x1  }
0xda: {  	v7 =	vmul.f32 $2.000000030e-01, v6;
	_ =	sdelay $0x1  }
0xdb: {  	v6 =	vmax.f32 v6, v7  }
0xdc: {  	v4 =	vsub.f32 v6, v4;
	_ =	sdelay $0x1  }
0xdd: {  	v4 =	vmul.f32 $1.442695020e+00, v4;
	_ =	sdelay $0x1  }
0xde: {  	(erf) = vpow2.f32 v4;
	_ =	sdelay $0x4  }
0xdf: {  	v6 =	vld [tilespmem:s15+$0x6030]  }
0xe0: {  	v5 =	vmul.f32 v0, v5;
	v4 =	vld [tilespmem:s15+$0x5030];
	_ =	sdelay $0x1  }
0xe1: {  	v5 =	vadd.f32 v3, v5  }
0xe2: {  	v7 =	vpop (erf)  }
0xe3: {  	v5 =	vmul.f32 v7, v5  }
0xe4: {  	v6 =	vperm.xlane v6, v2;
	v7 =	vperm.xlane v4, v1  }
0xe5: {  	[tilespmem:s15+$0x7220] =	vst v5  }
0xe6: {  	v6 =	vadd.f32 v6, v7;
	v5 =	vld [tilespmem:$0x8200];
	_ =	sdelay $0x1  }
0xe7: {  	v7 =	vmul.f32 $2.000000030e-01, v6;
	_ =	sdelay $0x1  }
0xe8: {  	v6 =	vmax.f32 v6, v7  }
0xe9: {  	v5 =	vsub.f32 v6, v5;
	_ =	sdelay $0x1  }
0xea: {  	v5 =	vmul.f32 $1.442695020e+00, v5;
	_ =	sdelay $0x1  }
0xeb: {  	(erf) = vpow2.f32 v5;
	_ =	sdelay $0x5  }
0xec: {  	v4 =	vmul.f32 v0, v4;
	_ =	sdelay $0x1  }
0xed: {  	v4 =	vadd.f32 v3, v4  }
0xee: {  	v5 =	vpop (erf)  }
0xef: {  	v4 =	vmul.f32 v5, v4;
	_ =	sdelay $0x1  }
0xf0: {  	[tilespmem:s15+$0x7230] =	vst v4;
	s15 =	sor.u32 $0x100, s11  }
0xf1: {  	[spmem:s3] =	stream.indirect.scatter.add.f32 [tilespmem:s30], [sflag:$0x3], $0x10, s23, s20, $0xb8;
	[tilespmem:$0xAA10] =	vst v63  }
0xf2: {  	s13 =	sadd.s32 s5, s15  }
0xf3: {  	[tilespmem:s21], [sflag:$0x1] =	stream.indirect.gather [hbm4b:s6+s20], $0x10, s15, s20, $0xb8;
	[tilespmem:$0xAA10] =	vst v63  }
0xf4: {  	s14 =	sadd.s32 $0x2900, s11;
	s13 =	sshrl.u32 s13, $0x3  }
0xf5: {  	[tilespmem:s22], [sflag:$0x1] =	stream.indirect.gather [hbm4b:s7+s20], $0x10, s14, s20, $0xb8;
	[tilespmem:$0xAA10] =	vst v63  }
0xf6: {  	s13 =	sadd.s32 s8, s13  }
0xf7: {  	[tilespmem:s31], [sflag:$0x1] =	stream.linear.gather [hbm4b:s13+s4], $0x80, $0x38;
	[tilespmem:$0xAA10] =	vst v63  }
0xf8: {  	_ =	swait.ge [sflag:s1], $0x800  }
0xf9: {  	[sflag:s1] =	ssyncset.done $0x0  }
0xfa: {  	[sflag:s1] =	ssyncadd.s32 $0xFFFFF800  }
0xfb: {  	_ =	swait.ge [sflag:s1], $0x800  }
0xfc: {  	[sflag:s1] =	ssyncset.done $0x0  }
0xfd: {  	[sflag:s1] =	ssyncadd.s32 $0xFFFFF800  }
0xfe: {  	_ =	swait.ge [sflag:s1], $0x80  }
0xff: {  	[sflag:s1] =	ssyncset.done $0x0  }
0x100: {  	s13 =	simm.s32 @!p0 $0x4;
	[sflag:s1] =	ssyncadd.s32 $0xFFFFFF80  }
0x101: {  	_ =	swait.ge @!p0 [sflag:s13], $0x800  }
0x102: {  	[sflag:s13] =	ssyncset.done @!p0 $0x0  }
0x103: {  	[sflag:s13] =	ssyncadd.s32 @!p0 $0xFFFFF800;
	s13 =	simm.s32 $0x0  }
0x104: {  	v4 =	vld [tilespmem:s13+$0x5800]  }
0x105: {  	v5 =	vld [tilespmem:s13+$0x6800];
	_ =	sdelay $0x4  }
0x106: {  	v6 =	vperm.xlane v4, v1;
	v5 =	vperm.xlane v5, v2;
	_ =	sdelay $0x1  }
0x107: {  	v7 =	vld [tilespmem:$0x8200];
	v5 =	vadd.f32 v5, v6;
	_ =	sdelay $0x1  }
0x108: {  	v6 =	vmul.f32 $2.000000030e-01, v5;
	_ =	sdelay $0x1  }
0x109: {  	v5 =	vmax.f32 v5, v6  }
0x10a: {  	v5 =	vsub.f32 v5, v7;
	_ =	sdelay $0x1  }
0x10b: {  	v5 =	vmul.f32 $1.442695020e+00, v5;
	_ =	sdelay $0x1  }
0x10c: {  	(erf) = vpow2.f32 v5;
	_ =	sdelay $0x4  }
0x10d: {  	v6 =	vld [tilespmem:s13+$0x6810]  }
0x10e: {  	v4 =	vmul.f32 v0, v4;
	v5 =	vld [tilespmem:s13+$0x5810];
	_ =	sdelay $0x1  }
0x10f: {  	v4 =	vadd.f32 v3, v4  }
0x110: {  	v7 =	vpop (erf)  }
0x111: {  	v4 =	vmul.f32 v7, v4  }
0x112: {  	v6 =	vperm.xlane v6, v2;
	v7 =	vperm.xlane v5, v1  }
0x113: {  	[tilespmem:s13+$0x7A00] =	vst v4  }
0x114: {  	v6 =	vadd.f32 v6, v7;
	v4 =	vld [tilespmem:$0x8200];
	_ =	sdelay $0x1  }
0x115: {  	v7 =	vmul.f32 $2.000000030e-01, v6;
	_ =	sdelay $0x1  }
0x116: {  	v6 =	vmax.f32 v6, v7  }
0x117: {  	v4 =	vsub.f32 v6, v4;
	_ =	sdelay $0x1  }
0x118: {  	v4 =	vmul.f32 $1.442695020e+00, v4;
	_ =	sdelay $0x1  }
0x119: {  	(erf) = vpow2.f32 v4;
	_ =	sdelay $0x4  }
0x11a: {  	v6 =	vld [tilespmem:s13+$0x5820]  }
0x11b: {  	v4 =	vmul.f32 v0, v5;
	v5 =	vld [tilespmem:s13+$0x6820];
	_ =	sdelay $0x1  }
0x11c: {  	v4 =	vadd.f32 v3, v4  }
0x11d: {  	v7 =	vpop (erf)  }
0x11e: {  	v4 =	vmul.f32 v7, v4  }
0x11f: {  	v5 =	vperm.xlane v5, v2;
	v7 =	vperm.xlane v6, v1  }
0x120: {  	[tilespmem:s13+$0x7A10] =	vst v4  }
0x121: {  	v5 =	vadd.f32 v5, v7;
	v4 =	vld [tilespmem:$0x8200];
	_ =	sdelay $0x1  }
0x122: {  	v7 =	vmul.f32 $2.000000030e-01, v5;
	_ =	sdelay $0x1  }
0x123: {  	v5 =	vmax.f32 v5, v7  }
0x124: {  	v4 =	vsub.f32 v5, v4;
	_ =	sdelay $0x1  }
0x125: {  	v4 =	vmul.f32 $1.442695020e+00, v4;
	_ =	sdelay $0x1  }
0x126: {  	(erf) = vpow2.f32 v4;
	_ =	sdelay $0x4  }
0x127: {  	v5 =	vmul.f32 v0, v6;
	v6 =	vld [tilespmem:s13+$0x6830]  }
0x128: {  	v4 =	vld [tilespmem:s13+$0x5830];
	_ =	sdelay $0x1  }
0x129: {  	v5 =	vadd.f32 v3, v5  }
0x12a: {  	v7 =	vpop (erf)  }
0x12b: {  	v5 =	vmul.f32 v7, v5  }
0x12c: {  	v6 =	vperm.xlane v6, v2;
	v7 =	vperm.xlane v4, v1  }
0x12d: {  	[tilespmem:s13+$0x7A20] =	vst v5  }
0x12e: {  	v6 =	vadd.f32 v6, v7;
	v5 =	vld [tilespmem:$0x8200];
	_ =	sdelay $0x1  }
0x12f: {  	v7 =	vmul.f32 $2.000000030e-01, v6;
	_ =	sdelay $0x1  }
0x130: {  	v6 =	vmax.f32 v6, v7  }
0x131: {  	v5 =	vsub.f32 v6, v5;
	_ =	sdelay $0x1  }
0x132: {  	v5 =	vmul.f32 $1.442695020e+00, v5;
	_ =	sdelay $0x1  }
0x133: {  	(erf) = vpow2.f32 v5;
	_ =	sdelay $0x3  }
0x134: {  	s15 =	simm.s32 $0x40  }
0x135: {  	s14 =	simm.s32 $0x200;
	v5 =	vld [tilespmem:s15+$0x5800]  }
.LBB2_5:
0x136: {  	p0 =	sne.s32 s14, $0x1F00;
	v6 =	vld [tilespmem:s15+$0x6800];
	v4 =	vmul.f32 v0, v4;
	_ =	sdelay $0x1  }
0x137: {  	v4 =	vadd.f32 v3, v4  }
0x138: {  	v7 =	vpop (erf)  }
0x139: {  	v4 =	vmul.f32 v7, v4  }
0x13a: {  	v7 =	vperm.xlane v5, v1;
	v6 =	vperm.xlane v6, v2  }
0x13b: {  	[tilespmem:s13+$0x7A30] =	vst v4;
	s13 =	smov.u32 s15  }
0x13c: {  	v4 =	vld [tilespmem:$0x8200];
	v6 =	vadd.f32 v6, v7;
	_ =	sdelay $0x1  }
0x13d: {  	v7 =	vmul.f32 $2.000000030e-01, v6;
	_ =	sdelay $0x1  }
0x13e: {  	v6 =	vmax.f32 v6, v7  }
0x13f: {  	v4 =	vsub.f32 v6, v4;
	_ =	sdelay $0x1  }
0x140: {  	v4 =	vmul.f32 $1.442695020e+00, v4;
	_ =	sdelay $0x1  }
0x141: {  	(erf) = vpow2.f32 v4;
	_ =	sdelay $0x4  }
0x142: {  	v4 =	vld [tilespmem:s13+$0x5810]  }
0x143: {  	v5 =	vmul.f32 v0, v5;
	v6 =	vld [tilespmem:s13+$0x6810];
	_ =	sdelay $0x1  }
0x144: {  	v5 =	vadd.f32 v3, v5  }
0x145: {  	v7 =	vpop (erf)  }
0x146: {  	v5 =	vmul.f32 v7, v5  }
0x147: {  	v7 =	vperm.xlane v4, v1;
	v6 =	vperm.xlane v6, v2  }
0x148: {  	[tilespmem:s13+$0x7A00] =	vst v5  }
0x149: {  	v5 =	vld [tilespmem:$0x8200];
	v6 =	vadd.f32 v6, v7;
	_ =	sdelay $0x1  }
0x14a: {  	v7 =	vmul.f32 $2.000000030e-01, v6;
	_ =	sdelay $0x1  }
0x14b: {  	v6 =	vmax.f32 v6, v7  }
0x14c: {  	v5 =	vsub.f32 v6, v5;
	_ =	sdelay $0x1  }
0x14d: {  	v5 =	vmul.f32 $1.442695020e+00, v5;
	_ =	sdelay $0x1  }
0x14e: {  	(erf) = vpow2.f32 v5;
	_ =	sdelay $0x4  }
0x14f: {  	v5 =	vld [tilespmem:s13+$0x5820]  }
0x150: {  	v4 =	vmul.f32 v0, v4;
	v6 =	vld [tilespmem:s13+$0x6820];
	_ =	sdelay $0x1  }
0x151: {  	v4 =	vadd.f32 v3, v4  }
0x152: {  	v7 =	vpop (erf)  }
0x153: {  	v4 =	vmul.f32 v7, v4  }
0x154: {  	v7 =	vperm.xlane v5, v1;
	v6 =	vperm.xlane v6, v2  }
0x155: {  	[tilespmem:s13+$0x7A10] =	vst v4  }
0x156: {  	v4 =	vld [tilespmem:$0x8200];
	v6 =	vadd.f32 v6, v7;
	_ =	sdelay $0x1  }
0x157: {  	v7 =	vmul.f32 $2.000000030e-01, v6;
	_ =	sdelay $0x1  }
0x158: {  	v6 =	vmax.f32 v6, v7  }
0x159: {  	v4 =	vsub.f32 v6, v4;
	_ =	sdelay $0x1  }
0x15a: {  	v4 =	vmul.f32 $1.442695020e+00, v4;
	_ =	sdelay $0x1  }
0x15b: {  	(erf) = vpow2.f32 v4;
	_ =	sdelay $0x4  }
0x15c: {  	v4 =	vld [tilespmem:s13+$0x5830]  }
0x15d: {  	v5 =	vmul.f32 v0, v5;
	v6 =	vld [tilespmem:s13+$0x6830];
	_ =	sdelay $0x1  }
0x15e: {  	v5 =	vadd.f32 v3, v5  }
0x15f: {  	v7 =	vpop (erf)  }
0x160: {  	v5 =	vmul.f32 v7, v5  }
0x161: {  	v7 =	vperm.xlane v4, v1;
	v6 =	vperm.xlane v6, v2  }
0x162: {  	[tilespmem:s13+$0x7A20] =	vst v5  }
0x163: {  	v5 =	vld [tilespmem:$0x8200];
	v6 =	vadd.f32 v6, v7;
	_ =	sdelay $0x1  }
0x164: {  	v7 =	vmul.f32 $2.000000030e-01, v6;
	_ =	sdelay $0x1  }
0x165: {  	v6 =	vmax.f32 v6, v7  }
0x166: {  	v5 =	vsub.f32 v6, v5;
	_ =	sdelay $0x1  }
0x167: {  	v5 =	vmul.f32 $1.442695020e+00, v5;
	_ =	sdelay $0x1  }
0x168: {  	(erf) = vpow2.f32 v5  }
.Ltmp3:
0x169: {  	(pc) =	sbr.rel @p0 .LBB2_5-.Ltmp3, $3  }
0x16a: {  	_ =	sdelay $0x1  }
0x16b: {  	s15 =	sshra.s32 s14, $0x2  }
0x16c: {  	s14 =	sadd.s32 $0x100, s14;
	v5 =	vld [tilespmem:s15+$0x5800]  }
0x16d: {  	v6 =	vld [tilespmem:s15+$0x6800];
	v4 =	vmul.f32 v0, v4;
	_ =	sdelay $0x1  }
0x16e: {  	v4 =	vadd.f32 v3, v4  }
0x16f: {  	v7 =	vpop (erf)  }
0x170: {  	v4 =	vmul.f32 v7, v4  }
0x171: {  	v7 =	vperm.xlane v5, v1;
	v6 =	vperm.xlane v6, v2  }
0x172: {  	[tilespmem:s13+$0x7A30] =	vst v4  }
0x173: {  	v4 =	vld [tilespmem:$0x8200];
	v6 =	vadd.f32 v6, v7;
	_ =	sdelay $0x1  }
0x174: {  	v7 =	vmul.f32 $2.000000030e-01, v6;
	_ =	sdelay $0x1  }
0x175: {  	v6 =	vmax.f32 v6, v7  }
0x176: {  	v4 =	vsub.f32 v6, v4;
	_ =	sdelay $0x1  }
0x177: {  	v4 =	vmul.f32 $1.442695020e+00, v4;
	_ =	sdelay $0x1  }
0x178: {  	(erf) = vpow2.f32 v4;
	_ =	sdelay $0x4  }
0x179: {  	v6 =	vld [tilespmem:s15+$0x6810]  }
0x17a: {  	v5 =	vmul.f32 v0, v5;
	v4 =	vld [tilespmem:s15+$0x5810];
	_ =	sdelay $0x1  }
0x17b: {  	v5 =	vadd.f32 v3, v5  }
0x17c: {  	v7 =	vpop (erf)  }
0x17d: {  	v5 =	vmul.f32 v7, v5  }
0x17e: {  	v6 =	vperm.xlane v6, v2;
	v7 =	vperm.xlane v4, v1  }
0x17f: {  	[tilespmem:s15+$0x7A00] =	vst v5  }
0x180: {  	v6 =	vadd.f32 v6, v7;
	v5 =	vld [tilespmem:$0x8200];
	_ =	sdelay $0x1  }
0x181: {  	v7 =	vmul.f32 $2.000000030e-01, v6;
	_ =	sdelay $0x1  }
0x182: {  	v6 =	vmax.f32 v6, v7  }
0x183: {  	v5 =	vsub.f32 v6, v5;
	_ =	sdelay $0x1  }
0x184: {  	v5 =	vmul.f32 $1.442695020e+00, v5;
	_ =	sdelay $0x1  }
0x185: {  	(erf) = vpow2.f32 v5;
	_ =	sdelay $0x4  }
0x186: {  	v6 =	vld [tilespmem:s15+$0x6820]  }
0x187: {  	v4 =	vmul.f32 v0, v4;
	v5 =	vld [tilespmem:s15+$0x5820];
	_ =	sdelay $0x1  }
0x188: {  	v4 =	vadd.f32 v3, v4  }
0x189: {  	v7 =	vpop (erf)  }
0x18a: {  	v4 =	vmul.f32 v7, v4  }
0x18b: {  	v6 =	vperm.xlane v6, v2;
	v7 =	vperm.xlane v5, v1  }
0x18c: {  	[tilespmem:s15+$0x7A10] =	vst v4  }
0x18d: {  	v6 =	vadd.f32 v6, v7;
	v4 =	vld [tilespmem:$0x8200];
	_ =	sdelay $0x1  }
0x18e: {  	v7 =	vmul.f32 $2.000000030e-01, v6;
	_ =	sdelay $0x1  }
0x18f: {  	v6 =	vmax.f32 v6, v7  }
0x190: {  	v4 =	vsub.f32 v6, v4;
	_ =	sdelay $0x1  }
0x191: {  	v4 =	vmul.f32 $1.442695020e+00, v4;
	_ =	sdelay $0x1  }
0x192: {  	(erf) = vpow2.f32 v4;
	_ =	sdelay $0x4  }
0x193: {  	v6 =	vld [tilespmem:s15+$0x6830]  }
0x194: {  	v5 =	vmul.f32 v0, v5;
	v4 =	vld [tilespmem:s15+$0x5830];
	_ =	sdelay $0x1  }
0x195: {  	v5 =	vadd.f32 v3, v5  }
0x196: {  	v7 =	vpop (erf)  }
0x197: {  	v5 =	vmul.f32 v7, v5  }
0x198: {  	v6 =	vperm.xlane v6, v2;
	v7 =	vperm.xlane v4, v1  }
0x199: {  	[tilespmem:s15+$0x7A20] =	vst v5  }
0x19a: {  	v6 =	vadd.f32 v6, v7;
	v5 =	vld [tilespmem:$0x8200];
	_ =	sdelay $0x1  }
0x19b: {  	v7 =	vmul.f32 $2.000000030e-01, v6;
	_ =	sdelay $0x1  }
0x19c: {  	v6 =	vmax.f32 v6, v7  }
0x19d: {  	v5 =	vsub.f32 v6, v5;
	_ =	sdelay $0x1  }
0x19e: {  	v5 =	vmul.f32 $1.442695020e+00, v5;
	_ =	sdelay $0x1  }
0x19f: {  	(erf) = vpow2.f32 v5;
	_ =	sdelay $0x5  }
0x1a0: {  	v4 =	vmul.f32 v0, v4;
	_ =	sdelay $0x1  }
0x1a1: {  	v4 =	vadd.f32 v3, v4  }
0x1a2: {  	v5 =	vpop (erf)  }
0x1a3: {  	v4 =	vmul.f32 v5, v4;
	_ =	sdelay $0x1  }
0x1a4: {  	s10 =	sor.u32 $0x180, s11;
	[tilespmem:s15+$0x7A30] =	vst v4  }
0x1a5: {  	[spmem:s3] =	stream.indirect.scatter.add.f32 [tilespmem:s0], [sflag:$0x4], $0x10, s28, s20, $0xb8;
	[tilespmem:$0xAA10] =	vst v63  }
0x1a6: {  	s13 =	sadd.s32 s5, s10  }
0x1a7: {  	[tilespmem:s24], [sflag:$0x2] =	stream.indirect.gather [hbm4b:s6+s20], $0x10, s10, s20, $0xb8;
	[tilespmem:$0xAA10] =	vst v63  }
0x1a8: {  	s14 =	sadd.s32 $0x2980, s11;
	s13 =	sshrl.u32 s13, $0x3  }
0x1a9: {  	[tilespmem:s26], [sflag:$0x2] =	stream.indirect.gather [hbm4b:s7+s20], $0x10, s14, s20, $0xb8;
	[tilespmem:$0xAA10] =	vst v63  }
0x1aa: {  	s13 =	sadd.s32 s8, s13;
	s15 =	simm.s32 $0x0  }
0x1ab: {  	[tilespmem:s2], [sflag:$0x2] =	stream.linear.gather [hbm4b:s13+s15], $0x80, $0x38;
	[tilespmem:$0xAA10] =	vst v63  }
0x1ac: {  	_ =	swait.ge [sflag:s29], $0x800  }
0x1ad: {  	[sflag:s29] =	ssyncset.done $0x0  }
0x1ae: {  	[sflag:s29] =	ssyncadd.s32 $0xFFFFF800  }
0x1af: {  	_ =	swait.ge [sflag:s29], $0x800  }
0x1b0: {  	[sflag:s29] =	ssyncset.done $0x0  }
0x1b1: {  	[sflag:s29] =	ssyncadd.s32 $0xFFFFF800  }
0x1b2: {  	_ =	swait.ge [sflag:s29], $0x80  }
0x1b3: {  	[sflag:s29] =	ssyncset.done $0x0  }
0x1b4: {  	[sflag:s29] =	ssyncadd.s32 $0xFFFFFF80  }
0x1b5: {  	_ =	swait.ge [sflag:s18], $0x800  }
0x1b6: {  	[sflag:s18] =	ssyncset.done $0x0  }
0x1b7: {  	s13 =	simm.s32 $0x0;
	[sflag:s18] =	ssyncadd.s32 $0xFFFFF800  }
0x1b8: {  	v4 =	vld [tilespmem:s13+$0x5000]  }
0x1b9: {  	v5 =	vld [tilespmem:s13+$0x6000];
	_ =	sdelay $0x4  }
0x1ba: {  	v6 =	vperm.xlane v4, v1;
	v5 =	vperm.xlane v5, v2;
	_ =	sdelay $0x1  }
0x1bb: {  	v7 =	vld [tilespmem:$0x8200];
	v5 =	vadd.f32 v5, v6;
	_ =	sdelay $0x1  }
0x1bc: {  	v6 =	vmul.f32 $2.000000030e-01, v5;
	_ =	sdelay $0x1  }
0x1bd: {  	v5 =	vmax.f32 v5, v6  }
0x1be: {  	v5 =	vsub.f32 v5, v7;
	_ =	sdelay $0x1  }
0x1bf: {  	v5 =	vmul.f32 $1.442695020e+00, v5;
	_ =	sdelay $0x1  }
0x1c0: {  	(erf) = vpow2.f32 v5;
	_ =	sdelay $0x4  }
0x1c1: {  	v6 =	vld [tilespmem:s13+$0x6010]  }
0x1c2: {  	v4 =	vmul.f32 v0, v4;
	v5 =	vld [tilespmem:s13+$0x5010];
	_ =	sdelay $0x1  }
0x1c3: {  	v4 =	vadd.f32 v3, v4  }
0x1c4: {  	v7 =	vpop (erf)  }
0x1c5: {  	v4 =	vmul.f32 v7, v4  }
0x1c6: {  	v6 =	vperm.xlane v6, v2;
	v7 =	vperm.xlane v5, v1  }
0x1c7: {  	[tilespmem:s13+$0x7200] =	vst v4  }
0x1c8: {  	v6 =	vadd.f32 v6, v7;
	v4 =	vld [tilespmem:$0x8200];
	_ =	sdelay $0x1  }
0x1c9: {  	v7 =	vmul.f32 $2.000000030e-01, v6;
	_ =	sdelay $0x1  }
0x1ca: {  	v6 =	vmax.f32 v6, v7  }
0x1cb: {  	v4 =	vsub.f32 v6, v4;
	_ =	sdelay $0x1  }
0x1cc: {  	v4 =	vmul.f32 $1.442695020e+00, v4;
	_ =	sdelay $0x1  }
0x1cd: {  	(erf) = vpow2.f32 v4;
	_ =	sdelay $0x4  }
0x1ce: {  	v6 =	vld [tilespmem:s13+$0x5020]  }
0x1cf: {  	v4 =	vmul.f32 v0, v5;
	v5 =	vld [tilespmem:s13+$0x6020];
	_ =	sdelay $0x1  }
0x1d0: {  	v4 =	vadd.f32 v3, v4  }
0x1d1: {  	v7 =	vpop (erf)  }
0x1d2: {  	v4 =	vmul.f32 v7, v4  }
0x1d3: {  	v5 =	vperm.xlane v5, v2;
	v7 =	vperm.xlane v6, v1  }
0x1d4: {  	[tilespmem:s13+$0x7210] =	vst v4  }
0x1d5: {  	v5 =	vadd.f32 v5, v7;
	v4 =	vld [tilespmem:$0x8200];
	_ =	sdelay $0x1  }
0x1d6: {  	v7 =	vmul.f32 $2.000000030e-01, v5;
	_ =	sdelay $0x1  }
0x1d7: {  	v5 =	vmax.f32 v5, v7  }
0x1d8: {  	v4 =	vsub.f32 v5, v4;
	_ =	sdelay $0x1  }
0x1d9: {  	v4 =	vmul.f32 $1.442695020e+00, v4;
	_ =	sdelay $0x1  }
0x1da: {  	(erf) = vpow2.f32 v4;
	_ =	sdelay $0x4  }
0x1db: {  	v5 =	vmul.f32 v0, v6;
	v6 =	vld [tilespmem:s13+$0x6030]  }
0x1dc: {  	v4 =	vld [tilespmem:s13+$0x5030];
	_ =	sdelay $0x1  }
0x1dd: {  	v5 =	vadd.f32 v3, v5  }
0x1de: {  	v7 =	vpop (erf)  }
0x1df: {  	v5 =	vmul.f32 v7, v5  }
0x1e0: {  	v6 =	vperm.xlane v6, v2;
	v7 =	vperm.xlane v4, v1  }
0x1e1: {  	[tilespmem:s13+$0x7220] =	vst v5  }
0x1e2: {  	v6 =	vadd.f32 v6, v7;
	v5 =	vld [tilespmem:$0x8200];
	_ =	sdelay $0x1  }
0x1e3: {  	v7 =	vmul.f32 $2.000000030e-01, v6;
	_ =	sdelay $0x1  }
0x1e4: {  	v6 =	vmax.f32 v6, v7  }
0x1e5: {  	v5 =	vsub.f32 v6, v5;
	_ =	sdelay $0x1  }
0x1e6: {  	v5 =	vmul.f32 $1.442695020e+00, v5;
	_ =	sdelay $0x1  }
0x1e7: {  	(erf) = vpow2.f32 v5;
	_ =	sdelay $0x3  }
0x1e8: {  	s15 =	simm.s32 $0x40  }
0x1e9: {  	s14 =	simm.s32 $0x200;
	v5 =	vld [tilespmem:s15+$0x5000]  }
.LBB2_7:
0x1ea: {  	p0 =	sne.s32 s14, $0x1F00;
	v6 =	vld [tilespmem:s15+$0x6000];
	v4 =	vmul.f32 v0, v4;
	_ =	sdelay $0x1  }
0x1eb: {  	v4 =	vadd.f32 v3, v4  }
0x1ec: {  	v7 =	vpop (erf)  }
0x1ed: {  	v4 =	vmul.f32 v7, v4  }
0x1ee: {  	v7 =	vperm.xlane v5, v1;
	v6 =	vperm.xlane v6, v2  }
0x1ef: {  	[tilespmem:s13+$0x7230] =	vst v4;
	s13 =	smov.u32 s15  }
0x1f0: {  	v4 =	vld [tilespmem:$0x8200];
	v6 =	vadd.f32 v6, v7;
	_ =	sdelay $0x1  }
0x1f1: {  	v7 =	vmul.f32 $2.000000030e-01, v6;
	_ =	sdelay $0x1  }
0x1f2: {  	v6 =	vmax.f32 v6, v7  }
0x1f3: {  	v4 =	vsub.f32 v6, v4;
	_ =	sdelay $0x1  }
0x1f4: {  	v4 =	vmul.f32 $1.442695020e+00, v4;
	_ =	sdelay $0x1  }
0x1f5: {  	(erf) = vpow2.f32 v4;
	_ =	sdelay $0x4  }
0x1f6: {  	v4 =	vld [tilespmem:s13+$0x5010]  }
0x1f7: {  	v5 =	vmul.f32 v0, v5;
	v6 =	vld [tilespmem:s13+$0x6010];
	_ =	sdelay $0x1  }
0x1f8: {  	v5 =	vadd.f32 v3, v5  }
0x1f9: {  	v7 =	vpop (erf)  }
0x1fa: {  	v5 =	vmul.f32 v7, v5  }
0x1fb: {  	v7 =	vperm.xlane v4, v1;
	v6 =	vperm.xlane v6, v2  }
0x1fc: {  	[tilespmem:s13+$0x7200] =	vst v5  }
0x1fd: {  	v5 =	vld [tilespmem:$0x8200];
	v6 =	vadd.f32 v6, v7;
	_ =	sdelay $0x1  }
0x1fe: {  	v7 =	vmul.f32 $2.000000030e-01, v6;
	_ =	sdelay $0x1  }
0x1ff: {  	v6 =	vmax.f32 v6, v7  }
0x200: {  	v5 =	vsub.f32 v6, v5;
	_ =	sdelay $0x1  }
0x201: {  	v5 =	vmul.f32 $1.442695020e+00, v5;
	_ =	sdelay $0x1  }
0x202: {  	(erf) = vpow2.f32 v5;
	_ =	sdelay $0x4  }
0x203: {  	v5 =	vld [tilespmem:s13+$0x5020]  }
0x204: {  	v4 =	vmul.f32 v0, v4;
	v6 =	vld [tilespmem:s13+$0x6020];
	_ =	sdelay $0x1  }
0x205: {  	v4 =	vadd.f32 v3, v4  }
0x206: {  	v7 =	vpop (erf)  }
0x207: {  	v4 =	vmul.f32 v7, v4  }
0x208: {  	v7 =	vperm.xlane v5, v1;
	v6 =	vperm.xlane v6, v2  }
0x209: {  	[tilespmem:s13+$0x7210] =	vst v4  }
0x20a: {  	v4 =	vld [tilespmem:$0x8200];
	v6 =	vadd.f32 v6, v7;
	_ =	sdelay $0x1  }
0x20b: {  	v7 =	vmul.f32 $2.000000030e-01, v6;
	_ =	sdelay $0x1  }
0x20c: {  	v6 =	vmax.f32 v6, v7  }
0x20d: {  	v4 =	vsub.f32 v6, v4;
	_ =	sdelay $0x1  }
0x20e: {  	v4 =	vmul.f32 $1.442695020e+00, v4;
	_ =	sdelay $0x1  }
0x20f: {  	(erf) = vpow2.f32 v4;
	_ =	sdelay $0x4  }
0x210: {  	v4 =	vld [tilespmem:s13+$0x5030]  }
0x211: {  	v5 =	vmul.f32 v0, v5;
	v6 =	vld [tilespmem:s13+$0x6030];
	_ =	sdelay $0x1  }
0x212: {  	v5 =	vadd.f32 v3, v5  }
0x213: {  	v7 =	vpop (erf)  }
0x214: {  	v5 =	vmul.f32 v7, v5  }
0x215: {  	v7 =	vperm.xlane v4, v1;
	v6 =	vperm.xlane v6, v2  }
0x216: {  	[tilespmem:s13+$0x7220] =	vst v5  }
0x217: {  	v5 =	vld [tilespmem:$0x8200];
	v6 =	vadd.f32 v6, v7;
	_ =	sdelay $0x1  }
0x218: {  	v7 =	vmul.f32 $2.000000030e-01, v6;
	_ =	sdelay $0x1  }
0x219: {  	v6 =	vmax.f32 v6, v7  }
0x21a: {  	v5 =	vsub.f32 v6, v5;
	_ =	sdelay $0x1  }
0x21b: {  	v5 =	vmul.f32 $1.442695020e+00, v5;
	_ =	sdelay $0x1  }
0x21c: {  	(erf) = vpow2.f32 v5  }
.Ltmp4:
0x21d: {  	(pc) =	sbr.rel @p0 .LBB2_7-.Ltmp4, $3  }
0x21e: {  	_ =	sdelay $0x1  }
0x21f: {  	s15 =	sshra.s32 s14, $0x2  }
0x220: {  	s14 =	sadd.s32 $0x100, s14;
	v5 =	vld [tilespmem:s15+$0x5000]  }
0x221: {  	v6 =	vld [tilespmem:s15+$0x6000];
	v4 =	vmul.f32 v0, v4;
	_ =	sdelay $0x1  }
0x222: {  	v4 =	vadd.f32 v3, v4  }
0x223: {  	v7 =	vpop (erf)  }
0x224: {  	v4 =	vmul.f32 v7, v4  }
0x225: {  	v7 =	vperm.xlane v5, v1;
	v6 =	vperm.xlane v6, v2  }
0x226: {  	[tilespmem:s13+$0x7230] =	vst v4  }
0x227: {  	v4 =	vld [tilespmem:$0x8200];
	v6 =	vadd.f32 v6, v7;
	_ =	sdelay $0x1  }
0x228: {  	v7 =	vmul.f32 $2.000000030e-01, v6;
	_ =	sdelay $0x1  }
0x229: {  	v6 =	vmax.f32 v6, v7  }
0x22a: {  	v4 =	vsub.f32 v6, v4;
	_ =	sdelay $0x1  }
0x22b: {  	v4 =	vmul.f32 $1.442695020e+00, v4;
	_ =	sdelay $0x1  }
0x22c: {  	(erf) = vpow2.f32 v4;
	_ =	sdelay $0x4  }
0x22d: {  	v6 =	vld [tilespmem:s15+$0x6010]  }
0x22e: {  	v5 =	vmul.f32 v0, v5;
	v4 =	vld [tilespmem:s15+$0x5010];
	_ =	sdelay $0x1  }
0x22f: {  	v5 =	vadd.f32 v3, v5  }
0x230: {  	v7 =	vpop (erf)  }
0x231: {  	v5 =	vmul.f32 v7, v5  }
0x232: {  	v6 =	vperm.xlane v6, v2;
	v7 =	vperm.xlane v4, v1  }
0x233: {  	[tilespmem:s15+$0x7200] =	vst v5  }
0x234: {  	v6 =	vadd.f32 v6, v7;
	v5 =	vld [tilespmem:$0x8200];
	_ =	sdelay $0x1  }
0x235: {  	v7 =	vmul.f32 $2.000000030e-01, v6;
	_ =	sdelay $0x1  }
0x236: {  	v6 =	vmax.f32 v6, v7  }
0x237: {  	v5 =	vsub.f32 v6, v5;
	_ =	sdelay $0x1  }
0x238: {  	v5 =	vmul.f32 $1.442695020e+00, v5;
	_ =	sdelay $0x1  }
0x239: {  	(erf) = vpow2.f32 v5;
	_ =	sdelay $0x4  }
0x23a: {  	v6 =	vld [tilespmem:s15+$0x6020]  }
0x23b: {  	v4 =	vmul.f32 v0, v4;
	v5 =	vld [tilespmem:s15+$0x5020];
	_ =	sdelay $0x1  }
0x23c: {  	v4 =	vadd.f32 v3, v4  }
0x23d: {  	v7 =	vpop (erf)  }
0x23e: {  	v4 =	vmul.f32 v7, v4  }
0x23f: {  	v6 =	vperm.xlane v6, v2;
	v7 =	vperm.xlane v5, v1  }
0x240: {  	[tilespmem:s15+$0x7210] =	vst v4  }
0x241: {  	v6 =	vadd.f32 v6, v7;
	v4 =	vld [tilespmem:$0x8200];
	_ =	sdelay $0x1  }
0x242: {  	v7 =	vmul.f32 $2.000000030e-01, v6;
	_ =	sdelay $0x1  }
0x243: {  	v6 =	vmax.f32 v6, v7  }
0x244: {  	v4 =	vsub.f32 v6, v4;
	_ =	sdelay $0x1  }
0x245: {  	v4 =	vmul.f32 $1.442695020e+00, v4;
	_ =	sdelay $0x1  }
0x246: {  	(erf) = vpow2.f32 v4;
	_ =	sdelay $0x4  }
0x247: {  	v6 =	vld [tilespmem:s15+$0x6030]  }
0x248: {  	v5 =	vmul.f32 v0, v5;
	v4 =	vld [tilespmem:s15+$0x5030];
	_ =	sdelay $0x1  }
0x249: {  	v5 =	vadd.f32 v3, v5  }
0x24a: {  	v7 =	vpop (erf)  }
0x24b: {  	v5 =	vmul.f32 v7, v5  }
0x24c: {  	v6 =	vperm.xlane v6, v2;
	v7 =	vperm.xlane v4, v1  }
0x24d: {  	[tilespmem:s15+$0x7220] =	vst v5  }
0x24e: {  	v6 =	vadd.f32 v6, v7;
	v5 =	vld [tilespmem:$0x8200];
	_ =	sdelay $0x1  }
0x24f: {  	v7 =	vmul.f32 $2.000000030e-01, v6;
	_ =	sdelay $0x1  }
0x250: {  	v6 =	vmax.f32 v6, v7  }
0x251: {  	v5 =	vsub.f32 v6, v5;
	_ =	sdelay $0x1  }
0x252: {  	v5 =	vmul.f32 $1.442695020e+00, v5;
	_ =	sdelay $0x1  }
0x253: {  	(erf) = vpow2.f32 v5;
	_ =	sdelay $0x5  }
0x254: {  	v4 =	vmul.f32 v0, v4;
	_ =	sdelay $0x1  }
0x255: {  	v4 =	vadd.f32 v3, v4  }
0x256: {  	v5 =	vpop (erf)  }
0x257: {  	v4 =	vmul.f32 v5, v4;
	_ =	sdelay $0x1  }
0x258: {  	p0 =	seq.s32 s9, $0x13;
	[tilespmem:s15+$0x7230] =	vst v4  }
0x259: {  	[spmem:s3] =	stream.indirect.scatter.add.f32 [tilespmem:s30], [sflag:$0x3], $0x10, s31, s20, $0xb8;
	[tilespmem:$0xAA10] =	vst v63  }
0x25a: {  	s14 =	simm.s32 @!p0 $0x80;
	s13 =	sadd.s32 @!p0 $0x200, s11;
	s15 =	simm.s32 @!p0 $0x5000  }
0x25b: {  	[tilespmem:s15], [sflag:$0x1] =	stream.indirect.gather @!p0 [hbm4b:s6+s14], $0x10, s13, s14, $0xb8;
	[tilespmem:$0xAA10] =	vst v63  }
0x25c: {  	s10 =	simm.s32 @!p0 $0x6000;
	s15 =	sadd.s32 @!p0 $0x2A00, s11  }
0x25d: {  	[tilespmem:s10], [sflag:$0x1] =	stream.indirect.gather @!p0 [hbm4b:s7+s14], $0x10, s15, s14, $0xb8;
	[tilespmem:$0xAA10] =	vst v63  }
0x25e: {  	s10 =	sadd.s32 @!p0 s5, s13  }
0x25f: {  	s10 =	sshrl.u32 @!p0 s10, $0x3  }
0x260: {  	s13 =	simm.s32 @!p0 $0x0;
	s14 =	simm.s32 @!p0 $0x7000;
	s10 =	sadd.s32 @!p0 s8, s10  }
0x261: {  	[tilespmem:s14], [sflag:$0x1] =	stream.linear.gather @!p0 [hbm4b:s10+s13], $0x80, $0x38;
	[tilespmem:$0xAA10] =	vst v63  }
0x262: {  	_ =	swait.ge [sflag:s1], $0x800  }
0x263: {  	[sflag:s1] =	ssyncset.done $0x0  }
0x264: {  	[sflag:s1] =	ssyncadd.s32 $0xFFFFF800  }
0x265: {  	_ =	swait.ge [sflag:s1], $0x800  }
0x266: {  	[sflag:s1] =	ssyncset.done $0x0  }
0x267: {  	[sflag:s1] =	ssyncadd.s32 $0xFFFFF800  }
0x268: {  	_ =	swait.ge [sflag:s1], $0x80  }
0x269: {  	[sflag:s1] =	ssyncset.done $0x0  }
0x26a: {  	[sflag:s1] =	ssyncadd.s32 $0xFFFFFF80  }
0x26b: {  	_ =	swait.ge [sflag:s25], $0x800  }
0x26c: {  	[sflag:s25] =	ssyncset.done $0x0  }
0x26d: {  	s13 =	simm.s32 $0x0;
	[sflag:s25] =	ssyncadd.s32 $0xFFFFF800  }
0x26e: {  	v4 =	vld [tilespmem:s13+$0x5800]  }
0x26f: {  	v5 =	vld [tilespmem:s13+$0x6800];
	_ =	sdelay $0x4  }
0x270: {  	v6 =	vperm.xlane v4, v1;
	v5 =	vperm.xlane v5, v2;
	_ =	sdelay $0x1  }
0x271: {  	v7 =	vld [tilespmem:$0x8200];
	v5 =	vadd.f32 v5, v6;
	_ =	sdelay $0x1  }
0x272: {  	v6 =	vmul.f32 $2.000000030e-01, v5;
	_ =	sdelay $0x1  }
0x273: {  	v5 =	vmax.f32 v5, v6  }
0x274: {  	v5 =	vsub.f32 v5, v7;
	_ =	sdelay $0x1  }
0x275: {  	v5 =	vmul.f32 $1.442695020e+00, v5;
	_ =	sdelay $0x1  }
0x276: {  	(erf) = vpow2.f32 v5;
	_ =	sdelay $0x4  }
0x277: {  	v6 =	vld [tilespmem:s13+$0x6810]  }
0x278: {  	v4 =	vmul.f32 v0, v4;
	v5 =	vld [tilespmem:s13+$0x5810];
	_ =	sdelay $0x1  }
0x279: {  	v4 =	vadd.f32 v3, v4  }
0x27a: {  	v7 =	vpop (erf)  }
0x27b: {  	v4 =	vmul.f32 v7, v4  }
0x27c: {  	v6 =	vperm.xlane v6, v2;
	v7 =	vperm.xlane v5, v1  }
0x27d: {  	[tilespmem:s13+$0x7A00] =	vst v4  }
0x27e: {  	v6 =	vadd.f32 v6, v7;
	v4 =	vld [tilespmem:$0x8200];
	_ =	sdelay $0x1  }
0x27f: {  	v7 =	vmul.f32 $2.000000030e-01, v6;
	_ =	sdelay $0x1  }
0x280: {  	v6 =	vmax.f32 v6, v7  }
0x281: {  	v4 =	vsub.f32 v6, v4;
	_ =	sdelay $0x1  }
0x282: {  	v4 =	vmul.f32 $1.442695020e+00, v4;
	_ =	sdelay $0x1  }
0x283: {  	(erf) = vpow2.f32 v4;
	_ =	sdelay $0x4  }
0x284: {  	v6 =	vld [tilespmem:s13+$0x5820]  }
0x285: {  	v4 =	vmul.f32 v0, v5;
	v5 =	vld [tilespmem:s13+$0x6820];
	_ =	sdelay $0x1  }
0x286: {  	v4 =	vadd.f32 v3, v4  }
0x287: {  	v7 =	vpop (erf)  }
0x288: {  	v4 =	vmul.f32 v7, v4  }
0x289: {  	v5 =	vperm.xlane v5, v2;
	v7 =	vperm.xlane v6, v1  }
0x28a: {  	[tilespmem:s13+$0x7A10] =	vst v4  }
0x28b: {  	v5 =	vadd.f32 v5, v7;
	v4 =	vld [tilespmem:$0x8200];
	_ =	sdelay $0x1  }
0x28c: {  	v7 =	vmul.f32 $2.000000030e-01, v5;
	_ =	sdelay $0x1  }
0x28d: {  	v5 =	vmax.f32 v5, v7  }
0x28e: {  	v4 =	vsub.f32 v5, v4;
	_ =	sdelay $0x1  }
0x28f: {  	v4 =	vmul.f32 $1.442695020e+00, v4;
	_ =	sdelay $0x1  }
0x290: {  	(erf) = vpow2.f32 v4;
	_ =	sdelay $0x4  }
0x291: {  	v5 =	vmul.f32 v0, v6;
	v6 =	vld [tilespmem:s13+$0x6830]  }
0x292: {  	v4 =	vld [tilespmem:s13+$0x5830];
	_ =	sdelay $0x1  }
0x293: {  	v5 =	vadd.f32 v3, v5  }
0x294: {  	v7 =	vpop (erf)  }
0x295: {  	v5 =	vmul.f32 v7, v5  }
0x296: {  	v6 =	vperm.xlane v6, v2;
	v7 =	vperm.xlane v4, v1  }
0x297: {  	[tilespmem:s13+$0x7A20] =	vst v5  }
0x298: {  	v6 =	vadd.f32 v6, v7;
	v5 =	vld [tilespmem:$0x8200];
	_ =	sdelay $0x1  }
0x299: {  	v7 =	vmul.f32 $2.000000030e-01, v6;
	_ =	sdelay $0x1  }
0x29a: {  	v6 =	vmax.f32 v6, v7  }
0x29b: {  	v5 =	vsub.f32 v6, v5;
	_ =	sdelay $0x1  }
0x29c: {  	v5 =	vmul.f32 $1.442695020e+00, v5;
	_ =	sdelay $0x1  }
0x29d: {  	(erf) = vpow2.f32 v5;
	_ =	sdelay $0x3  }
0x29e: {  	s15 =	simm.s32 $0x40  }
0x29f: {  	s14 =	simm.s32 $0x200;
	v5 =	vld [tilespmem:s15+$0x5800]  }
.LBB2_9:
0x2a0: {  	p1 =	sne.s32 s14, $0x1F00;
	v6 =	vld [tilespmem:s15+$0x6800];
	v4 =	vmul.f32 v0, v4;
	_ =	sdelay $0x1  }
0x2a1: {  	v4 =	vadd.f32 v3, v4  }
0x2a2: {  	v7 =	vpop (erf)  }
0x2a3: {  	v4 =	vmul.f32 v7, v4  }
0x2a4: {  	v7 =	vperm.xlane v5, v1;
	v6 =	vperm.xlane v6, v2  }
0x2a5: {  	[tilespmem:s13+$0x7A30] =	vst v4;
	s13 =	smov.u32 s15  }
0x2a6: {  	v4 =	vld [tilespmem:$0x8200];
	v6 =	vadd.f32 v6, v7;
	_ =	sdelay $0x1  }
0x2a7: {  	v7 =	vmul.f32 $2.000000030e-01, v6;
	_ =	sdelay $0x1  }
0x2a8: {  	v6 =	vmax.f32 v6, v7  }
0x2a9: {  	v4 =	vsub.f32 v6, v4;
	_ =	sdelay $0x1  }
0x2aa: {  	v4 =	vmul.f32 $1.442695020e+00, v4;
	_ =	sdelay $0x1  }
0x2ab: {  	(erf) = vpow2.f32 v4;
	_ =	sdelay $0x4  }
0x2ac: {  	v4 =	vld [tilespmem:s13+$0x5810]  }
0x2ad: {  	v5 =	vmul.f32 v0, v5;
	v6 =	vld [tilespmem:s13+$0x6810];
	_ =	sdelay $0x1  }
0x2ae: {  	v5 =	vadd.f32 v3, v5  }
0x2af: {  	v7 =	vpop (erf)  }
0x2b0: {  	v5 =	vmul.f32 v7, v5  }
0x2b1: {  	v7 =	vperm.xlane v4, v1;
	v6 =	vperm.xlane v6, v2  }
0x2b2: {  	[tilespmem:s13+$0x7A00] =	vst v5  }
0x2b3: {  	v5 =	vld [tilespmem:$0x8200];
	v6 =	vadd.f32 v6, v7;
	_ =	sdelay $0x1  }
0x2b4: {  	v7 =	vmul.f32 $2.000000030e-01, v6;
	_ =	sdelay $0x1  }
0x2b5: {  	v6 =	vmax.f32 v6, v7  }
0x2b6: {  	v5 =	vsub.f32 v6, v5;
	_ =	sdelay $0x1  }
0x2b7: {  	v5 =	vmul.f32 $1.442695020e+00, v5;
	_ =	sdelay $0x1  }
0x2b8: {  	(erf) = vpow2.f32 v5;
	_ =	sdelay $0x4  }
0x2b9: {  	v5 =	vld [tilespmem:s13+$0x5820]  }
0x2ba: {  	v4 =	vmul.f32 v0, v4;
	v6 =	vld [tilespmem:s13+$0x6820];
	_ =	sdelay $0x1  }
0x2bb: {  	v4 =	vadd.f32 v3, v4  }
0x2bc: {  	v7 =	vpop (erf)  }
0x2bd: {  	v4 =	vmul.f32 v7, v4  }
0x2be: {  	v7 =	vperm.xlane v5, v1;
	v6 =	vperm.xlane v6, v2  }
0x2bf: {  	[tilespmem:s13+$0x7A10] =	vst v4  }
0x2c0: {  	v4 =	vld [tilespmem:$0x8200];
	v6 =	vadd.f32 v6, v7;
	_ =	sdelay $0x1  }
0x2c1: {  	v7 =	vmul.f32 $2.000000030e-01, v6;
	_ =	sdelay $0x1  }
0x2c2: {  	v6 =	vmax.f32 v6, v7  }
0x2c3: {  	v4 =	vsub.f32 v6, v4;
	_ =	sdelay $0x1  }
0x2c4: {  	v4 =	vmul.f32 $1.442695020e+00, v4;
	_ =	sdelay $0x1  }
0x2c5: {  	(erf) = vpow2.f32 v4;
	_ =	sdelay $0x4  }
0x2c6: {  	v4 =	vld [tilespmem:s13+$0x5830]  }
0x2c7: {  	v5 =	vmul.f32 v0, v5;
	v6 =	vld [tilespmem:s13+$0x6830];
	_ =	sdelay $0x1  }
0x2c8: {  	v5 =	vadd.f32 v3, v5  }
0x2c9: {  	v7 =	vpop (erf)  }
0x2ca: {  	v5 =	vmul.f32 v7, v5  }
0x2cb: {  	v7 =	vperm.xlane v4, v1;
	v6 =	vperm.xlane v6, v2  }
0x2cc: {  	[tilespmem:s13+$0x7A20] =	vst v5  }
0x2cd: {  	v5 =	vld [tilespmem:$0x8200];
	v6 =	vadd.f32 v6, v7;
	_ =	sdelay $0x1  }
0x2ce: {  	v7 =	vmul.f32 $2.000000030e-01, v6;
	_ =	sdelay $0x1  }
0x2cf: {  	v6 =	vmax.f32 v6, v7  }
0x2d0: {  	v5 =	vsub.f32 v6, v5;
	_ =	sdelay $0x1  }
0x2d1: {  	v5 =	vmul.f32 $1.442695020e+00, v5;
	_ =	sdelay $0x1  }
0x2d2: {  	(erf) = vpow2.f32 v5  }
.Ltmp5:
0x2d3: {  	(pc) =	sbr.rel @p1 .LBB2_9-.Ltmp5, $3  }
0x2d4: {  	_ =	sdelay $0x1  }
0x2d5: {  	s15 =	sshra.s32 s14, $0x2  }
0x2d6: {  	s14 =	sadd.s32 $0x100, s14;
	v5 =	vld [tilespmem:s15+$0x5800]  }
0x2d7: {  	v6 =	vld [tilespmem:s15+$0x6800];
	v4 =	vmul.f32 v0, v4;
	_ =	sdelay $0x1  }
0x2d8: {  	v4 =	vadd.f32 v3, v4  }
0x2d9: {  	v7 =	vpop (erf)  }
0x2da: {  	v4 =	vmul.f32 v7, v4  }
0x2db: {  	v54 =	vperm.xlane v5, v1;
	v6 =	vperm.xlane v6, v2  }
0x2dc: {  	[tilespmem:s13+$0x7A30] =	vst v4  }
0x2dd: {  	v4 =	vld [tilespmem:$0x8200];
	v6 =	vadd.f32 v6, v54;
	_ =	sdelay $0x1  }
0x2de: {  	v7 =	vmul.f32 $2.000000030e-01, v6;
	_ =	sdelay $0x1  }
0x2df: {  	v6 =	vmax.f32 v6, v7  }
0x2e0: {  	v4 =	vsub.f32 v6, v4;
	_ =	sdelay $0x1  }
0x2e1: {  	v4 =	vmul.f32 $1.442695020e+00, v4;
	_ =	sdelay $0x1  }
0x2e2: {  	(erf) = vpow2.f32 v4;
	_ =	sdelay $0x4  }
0x2e3: {  	v55 =	vld [tilespmem:s15+$0x6810]  }
0x2e4: {  	v5 =	vmul.f32 v0, v5;
	v4 =	vld [tilespmem:s15+$0x5810];
	_ =	sdelay $0x1  }
0x2e5: {  	v5 =	vadd.f32 v3, v5  }
0x2e6: {  	v56 =	vpop (erf)  }
0x2e7: {  	v5 =	vmul.f32 v56, v5  }
0x2e8: {  	v6 =	vperm.xlane v55, v2;
	v57 =	vperm.xlane v4, v1  }
0x2e9: {  	[tilespmem:s15+$0x7A00] =	vst v5  }
0x2ea: {  	v6 =	vadd.f32 v6, v57;
	v5 =	vld [tilespmem:$0x8200];
	_ =	sdelay $0x1  }
0x2eb: {  	v7 =	vmul.f32 $2.000000030e-01, v6;
	_ =	sdelay $0x1  }
0x2ec: {  	v6 =	vmax.f32 v6, v7  }
0x2ed: {  	v5 =	vsub.f32 v6, v5;
	_ =	sdelay $0x1  }
0x2ee: {  	v5 =	vmul.f32 $1.442695020e+00, v5;
	_ =	sdelay $0x1  }
0x2ef: {  	(erf) = vpow2.f32 v5;
	_ =	sdelay $0x4  }
0x2f0: {  	v58 =	vld [tilespmem:s15+$0x6820]  }
0x2f1: {  	v4 =	vmul.f32 v0, v4;
	v5 =	vld [tilespmem:s15+$0x5820];
	_ =	sdelay $0x1  }
0x2f2: {  	v4 =	vadd.f32 v3, v4  }
0x2f3: {  	v59 =	vpop (erf)  }
0x2f4: {  	v4 =	vmul.f32 v59, v4  }
0x2f5: {  	v6 =	vperm.xlane v58, v2;
	v60 =	vperm.xlane v5, v1  }
0x2f6: {  	[tilespmem:s15+$0x7A10] =	vst v4  }
0x2f7: {  	v6 =	vadd.f32 v6, v60;
	v4 =	vld [tilespmem:$0x8200];
	_ =	sdelay $0x1  }
0x2f8: {  	v7 =	vmul.f32 $2.000000030e-01, v6;
	_ =	sdelay $0x1  }
0x2f9: {  	v6 =	vmax.f32 v6, v7  }
0x2fa: {  	v4 =	vsub.f32 v6, v4;
	_ =	sdelay $0x1  }
0x2fb: {  	v4 =	vmul.f32 $1.442695020e+00, v4;
	_ =	sdelay $0x1  }
0x2fc: {  	(erf) = vpow2.f32 v4;
	_ =	sdelay $0x4  }
0x2fd: {  	v61 =	vld [tilespmem:s15+$0x6830]  }
0x2fe: {  	v5 =	vmul.f32 v0, v5;
	v4 =	vld [tilespmem:s15+$0x5830];
	_ =	sdelay $0x1  }
0x2ff: {  	v5 =	vadd.f32 v3, v5  }
0x300: {  	v62 =	vpop (erf)  }
0x301: {  	v5 =	vmul.f32 v62, v5  }
0x302: {  	v6 =	vperm.xlane v61, v2;
	v63 =	vperm.xlane v4, v1  }
0x303: {  	[tilespmem:s15+$0x7A20] =	vst v5  }
0x304: {  	v6 =	vadd.f32 v6, v63;
	v5 =	vld [tilespmem:$0x8200];
	_ =	sdelay $0x1  }
0x305: {  	v7 =	vmul.f32 $2.000000030e-01, v6;
	_ =	sdelay $0x1  }
0x306: {  	v6 =	vmax.f32 v6, v7  }
0x307: {  	v5 =	vsub.f32 v6, v5;
	_ =	sdelay $0x1  }
0x308: {  	v5 =	vmul.f32 $1.442695020e+00, v5;
	_ =	sdelay $0x1  }
0x309: {  	(erf) = vpow2.f32 v5;
	_ =	sdelay $0x5  }
0x30a: {  	v4 =	vmul.f32 v0, v4;
	_ =	sdelay $0x1  }
0x30b: {  	v4 =	vadd.f32 v3, v4  }
.Ltmp6:
0x30c: {  	v5 =	vpop (erf);
	(pc) =	sbr.rel @p0 .LBB2_12-.Ltmp6, $3  }
0x30d: {  	v4 =	vmul.f32 v5, v4;
	_ =	sdelay $0x1  }
0x30e: {  	[tilespmem:s15+$0x7A30] =	vst v4  }
0x30f: {  	[spmem:s3] =	stream.indirect.scatter.add.f32 [tilespmem:s0], [sflag:$0x4], $0x10, s2, s20, $0xb8;
	[tilespmem:$0xAA10] =	vst v63  }
0x310: {  	s10 =	sadd.s32 $0x280, s11  }
0x311: {  	[tilespmem:s24], [sflag:$0x2] =	stream.indirect.gather [hbm4b:s6+s20], $0x10, s10, s20, $0xb8;
	[tilespmem:$0xAA10] =	vst v63  }
.Ltmp7:
0x312: {  	s10 =	sadd.s32 s5, s10;
	(pc) =	sbr.rel .LBB2_2-.Ltmp7, $4  }
0x313: {  	s15 =	sadd.s32 $0x2A80, s11;
	s10 =	sshrl.u32 s10, $0x3  }
0x314: {  	[tilespmem:s26], [sflag:$0x2] =	stream.indirect.gather [hbm4b:s7+s20], $0x10, s15, s20, $0xb8;
	[tilespmem:$0xAA10] =	vst v63  }
0x315: {  	s9 =	sadd.s32 $0x1, s9;
	s10 =	sadd.s32 s8, s10  }
0x316: {  	[tilespmem:s28], [sflag:$0x2] =	stream.linear.gather [hbm4b:s10+s4], $0x80, $0x38;
	[tilespmem:$0xAA10] =	vst v63  }
.LBB2_13:
0x317: {  	_ =	sfence.sel $0x180000  }
0x318: {  	[bflag:$0x0] =	sbarrier.arrive $0xFFFF  }
0x319: {  	_ =	strace $0x9000004A  }
0x31a: {  	s0 =	stileid.u32;
	[bflag:$0x2] =	sbarrier.arrive $0xFFFF  }
0x31b: {  	p0 =	sne.s32 s0, $0x0;
	s0 =	rddreg [dreg:$0x3]  }
0x31c: {  	s0 =	sadd.s32 @!p0 $0x100000, s0  }
0x31d: {  	[sflag:s0] =	ssyncadd.tile.s32 @!p0 $0x1;
	_ =	shalt  }
.Lfunc_end2:
_tile_overlayer_lowered:
.L_overlay_start_2:
0x31e: {  	(tag) =	ssettag $0x2  }
0x31f: {  	s0 =	rddreg [dreg:$0x0];
	s2 =	stileid.u32  }
0x320: {  	s1 =	rddreg [dreg:$0x1];
	p0 =	sne.s32 s2, $0x0  }
0x321: {  	s3 =	rddreg [dreg:$0x2];
	[bflag:$0x3] =	sbarrier.arrive $0xFFFF;
	s2 =	simm.s32 @!p0 $0x1C05  }
0x322: {  	[timem:s3], [sflag:s2] =	dma.local @!p0 [hbm:s0], s1  }
0x323: {  	s0 =	simm.s32 @!p0 $0x5  }
0x324: {  	_ =	swait.ge @!p0 [sflag:s0], s1  }
0x325: {  	s1 =	ssub.s32 @!p0 $0x0, s1;
	[sflag:s0] =	ssyncset.done @!p0 $0x0  }
0x326: {  	[sflag:s0] =	ssyncadd.s32 @!p0 s1  }
0x327: {  	[bflag:$0x3] =	sbarrier.arrive $0xFFFF  }
0x328: {  	_ =	shalt  }

// kernel: kernel.7.cloned.1.call-start
scs
__scs_entry_jumppad:
0x0: {  	(pc) =	sbr.rel $0x88, $3  }
0x1: {  	(tag) =	ssettag $0x0;
	lr =	simm.s32 $0x1  }
0x2: {  	[smem:$0x3F97] =	sst lr;
	_ =	strace $0xD0000000  }
0x3: {  	_ = 	snop  }
0x4: {  	_ = 	snop  }
0x5: {  	_ = 	snop  }
0x6: {  	_ = 	snop  }
0x7: {  	_ = 	snop  }
__scs_overlays_trampoline_lowered:
0x8: {  	[smem:$0x3FA6] =	sst s0  }
0x9: {  	[smem:$0x3FA7] =	sst s1  }
0xa: {  	[smem:$0x3FA8] =	sst s2  }
0xb: {  	[smem:$0x3FA9] =	sst s3  }
0xc: {  	[smem:$0x3FAA] =	sst s4  }
0xd: {  	[smem:$0x3FAB] =	sst s5  }
0xe: {  	[smem:$0x3FAC] =	sst s6  }
0xf: {  	[smem:$0x3FAD] =	sst s7  }
0x10: {  	[smem:$0x3FAE] =	sst s8  }
0x11: {  	[smem:$0x3FAF] =	sst s9;
	s0 =	simm.s32 @!p0 $0x0  }
0x12: {  	s1 =	sld [smem:$0x3F95];
	s0 =	simm.s32 @p0 $0x1  }
0x13: {  	[smem:$0x3FB0] =	sst s0;
	s0 =	simm.s32 @!p1 $0x0  }
0x14: {  	s2 =	sld [smem:$0x3F94];
	s0 =	simm.s32 @p1 $0x1  }
0x15: {  	[smem:$0x3FB1] =	sst s0;
	s0 =	simm.s32 @!p2 $0x0  }
0x16: {  	s3 =	sld [smem:$0x3FDB];
	s0 =	simm.s32 @p2 $0x1  }
0x17: {  	s4 =	simm.s32 $0x1BF5;
	[smem:$0x3FB3] =	sst s0  }
0x18: {  	s0 =	sld [smem:$0x3F96];
	_ =	swait.ge [sflag:s4], $0x0  }
0x19: {  	s7 =	sld [smem:$0x3F97]  }
0x1a: {  	s8 =	sadd.s32 $0xFFFFE003, lr  }
0x1b: {  	s9 =	sadd.s32 $0xFFFFFEF7, lr;
	s5 =	simm.s32 $0xFFFFFFFF;
	p2 =	slt.u32 s8, $0xFFFFF086  }
0x1c: {  	p1 =	slt.u32 s9, $0xF7A;
	s5 =	simm.s32 @!p2 $0x0  }
0x1d: {  	s5 =	simm.s32 @p1 $0x1;
	p0 =	seq.s32 s7, s2  }
0x1e: {  	s7 =	smul.u32 @!p0 $0xF7A, s2;
	p2 =	seq.s32 @!p0 s5, $0x0  }
0x1f: {  	s9 =	smul.u32 $0xF7A, s1;
	s8 =	simm.s32 @!p0 $0x1BF5;
	p2 =	por !p2, p0  }
0x20: {  	[sflag:s8] =	ssyncset.s32 @!p0 $0xFFFFF086;
	s6 =	sadd.s32 @!p0 s3, s7;
	s7 =	simm.s32 @!p0 $0x108  }
0x21: {  	s3 =	sadd.s32 s3, s9;
	s6 =	sadd.s32 @!p0 $0x88, s6;
	s7 =	simm.s32 @p2 $0x1082  }
0x22: {  	[simem:s7], [sflag:s8] =	dma.local @!p0 [hbm:s6], $0xF7A  }
0x23: {  	s9 =	sor.u32 $0xD0000000, s2;
	s6 =	simm.s32 $0x108;
	_ =	swait.ge @!p0 [sflag:s8], $0x0  }
0x24: {  	s3 =	sadd.s32 $0x88, s3;
	s6 =	simm.s32 @!p1 $0x1082;
	[sflag:s4] =	ssyncset.s32 $0xFFFFF086  }
0x25: {  	[simem:s6], [sflag:s4] =	dma.local [hbm:s3], $0xF7A  }
0x26: {  	[smem:$0x3F97] =	sst s1;
	(tag) =	ssettag s2;
	_ =	strace s9  }
0x27: {  	s1 =	sld [smem:$0x3FA7]  }
0x28: {  	s2 =	sld [smem:$0x3FA8]  }
0x29: {  	s4 =	sld [smem:$0x3FAA]  }
0x2a: {  	p0 =	seq.s32 s5, $0x0;
	s5 =	sld [smem:$0x3FAB]  }
0x2b: {  	s6 =	sld [smem:$0x3FAC]  }
0x2c: {  	s7 =	sld [smem:$0x3FAD]  }
0x2d: {  	s3 =	simm.s32 $0x108;
	s8 =	sld [smem:$0x3FAE]  }
0x2e: {  	s3 =	simm.s32 @!p0 $0x1082;
	s9 =	sld [smem:$0x3FAF]  }
0x2f: {  	lr =	sadd.s32 s0, s3;
	s0 =	sld [smem:$0x3FA6]  }
0x30: {  	s3 =	sld [smem:$0x3FA9]  }
0x31: {  	[smem:$0x3FB2] =	sst s10  }
0x32: {  	s10 =	sld [smem:$0x3FB0];
	_ =	sdelay $0x3  }
0x33: {  	p0 =	seq.s32 s10, $0x1;
	s10 =	sld [smem:$0x3FB2];
	_ =	sdelay $0x3  }
0x34: {  	[smem:$0x3FB2] =	sst s10  }
0x35: {  	s10 =	sld [smem:$0x3FB1];
	_ =	sdelay $0x3  }
0x36: {  	p1 =	seq.s32 s10, $0x1;
	s10 =	sld [smem:$0x3FB2];
	_ =	sdelay $0x3  }
0x37: {  	[smem:$0x3FB2] =	sst s10  }
0x38: {  	s10 =	sld [smem:$0x3FB3]  }
0x39: {  	_ = 	snop;
	(pc) =	sbr.ind lr, $3  }
0x3a: {  	_ = 	snop  }
0x3b: {  	_ = 	snop  }
0x3c: {  	p2 =	seq.s32 s10, $0x1;
	s10 =	sld [smem:$0x3FB2]  }
0x3d: {  	_ =	shalt  }
0x3e: {  	_ =	shalt  }
0x3f: {  	_ =	shalt  }
0x40: {  	_ =	shalt  }
0x41: {  	_ =	shalt  }
0x42: {  	_ =	shalt  }
0x43: {  	_ =	shalt  }
0x44: {  	_ =	shalt  }
0x45: {  	_ =	shalt  }
0x46: {  	_ =	shalt  }
0x47: {  	_ =	shalt  }
0x48: {  	_ =	shalt  }
0x49: {  	_ =	shalt  }
0x4a: {  	_ =	shalt  }
0x4b: {  	_ =	shalt  }
0x4c: {  	_ =	shalt  }
0x4d: {  	_ =	shalt  }
0x4e: {  	_ =	shalt  }
0x4f: {  	_ =	shalt  }
0x50: {  	_ =	shalt  }
0x51: {  	_ =	shalt  }
0x52: {  	_ =	shalt  }
0x53: {  	_ =	shalt  }
0x54: {  	_ =	shalt  }
0x55: {  	_ =	shalt  }
0x56: {  	_ =	shalt  }
0x57: {  	_ =	shalt  }
0x58: {  	_ =	shalt  }
0x59: {  	_ =	shalt  }
0x5a: {  	_ =	shalt  }
0x5b: {  	_ =	shalt  }
0x5c: {  	_ =	shalt  }
0x5d: {  	_ =	shalt  }
0x5e: {  	_ =	shalt  }
0x5f: {  	_ =	shalt  }
0x60: {  	_ =	shalt  }
0x61: {  	_ =	shalt  }
0x62: {  	_ =	shalt  }
0x63: {  	_ =	shalt  }
0x64: {  	_ =	shalt  }
0x65: {  	_ =	shalt  }
0x66: {  	_ =	shalt  }
0x67: {  	_ =	shalt  }
0x68: {  	_ =	shalt  }
0x69: {  	_ =	shalt  }
0x6a: {  	_ =	shalt  }
0x6b: {  	_ =	shalt  }
0x6c: {  	_ =	shalt  }
0x6d: {  	_ =	shalt  }
0x6e: {  	_ =	shalt  }
0x6f: {  	_ =	shalt  }
0x70: {  	_ =	shalt  }
0x71: {  	_ =	shalt  }
0x72: {  	_ =	shalt  }
0x73: {  	_ =	shalt  }
0x74: {  	_ =	shalt  }
0x75: {  	_ =	shalt  }
0x76: {  	_ =	shalt  }
0x77: {  	_ =	shalt  }
0x78: {  	_ =	shalt  }
0x79: {  	_ =	shalt  }
0x7a: {  	_ =	shalt  }
0x7b: {  	_ =	shalt  }
0x7c: {  	_ =	shalt  }
0x7d: {  	_ =	shalt  }
0x7e: {  	_ =	shalt  }
0x7f: {  	_ =	shalt  }
0x80: {  	_ =	shalt  }
0x81: {  	_ =	shalt  }
0x82: {  	_ =	shalt  }
0x83: {  	_ =	shalt  }
0x84: {  	_ =	shalt  }
0x85: {  	_ =	shalt  }
0x86: {  	_ =	shalt  }
0x87: {  	_ =	shalt  }
.Lfunc_end0:
.L_simem_size_0:
called_computation_lowered:
.L_overlay_start_0:
0x88: {  	s2 =	sld [smem:$0x3FD9]  }
0x89: {  	s3 =	sld [smem:$0x3FFE];
	_ =	sdelay $0x1  }
0x8a: {  	s1 =	srdreg.scid  }
0x8b: {  	s0 =	sand.u32 $0x1, s1  }
0x8c: {  	s17 =	sshll.u32 s0, $0xA;
	s2 =	sadd.s32 s3, s2  }
0x8d: {  	s2 =	sadd.s32 s2, s17  }
0x8e: {  	[smem:$0x3FBE] =	sst s2  }
0x8f: {  	_ = 	snop  }
0x90: {  	s2 =	sld [smem:$0x3FD0];
	(tm) =	ssettm $0x1  }
0x91: {  	s18 =	sld [smem:$0x3FFB];
	_ =	sdelay $0x3  }
0x92: {  	_ =	strace s18  }
0x93: {  	s3 =	sld [smem:$0x3FFC];
	_ =	sdelay $0x3  }
0x94: {  	_ =	strace s3  }
0x95: {  	s3 =	sld [smem:$0x3FFD];
	_ =	sdelay $0x3  }
0x96: {  	_ =	strace s3  }
0x97: {  	_ =	strace $0x8FFFFFFF  }
0x98: {  	s19 =	sld [smem:$0x3FDB];
	_ =	sdelay $0x1  }
0x99: {  	s4 =	simm.s32 $_scs_section_size  }
0x9a: {  	s5 =	simm.s32 $_size__tile_overlayer_lowered;
	s6 =	simm.s32 $_tile_overlayer_lowered  }
0x9b: {  	s22 =	simm.s32 $0x1BFF;
	s21 =	sshll.u32 s6, $0x1;
	s3 =	sadd.s32 s4, s19  }
0x9c: {  	s7 =	simm.s32 $0x0;
	s20 =	sshll.u32 s5, $0x1;
	s5 =	sadd.s32 s21, s3  }
0x9d: {  	[timem:s7], [sflag:s22] =	dma.local [hbm:s5], s20  }
0x9e: {  	_ =	swait.ge [sflag:s22], s20  }
0x9f: {  	s4 =	ssub.s32 $0x0, s20;
	[sflag:s22] =	ssyncset.done $0x0  }
0xa0: {  	[sflag:s22] =	ssyncadd.s32 s4;
	_ =	sdelay $0x1  }
0xa1: {  	s23 =	simm.s32 $0x1B8B  }
0xa2: {  	_ =	swait.ge [sflag:s23], $0x1  }
0xa3: {  	[sflag:s23] =	ssyncset.done $0x0  }
0xa4: {  	s25 =	simm.s32 $0x1B8E;
	s24 =	sld [smem:$0x3FFE];
	[sflag:s23] =	ssyncadd.s32 $0xFFFFFFFF  }
0xa5: {  	s26 =	simm.s32 $execute0_lowered;
	[smem:$0x3FD2] =	sst s25  }
0xa6: {  	s5 =	sshll.u32 s26, $0x1;
	_ =	strace $0x80000046;
	[dreg:$0x1] =	wrdreg $0xFFFFFFFF  }
0xa7: {  	s28 =	simm.s32 $_size_execute0_lowered;
	s3 =	sadd.s32 s3, s5;
	[dreg:$0x0] =	wrdreg $0x0  }
0xa8: {  	s5 =	sshll.u32 s28, $0x1;
	[dreg:$0x2] =	wrdreg s3  }
0xa9: {  	[dreg:$0x3] =	wrdreg s5  }
0xaa: {  	[dreg:$0x4] =	wrdreg $0xC0  }
0xab: {  	_ =	task [dreg:s7], $0x5FFFF  }
0xac: {  	[dreg:$0x1] =	wrdreg $0xFFFFFFFF  }
0xad: {  	[dreg:$0x0] =	wrdreg $0x60  }
0xae: {  	[dreg:$0x2] =	wrdreg s24  }
0xaf: {  	[dreg:$0x3] =	wrdreg s2  }
0xb0: {  	[dreg:$0x4] =	wrdreg $0x102100  }
0xb1: {  	[dreg:$0x5] =	wrdreg $0x9  }
0xb2: {  	_ =	task.clear_ibuf [dreg:s7], $0x6FFFF;
	_ =	strace $0x90000046  }
0xb3: {  	s29 =	simm.s32 $0x9;
	_ =	strace $0x80000048  }
0xb4: {  	_ =	swait.ge [sflag:s29], $0x1  }
0xb5: {  	[sflag:s29] =	ssyncadd.s32 $0xFFFFFFFF  }
0xb6: {  	_ =	strace $0x90000048  }
0xb7: {  	_ =	sfence  }
0xb8: {  	s30 =	sld [smem:$0x0];
	_ =	sdelay $0x2  }
0xb9: {  	s31 =	sshll.u32 s1, $0xD;
	s1 =	sshrl.u32 s1, $0x2  }
0xba: {  	s3 =	sand.u32 $0x4000, s31;
	s1 =	sadd.s32 s1, s30  }
0xbb: {  	s0 =	sor.u32 s3, s0;
	s1 =	sshll.u32 s1, $0x11  }
0xbc: {  	s0 =	sor.u32 s1, s0  }
0xbd: {  	s0 =	sadd.s32 $0x8F2B, s0  }
0xbe: {  	[sflag:s0] =	ssyncadd.remote.s32 $0x1  }
0xbf: {  	_ =	sfence.sel $0xFFFF  }
0xc0: {  	[dreg:$0x0] =	wrdreg $0xFFFFFFFF;
	(pc) =	sbr.abs _section_cstart, $3  }
0xc1: {  	[dreg:$0x1] =	wrdreg $0xFFFFFFFF  }
0xc2: {  	_ =	task.clear_ibuf [dreg:s7], $0x2FFFF;
	_ =	strace $0x9FFFFFFF  }
0xc3: {  	(tm) =	ssettm $0x7FFFFFFF  }
tec
execute0_lowered:
.L_overlay_start_1:
0x0: {  	(tag) =	ssettag $0x1  }
0x1: {  	s0 =	srdreg.scid  }
0x2: {  	s1 =	rddreg [dreg:$0x0];
	s14 =	stileid.u32  }
0x3: {  	s3 =	rddreg [dreg:$0x2];
	s4 =	simm.s32 $0x0;
	s17 =	simm.s32 $0x5  }
0x4: {  	s20 =	simm.s32 $0x80;
	s21 =	simm.s32 $0x5000;
	s22 =	simm.s32 $0xA000  }
0x5: {  	s23 =	simm.s32 $0xB000;
	s28 =	simm.s32 $0xB080;
	s29 =	simm.s32 $0x1  }
0x6: {  	s30 =	simm.s32 $0xB200;
	s31 =	simm.s32 $0xB100;
	s18 =	simm.s32 $0x3  }
0x7: {  	s19 =	simm.s32 $0x0;
	s0 =	sand.u32 $0x1, s0;
	[smem:$0x7FF] =	sst s4  }
0x8: {  	s24 =	smul.u32 $0xC800, s14;
	s6 =	sadd.s32 $0x2A600, s1;
	s7 =	sadd.s32 $0x43600, s1  }
0x9: {  	s8 =	sadd.s32 $0x48600, s1;
	s26 =	sshll.u32 s14, $0x6;
	s2 =	sshll.u32 s0, $0x4  }
0xa: {  	_ =	strace $0x80000047;
	s10 =	smul.u32 $0xC8000, s0;
	s0 =	ssub.s32 $0x2, s0  }
0xb: {  	s2 =	sor.u32 s14, s2;
	s12 =	sshrl.u32 s24, $0x3;
	s13 =	sshrl.u32 s0, $0x1  }
0xc: {  	s5 =	smul.u32 $0x2800, s2;
	s10 =	sadd.s32 s24, s10;
	s12 =	sadd.s32 s12, s1  }
0xd: {  	s0 =	ssub.s32 s0, s13;
	s2 =	sadd.s32 s24, s3;
	s25 =	sadd.s32 $0x5C600, s12  }
0xe: {  	s24 =	simm.s32 $0x7800;
	s0 =	smax.u32 s0, $0x1;
	[dreg:$0x4] =	wrdreg s25  }
0xf: {  	s10 =	sshrl.u32 s10, $0x3;
	s9 =	sshrl.u32 s5, $0x3;
	[dreg:$0x8] =	wrdreg s0  }
0x10: {  	s0 =	simm.s32 $0xDA00;
	s11 =	sadd.s32 s9, s1;
	s9 =	sadd.s32 s8, s9  }
.Ltmp0:
0x11: {  	s11 =	sadd.s32 $0x52600, s11;
	[dreg:$0x9] =	wrdreg s9;
	(pc) =	sbr.rel .LBB2_1-.Ltmp0, $4  }
0x12: {  	s1 =	sadd.s32 s10, s1;
	s9 =	sadd.s32 $0x10, s9;
	[dreg:$0x5] =	wrdreg s11  }
0x13: {  	v0 =	vlaneseq.u32;
	s25 =	simm.s32 $0x4;
	s1 =	sadd.s32 $0x75600, s1;
	[dreg:$0x6] =	wrdreg s9  }
0x14: {  	v0 =	vshrl.u32 v0, $0x3;
	s10 =	sor.u32 $0x1C05, s26;
	s26 =	simm.s32 $0xA800;
	[dreg:$0x7] =	wrdreg s1  }
0x15: {  	v1 =	vor.u32 $0x2, v0;
	v2 =	vor.u32 $0x4, v0;
	v3 =	vor.u32 $0x6, v0;
	s11 =	sshrl.u32 s2, $0x3;
	s1 =	simm.s32 $0x2;
	s2 =	simm.s32 $0xB180  }
.LBB2_12:
0x16: {  	_ =	swait.ge [sflag:s18], $0x2800  }
0x17: {  	[sflag:s18] =	ssyncset.done $0x0  }
0x18: {  	[sflag:s18] =	ssyncadd.s32 $0xFFFFD800  }
0x19: {  	_ =	swait.ge [sflag:s25], $0x2800  }
0x1a: {  	[sflag:s25] =	ssyncset.done $0x0  }
0x1b: {  	[sflag:s25] =	ssyncadd.s32 $0xFFFFD800  }
0x1c: {  	[bflag:$0x0] =	sbarrier.arrive $0xFFFF  }
0x1d: {  	s9 =	rddreg [dreg:$0x7]  }
0x1e: {  	[hbm:s9], [sflag:s16] =	dma.local [spmem:s12], $0x1900  }
0x1f: {  	_ =	swait.ge [sflag:s17], $0x1900  }
0x20: {  	s10 =	smov.u32 s16;
	s19 =	sadd.s32 $0x1, s19;
	s16 =	rddreg [dreg:$0x8]  }
0x21: {  	p0 =	sne.s32 s19, s16  }
.Ltmp1:
0x22: {  	_ = 	snop;
	(pc) =	sbr.rel @!p0 .LBB2_13-.Ltmp1, $3  }
0x23: {  	_ =	sdelay $0x1  }
0x24: {  	[sflag:s17] =	ssyncset.done $0x0  }
0x25: {  	s11 =	smov.u32 s12;
	[sflag:s17] =	ssyncadd.s32 $0xFFFFE700  }
.LBB2_1:
0x26: {  	s9 =	rddreg [dreg:$0x4]  }
0x27: {  	[spmem:s11], [sflag:s10] =	dma.local [hbm:s9], $0x1900  }
0x28: {  	_ =	swait.ge [sflag:s17], $0x1900  }
0x29: {  	[sflag:s17] =	ssyncset.done $0x0  }
0x2a: {  	[sflag:s17] =	ssyncadd.s32 $0xFFFFE700  }
0x2b: {  	s15 =	simm.s32 $0x10200;
	s14 =	rddreg [dreg:$0x1]  }
0x2c: {  	[tilespmem:s15], [sflag:$0x5] =	stream.linear.gather [hbm4b:s14+s4], $0x10, $0x38;
	[tilespmem:$0x1CA10] =	vst v63  }
0x2d: {  	_ =	swait.ge [sflag:s17], $0x10  }
0x2e: {  	[sflag:s17] =	ssyncset.done $0x0  }
0x2f: {  	s16 =	smov.u32 s10;
	s10 =	rddreg [dreg:$0x5];
	[sflag:s17] =	ssyncadd.s32 $0xFFFFFFF0  }
0x30: {  	[tilespmem:s4], [sflag:$0x5] =	stream.linear.gather [hbm4b:s10+s4], $0x2800, $0x38;
	[tilespmem:$0x1CA10] =	vst v63  }
0x31: {  	_ =	swait.ge [sflag:s17], $0x2800  }
0x32: {  	s12 =	smov.u32 s11;
	[sflag:s17] =	ssyncset.done $0x0  }
0x33: {  	s13 =	simm.s32 $0x2800;
	s11 =	rddreg [dreg:$0x9];
	[sflag:s17] =	ssyncadd.s32 $0xFFFFD800  }
0x34: {  	[tilespmem:s13], [sflag:$0x5] =	stream.linear.gather [hbm4b:s11+s4], $0x2800, $0x38;
	[tilespmem:$0x1CA10] =	vst v63  }
0x35: {  	_ =	swait.ge [sflag:s17], $0x2800  }
0x36: {  	[sflag:s17] =	ssyncset.done $0x0  }
0x37: {  	[sflag:s17] =	ssyncadd.s32 $0xFFFFD800  }
0x38: {  	[bflag:$0x0] =	sbarrier.arrive $0xFFFF  }
0x39: {  	[tilespmem:s21], [sflag:$0x1] =	stream.indirect.gather [hbm4b:s6+s20], $0x50, s4, s20, $0xb8;
	[tilespmem:$0x1CA10] =	vst v63  }
0x3a: {  	_ = 	snop  }
0x3b: {  	[tilespmem:s22], [sflag:$0x1] =	stream.indirect.gather [hbm4b:s7+s20], $0x10, s13, s20, $0xb8;
	[tilespmem:$0x1CA10] =	vst v63  }
0x3c: {  	_ = 	snop  }
0x3d: {  	[tilespmem:s23], [sflag:$0x1] =	stream.linear.gather [hbm4b:s11+s4], $0x80, $0x38;
	[tilespmem:$0x1CA10] =	vst v63  }
0x3e: {  	_ = 	snop  }
0x3f: {  	[tilespmem:s24], [sflag:$0x2] =	stream.indirect.gather [hbm4b:s6+s20], $0x50, s20, s20, $0xb8;
	[tilespmem:$0x1CA10] =	vst v63  }
0x40: {  	s14 =	simm.s32 $0x2880  }
0x41: {  	[tilespmem:s26], [sflag:$0x2] =	stream.indirect.gather [hbm4b:s7+s20], $0x10, s14, s20, $0xb8;
	[tilespmem:$0x1CA10] =	vst v63  }
0x42: {  	s9 =	simm.s32 $0x0;
	s15 =	rddreg [dreg:$0x6]  }
0x43: {  	[tilespmem:s28], [sflag:$0x2] =	stream.linear.gather [hbm4b:s15+s4], $0x80, $0x38;
	[tilespmem:$0x1CA10] =	vst v63  }
.LBB2_2:
0x44: {  	_ =	swait.ge [sflag:s29], $0x2800  }
0x45: {  	[sflag:s29] =	ssyncset.done $0x0  }
0x46: {  	[sflag:s29] =	ssyncadd.s32 $0xFFFFD800  }
0x47: {  	_ =	swait.ge [sflag:s29], $0x800  }
0x48: {  	[sflag:s29] =	ssyncset.done $0x0  }
0x49: {  	[sflag:s29] =	ssyncadd.s32 $0xFFFFF800  }
0x4a: {  	_ =	swait.ge [sflag:s29], $0x80  }
0x4b: {  	p0 =	seq.s32 s9, $0x0;
	[sflag:s29] =	ssyncset.done $0x0  }
0x4c: {  	s11 =	simm.s32 @!p0 $0x3;
	[sflag:s29] =	ssyncadd.s32 $0xFFFFFF80  }
0x4d: {  	_ =	swait.ge @!p0 [sflag:s11], $0x2800  }
0x4e: {  	[sflag:s11] =	ssyncset.done @!p0 $0x0  }
0x4f: {  	s13 =	simm.s32 $0x0;
	[sflag:s11] =	ssyncadd.s32 @!p0 $0xFFFFD800  }
0x50: {  	s14 =	simm.s32 $0xA020;
	v4 =	vld [tilespmem:s13+$0x5040]  }
0x51: {  	v5 =	vld [tilespmem:s14+$0xFFFFFFE0];
	_ =	sdelay $0x4  }
0x52: {  	v6 =	vld [tilespmem:$0x10200];
	v4 =	vadd.f32 v5, v4;
	_ =	sdelay $0x1  }
0x53: {  	v5 =	vmul.f32 $2.000000030e-01, v4;
	_ =	sdelay $0x1  }
0x54: {  	v4 =	vmax.f32 v4, v5  }
0x55: {  	v4 =	vsub.f32 v4, v6;
	_ =	sdelay $0x1  }
0x56: {  	v4 =	vmul.f32 $1.442695020e+00, v4;
	_ =	sdelay $0x1  }
0x57: {  	(erf) = vpow2.f32 v4;
	_ =	sdelay $0x6  }
0x58: {  	v4 =	vld [tilespmem:s13+$0x5010]  }
0x59: {  	v5 =	vld [tilespmem:s13+$0x5030]  }
0x5a: {  	v50 =	vld [tilespmem:s13+$0x5000];
	v7 =	vpop (erf)  }
0x5b: {  	v8 =	vld [tilespmem:s13+$0x5020];
	v9 =	vperm.xlane v7, v1  }
0x5c: {  	v10 =	vperm.xlane v7, v3  }
0x5d: {  	v11 =	vperm.xlane v7, v0;
	v4 =	vmul.f32 v4, v9  }
0x5e: {  	v51 =	vperm.xlane v7, v2;
	[tilespmem:s13+$0xB240] =	vst v7;
	v5 =	vmul.f32 v5, v10  }
0x5f: {  	v6 =	vmul.f32 v50, v11;
	[tilespmem:s13+$0xB210] =	vst v4  }
0x60: {  	v4 =	vmul.f32 v8, v51;
	[tilespmem:s13+$0xB230] =	vst v5  }
0x61: {  	[tilespmem:s13+$0xB200] =	vst v6  }
0x62: {  	[tilespmem:s13+$0xB220] =	vst v4;
	v4 =	vld [tilespmem:s13+$0x5090]  }
0x63: {  	v5 =	vld [tilespmem:s14+$0xFFFFFFF0];
	_ =	sdelay $0x4  }
0x64: {  	v6 =	vld [tilespmem:$0x10200];
	v4 =	vadd.f32 v5, v4;
	_ =	sdelay $0x1  }
0x65: {  	v5 =	vmul.f32 $2.000000030e-01, v4;
	_ =	sdelay $0x1  }
0x66: {  	v4 =	vmax.f32 v4, v5  }
0x67: {  	v4 =	vsub.f32 v4, v6;
	_ =	sdelay $0x1  }
0x68: {  	v4 =	vmul.f32 $1.442695020e+00, v4;
	_ =	sdelay $0x1  }
0x69: {  	(erf) = vpow2.f32 v4;
	_ =	sdelay $0x6  }
0x6a: {  	v4 =	vld [tilespmem:s13+$0x5050]  }
0x6b: {  	v5 =	vld [tilespmem:s13+$0x5060]  }
0x6c: {  	v52 =	vld [tilespmem:s13+$0x5080];
	v53 =	vpop (erf)  }
0x6d: {  	v54 =	vld [tilespmem:s13+$0x5070];
	v55 =	vperm.xlane v53, v0  }
0x6e: {  	v56 =	vperm.xlane v53, v1  }
0x6f: {  	v57 =	vperm.xlane v53, v3;
	v4 =	vmul.f32 v4, v55  }
0x70: {  	[tilespmem:s13+$0xB290] =	vst v53;
	v7 =	vperm.xlane v53, v2;
	v5 =	vmul.f32 v5, v56  }
0x71: {  	v6 =	vmul.f32 v52, v57;
	[tilespmem:s13+$0xB250] =	vst v4  }
0x72: {  	v4 =	vmul.f32 v54, v7;
	[tilespmem:s13+$0xB260] =	vst v5  }
0x73: {  	[tilespmem:s13+$0xB280] =	vst v6  }
0x74: {  	[tilespmem:s13+$0xB270] =	vst v4;
	v4 =	vld [tilespmem:s13+$0x50E0]  }
0x75: {  	v5 =	vld [tilespmem:s14+$0x0];
	_ =	sdelay $0x4  }
0x76: {  	v6 =	vld [tilespmem:$0x10200];
	v4 =	vadd.f32 v5, v4;
	_ =	sdelay $0x1  }
0x77: {  	v5 =	vmul.f32 $2.000000030e-01, v4;
	_ =	sdelay $0x1  }
0x78: {  	v4 =	vmax.f32 v4, v5  }
0x79: {  	v4 =	vsub.f32 v4, v6;
	_ =	sdelay $0x1  }
0x7a: {  	v4 =	vmul.f32 $1.442695020e+00, v4;
	_ =	sdelay $0x1  }
0x7b: {  	(erf) = vpow2.f32 v4;
	_ =	sdelay $0x6  }
0x7c: {  	v4 =	vld [tilespmem:s13+$0x50A0]  }
0x7d: {  	v5 =	vld [tilespmem:s13+$0x50D0]  }
0x7e: {  	v58 =	vld [tilespmem:s13+$0x50B0];
	v59 =	vpop (erf)  }
0x7f: {  	v60 =	vld [tilespmem:s13+$0x50C0];
	v61 =	vperm.xlane v59, v0  }
0x80: {  	v62 =	vperm.xlane v59, v3  }
0x81: {  	v63 =	vperm.xlane v59, v1;
	v4 =	vmul.f32 v4, v61  }
0x82: {  	[tilespmem:s13+$0xB2E0] =	vst v59;
	v7 =	vperm.xlane v59, v2;
	v5 =	vmul.f32 v5, v62  }
0x83: {  	v6 =	vmul.f32 v58, v63;
	[tilespmem:s13+$0xB2A0] =	vst v4  }
0x84: {  	v4 =	vmul.f32 v60, v7;
	[tilespmem:s13+$0xB2D0] =	vst v5  }
0x85: {  	[tilespmem:s13+$0xB2B0] =	vst v6  }
0x86: {  	[tilespmem:s13+$0xB2C0] =	vst v4;
	v4 =	vld [tilespmem:s13+$0x5130]  }
0x87: {  	v5 =	vld [tilespmem:s14+$0x10];
	_ =	sdelay $0x4  }
0x88: {  	v6 =	vld [tilespmem:$0x10200];
	v4 =	vadd.f32 v5, v4;
	_ =	sdelay $0x1  }
0x89: {  	v5 =	vmul.f32 $2.000000030e-01, v4;
	_ =	sdelay $0x1  }
0x8a: {  	v4 =	vmax.f32 v4, v5  }
0x8b: {  	v4 =	vsub.f32 v4, v6;
	_ =	sdelay $0x1  }
0x8c: {  	v4 =	vmul.f32 $1.442695020e+00, v4;
	_ =	sdelay $0x1  }
0x8d: {  	s15 =	simm.s32 $0x500;
	s11 =	sshll.u32 s9, $0x9;
	(erf) = vpow2.f32 v4  }
.LBB2_3:
0x8e: {  	_ =	sdelay $0x1  }
0x8f: {  	p1 =	sne.s32 s15, $0x9B00  }
0x90: {  	s14 =	sadd.s32 $0x40, s14;
	s10 =	smov.u32 s15;
	s15 =	sadd.s32 $0x500, s15  }
0x91: {  	v4 =	vld [tilespmem:s13+$0x5120]  }
0x92: {  	v5 =	vld [tilespmem:s13+$0x5100]  }
0x93: {  	v6 =	vld [tilespmem:s13+$0x50F0]  }
0x94: {  	v7 =	vld [tilespmem:s13+$0x5110]  }
0x95: {  	v8 =	vpop (erf)  }
0x96: {  	v9 =	vperm.xlane v8, v0;
	v10 =	vperm.xlane v8, v1;
	[tilespmem:s13+$0xB330] =	vst v8  }
0x97: {  	v11 =	vperm.xlane v8, v2;
	v8 =	vperm.xlane v8, v3  }
0x98: {  	v6 =	vmul.f32 v6, v9;
	v5 =	vmul.f32 v5, v10  }
0x99: {  	v7 =	vmul.f32 v7, v11;
	v4 =	vmul.f32 v4, v8  }
0x9a: {  	[tilespmem:s13+$0xB2F0] =	vst v6  }
0x9b: {  	[tilespmem:s13+$0xB320] =	vst v4  }
0x9c: {  	s10 =	sshra.s32 s10, $0x2;
	[tilespmem:s13+$0xB300] =	vst v5  }
0x9d: {  	v4 =	vld [tilespmem:s10+$0x5040];
	[tilespmem:s13+$0xB310] =	vst v7;
	s13 =	smov.u32 s10  }
0x9e: {  	v5 =	vld [tilespmem:s14+$0xFFFFFFE0];
	_ =	sdelay $0x4  }
0x9f: {  	v6 =	vld [tilespmem:$0x10200];
	v4 =	vadd.f32 v5, v4;
	_ =	sdelay $0x1  }
0xa0: {  	v5 =	vmul.f32 $2.000000030e-01, v4;
	_ =	sdelay $0x1  }
0xa1: {  	v4 =	vmax.f32 v4, v5  }
0xa2: {  	v4 =	vsub.f32 v4, v6;
	_ =	sdelay $0x1  }
0xa3: {  	v4 =	vmul.f32 $1.442695020e+00, v4;
	_ =	sdelay $0x1  }
0xa4: {  	(erf) = vpow2.f32 v4;
	_ =	sdelay $0x4  }
0xa5: {  	v4 =	vld [tilespmem:s13+$0x5030]  }
0xa6: {  	v5 =	vld [tilespmem:s13+$0x5010]  }
0xa7: {  	v6 =	vld [tilespmem:s13+$0x5000]  }
0xa8: {  	v7 =	vld [tilespmem:s13+$0x5020]  }
0xa9: {  	v8 =	vpop (erf)  }
0xaa: {  	v9 =	vperm.xlane v8, v0;
	v10 =	vperm.xlane v8, v1  }
0xab: {  	v11 =	vperm.xlane v8, v2;
	v12 =	vperm.xlane v8, v3  }
0xac: {  	v6 =	vmul.f32 v6, v9;
	v5 =	vmul.f32 v5, v10  }
0xad: {  	v4 =	vmul.f32 v4, v12;
	v7 =	vmul.f32 v7, v11;
	[tilespmem:s13+$0xB240] =	vst v8  }
0xae: {  	[tilespmem:s13+$0xB210] =	vst v5  }
0xaf: {  	[tilespmem:s13+$0xB230] =	vst v4  }
0xb0: {  	[tilespmem:s13+$0xB200] =	vst v6  }
0xb1: {  	[tilespmem:s13+$0xB220] =	vst v7;
	v4 =	vld [tilespmem:s13+$0x5090]  }
0xb2: {  	v5 =	vld [tilespmem:s14+$0xFFFFFFF0]  }
0xb3: {  	v6 =	vld [tilespmem:$0x10200];
	_ =	sdelay $0x3  }
0xb4: {  	v4 =	vadd.f32 v5, v4;
	_ =	sdelay $0x1  }
0xb5: {  	v5 =	vmul.f32 $2.000000030e-01, v4;
	_ =	sdelay $0x1  }
0xb6: {  	v4 =	vmax.f32 v4, v5  }
0xb7: {  	v4 =	vsub.f32 v4, v6;
	_ =	sdelay $0x1  }
0xb8: {  	v4 =	vmul.f32 $1.442695020e+00, v4;
	_ =	sdelay $0x1  }
0xb9: {  	(erf) = vpow2.f32 v4;
	_ =	sdelay $0x4  }
0xba: {  	v4 =	vld [tilespmem:s13+$0x5080]  }
0xbb: {  	v5 =	vld [tilespmem:s13+$0x5060]  }
0xbc: {  	v6 =	vld [tilespmem:s13+$0x5050]  }
0xbd: {  	v7 =	vld [tilespmem:s13+$0x5070]  }
0xbe: {  	v8 =	vpop (erf)  }
0xbf: {  	v9 =	vperm.xlane v8, v0;
	v10 =	vperm.xlane v8, v1;
	[tilespmem:s13+$0xB290] =	vst v8  }
0xc0: {  	v11 =	vperm.xlane v8, v2;
	v8 =	vperm.xlane v8, v3  }
0xc1: {  	v6 =	vmul.f32 v6, v9;
	v5 =	vmul.f32 v5, v10  }
0xc2: {  	v4 =	vmul.f32 v4, v8;
	v7 =	vmul.f32 v7, v11  }
0xc3: {  	[tilespmem:s13+$0xB250] =	vst v6  }
0xc4: {  	[tilespmem:s13+$0xB260] =	vst v5  }
0xc5: {  	[tilespmem:s13+$0xB280] =	vst v4  }
0xc6: {  	[tilespmem:s13+$0xB270] =	vst v7;
	v4 =	vld [tilespmem:s13+$0x50E0]  }
0xc7: {  	v5 =	vld [tilespmem:s14+$0x0]  }
0xc8: {  	v6 =	vld [tilespmem:$0x10200];
	_ =	sdelay $0x3  }
0xc9: {  	v4 =	vadd.f32 v5, v4;
	_ =	sdelay $0x1  }
0xca: {  	v5 =	vmul.f32 $2.000000030e-01, v4;
	_ =	sdelay $0x1  }
0xcb: {  	v4 =	vmax.f32 v4, v5  }
0xcc: {  	v4 =	vsub.f32 v4, v6;
	_ =	sdelay $0x1  }
0xcd: {  	v4 =	vmul.f32 $1.442695020e+00, v4;
	_ =	sdelay $0x1  }
0xce: {  	(erf) = vpow2.f32 v4;
	_ =	sdelay $0x4  }
0xcf: {  	v4 =	vld [tilespmem:s13+$0x50D0]  }
0xd0: {  	v5 =	vld [tilespmem:s13+$0x50B0]  }
0xd1: {  	v6 =	vld [tilespmem:s13+$0x50A0]  }
0xd2: {  	v7 =	vld [tilespmem:s13+$0x50C0]  }
0xd3: {  	v8 =	vpop (erf)  }
0xd4: {  	v9 =	vperm.xlane v8, v0;
	v10 =	vperm.xlane v8, v1;
	[tilespmem:s13+$0xB2E0] =	vst v8  }
0xd5: {  	v11 =	vperm.xlane v8, v2;
	v8 =	vperm.xlane v8, v3  }
0xd6: {  	v6 =	vmul.f32 v6, v9;
	v5 =	vmul.f32 v5, v10  }
0xd7: {  	v4 =	vmul.f32 v4, v8;
	v7 =	vmul.f32 v7, v11  }
0xd8: {  	[tilespmem:s13+$0xB2A0] =	vst v6  }
0xd9: {  	[tilespmem:s13+$0xB2D0] =	vst v4  }
0xda: {  	[tilespmem:s13+$0xB2B0] =	vst v5  }
0xdb: {  	[tilespmem:s13+$0xB2C0] =	vst v7;
	v4 =	vld [tilespmem:s13+$0x5130]  }
0xdc: {  	v5 =	vld [tilespmem:s14+$0x10]  }
0xdd: {  	v6 =	vld [tilespmem:$0x10200];
	_ =	sdelay $0x3  }
0xde: {  	v4 =	vadd.f32 v5, v4;
	_ =	sdelay $0x1  }
0xdf: {  	v5 =	vmul.f32 $2.000000030e-01, v4;
	_ =	sdelay $0x1  }
0xe0: {  	v4 =	vmax.f32 v4, v5  }
.Ltmp2:
0xe1: {  	v4 =	vsub.f32 v4, v6;
	(pc) =	sbr.rel @p1 .LBB2_3-.Ltmp2, $3  }
0xe2: {  	_ = 	snop  }
0xe3: {  	v4 =	vmul.f32 $1.442695020e+00, v4;
	_ =	sdelay $0x1  }
0xe4: {  	(erf) = vpow2.f32 v4  }
0xe5: {  	_ =	sdelay $0x5  }
0xe6: {  	v4 =	vld [tilespmem:s13+$0x50F0]  }
0xe7: {  	v5 =	vld [tilespmem:s13+$0x5120]  }
0xe8: {  	v6 =	vld [tilespmem:s13+$0x5100];
	v7 =	vpop (erf)  }
0xe9: {  	v8 =	vld [tilespmem:s13+$0x5110];
	v9 =	vperm.xlane v7, v0  }
0xea: {  	v10 =	vperm.xlane v7, v3  }
0xeb: {  	v11 =	vperm.xlane v7, v1;
	v4 =	vmul.f32 v4, v9  }
0xec: {  	[tilespmem:s13+$0xB330] =	vst v7;
	v7 =	vperm.xlane v7, v2;
	v5 =	vmul.f32 v5, v10  }
0xed: {  	v6 =	vmul.f32 v6, v11;
	[tilespmem:s13+$0xB2F0] =	vst v4  }
0xee: {  	v4 =	vmul.f32 v8, v7;
	[tilespmem:s13+$0xB320] =	vst v5  }
0xef: {  	[tilespmem:s13+$0xB300] =	vst v6  }
0xf0: {  	[tilespmem:s13+$0xB310] =	vst v4  }
0xf1: {  	[spmem:s3] =	stream.indirect.scatter.add.f32 [tilespmem:s30], [sflag:$0x3], $0x50, s23, s20, $0xb8;
	[tilespmem:$0x1CA10] =	vst v63  }
0xf2: {  	s10 =	sor.u32 $0x100, s11  }
0xf3: {  	[tilespmem:s21], [sflag:$0x1] =	stream.indirect.gather [hbm4b:s6+s20], $0x50, s10, s20, $0xb8;
	[tilespmem:$0x1CA10] =	vst v63  }
0xf4: {  	s10 =	sadd.s32 s5, s10  }
0xf5: {  	s15 =	sadd.s32 $0x2900, s11;
	s10 =	sshrl.u32 s10, $0x3  }
0xf6: {  	[tilespmem:s22], [sflag:$0x1] =	stream.indirect.gather [hbm4b:s7+s20], $0x10, s15, s20, $0xb8;
	[tilespmem:$0x1CA10] =	vst v63  }
0xf7: {  	s10 =	sadd.s32 s8, s10  }
0xf8: {  	[tilespmem:s31], [sflag:$0x1] =	stream.linear.gather [hbm4b:s10+s4], $0x80, $0x38;
	[tilespmem:$0x1CA10] =	vst v63  }
0xf9: {  	_ =	swait.ge [sflag:s1], $0x2800  }
0xfa: {  	[sflag:s1] =	ssyncset.done $0x0  }
0xfb: {  	[sflag:s1] =	ssyncadd.s32 $0xFFFFD800  }
0xfc: {  	_ =	swait.ge [sflag:s1], $0x800  }
0xfd: {  	[sflag:s1] =	ssyncset.done $0x0  }
0xfe: {  	[sflag:s1] =	ssyncadd.s32 $0xFFFFF800  }
0xff: {  	_ =	swait.ge [sflag:s1], $0x80  }
0x100: {  	[sflag:s1] =	ssyncset.done $0x0  }
0x101: {  	s10 =	simm.s32 @!p0 $0x4;
	[sflag:s1] =	ssyncadd.s32 $0xFFFFFF80  }
0x102: {  	_ =	swait.ge @!p0 [sflag:s10], $0x2800  }
0x103: {  	[sflag:s10] =	ssyncset.done @!p0 $0x0  }
0x104: {  	s13 =	simm.s32 $0x0;
	[sflag:s10] =	ssyncadd.s32 @!p0 $0xFFFFD800  }
0x105: {  	s14 =	simm.s32 $0xA820;
	v4 =	vld [tilespmem:s13+$0x7840]  }
0x106: {  	v5 =	vld [tilespmem:s14+$0xFFFFFFE0];
	_ =	sdelay $0x4  }
0x107: {  	v44 =	vld [tilespmem:$0x10200];
	v4 =	vadd.f32 v5, v4;
	_ =	sdelay $0x1  }
0x108: {  	v5 =	vmul.f32 $2.000000030e-01, v4;
	_ =	sdelay $0x1  }
0x109: {  	v4 =	vmax.f32 v4, v5  }
0x10a: {  	v4 =	vsub.f32 v4, v44;
	_ =	sdelay $0x1  }
0x10b: {  	v4 =	vmul.f32 $1.442695020e+00, v4;
	_ =	sdelay $0x1  }
0x10c: {  	(erf) = vpow2.f32 v4;
	_ =	sdelay $0x6  }
0x10d: {  	v4 =	vld [tilespmem:s13+$0x7810]  }
0x10e: {  	v5 =	vld [tilespmem:s13+$0x7830]  }
0x10f: {  	v45 =	vld [tilespmem:s13+$0x7800];
	v46 =	vpop (erf)  }
0x110: {  	v47 =	vld [tilespmem:s13+$0x7820];
	v48 =	vperm.xlane v46, v1  }
0x111: {  	v49 =	vperm.xlane v46, v3  }
0x112: {  	v50 =	vperm.xlane v46, v0;
	v4 =	vmul.f32 v4, v48  }
0x113: {  	v51 =	vperm.xlane v46, v2;
	[tilespmem:s13+$0xDA40] =	vst v46;
	v5 =	vmul.f32 v5, v49  }
0x114: {  	v6 =	vmul.f32 v45, v50;
	[tilespmem:s13+$0xDA10] =	vst v4  }
0x115: {  	v4 =	vmul.f32 v47, v51;
	[tilespmem:s13+$0xDA30] =	vst v5  }
0x116: {  	[tilespmem:s13+$0xDA00] =	vst v6  }
0x117: {  	[tilespmem:s13+$0xDA20] =	vst v4;
	v4 =	vld [tilespmem:s13+$0x7890]  }
0x118: {  	v5 =	vld [tilespmem:s14+$0xFFFFFFF0];
	_ =	sdelay $0x4  }
0x119: {  	v6 =	vld [tilespmem:$0x10200];
	v4 =	vadd.f32 v5, v4;
	_ =	sdelay $0x1  }
0x11a: {  	v5 =	vmul.f32 $2.000000030e-01, v4;
	_ =	sdelay $0x1  }
0x11b: {  	v4 =	vmax.f32 v4, v5  }
0x11c: {  	v4 =	vsub.f32 v4, v6;
	_ =	sdelay $0x1  }
0x11d: {  	v4 =	vmul.f32 $1.442695020e+00, v4;
	_ =	sdelay $0x1  }
0x11e: {  	(erf) = vpow2.f32 v4;
	_ =	sdelay $0x6  }
0x11f: {  	v4 =	vld [tilespmem:s13+$0x7850]  }
0x120: {  	v5 =	vld [tilespmem:s13+$0x7860]  }
0x121: {  	v52 =	vld [tilespmem:s13+$0x7880];
	v53 =	vpop (erf)  }
0x122: {  	v54 =	vld [tilespmem:s13+$0x7870];
	v55 =	vperm.xlane v53, v0  }
0x123: {  	v56 =	vperm.xlane v53, v1  }
0x124: {  	v57 =	vperm.xlane v53, v3;
	v4 =	vmul.f32 v4, v55  }
0x125: {  	[tilespmem:s13+$0xDA90] =	vst v53;
	v7 =	vperm.xlane v53, v2;
	v5 =	vmul.f32 v5, v56  }
0x126: {  	v6 =	vmul.f32 v52, v57;
	[tilespmem:s13+$0xDA50] =	vst v4  }
0x127: {  	v4 =	vmul.f32 v54, v7;
	[tilespmem:s13+$0xDA60] =	vst v5  }
0x128: {  	[tilespmem:s13+$0xDA80] =	vst v6  }
0x129: {  	[tilespmem:s13+$0xDA70] =	vst v4;
	v4 =	vld [tilespmem:s13+$0x78E0]  }
0x12a: {  	v5 =	vld [tilespmem:s14+$0x0];
	_ =	sdelay $0x4  }
0x12b: {  	v6 =	vld [tilespmem:$0x10200];
	v4 =	vadd.f32 v5, v4;
	_ =	sdelay $0x1  }
0x12c: {  	v5 =	vmul.f32 $2.000000030e-01, v4;
	_ =	sdelay $0x1  }
0x12d: {  	v4 =	vmax.f32 v4, v5  }
0x12e: {  	v4 =	vsub.f32 v4, v6;
	_ =	sdelay $0x1  }
0x12f: {  	v4 =	vmul.f32 $1.442695020e+00, v4;
	_ =	sdelay $0x1  }
0x130: {  	(erf) = vpow2.f32 v4;
	_ =	sdelay $0x6  }
0x131: {  	v4 =	vld [tilespmem:s13+$0x78A0]  }
0x132: {  	v5 =	vld [tilespmem:s13+$0x78D0]  }
0x133: {  	v58 =	vld [tilespmem:s13+$0x78B0];
	v59 =	vpop (erf)  }
0x134: {  	v60 =	vld [tilespmem:s13+$0x78C0];
	v61 =	vperm.xlane v59, v0  }
0x135: {  	v62 =	vperm.xlane v59, v3  }
0x136: {  	v63 =	vperm.xlane v59, v1;
	v4 =	vmul.f32 v4, v61  }
0x137: {  	[tilespmem:s13+$0xDAE0] =	vst v59;
	v7 =	vperm.xlane v59, v2;
	v5 =	vmul.f32 v5, v62  }
0x138: {  	v6 =	vmul.f32 v58, v63;
	[tilespmem:s13+$0xDAA0] =	vst v4  }
0x139: {  	v4 =	vmul.f32 v60, v7;
	[tilespmem:s13+$0xDAD0] =	vst v5  }
0x13a: {  	[tilespmem:s13+$0xDAB0] =	vst v6  }
0x13b: {  	[tilespmem:s13+$0xDAC0] =	vst v4;
	v4 =	vld [tilespmem:s13+$0x7930]  }
0x13c: {  	v5 =	vld [tilespmem:s14+$0x10];
	_ =	sdelay $0x4  }
0x13d: {  	v6 =	vld [tilespmem:$0x10200];
	v4 =	vadd.f32 v5, v4;
	_ =	sdelay $0x1  }
0x13e: {  	v5 =	vmul.f32 $2.000000030e-01, v4;
	_ =	sdelay $0x1  }
0x13f: {  	v4 =	vmax.f32 v4, v5  }
0x140: {  	v4 =	vsub.f32 v4, v6;
	_ =	sdelay $0x1  }
0x141: {  	v4 =	vmul.f32 $1.442695020e+00, v4;
	_ =	sdelay $0x1  }
0x142: {  	s15 =	simm.s32 $0x500;
	(erf) = vpow2.f32 v4  }
.LBB2_5:
0x143: {  	_ =	sdelay $0x1  }
0x144: {  	p0 =	sne.s32 s15, $0x9B00  }
0x145: {  	s14 =	sadd.s32 $0x40, s14;
	s10 =	smov.u32 s15;
	s15 =	sadd.s32 $0x500, s15  }
0x146: {  	v4 =	vld [tilespmem:s13+$0x7920]  }
0x147: {  	v5 =	vld [tilespmem:s13+$0x7900]  }
0x148: {  	v6 =	vld [tilespmem:s13+$0x78F0]  }
0x149: {  	v7 =	vld [tilespmem:s13+$0x7910]  }
0x14a: {  	v8 =	vpop (erf)  }
0x14b: {  	v9 =	vperm.xlane v8, v0;
	v10 =	vperm.xlane v8, v1;
	[tilespmem:s13+$0xDB30] =	vst v8  }
0x14c: {  	v11 =	vperm.xlane v8, v2;
	v8 =	vperm.xlane v8, v3  }
0x14d: {  	v6 =	vmul.f32 v6, v9;
	v5 =	vmul.f32 v5, v10  }
0x14e: {  	v7 =	vmul.f32 v7, v11;
	v4 =	vmul.f32 v4, v8  }
0x14f: {  	[tilespmem:s13+$0xDAF0] =	vst v6  }
0x150: {  	[tilespmem:s13+$0xDB20] =	vst v4  }
0x151: {  	s10 =	sshra.s32 s10, $0x2;
	[tilespmem:s13+$0xDB00] =	vst v5  }
0x152: {  	v4 =	vld [tilespmem:s10+$0x7840];
	[tilespmem:s13+$0xDB10] =	vst v7;
	s13 =	smov.u32 s10  }
0x153: {  	v5 =	vld [tilespmem:s14+$0xFFFFFFE0];
	_ =	sdelay $0x4  }
0x154: {  	v6 =	vld [tilespmem:$0x10200];
	v4 =	vadd.f32 v5, v4;
	_ =	sdelay $0x1  }
0x155: {  	v5 =	vmul.f32 $2.000000030e-01, v4;
	_ =	sdelay $0x1  }
0x156: {  	v4 =	vmax.f32 v4, v5  }
0x157: {  	v4 =	vsub.f32 v4, v6;
	_ =	sdelay $0x1  }
0x158: {  	v4 =	vmul.f32 $1.442695020e+00, v4;
	_ =	sdelay $0x1  }
0x159: {  	(erf) = vpow2.f32 v4;
	_ =	sdelay $0x4  }
0x15a: {  	v4 =	vld [tilespmem:s13+$0x7830]  }
0x15b: {  	v5 =	vld [tilespmem:s13+$0x7810]  }
0x15c: {  	v6 =	vld [tilespmem:s13+$0x7800]  }
0x15d: {  	v7 =	vld [tilespmem:s13+$0x7820]  }
0x15e: {  	v8 =	vpop (erf)  }
0x15f: {  	v9 =	vperm.xlane v8, v0;
	v10 =	vperm.xlane v8, v1  }
0x160: {  	v11 =	vperm.xlane v8, v2;
	v12 =	vperm.xlane v8, v3  }
0x161: {  	v6 =	vmul.f32 v6, v9;
	v5 =	vmul.f32 v5, v10  }
0x162: {  	v4 =	vmul.f32 v4, v12;
	v7 =	vmul.f32 v7, v11;
	[tilespmem:s13+$0xDA40] =	vst v8  }
0x163: {  	[tilespmem:s13+$0xDA10] =	vst v5  }
0x164: {  	[tilespmem:s13+$0xDA30] =	vst v4  }
0x165: {  	[tilespmem:s13+$0xDA00] =	vst v6  }
0x166: {  	[tilespmem:s13+$0xDA20] =	vst v7;
	v4 =	vld [tilespmem:s13+$0x7890]  }
0x167: {  	v5 =	vld [tilespmem:s14+$0xFFFFFFF0]  }
0x168: {  	v6 =	vld [tilespmem:$0x10200];
	_ =	sdelay $0x3  }
0x169: {  	v4 =	vadd.f32 v5, v4;
	_ =	sdelay $0x1  }
0x16a: {  	v5 =	vmul.f32 $2.000000030e-01, v4;
	_ =	sdelay $0x1  }
0x16b: {  	v4 =	vmax.f32 v4, v5  }
0x16c: {  	v4 =	vsub.f32 v4, v6;
	_ =	sdelay $0x1  }
0x16d: {  	v4 =	vmul.f32 $1.442695020e+00, v4;
	_ =	sdelay $0x1  }
0x16e: {  	(erf) = vpow2.f32 v4;
	_ =	sdelay $0x4  }
0x16f: {  	v4 =	vld [tilespmem:s13+$0x7880]  }
0x170: {  	v5 =	vld [tilespmem:s13+$0x7860]  }
0x171: {  	v6 =	vld [tilespmem:s13+$0x7850]  }
0x172: {  	v7 =	vld [tilespmem:s13+$0x7870]  }
0x173: {  	v8 =	vpop (erf)  }
0x174: {  	v9 =	vperm.xlane v8, v0;
	v10 =	vperm.xlane v8, v1;
	[tilespmem:s13+$0xDA90] =	vst v8  }
0x175: {  	v11 =	vperm.xlane v8, v2;
	v8 =	vperm.xlane v8, v3  }
0x176: {  	v6 =	vmul.f32 v6, v9;
	v5 =	vmul.f32 v5, v10  }
0x177: {  	v4 =	vmul.f32 v4, v8;
	v7 =	vmul.f32 v7, v11  }
0x178: {  	[tilespmem:s13+$0xDA50] =	vst v6  }
0x179: {  	[tilespmem:s13+$0xDA60] =	vst v5  }
0x17a: {  	[tilespmem:s13+$0xDA80] =	vst v4  }
0x17b: {  	[tilespmem:s13+$0xDA70] =	vst v7;
	v4 =	vld [tilespmem:s13+$0x78E0]  }
0x17c: {  	v5 =	vld [tilespmem:s14+$0x0]  }
0x17d: {  	v6 =	vld [tilespmem:$0x10200];
	_ =	sdelay $0x3  }
0x17e: {  	v4 =	vadd.f32 v5, v4;
	_ =	sdelay $0x1  }
0x17f: {  	v5 =	vmul.f32 $2.000000030e-01, v4;
	_ =	sdelay $0x1  }
0x180: {  	v4 =	vmax.f32 v4, v5  }
0x181: {  	v4 =	vsub.f32 v4, v6;
	_ =	sdelay $0x1  }
0x182: {  	v4 =	vmul.f32 $1.442695020e+00, v4;
	_ =	sdelay $0x1  }
0x183: {  	(erf) = vpow2.f32 v4;
	_ =	sdelay $0x4  }
0x184: {  	v4 =	vld [tilespmem:s13+$0x78D0]  }
0x185: {  	v5 =	vld [tilespmem:s13+$0x78B0]  }
0x186: {  	v6 =	vld [tilespmem:s13+$0x78A0]  }
0x187: {  	v7 =	vld [tilespmem:s13+$0x78C0]  }
0x188: {  	v8 =	vpop (erf)  }
0x189: {  	v9 =	vperm.xlane v8, v0;
	v10 =	vperm.xlane v8, v1;
	[tilespmem:s13+$0xDAE0] =	vst v8  }
0x18a: {  	v11 =	vperm.xlane v8, v2;
	v8 =	vperm.xlane v8, v3  }
0x18b: {  	v6 =	vmul.f32 v6, v9;
	v5 =	vmul.f32 v5, v10  }
0x18c: {  	v4 =	vmul.f32 v4, v8;
	v7 =	vmul.f32 v7, v11  }
0x18d: {  	[tilespmem:s13+$0xDAA0] =	vst v6  }
0x18e: {  	[tilespmem:s13+$0xDAD0] =	vst v4  }
0x18f: {  	[tilespmem:s13+$0xDAB0] =	vst v5  }
0x190: {  	[tilespmem:s13+$0xDAC0] =	vst v7;
	v4 =	vld [tilespmem:s13+$0x7930]  }
0x191: {  	v5 =	vld [tilespmem:s14+$0x10]  }
0x192: {  	v6 =	vld [tilespmem:$0x10200];
	_ =	sdelay $0x3  }
0x193: {  	v4 =	vadd.f32 v5, v4;
	_ =	sdelay $0x1  }
0x194: {  	v5 =	vmul.f32 $2.000000030e-01, v4;
	_ =	sdelay $0x1  }
0x195: {  	v4 =	vmax.f32 v4, v5  }
.Ltmp3:
0x196: {  	v4 =	vsub.f32 v4, v6;
	(pc) =	sbr.rel @p0 .LBB2_5-.Ltmp3, $3  }
0x197: {  	_ = 	snop  }
0x198: {  	v4 =	vmul.f32 $1.442695020e+00, v4;
	_ =	sdelay $0x1  }
0x199: {  	(erf) = vpow2.f32 v4  }
0x19a: {  	_ =	sdelay $0x5  }
0x19b: {  	v4 =	vld [tilespmem:s13+$0x78F0]  }
0x19c: {  	v5 =	vld [tilespmem:s13+$0x7920]  }
0x19d: {  	v6 =	vld [tilespmem:s13+$0x7900];
	v7 =	vpop (erf)  }
0x19e: {  	v8 =	vld [tilespmem:s13+$0x7910];
	v9 =	vperm.xlane v7, v0  }
0x19f: {  	v10 =	vperm.xlane v7, v3  }
0x1a0: {  	v11 =	vperm.xlane v7, v1;
	v4 =	vmul.f32 v4, v9  }
0x1a1: {  	[tilespmem:s13+$0xDB30] =	vst v7;
	v7 =	vperm.xlane v7, v2;
	v5 =	vmul.f32 v5, v10  }
0x1a2: {  	v6 =	vmul.f32 v6, v11;
	[tilespmem:s13+$0xDAF0] =	vst v4  }
0x1a3: {  	v4 =	vmul.f32 v8, v7;
	[tilespmem:s13+$0xDB20] =	vst v5  }
0x1a4: {  	[tilespmem:s13+$0xDB00] =	vst v6  }
0x1a5: {  	[tilespmem:s13+$0xDB10] =	vst v4  }
0x1a6: {  	[spmem:s3] =	stream.indirect.scatter.add.f32 [tilespmem:s0], [sflag:$0x4], $0x50, s28, s20, $0xb8;
	[tilespmem:$0x1CA10] =	vst v63  }
0x1a7: {  	s10 =	sor.u32 $0x180, s11  }
0x1a8: {  	[tilespmem:s24], [sflag:$0x2] =	stream.indirect.gather [hbm4b:s6+s20], $0x50, s10, s20, $0xb8;
	[tilespmem:$0x1CA10] =	vst v63  }
0x1a9: {  	s10 =	sadd.s32 s5, s10  }
0x1aa: {  	s14 =	sadd.s32 $0x2980, s11;
	s10 =	sshrl.u32 s10, $0x3  }
0x1ab: {  	[tilespmem:s26], [sflag:$0x2] =	stream.indirect.gather [hbm4b:s7+s20], $0x10, s14, s20, $0xb8;
	[tilespmem:$0x1CA10] =	vst v63  }
0x1ac: {  	s15 =	simm.s32 $0x0;
	s10 =	sadd.s32 s8, s10  }
0x1ad: {  	[tilespmem:s2], [sflag:$0x2] =	stream.linear.gather [hbm4b:s10+s15], $0x80, $0x38;
	[tilespmem:$0x1CA10] =	vst v63  }
0x1ae: {  	_ =	swait.ge [sflag:s29], $0x2800  }
0x1af: {  	[sflag:s29] =	ssyncset.done $0x0  }
0x1b0: {  	[sflag:s29] =	ssyncadd.s32 $0xFFFFD800  }
0x1b1: {  	_ =	swait.ge [sflag:s29], $0x800  }
0x1b2: {  	[sflag:s29] =	ssyncset.done $0x0  }
0x1b3: {  	[sflag:s29] =	ssyncadd.s32 $0xFFFFF800  }
0x1b4: {  	_ =	swait.ge [sflag:s29], $0x80  }
0x1b5: {  	[sflag:s29] =	ssyncset.done $0x0  }
0x1b6: {  	[sflag:s29] =	ssyncadd.s32 $0xFFFFFF80  }
0x1b7: {  	_ =	swait.ge [sflag:s18], $0x2800  }
0x1b8: {  	[sflag:s18] =	ssyncset.done $0x0  }
0x1b9: {  	s13 =	simm.s32 $0x0;
	[sflag:s18] =	ssyncadd.s32 $0xFFFFD800  }
0x1ba: {  	s14 =	simm.s32 $0xA020;
	v4 =	vld [tilespmem:s13+$0x5040]  }
0x1bb: {  	v5 =	vld [tilespmem:s14+$0xFFFFFFE0];
	_ =	sdelay $0x4  }
0x1bc: {  	v44 =	vld [tilespmem:$0x10200];
	v4 =	vadd.f32 v5, v4;
	_ =	sdelay $0x1  }
0x1bd: {  	v5 =	vmul.f32 $2.000000030e-01, v4;
	_ =	sdelay $0x1  }
0x1be: {  	v4 =	vmax.f32 v4, v5  }
0x1bf: {  	v4 =	vsub.f32 v4, v44;
	_ =	sdelay $0x1  }
0x1c0: {  	v4 =	vmul.f32 $1.442695020e+00, v4;
	_ =	sdelay $0x1  }
0x1c1: {  	(erf) = vpow2.f32 v4;
	_ =	sdelay $0x6  }
0x1c2: {  	v4 =	vld [tilespmem:s13+$0x5010]  }
0x1c3: {  	v5 =	vld [tilespmem:s13+$0x5030]  }
0x1c4: {  	v45 =	vld [tilespmem:s13+$0x5000];
	v46 =	vpop (erf)  }
0x1c5: {  	v47 =	vld [tilespmem:s13+$0x5020];
	v48 =	vperm.xlane v46, v1  }
0x1c6: {  	v49 =	vperm.xlane v46, v3  }
0x1c7: {  	v50 =	vperm.xlane v46, v0;
	v4 =	vmul.f32 v4, v48  }
0x1c8: {  	v51 =	vperm.xlane v46, v2;
	[tilespmem:s13+$0xB240] =	vst v46;
	v5 =	vmul.f32 v5, v49  }
0x1c9: {  	v6 =	vmul.f32 v45, v50;
	[tilespmem:s13+$0xB210] =	vst v4  }
0x1ca: {  	v4 =	vmul.f32 v47, v51;
	[tilespmem:s13+$0xB230] =	vst v5  }
0x1cb: {  	[tilespmem:s13+$0xB200] =	vst v6  }
0x1cc: {  	[tilespmem:s13+$0xB220] =	vst v4;
	v4 =	vld [tilespmem:s13+$0x5090]  }
0x1cd: {  	v5 =	vld [tilespmem:s14+$0xFFFFFFF0];
	_ =	sdelay $0x4  }
0x1ce: {  	v6 =	vld [tilespmem:$0x10200];
	v4 =	vadd.f32 v5, v4;
	_ =	sdelay $0x1  }
0x1cf: {  	v5 =	vmul.f32 $2.000000030e-01, v4;
	_ =	sdelay $0x1  }
0x1d0: {  	v4 =	vmax.f32 v4, v5  }
0x1d1: {  	v4 =	vsub.f32 v4, v6;
	_ =	sdelay $0x1  }
0x1d2: {  	v4 =	vmul.f32 $1.442695020e+00, v4;
	_ =	sdelay $0x1  }
0x1d3: {  	(erf) = vpow2.f32 v4;
	_ =	sdelay $0x6  }
0x1d4: {  	v4 =	vld [tilespmem:s13+$0x5050]  }
0x1d5: {  	v5 =	vld [tilespmem:s13+$0x5060]  }
0x1d6: {  	v52 =	vld [tilespmem:s13+$0x5080];
	v53 =	vpop (erf)  }
0x1d7: {  	v54 =	vld [tilespmem:s13+$0x5070];
	v55 =	vperm.xlane v53, v0  }
0x1d8: {  	v56 =	vperm.xlane v53, v1  }
0x1d9: {  	v57 =	vperm.xlane v53, v3;
	v4 =	vmul.f32 v4, v55  }
0x1da: {  	[tilespmem:s13+$0xB290] =	vst v53;
	v7 =	vperm.xlane v53, v2;
	v5 =	vmul.f32 v5, v56  }
0x1db: {  	v6 =	vmul.f32 v52, v57;
	[tilespmem:s13+$0xB250] =	vst v4  }
0x1dc: {  	v4 =	vmul.f32 v54, v7;
	[tilespmem:s13+$0xB260] =	vst v5  }
0x1dd: {  	[tilespmem:s13+$0xB280] =	vst v6  }
0x1de: {  	[tilespmem:s13+$0xB270] =	vst v4;
	v4 =	vld [tilespmem:s13+$0x50E0]  }
0x1df: {  	v5 =	vld [tilespmem:s14+$0x0];
	_ =	sdelay $0x4  }
0x1e0: {  	v6 =	vld [tilespmem:$0x10200];
	v4 =	vadd.f32 v5, v4;
	_ =	sdelay $0x1  }
0x1e1: {  	v5 =	vmul.f32 $2.000000030e-01, v4;
	_ =	sdelay $0x1  }
0x1e2: {  	v4 =	vmax.f32 v4, v5  }
0x1e3: {  	v4 =	vsub.f32 v4, v6;
	_ =	sdelay $0x1  }
0x1e4: {  	v4 =	vmul.f32 $1.442695020e+00, v4;
	_ =	sdelay $0x1  }
0x1e5: {  	(erf) = vpow2.f32 v4;
	_ =	sdelay $0x6  }
0x1e6: {  	v4 =	vld [tilespmem:s13+$0x50A0]  }
0x1e7: {  	v5 =	vld [tilespmem:s13+$0x50D0]  }
0x1e8: {  	v58 =	vld [tilespmem:s13+$0x50B0];
	v59 =	vpop (erf)  }
0x1e9: {  	v60 =	vld [tilespmem:s13+$0x50C0];
	v61 =	vperm.xlane v59, v0  }
0x1ea: {  	v62 =	vperm.xlane v59, v3  }
0x1eb: {  	v63 =	vperm.xlane v59, v1;
	v4 =	vmul.f32 v4, v61  }
0x1ec: {  	[tilespmem:s13+$0xB2E0] =	vst v59;
	v7 =	vperm.xlane v59, v2;
	v5 =	vmul.f32 v5, v62  }
0x1ed: {  	v6 =	vmul.f32 v58, v63;
	[tilespmem:s13+$0xB2A0] =	vst v4  }
0x1ee: {  	v4 =	vmul.f32 v60, v7;
	[tilespmem:s13+$0xB2D0] =	vst v5  }
0x1ef: {  	[tilespmem:s13+$0xB2B0] =	vst v6  }
0x1f0: {  	[tilespmem:s13+$0xB2C0] =	vst v4;
	v4 =	vld [tilespmem:s13+$0x5130]  }
0x1f1: {  	v5 =	vld [tilespmem:s14+$0x10];
	_ =	sdelay $0x4  }
0x1f2: {  	v6 =	vld [tilespmem:$0x10200];
	v4 =	vadd.f32 v5, v4;
	_ =	sdelay $0x1  }
0x1f3: {  	v5 =	vmul.f32 $2.000000030e-01, v4;
	_ =	sdelay $0x1  }
0x1f4: {  	v4 =	vmax.f32 v4, v5  }
0x1f5: {  	v4 =	vsub.f32 v4, v6;
	_ =	sdelay $0x1  }
0x1f6: {  	v4 =	vmul.f32 $1.442695020e+00, v4;
	_ =	sdelay $0x1  }
0x1f7: {  	s15 =	simm.s32 $0x500;
	(erf) = vpow2.f32 v4  }
.LBB2_7:
0x1f8: {  	_ =	sdelay $0x1  }
0x1f9: {  	p0 =	sne.s32 s15, $0x9B00  }
0x1fa: {  	s14 =	sadd.s32 $0x40, s14;
	s10 =	smov.u32 s15;
	s15 =	sadd.s32 $0x500, s15  }
0x1fb: {  	v4 =	vld [tilespmem:s13+$0x5120]  }
0x1fc: {  	v5 =	vld [tilespmem:s13+$0x5100]  }
0x1fd: {  	v6 =	vld [tilespmem:s13+$0x50F0]  }
0x1fe: {  	v7 =	vld [tilespmem:s13+$0x5110]  }
0x1ff: {  	v8 =	vpop (erf)  }
0x200: {  	v9 =	vperm.xlane v8, v0;
	v10 =	vperm.xlane v8, v1;
	[tilespmem:s13+$0xB330] =	vst v8  }
0x201: {  	v11 =	vperm.xlane v8, v2;
	v8 =	vperm.xlane v8, v3  }
0x202: {  	v6 =	vmul.f32 v6, v9;
	v5 =	vmul.f32 v5, v10  }
0x203: {  	v7 =	vmul.f32 v7, v11;
	v4 =	vmul.f32 v4, v8  }
0x204: {  	[tilespmem:s13+$0xB2F0] =	vst v6  }
0x205: {  	[tilespmem:s13+$0xB320] =	vst v4  }
0x206: {  	s10 =	sshra.s32 s10, $0x2;
	[tilespmem:s13+$0xB300] =	vst v5  }
0x207: {  	v4 =	vld [tilespmem:s10+$0x5040];
	[tilespmem:s13+$0xB310] =	vst v7;
	s13 =	smov.u32 s10  }
0x208: {  	v5 =	vld [tilespmem:s14+$0xFFFFFFE0];
	_ =	sdelay $0x4  }
0x209: {  	v6 =	vld [tilespmem:$0x10200];
	v4 =	vadd.f32 v5, v4;
	_ =	sdelay $0x1  }
0x20a: {  	v5 =	vmul.f32 $2.000000030e-01, v4;
	_ =	sdelay $0x1  }
0x20b: {  	v4 =	vmax.f32 v4, v5  }
0x20c: {  	v4 =	vsub.f32 v4, v6;
	_ =	sdelay $0x1  }
0x20d: {  	v4 =	vmul.f32 $1.442695020e+00, v4;
	_ =	sdelay $0x1  }
0x20e: {  	(erf) = vpow2.f32 v4;
	_ =	sdelay $0x4  }
0x20f: {  	v4 =	vld [tilespmem:s13+$0x5030]  }
0x210: {  	v5 =	vld [tilespmem:s13+$0x5010]  }
0x211: {  	v6 =	vld [tilespmem:s13+$0x5000]  }
0x212: {  	v7 =	vld [tilespmem:s13+$0x5020]  }
0x213: {  	v8 =	vpop (erf)  }
0x214: {  	v9 =	vperm.xlane v8, v0;
	v10 =	vperm.xlane v8, v1  }
0x215: {  	v11 =	vperm.xlane v8, v2;
	v12 =	vperm.xlane v8, v3  }
0x216: {  	v6 =	vmul.f32 v6, v9;
	v5 =	vmul.f32 v5, v10  }
0x217: {  	v4 =	vmul.f32 v4, v12;
	v7 =	vmul.f32 v7, v11;
	[tilespmem:s13+$0xB240] =	vst v8  }
0x218: {  	[tilespmem:s13+$0xB210] =	vst v5  }
0x219: {  	[tilespmem:s13+$0xB230] =	vst v4  }
0x21a: {  	[tilespmem:s13+$0xB200] =	vst v6  }
0x21b: {  	[tilespmem:s13+$0xB220] =	vst v7;
	v4 =	vld [tilespmem:s13+$0x5090]  }
0x21c: {  	v5 =	vld [tilespmem:s14+$0xFFFFFFF0]  }
0x21d: {  	v6 =	vld [tilespmem:$0x10200];
	_ =	sdelay $0x3  }
0x21e: {  	v4 =	vadd.f32 v5, v4;
	_ =	sdelay $0x1  }
0x21f: {  	v5 =	vmul.f32 $2.000000030e-01, v4;
	_ =	sdelay $0x1  }
0x220: {  	v4 =	vmax.f32 v4, v5  }
0x221: {  	v4 =	vsub.f32 v4, v6;
	_ =	sdelay $0x1  }
0x222: {  	v4 =	vmul.f32 $1.442695020e+00, v4;
	_ =	sdelay $0x1  }
0x223: {  	(erf) = vpow2.f32 v4;
	_ =	sdelay $0x4  }
0x224: {  	v4 =	vld [tilespmem:s13+$0x5080]  }
0x225: {  	v5 =	vld [tilespmem:s13+$0x5060]  }
0x226: {  	v6 =	vld [tilespmem:s13+$0x5050]  }
0x227: {  	v7 =	vld [tilespmem:s13+$0x5070]  }
0x228: {  	v8 =	vpop (erf)  }
0x229: {  	v9 =	vperm.xlane v8, v0;
	v10 =	vperm.xlane v8, v1;
	[tilespmem:s13+$0xB290] =	vst v8  }
0x22a: {  	v11 =	vperm.xlane v8, v2;
	v8 =	vperm.xlane v8, v3  }
0x22b: {  	v6 =	vmul.f32 v6, v9;
	v5 =	vmul.f32 v5, v10  }
0x22c: {  	v4 =	vmul.f32 v4, v8;
	v7 =	vmul.f32 v7, v11  }
0x22d: {  	[tilespmem:s13+$0xB250] =	vst v6  }
0x22e: {  	[tilespmem:s13+$0xB260] =	vst v5  }
0x22f: {  	[tilespmem:s13+$0xB280] =	vst v4  }
0x230: {  	[tilespmem:s13+$0xB270] =	vst v7;
	v4 =	vld [tilespmem:s13+$0x50E0]  }
0x231: {  	v5 =	vld [tilespmem:s14+$0x0]  }
0x232: {  	v6 =	vld [tilespmem:$0x10200];
	_ =	sdelay $0x3  }
0x233: {  	v4 =	vadd.f32 v5, v4;
	_ =	sdelay $0x1  }
0x234: {  	v5 =	vmul.f32 $2.000000030e-01, v4;
	_ =	sdelay $0x1  }
0x235: {  	v4 =	vmax.f32 v4, v5  }
0x236: {  	v4 =	vsub.f32 v4, v6;
	_ =	sdelay $0x1  }
0x237: {  	v4 =	vmul.f32 $1.442695020e+00, v4;
	_ =	sdelay $0x1  }
0x238: {  	(erf) = vpow2.f32 v4;
	_ =	sdelay $0x4  }
0x239: {  	v4 =	vld [tilespmem:s13+$0x50D0]  }
0x23a: {  	v5 =	vld [tilespmem:s13+$0x50B0]  }
0x23b: {  	v6 =	vld [tilespmem:s13+$0x50A0]  }
0x23c: {  	v7 =	vld [tilespmem:s13+$0x50C0]  }
0x23d: {  	v8 =	vpop (erf)  }
0x23e: {  	v9 =	vperm.xlane v8, v0;
	v10 =	vperm.xlane v8, v1;
	[tilespmem:s13+$0xB2E0] =	vst v8  }
0x23f: {  	v11 =	vperm.xlane v8, v2;
	v8 =	vperm.xlane v8, v3  }
0x240: {  	v6 =	vmul.f32 v6, v9;
	v5 =	vmul.f32 v5, v10  }
0x241: {  	v4 =	vmul.f32 v4, v8;
	v7 =	vmul.f32 v7, v11  }
0x242: {  	[tilespmem:s13+$0xB2A0] =	vst v6  }
0x243: {  	[tilespmem:s13+$0xB2D0] =	vst v4  }
0x244: {  	[tilespmem:s13+$0xB2B0] =	vst v5  }
0x245: {  	[tilespmem:s13+$0xB2C0] =	vst v7;
	v4 =	vld [tilespmem:s13+$0x5130]  }
0x246: {  	v5 =	vld [tilespmem:s14+$0x10]  }
0x247: {  	v6 =	vld [tilespmem:$0x10200];
	_ =	sdelay $0x3  }
0x248: {  	v4 =	vadd.f32 v5, v4;
	_ =	sdelay $0x1  }
0x249: {  	v5 =	vmul.f32 $2.000000030e-01, v4;
	_ =	sdelay $0x1  }
0x24a: {  	v4 =	vmax.f32 v4, v5  }
.Ltmp4:
0x24b: {  	v4 =	vsub.f32 v4, v6;
	(pc) =	sbr.rel @p0 .LBB2_7-.Ltmp4, $3  }
0x24c: {  	_ = 	snop  }
0x24d: {  	v4 =	vmul.f32 $1.442695020e+00, v4;
	_ =	sdelay $0x1  }
0x24e: {  	(erf) = vpow2.f32 v4  }
0x24f: {  	_ =	sdelay $0x5  }
0x250: {  	v4 =	vld [tilespmem:s13+$0x50F0]  }
0x251: {  	v5 =	vld [tilespmem:s13+$0x5120]  }
0x252: {  	v6 =	vld [tilespmem:s13+$0x5100];
	v7 =	vpop (erf)  }
0x253: {  	v8 =	vld [tilespmem:s13+$0x5110];
	v9 =	vperm.xlane v7, v0  }
0x254: {  	v10 =	vperm.xlane v7, v3  }
0x255: {  	v11 =	vperm.xlane v7, v1;
	v4 =	vmul.f32 v4, v9  }
0x256: {  	[tilespmem:s13+$0xB330] =	vst v7;
	v7 =	vperm.xlane v7, v2;
	v5 =	vmul.f32 v5, v10  }
0x257: {  	v6 =	vmul.f32 v6, v11;
	[tilespmem:s13+$0xB2F0] =	vst v4  }
0x258: {  	v4 =	vmul.f32 v8, v7;
	[tilespmem:s13+$0xB320] =	vst v5  }
0x259: {  	[tilespmem:s13+$0xB300] =	vst v6  }
0x25a: {  	p0 =	seq.s32 s9, $0x13;
	[tilespmem:s13+$0xB310] =	vst v4  }
0x25b: {  	[spmem:s3] =	stream.indirect.scatter.add.f32 [tilespmem:s30], [sflag:$0x3], $0x50, s31, s20, $0xb8;
	[tilespmem:$0x1CA10] =	vst v63  }
0x25c: {  	s10 =	sadd.s32 @!p0 $0x200, s11;
	s14 =	simm.s32 @!p0 $0x5000;
	s13 =	simm.s32 @!p0 $0x80  }
0x25d: {  	[tilespmem:s14], [sflag:$0x1] =	stream.indirect.gather @!p0 [hbm4b:s6+s13], $0x50, s10, s13, $0xb8;
	[tilespmem:$0x1CA10] =	vst v63  }
0x25e: {  	s10 =	sadd.s32 @!p0 s5, s10  }
0x25f: {  	s15 =	simm.s32 @!p0 $0xA000;
	s14 =	sadd.s32 @!p0 $0x2A00, s11;
	s10 =	sshrl.u32 @!p0 s10, $0x3  }
0x260: {  	[tilespmem:s15], [sflag:$0x1] =	stream.indirect.gather @!p0 [hbm4b:s7+s13], $0x10, s14, s13, $0xb8;
	[tilespmem:$0x1CA10] =	vst v63  }
0x261: {  	s10 =	sadd.s32 @!p0 s8, s10;
	s13 =	simm.s32 @!p0 $0x0;
	s14 =	simm.s32 @!p0 $0xB000  }
0x262: {  	[tilespmem:s14], [sflag:$0x1] =	stream.linear.gather @!p0 [hbm4b:s10+s13], $0x80, $0x38;
	[tilespmem:$0x1CA10] =	vst v63  }
0x263: {  	_ =	swait.ge [sflag:s1], $0x2800  }
0x264: {  	[sflag:s1] =	ssyncset.done $0x0  }
0x265: {  	[sflag:s1] =	ssyncadd.s32 $0xFFFFD800  }
0x266: {  	_ =	swait.ge [sflag:s1], $0x800  }
0x267: {  	[sflag:s1] =	ssyncset.done $0x0  }
0x268: {  	[sflag:s1] =	ssyncadd.s32 $0xFFFFF800  }
0x269: {  	_ =	swait.ge [sflag:s1], $0x80  }
0x26a: {  	[sflag:s1] =	ssyncset.done $0x0  }
0x26b: {  	[sflag:s1] =	ssyncadd.s32 $0xFFFFFF80  }
0x26c: {  	_ =	swait.ge [sflag:s25], $0x2800  }
0x26d: {  	[sflag:s25] =	ssyncset.done $0x0  }
0x26e: {  	s13 =	simm.s32 $0x0;
	[sflag:s25] =	ssyncadd.s32 $0xFFFFD800  }
0x26f: {  	s14 =	simm.s32 $0xA820;
	v4 =	vld [tilespmem:s13+$0x7840]  }
0x270: {  	v5 =	vld [tilespmem:s14+$0xFFFFFFE0];
	_ =	sdelay $0x4  }
0x271: {  	v44 =	vld [tilespmem:$0x10200];
	v4 =	vadd.f32 v5, v4;
	_ =	sdelay $0x1  }
0x272: {  	v5 =	vmul.f32 $2.000000030e-01, v4;
	_ =	sdelay $0x1  }
0x273: {  	v4 =	vmax.f32 v4, v5  }
0x274: {  	v4 =	vsub.f32 v4, v44;
	_ =	sdelay $0x1  }
0x275: {  	v4 =	vmul.f32 $1.442695020e+00, v4;
	_ =	sdelay $0x1  }
0x276: {  	(erf) = vpow2.f32 v4;
	_ =	sdelay $0x6  }
0x277: {  	v4 =	vld [tilespmem:s13+$0x7810]  }
0x278: {  	v5 =	vld [tilespmem:s13+$0x7830]  }
0x279: {  	v45 =	vld [tilespmem:s13+$0x7800];
	v46 =	vpop (erf)  }
0x27a: {  	v47 =	vld [tilespmem:s13+$0x7820];
	v48 =	vperm.xlane v46, v1  }
0x27b: {  	v49 =	vperm.xlane v46, v3  }
0x27c: {  	v50 =	vperm.xlane v46, v0;
	v4 =	vmul.f32 v4, v48  }
0x27d: {  	v51 =	vperm.xlane v46, v2;
	[tilespmem:s13+$0xDA40] =	vst v46;
	v5 =	vmul.f32 v5, v49  }
0x27e: {  	v6 =	vmul.f32 v45, v50;
	[tilespmem:s13+$0xDA10] =	vst v4  }
0x27f: {  	v4 =	vmul.f32 v47, v51;
	[tilespmem:s13+$0xDA30] =	vst v5  }
0x280: {  	[tilespmem:s13+$0xDA00] =	vst v6  }
0x281: {  	[tilespmem:s13+$0xDA20] =	vst v4;
	v4 =	vld [tilespmem:s13+$0x7890]  }
0x282: {  	v5 =	vld [tilespmem:s14+$0xFFFFFFF0];
	_ =	sdelay $0x4  }
0x283: {  	v6 =	vld [tilespmem:$0x10200];
	v4 =	vadd.f32 v5, v4;
	_ =	sdelay $0x1  }
0x284: {  	v5 =	vmul.f32 $2.000000030e-01, v4;
	_ =	sdelay $0x1  }
0x285: {  	v4 =	vmax.f32 v4, v5  }
0x286: {  	v4 =	vsub.f32 v4, v6;
	_ =	sdelay $0x1  }
0x287: {  	v4 =	vmul.f32 $1.442695020e+00, v4;
	_ =	sdelay $0x1  }
0x288: {  	(erf) = vpow2.f32 v4;
	_ =	sdelay $0x6  }
0x289: {  	v4 =	vld [tilespmem:s13+$0x7850]  }
0x28a: {  	v5 =	vld [tilespmem:s13+$0x7860]  }
0x28b: {  	v52 =	vld [tilespmem:s13+$0x7880];
	v53 =	vpop (erf)  }
0x28c: {  	v54 =	vld [tilespmem:s13+$0x7870];
	v55 =	vperm.xlane v53, v0  }
0x28d: {  	v56 =	vperm.xlane v53, v1  }
0x28e: {  	v57 =	vperm.xlane v53, v3;
	v4 =	vmul.f32 v4, v55  }
0x28f: {  	[tilespmem:s13+$0xDA90] =	vst v53;
	v7 =	vperm.xlane v53, v2;
	v5 =	vmul.f32 v5, v56  }
0x290: {  	v6 =	vmul.f32 v52, v57;
	[tilespmem:s13+$0xDA50] =	vst v4  }
0x291: {  	v4 =	vmul.f32 v54, v7;
	[tilespmem:s13+$0xDA60] =	vst v5  }
0x292: {  	[tilespmem:s13+$0xDA80] =	vst v6  }
0x293: {  	[tilespmem:s13+$0xDA70] =	vst v4;
	v4 =	vld [tilespmem:s13+$0x78E0]  }
0x294: {  	v5 =	vld [tilespmem:s14+$0x0];
	_ =	sdelay $0x4  }
0x295: {  	v6 =	vld [tilespmem:$0x10200];
	v4 =	vadd.f32 v5, v4;
	_ =	sdelay $0x1  }
0x296: {  	v5 =	vmul.f32 $2.000000030e-01, v4;
	_ =	sdelay $0x1  }
0x297: {  	v4 =	vmax.f32 v4, v5  }
0x298: {  	v4 =	vsub.f32 v4, v6;
	_ =	sdelay $0x1  }
0x299: {  	v4 =	vmul.f32 $1.442695020e+00, v4;
	_ =	sdelay $0x1  }
0x29a: {  	(erf) = vpow2.f32 v4;
	_ =	sdelay $0x6  }
0x29b: {  	v4 =	vld [tilespmem:s13+$0x78A0]  }
0x29c: {  	v5 =	vld [tilespmem:s13+$0x78D0]  }
0x29d: {  	v58 =	vld [tilespmem:s13+$0x78B0];
	v59 =	vpop (erf)  }
0x29e: {  	v60 =	vld [tilespmem:s13+$0x78C0];
	v61 =	vperm.xlane v59, v0  }
0x29f: {  	v62 =	vperm.xlane v59, v3  }
0x2a0: {  	v63 =	vperm.xlane v59, v1;
	v4 =	vmul.f32 v4, v61  }
0x2a1: {  	[tilespmem:s13+$0xDAE0] =	vst v59;
	v7 =	vperm.xlane v59, v2;
	v5 =	vmul.f32 v5, v62  }
0x2a2: {  	v6 =	vmul.f32 v58, v63;
	[tilespmem:s13+$0xDAA0] =	vst v4  }
0x2a3: {  	v4 =	vmul.f32 v60, v7;
	[tilespmem:s13+$0xDAD0] =	vst v5  }
0x2a4: {  	[tilespmem:s13+$0xDAB0] =	vst v6  }
0x2a5: {  	[tilespmem:s13+$0xDAC0] =	vst v4;
	v4 =	vld [tilespmem:s13+$0x7930]  }
0x2a6: {  	v5 =	vld [tilespmem:s14+$0x10];
	_ =	sdelay $0x4  }
0x2a7: {  	v6 =	vld [tilespmem:$0x10200];
	v4 =	vadd.f32 v5, v4;
	_ =	sdelay $0x1  }
0x2a8: {  	v5 =	vmul.f32 $2.000000030e-01, v4;
	_ =	sdelay $0x1  }
0x2a9: {  	v4 =	vmax.f32 v4, v5  }
0x2aa: {  	v4 =	vsub.f32 v4, v6;
	_ =	sdelay $0x1  }
0x2ab: {  	v4 =	vmul.f32 $1.442695020e+00, v4;
	_ =	sdelay $0x1  }
0x2ac: {  	s15 =	simm.s32 $0x500;
	(erf) = vpow2.f32 v4  }
.LBB2_9:
0x2ad: {  	_ =	sdelay $0x1  }
0x2ae: {  	p1 =	sne.s32 s15, $0x9B00  }
0x2af: {  	s14 =	sadd.s32 $0x40, s14;
	s10 =	smov.u32 s15;
	s15 =	sadd.s32 $0x500, s15  }
0x2b0: {  	v4 =	vld [tilespmem:s13+$0x7920]  }
0x2b1: {  	v5 =	vld [tilespmem:s13+$0x7900]  }
0x2b2: {  	v6 =	vld [tilespmem:s13+$0x78F0]  }
0x2b3: {  	v7 =	vld [tilespmem:s13+$0x7910]  }
0x2b4: {  	v8 =	vpop (erf)  }
0x2b5: {  	v9 =	vperm.xlane v8, v0;
	v10 =	vperm.xlane v8, v1;
	[tilespmem:s13+$0xDB30] =	vst v8  }
0x2b6: {  	v11 =	vperm.xlane v8, v2;
	v8 =	vperm.xlane v8, v3  }
0x2b7: {  	v6 =	vmul.f32 v6, v9;
	v5 =	vmul.f32 v5, v10  }
0x2b8: {  	v7 =	vmul.f32 v7, v11;
	v4 =	vmul.f32 v4, v8  }
0x2b9: {  	[tilespmem:s13+$0xDAF0] =	vst v6  }
0x2ba: {  	[tilespmem:s13+$0xDB20] =	vst v4  }
0x2bb: {  	s10 =	sshra.s32 s10, $0x2;
	[tilespmem:s13+$0xDB00] =	vst v5  }
0x2bc: {  	v4 =	vld [tilespmem:s10+$0x7840];
	[tilespmem:s13+$0xDB10] =	vst v7;
	s13 =	smov.u32 s10  }
0x2bd: {  	v5 =	vld [tilespmem:s14+$0xFFFFFFE0];
	_ =	sdelay $0x4  }
0x2be: {  	v6 =	vld [tilespmem:$0x10200];
	v4 =	vadd.f32 v5, v4;
	_ =	sdelay $0x1  }
0x2bf: {  	v5 =	vmul.f32 $2.000000030e-01, v4;
	_ =	sdelay $0x1  }
0x2c0: {  	v4 =	vmax.f32 v4, v5  }
0x2c1: {  	v4 =	vsub.f32 v4, v6;
	_ =	sdelay $0x1  }
0x2c2: {  	v4 =	vmul.f32 $1.442695020e+00, v4;
	_ =	sdelay $0x1  }
0x2c3: {  	(erf) = vpow2.f32 v4;
	_ =	sdelay $0x4  }
0x2c4: {  	v4 =	vld [tilespmem:s13+$0x7830]  }
0x2c5: {  	v5 =	vld [tilespmem:s13+$0x7810]  }
0x2c6: {  	v6 =	vld [tilespmem:s13+$0x7800]  }
0x2c7: {  	v7 =	vld [tilespmem:s13+$0x7820]  }
0x2c8: {  	v8 =	vpop (erf)  }
0x2c9: {  	v9 =	vperm.xlane v8, v0;
	v10 =	vperm.xlane v8, v1  }
0x2ca: {  	v11 =	vperm.xlane v8, v2;
	v12 =	vperm.xlane v8, v3  }
0x2cb: {  	v6 =	vmul.f32 v6, v9;
	v5 =	vmul.f32 v5, v10  }
0x2cc: {  	v4 =	vmul.f32 v4, v12;
	v7 =	vmul.f32 v7, v11;
	[tilespmem:s13+$0xDA40] =	vst v8  }
0x2cd: {  	[tilespmem:s13+$0xDA10] =	vst v5  }
0x2ce: {  	[tilespmem:s13+$0xDA30] =	vst v4  }
0x2cf: {  	[tilespmem:s13+$0xDA00] =	vst v6  }
0x2d0: {  	[tilespmem:s13+$0xDA20] =	vst v7;
	v4 =	vld [tilespmem:s13+$0x7890]  }
0x2d1: {  	v5 =	vld [tilespmem:s14+$0xFFFFFFF0]  }
0x2d2: {  	v6 =	vld [tilespmem:$0x10200];
	_ =	sdelay $0x3  }
0x2d3: {  	v4 =	vadd.f32 v5, v4;
	_ =	sdelay $0x1  }
0x2d4: {  	v5 =	vmul.f32 $2.000000030e-01, v4;
	_ =	sdelay $0x1  }
0x2d5: {  	v4 =	vmax.f32 v4, v5  }
0x2d6: {  	v4 =	vsub.f32 v4, v6;
	_ =	sdelay $0x1  }
0x2d7: {  	v4 =	vmul.f32 $1.442695020e+00, v4;
	_ =	sdelay $0x1  }
0x2d8: {  	(erf) = vpow2.f32 v4;
	_ =	sdelay $0x4  }
0x2d9: {  	v4 =	vld [tilespmem:s13+$0x7880]  }
0x2da: {  	v5 =	vld [tilespmem:s13+$0x7860]  }
0x2db: {  	v6 =	vld [tilespmem:s13+$0x7850]  }
0x2dc: {  	v7 =	vld [tilespmem:s13+$0x7870]  }
0x2dd: {  	v8 =	vpop (erf)  }
0x2de: {  	v9 =	vperm.xlane v8, v0;
	v10 =	vperm.xlane v8, v1;
	[tilespmem:s13+$0xDA90] =	vst v8  }
0x2df: {  	v11 =	vperm.xlane v8, v2;
	v8 =	vperm.xlane v8, v3  }
0x2e0: {  	v6 =	vmul.f32 v6, v9;
	v5 =	vmul.f32 v5, v10  }
0x2e1: {  	v4 =	vmul.f32 v4, v8;
	v7 =	vmul.f32 v7, v11  }
0x2e2: {  	[tilespmem:s13+$0xDA50] =	vst v6  }
0x2e3: {  	[tilespmem:s13+$0xDA60] =	vst v5  }
0x2e4: {  	[tilespmem:s13+$0xDA80] =	vst v4  }
0x2e5: {  	[tilespmem:s13+$0xDA70] =	vst v7;
	v4 =	vld [tilespmem:s13+$0x78E0]  }
0x2e6: {  	v5 =	vld [tilespmem:s14+$0x0]  }
0x2e7: {  	v6 =	vld [tilespmem:$0x10200];
	_ =	sdelay $0x3  }
0x2e8: {  	v4 =	vadd.f32 v5, v4;
	_ =	sdelay $0x1  }
0x2e9: {  	v5 =	vmul.f32 $2.000000030e-01, v4;
	_ =	sdelay $0x1  }
0x2ea: {  	v4 =	vmax.f32 v4, v5  }
0x2eb: {  	v4 =	vsub.f32 v4, v6;
	_ =	sdelay $0x1  }
0x2ec: {  	v4 =	vmul.f32 $1.442695020e+00, v4;
	_ =	sdelay $0x1  }
0x2ed: {  	(erf) = vpow2.f32 v4;
	_ =	sdelay $0x4  }
0x2ee: {  	v4 =	vld [tilespmem:s13+$0x78D0]  }
0x2ef: {  	v5 =	vld [tilespmem:s13+$0x78B0]  }
0x2f0: {  	v6 =	vld [tilespmem:s13+$0x78A0]  }
0x2f1: {  	v7 =	vld [tilespmem:s13+$0x78C0]  }
0x2f2: {  	v8 =	vpop (erf)  }
0x2f3: {  	v9 =	vperm.xlane v8, v0;
	v10 =	vperm.xlane v8, v1;
	[tilespmem:s13+$0xDAE0] =	vst v8  }
0x2f4: {  	v11 =	vperm.xlane v8, v2;
	v8 =	vperm.xlane v8, v3  }
0x2f5: {  	v6 =	vmul.f32 v6, v9;
	v5 =	vmul.f32 v5, v10  }
0x2f6: {  	v4 =	vmul.f32 v4, v8;
	v7 =	vmul.f32 v7, v11  }
0x2f7: {  	[tilespmem:s13+$0xDAA0] =	vst v6  }
0x2f8: {  	[tilespmem:s13+$0xDAD0] =	vst v4  }
0x2f9: {  	[tilespmem:s13+$0xDAB0] =	vst v5  }
0x2fa: {  	[tilespmem:s13+$0xDAC0] =	vst v7;
	v4 =	vld [tilespmem:s13+$0x7930]  }
0x2fb: {  	v5 =	vld [tilespmem:s14+$0x10]  }
0x2fc: {  	v6 =	vld [tilespmem:$0x10200];
	_ =	sdelay $0x3  }
0x2fd: {  	v4 =	vadd.f32 v5, v4;
	_ =	sdelay $0x1  }
0x2fe: {  	v5 =	vmul.f32 $2.000000030e-01, v4;
	_ =	sdelay $0x1  }
0x2ff: {  	v4 =	vmax.f32 v4, v5  }
.Ltmp5:
0x300: {  	v4 =	vsub.f32 v4, v6;
	(pc) =	sbr.rel @p1 .LBB2_9-.Ltmp5, $3  }
0x301: {  	_ = 	snop  }
0x302: {  	v4 =	vmul.f32 $1.442695020e+00, v4;
	_ =	sdelay $0x1  }
0x303: {  	(erf) = vpow2.f32 v4  }
0x304: {  	_ =	sdelay $0x5  }
0x305: {  	v4 =	vld [tilespmem:s13+$0x78F0]  }
0x306: {  	v5 =	vld [tilespmem:s13+$0x7920]  }
0x307: {  	v6 =	vld [tilespmem:s13+$0x7900];
	v7 =	vpop (erf)  }
0x308: {  	v8 =	vld [tilespmem:s13+$0x7910];
	v9 =	vperm.xlane v7, v0  }
0x309: {  	v10 =	vperm.xlane v7, v3  }
0x30a: {  	v11 =	vperm.xlane v7, v1;
	v4 =	vmul.f32 v4, v9  }
0x30b: {  	[tilespmem:s13+$0xDB30] =	vst v7;
	v7 =	vperm.xlane v7, v2;
	v5 =	vmul.f32 v5, v10  }
.Ltmp6:
0x30c: {  	v6 =	vmul.f32 v6, v11;
	[tilespmem:s13+$0xDAF0] =	vst v4;
	(pc) =	sbr.rel @p0 .LBB2_12-.Ltmp6, $4  }
0x30d: {  	v4 =	vmul.f32 v8, v7;
	[tilespmem:s13+$0xDB20] =	vst v5  }
0x30e: {  	[tilespmem:s13+$0xDB00] =	vst v6  }
0x30f: {  	[tilespmem:s13+$0xDB10] =	vst v4  }
0x310: {  	[spmem:s3] =	stream.indirect.scatter.add.f32 [tilespmem:s0], [sflag:$0x4], $0x50, s2, s20, $0xb8;
	[tilespmem:$0x1CA10] =	vst v63  }
0x311: {  	s10 =	sadd.s32 $0x280, s11  }
0x312: {  	[tilespmem:s24], [sflag:$0x2] =	stream.indirect.gather [hbm4b:s6+s20], $0x50, s10, s20, $0xb8;
	[tilespmem:$0x1CA10] =	vst v63  }
.Ltmp7:
0x313: {  	s10 =	sadd.s32 s5, s10;
	(pc) =	sbr.rel .LBB2_2-.Ltmp7, $4  }
0x314: {  	s15 =	sadd.s32 $0x2A80, s11;
	s10 =	sshrl.u32 s10, $0x3  }
0x315: {  	[tilespmem:s26], [sflag:$0x2] =	stream.indirect.gather [hbm4b:s7+s20], $0x10, s15, s20, $0xb8;
	[tilespmem:$0x1CA10] =	vst v63  }
0x316: {  	s9 =	sadd.s32 $0x1, s9;
	s10 =	sadd.s32 s8, s10  }
0x317: {  	[tilespmem:s28], [sflag:$0x2] =	stream.linear.gather [hbm4b:s10+s4], $0x80, $0x38;
	[tilespmem:$0x1CA10] =	vst v63  }
.LBB2_13:
0x318: {  	_ =	sfence.sel $0x180000  }
0x319: {  	[bflag:$0x0] =	sbarrier.arrive $0xFFFF  }
0x31a: {  	_ =	strace $0x90000047  }
0x31b: {  	s0 =	stileid.u32;
	[bflag:$0x2] =	sbarrier.arrive $0xFFFF  }
0x31c: {  	p0 =	sne.s32 s0, $0x0;
	s0 =	rddreg [dreg:$0x3]  }
0x31d: {  	s0 =	sadd.s32 @!p0 $0x100000, s0  }
0x31e: {  	[sflag:s0] =	ssyncadd.tile.s32 @!p0 $0x1;
	_ =	shalt  }
.Lfunc_end2:
_tile_overlayer_lowered:
.L_overlay_start_2:
0x31f: {  	(tag) =	ssettag $0x2  }
0x320: {  	s0 =	rddreg [dreg:$0x0];
	s2 =	stileid.u32  }
0x321: {  	s1 =	rddreg [dreg:$0x1];
	p0 =	sne.s32 s2, $0x0  }
0x322: {  	s3 =	rddreg [dreg:$0x2];
	[bflag:$0x3] =	sbarrier.arrive $0xFFFF;
	s2 =	simm.s32 @!p0 $0x1C05  }
0x323: {  	[timem:s3], [sflag:s2] =	dma.local @!p0 [hbm:s0], s1  }
0x324: {  	s0 =	simm.s32 @!p0 $0x5  }
0x325: {  	_ =	swait.ge @!p0 [sflag:s0], s1  }
0x326: {  	s1 =	ssub.s32 @!p0 $0x0, s1;
	[sflag:s0] =	ssyncset.done @!p0 $0x0  }
0x327: {  	[sflag:s0] =	ssyncadd.s32 @!p0 s1  }
0x328: {  	[bflag:$0x3] =	sbarrier.arrive $0xFFFF  }
0x329: {  	_ =	shalt  }

</sc_bundles>
